<compile_context>
chip_gen: v7x
topology: tpu7x:2x2x1
jax: 0.10.2.dev20260603
libtpu: 0.0.44.dev20260713+nightly
codegen_flags: <defaults>
</compile_context>

<pallas_src>
import numpy as np

import jax
import jax.numpy as jnp
from jax import lax
from jax.experimental import pallas as pl
from jax.experimental.pallas import tpu as pltpu

_NUM_CLASSES = 8
_NUM_DIR_BINS = 12
_TOP_K = 100
_PPM = 4.0
_KP = 128
_BIG = np.int32(0x7FFFFFFF)


def _make_topk_body(B):
    def _topk_body(h_ref, outv_ref, outi_ref, *scr):
        srefs = scr[0:5 * B:5]
        l1vrefs = scr[1:5 * B:5]
        l1irefs = scr[2:5 * B:5]
        l2vrefs = scr[3:5 * B:5]
        l2irefs = scr[4:5 * B:5]
        xb_ref = scr[5 * B]
        sems = scr[5 * B + 1]
        neg = jnp.float32(-np.inf)
        fi = (lax.broadcasted_iota(jnp.int32, (2048, 256), 0) * 256
              + lax.broadcasted_iota(jnp.int32, (2048, 256), 1))
        fi3 = fi.reshape(128, 16, 256)
        pltpu.make_async_copy(h_ref.at[0], xb_ref.at[0], sems.at[0]).start()
        for b in range(B):
            if b + 1 < B:
                pltpu.make_async_copy(h_ref.at[b + 1], xb_ref.at[(b + 1) % 2],
                                      sems.at[(b + 1) % 2]).start()
            pltpu.make_async_copy(h_ref.at[b], xb_ref.at[b % 2],
                                  sems.at[b % 2]).wait()
            x = xb_ref[b % 2]
            pad_w = jnp.full_like(x[:, :, :1], neg)
            left = jnp.concatenate([pad_w, x[:, :, :-1]], axis=2)
            right = jnp.concatenate([x[:, :, 1:], pad_w], axis=2)
            hm = jnp.maximum(jnp.maximum(left, right), x)
            pad_h = jnp.full_like(hm[:, :1, :], neg)
            up = jnp.concatenate([pad_h, hm[:, :-1, :]], axis=1)
            dn = jnp.concatenate([hm[:, 1:, :], pad_h], axis=1)
            vm = jnp.maximum(jnp.maximum(up, dn), hm)
            s = jnp.where(vm == x, x, 0.0).reshape(2048, 256)
            srefs[b][...] = s
            s3 = s.reshape(128, 16, 256)
            l1v = jnp.max(s3, axis=1)
            l1i = jnp.min(jnp.where(s3 == l1v[:, None, :], fi3, _BIG), axis=1)
            l1vrefs[b][...] = l1v
            l1irefs[b][...] = l1i
            l1v3 = l1v.reshape(16, 8, 256)
            l1i3 = l1i.reshape(16, 8, 256)
            l2v = jnp.max(l1v3, axis=1)
            l2i = jnp.min(jnp.where(l1v3 == l2v[:, None, :], l1i3, _BIG),
                          axis=1)
            l2vrefs[b][...] = l2v
            l2irefs[b][...] = l2i

        outv_ref[...] = jnp.zeros((B, 1, _KP), jnp.float32)
        outi_ref[...] = jnp.zeros((B, 1, _KP), jnp.int32)
        lane = lax.broadcasted_iota(jnp.int32, (1, _KP), 1)
        colio = lax.broadcasted_iota(jnp.int32, (1, 256), 1)
        bio = (lax.broadcasted_iota(jnp.int32, (16, 256), 0) * 256
               + lax.broadcasted_iota(jnp.int32, (16, 256), 1))

        def body(k, _):
            fronts_v = []
            fronts_i = []
            for bb in range(B):
                l2v_ = l2vrefs[bb][...]
                l2i_ = l2irefs[bb][...]
                fv = jnp.max(l2v_, axis=0, keepdims=True)
                fi_ = jnp.min(jnp.where(l2v_ == fv, l2i_, _BIG), axis=0,
                              keepdims=True)
                fronts_v.append(fv)
                fronts_i.append(fi_)
            sv = jnp.concatenate(fronts_v, axis=0)
            sif = jnp.concatenate(fronts_i, axis=0).astype(jnp.float32)
            svA, svB = sv[:, :128], sv[:, 128:]
            siA, siB = sif[:, :128], sif[:, 128:]
            m8 = jnp.max(jnp.maximum(svA, svB), axis=1, keepdims=True)
            bigf = jnp.float32(2 ** 30)
            cand = jnp.minimum(jnp.where(svA == m8, siA, bigf),
                               jnp.where(svB == m8, siB, bigf))
            f8 = jnp.min(cand, axis=1, keepdims=True).astype(jnp.int32)
            for bb in range(B):
                s_ref = srefs[bb]
                l1v_ref = l1vrefs[bb]
                l1i_ref = l1irefs[bb]
                l2v_ref = l2vrefs[bb]
                l2i_ref = l2irefs[bb]
                f = f8[bb, 0]
                mrow = m8[bb:bb + 1, :]
                frow = f8[bb:bb + 1, :]
                outv_ref[bb] = jnp.where(lane == k,
                                         jnp.broadcast_to(mrow, (1, _KP)),
                                         outv_ref[bb])
                outi_ref[bb] = jnp.where(lane == k,
                                         jnp.broadcast_to(frow, (1, _KP)),
                                         outi_ref[bb])
                row = lax.shift_right_logical(f, 8)
                colmask = colio == jnp.broadcast_to(
                    jnp.bitwise_and(frow, 255), (1, 256))
                srow = s_ref[pl.ds(row, 1), :]
                s_ref[pl.ds(row, 1), :] = jnp.where(colmask, -1.0, srow)
                gl = lax.shift_right_logical(f, 12)
                blk = s_ref[pl.ds(pl.multiple_of(gl * 16, 16), 16), :]
                bfi = bio + gl * 4096
                bm = jnp.max(blk, axis=0, keepdims=True)
                bi = jnp.min(jnp.where(blk == bm, bfi, _BIG), axis=0,
                             keepdims=True)
                l1v_ref[pl.ds(gl, 1), :] = bm
                l1i_ref[pl.ds(gl, 1), :] = bi
                g2l = lax.shift_right_logical(f, 15)
                b2v = l1v_ref[pl.ds(pl.multiple_of(g2l * 8, 8), 8), :]
                b2i = l1i_ref[pl.ds(pl.multiple_of(g2l * 8, 8), 8), :]
                b2m = jnp.max(b2v, axis=0, keepdims=True)
                b2mi = jnp.min(jnp.where(b2v == b2m, b2i, _BIG), axis=0,
                               keepdims=True)
                l2v_ref[pl.ds(g2l, 1), :] = b2m
                l2i_ref[pl.ds(g2l, 1), :] = b2mi
            return 0

        lax.fori_loop(0, _TOP_K, body, 0)

    return _topk_body


def _topk_tc(heat):
    B, C, H, W = heat.shape
    scratch = []
    for _ in range(B):
        scratch += [
            pltpu.VMEM((2048, 256), jnp.float32),
            pltpu.VMEM((128, 256), jnp.float32),
            pltpu.VMEM((128, 256), jnp.int32),
            pltpu.VMEM((16, 256), jnp.float32),
            pltpu.VMEM((16, 256), jnp.int32),
        ]
    scratch += [
        pltpu.VMEM((2, C, H, W), jnp.float32),
        pltpu.SemaphoreType.DMA((2,)),
    ]
    return pl.pallas_call(
        _make_topk_body(B),
        out_shape=[jax.ShapeDtypeStruct((B, 1, _KP), jnp.float32),
                   jax.ShapeDtypeStruct((B, 1, _KP), jnp.int32)],
        grid=(1,),
        in_specs=[pl.BlockSpec(memory_space=pl.ANY)],
        out_specs=[pl.BlockSpec((B, 1, _KP), lambda b: (0, 0, 0)),
                   pl.BlockSpec((B, 1, _KP), lambda b: (0, 0, 0))],
        scratch_shapes=scratch,
    )(heat)


def _sc_gather_fn(B):
    import functools
    from jax.experimental.pallas import tpu_sc as plsc

    HW = 65536
    ANG = np.float32(2.0 * np.pi / _NUM_DIR_BINS)
    NPTS = B * _KP
    PW = NPTS // 32
    mesh = plsc.VectorSubcoreMesh(core_axis_name="c", subcore_axis_name="s")
    nj = PW // 16

    @functools.partial(
        pl.kernel,
        out_type=jax.ShapeDtypeStruct((9 * NPTS,), jnp.float32),
        mesh=mesh,
        compiler_params=pltpu.CompilerParams(use_tc_tiling_on_sc=True),
        scratch_types=[
            pltpu.VMEM((1, _KP), jnp.int32),
            pltpu.VMEM((1, _KP), jnp.float32),
            pltpu.VMEM((2 * PW,), jnp.int32),
            pltpu.VMEM((2 * PW,), jnp.int32),
            pltpu.VMEM((12 * PW,), jnp.int32),
            pltpu.VMEM((PW,), jnp.int32),
            pltpu.VMEM((PW,), jnp.int32),
            pltpu.VMEM((2 * PW,), jnp.float32),
            pltpu.VMEM((2 * PW,), jnp.float32),
            pltpu.VMEM((12 * PW,), jnp.float32),
            pltpu.VMEM((PW,), jnp.float32),
            pltpu.VMEM((PW,), jnp.float32),
            pltpu.VMEM((9, PW), jnp.float32),
            pltpu.SemaphoreType.DMA,
        ],
    )
    def k(inds_hbm, scores_hbm, wh_hbm, off_hbm, yc_hbm, yr_hbm, vel_hbm,
          out_hbm, idx_v, sc_v, iwh, ioff, iyc, iyr, ivl,
          gwh, goff, gyc, gyr, gvl, outb, sem):
        wid = lax.axis_index("s") * 2 + lax.axis_index("c")
        base = wid * PW
        b = base // _KP
        q = wid % (_KP // PW)
        pltpu.sync_copy(inds_hbm.at[b], idx_v)
        pltpu.sync_copy(scores_hbm.at[b], sc_v)
        for j in range(nj):
            sl = pl.ds(j * 16, 16)
            f = idx_v[0, pl.ds(q * PW + j * 16, 16)]
            sp = jnp.bitwise_and(f, HW - 1)
            iyr[sl] = b * HW + sp
            ivl[sl] = b * HW + sp
            for c in range(2):
                iwh[pl.ds(c * PW + j * 16, 16)] = (b * 2 + c) * HW + sp
                ioff[pl.ds(c * PW + j * 16, 16)] = (b * 2 + c) * HW + sp
            for c in range(12):
                iyc[pl.ds(c * PW + j * 16, 16)] = (b * 12 + c) * HW + sp
        cps = [pltpu.async_copy(wh_hbm.at[iwh], gwh, sem),
               pltpu.async_copy(off_hbm.at[ioff], goff, sem),
               pltpu.async_copy(yc_hbm.at[iyc], gyc, sem),
               pltpu.async_copy(yr_hbm.at[iyr], gyr, sem),
               pltpu.async_copy(vel_hbm.at[ivl], gvl, sem)]
        for cp in cps:
            cp.wait()
        for j in range(nj):
            sl = pl.ds(j * 16, 16)
            f = idx_v[0, pl.ds(q * PW + j * 16, 16)]
            sp = jnp.bitwise_and(f, HW - 1)
            xx = jnp.bitwise_and(sp, 255).astype(jnp.float32)
            yy = lax.shift_right_logical(sp, 8).astype(jnp.float32)
            outb[0, sl] = (xx + goff[pl.ds(j * 16, 16)]) * _PPM
            outb[1, sl] = (yy + goff[pl.ds(PW + j * 16, 16)]) * _PPM
            outb[2, sl] = gwh[pl.ds(j * 16, 16)] * _PPM
            outb[3, sl] = gwh[pl.ds(PW + j * 16, 16)] * _PPM
            bestv = gyc[pl.ds(j * 16, 16)]
            bestc = jnp.zeros((16,), jnp.int32)
            for c in range(1, 12):
                v = gyc[pl.ds(c * PW + j * 16, 16)]
                better = v > bestv
                bestv = jnp.where(better, v, bestv)
                bestc = jnp.where(better, jnp.int32(c), bestc)
            outb[4, sl] = bestc.astype(jnp.float32) * ANG + gyr[sl]
            outb[5, sl] = gvl[sl]
            outb[6, sl] = jnp.zeros((16,), jnp.float32)
            outb[7, sl] = lax.shift_right_logical(f, 16).astype(jnp.float32)
            outb[8, sl] = sc_v[0, pl.ds(q * PW + j * 16, 16)]
        for comp in range(9):
            pltpu.sync_copy(outb.at[comp],
                            out_hbm.at[pl.ds(comp * NPTS + base, PW)])

    return k


def kernel(center_heatmap_pred, wh_pred, offset_pred, yaw_class_pred,
           yaw_res_pred, velocity_pred):
    B, C, H, W = center_heatmap_pred.shape
    scores_p, inds_p = _topk_tc(center_heatmap_pred)
    out9 = _sc_gather_fn(B)(
        inds_p, scores_p,
        wh_pred.reshape(-1), offset_pred.reshape(-1),
        yaw_class_pred.reshape(-1), yaw_res_pred.reshape(-1),
        velocity_pred.reshape(-1))
    return jnp.transpose(out9.reshape(9, B, _KP), (1, 2, 0))[:, :_TOP_K, :]

# --- scband reference (transcript-rebuilt; emitter-appended) ---
"""Pipeline reference for scband-center-net-decoder-14439680049501 (READ-ONLY COPY).

The authoritative reference and input builder live on the scoring server;
editing this copy changes nothing except your own understanding.
"""

import jax, jax.numpy as jnp
import numpy as np

NUM_CLASSES = 8
NUM_DIR_BINS = 12
TOP_K = 100
KERNEL = 3
PIXELS_PER_METER = 4.0


def _local_max(heat, kernel=KERNEL):
    pad = (kernel - 1) // 2
    hmax = jax.lax.reduce_window(
        heat, -jnp.inf, jax.lax.max,
        window_dimensions=(1, 1, kernel, kernel),
        window_strides=(1, 1, 1, 1),
        padding=[(0, 0), (0, 0), (pad, pad), (pad, pad)])
    keep = (hmax == heat).astype(heat.dtype)
    return heat * keep


def _transpose_and_gather_feat(feat, ind):
    # feat: [B, C, H, W] -> [B, H*W, C]; gather rows given by ind: [B, K]
    B, C, H, W = feat.shape
    f = jnp.transpose(feat, (0, 2, 3, 1)).reshape(B, H * W, C)
    idx = jnp.broadcast_to(ind[:, :, None], (B, ind.shape[1], C))
    return jnp.take_along_axis(f, idx, axis=1)


def setup_inputs(seed: int = 0) -> dict:
    key = jax.random.key(seed)
    ks = jax.random.split(key, 6)
    B, H, W = 8, 256, 256
    return {
        "center_heatmap_pred": jax.random.uniform(ks[0], (B, NUM_CLASSES, H, W), dtype=jnp.float32),
        "wh_pred": jax.random.normal(ks[1], (B, 2, H, W), dtype=jnp.float32),
        "offset_pred": jax.random.normal(ks[2], (B, 2, H, W), dtype=jnp.float32),
        "yaw_class_pred": jax.random.normal(ks[3], (B, NUM_DIR_BINS, H, W), dtype=jnp.float32),
        "yaw_res_pred": jax.random.normal(ks[4], (B, 1, H, W), dtype=jnp.float32),
        "velocity_pred": jax.random.normal(ks[5], (B, 1, H, W), dtype=jnp.float32),
    }


def reference(center_heatmap_pred, wh_pred, offset_pred, yaw_class_pred, yaw_res_pred, velocity_pred):
    heat = _local_max(center_heatmap_pred, KERNEL)
    B, C, H, W = heat.shape
    scores_flat = heat.reshape(B, -1)
    topk_scores, topk_inds = jax.lax.top_k(scores_flat, TOP_K)
    topk_clses = topk_inds // (H * W)
    topk_inds = topk_inds % (H * W)
    topk_ys = (topk_inds // W).astype(jnp.float32)
    topk_xs = (topk_inds % W).astype(jnp.float32)

    wh = _transpose_and_gather_feat(wh_pred, topk_inds)
    offset = _transpose_and_gather_feat(offset_pred, topk_inds)
    yaw_class_feat = _transpose_and_gather_feat(yaw_class_pred, topk_inds)
    yaw_res = _transpose_and_gather_feat(yaw_res_pred, topk_inds)

    yaw_class = jnp.argmax(yaw_class_feat, axis=-1)
    angle_per_class = 2.0 * np.pi / NUM_DIR_BINS
    yaw = yaw_class.astype(jnp.float32) * angle_per_class + yaw_res[..., 0]
    brake = jnp.zeros_like(yaw)
    velocity = _transpose_and_gather_feat(velocity_pred, topk_inds)[..., 0]

    topk_xs = topk_xs + offset[..., 0]
    topk_ys = topk_ys + offset[..., 1]

    batch_bboxes = jnp.stack(
        [topk_xs, topk_ys, wh[..., 0], wh[..., 1], yaw, velocity, brake], axis=2)
    batch_bboxes = jnp.concatenate(
        [batch_bboxes,
         topk_clses[..., None].astype(jnp.float32),
         topk_scores[..., None]], axis=-1)
    # scale (x, y, w, h) by pixels_per_meter, matching [:, :, :YAW] *= ppm
    batch_bboxes = batch_bboxes.at[:, :, :4].multiply(PIXELS_PER_METER)
    return batch_bboxes

if __name__ == "__main__":
    import jax
    _d = setup_inputs()
    print(jax.jit(kernel)(*tuple(_d.values())))

</pallas_src>

<mosaic_0001>
#map = affine_map<(d0, d1) -> (0, 0, 0)>
#map1 = affine_map<(d0, d1) -> (0)>
module attributes {stable_mosaic.version = 14 : i64} {
  func.func @k(%arg0: i32, %arg1: i32, %arg2: memref<8x1x128xi32, #tpu.memory_space<hbm>>, %arg3: memref<8x1x128xf32, #tpu.memory_space<hbm>>, %arg4: memref<1048576xf32, #tpu.memory_space<hbm>>, %arg5: memref<1048576xf32, #tpu.memory_space<hbm>>, %arg6: memref<6291456xf32, #tpu.memory_space<hbm>>, %arg7: memref<524288xf32, #tpu.memory_space<hbm>>, %arg8: memref<524288xf32, #tpu.memory_space<hbm>>, %arg9: memref<9216xf32, #tpu.memory_space<hbm>>, %arg10: memref<1x128xi32, #tpu.memory_space<vmem>>, %arg11: memref<1x128xf32, #tpu.memory_space<vmem>>, %arg12: memref<64xi32, #tpu.memory_space<vmem>>, %arg13: memref<64xi32, #tpu.memory_space<vmem>>, %arg14: memref<384xi32, #tpu.memory_space<vmem>>, %arg15: memref<32xi32, #tpu.memory_space<vmem>>, %arg16: memref<32xi32, #tpu.memory_space<vmem>>, %arg17: memref<64xf32, #tpu.memory_space<vmem>>, %arg18: memref<64xf32, #tpu.memory_space<vmem>>, %arg19: memref<384xf32, #tpu.memory_space<vmem>>, %arg20: memref<32xf32, #tpu.memory_space<vmem>>, %arg21: memref<32xf32, #tpu.memory_space<vmem>>, %arg22: memref<9x32xf32, #tpu.memory_space<vmem>>, %arg23: memref<!tpu.dma_semaphore, #tpu.memory_space<semaphore_mem>>) attributes {dimension_semantics = [#tpu.dimension_semantics<core_parallel>, #tpu.dimension_semantics<subcore_parallel>], iteration_bounds = array<i64: 2, 16>, scalar_prefetch = 0 : i64, scratch_operands = 14 : i64, tpu.core_type = #tpu.core_type<sc_vector_subcore>, window_params = [{transform_indices = #map}, {transform_indices = #map}, {transform_indices = #map1}, {transform_indices = #map1}, {transform_indices = #map1}, {transform_indices = #map1}, {transform_indices = #map1}, {transform_indices = #map1}]} {
    %mul3A = arith.constant 2 : i32
    %mul3A_0 = arith.muli %arg1, %mul3A : i32
    %add3A = arith.addi %mul3A_0, %arg0 : i32
    %mul3A_1 = arith.constant 32 : i32
    %mul3A_2 = arith.muli %add3A, %mul3A_1 : i32
    %jit3A = arith.constant 128 : i32
    %div3A = arith.divsi %mul3A_2, %jit3A : i32
    %sign3A = arith.constant 0 : i32
    %sign3A_3 = arith.cmpi sgt, %mul3A_2, %sign3A : i32
    %sign3A_4 = arith.extui %sign3A_3 : i1 to i32
    %sign3A_5 = arith.constant 0 : i32
    %sign3A_6 = arith.cmpi slt, %mul3A_2, %sign3A_5 : i32
    %sign3A_7 = arith.extui %sign3A_6 : i1 to i32
    %sign3A_8 = arith.subi %sign3A_4, %sign3A_7 : i32
    %sign3A_9 = arith.constant 0 : i32
    %sign3A_10 = arith.cmpi sgt, %jit3A, %sign3A_9 : i32
    %sign3A_11 = arith.extui %sign3A_10 : i1 to i32
    %sign3A_12 = arith.constant 0 : i32
    %sign3A_13 = arith.cmpi slt, %jit3A, %sign3A_12 : i32
    %sign3A_14 = arith.extui %sign3A_13 : i1 to i32
    %sign3A_15 = arith.subi %sign3A_11, %sign3A_14 : i32
    %ne3A = arith.cmpi ne, %sign3A_8, %sign3A_15 : i32
    %rem3A = arith.remsi %mul3A_2, %jit3A : i32
    %ne3A_16 = arith.constant 0 : i32
    %ne3A_17 = arith.cmpi ne, %rem3A, %ne3A_16 : i32
    %and3A = arith.andi %ne3A, %ne3A_17 : i1
    %sub3A = arith.constant 1 : i32
    %sub3A_18 = arith.subi %div3A, %sub3A : i32
    %select_n3A = arith.select %and3A, %sub3A_18, %div3A : i32
    %jit3A_19 = arith.constant 4 : i32
    %eq3A = arith.constant 0 : i32
    %eq3A_20 = arith.cmpi eq, %jit3A_19, %eq3A : i32
    %jit3A_21 = arith.constant 1 : i32
    %select_n3A_22 = arith.select %eq3A_20, %jit3A_21, %jit3A_19 : i32
    %rem3A_23 = arith.remsi %add3A, %select_n3A_22 : i32
    %ne3A_24 = arith.constant 0 : i32
    %ne3A_25 = arith.cmpi ne, %rem3A_23, %ne3A_24 : i32
    %lt3A = arith.constant 0 : i32
    %lt3A_26 = arith.cmpi slt, %rem3A_23, %lt3A : i32
    %lt3A_27 = arith.constant 0 : i32
    %lt3A_28 = arith.cmpi slt, %select_n3A_22, %lt3A_27 : i32
    %ne3A_29 = arith.xori %lt3A_26, %lt3A_28 : i1
    %and3A_30 = arith.andi %ne3A_29, %ne3A_25 : i1
    %add3A_31 = arith.addi %rem3A_23, %select_n3A_22 : i32
    %select_n3A_32 = arith.select %and3A_30, %add3A_31, %rem3A_23 : i32
    "tpu.region"() ({
      %run_scoped3A_949 = tpu.sem_alloc : memref<!tpu.dma_semaphore, #tpu.memory_space<semaphore_mem>>
      %dma_start3A_950 = arith.constant 0 : i32
      %dma_start3A_951 = arith.constant 0 : i32
      %dma_start3A_952 = tpu.memref_slice %arg2[%select_n3A, %dma_start3A_950, %dma_start3A_951] : memref<8x1x128xi32, #tpu.memory_space<hbm>> -> memref<1x1x128xi32, #tpu.memory_space<hbm>>
      %dma_start3A_953 = tpu.memref_squeeze %dma_start3A_952 : memref<1x1x128xi32, #tpu.memory_space<hbm>> -> memref<1x128xi32, #tpu.memory_space<hbm>>
      %dma_start3A_954 = arith.constant 0 : i32
      %dma_start3A_955 = arith.constant 0 : i32
      %dma_start3A_956 = tpu.memref_slice %arg2[%select_n3A, %dma_start3A_954, %dma_start3A_955] : memref<8x1x128xi32, #tpu.memory_space<hbm>> -> memref<1x1x128xi32, #tpu.memory_space<hbm>>
      %dma_start3A_957 = tpu.memref_squeeze %dma_start3A_956 : memref<1x1x128xi32, #tpu.memory_space<hbm>> -> memref<1x128xi32, #tpu.memory_space<hbm>>
      tpu.enqueue_dma source(%dma_start3A_957 : memref<1x128xi32, #tpu.memory_space<hbm>>) target(%arg10 : memref<1x128xi32, #tpu.memory_space<vmem>>) target_semaphore(%run_scoped3A_949 : memref<!tpu.dma_semaphore, #tpu.memory_space<semaphore_mem>>)
      %dma_wait3A_958 = arith.constant 0 : i32
      %dma_wait3A_959 = arith.constant 0 : i32
      %dma_wait3A_960 = tpu.memref_slice %arg2[%select_n3A, %dma_wait3A_958, %dma_wait3A_959] : memref<8x1x128xi32, #tpu.memory_space<hbm>> -> memref<1x1x128xi32, #tpu.memory_space<hbm>>
      %dma_wait3A_961 = tpu.memref_squeeze %dma_wait3A_960 : memref<1x1x128xi32, #tpu.memory_space<hbm>> -> memref<1x128xi32, #tpu.memory_space<hbm>>
      %dma_wait3A_962 = arith.constant 0 : i32
      %dma_wait3A_963 = arith.constant 0 : i32
      %dma_wait3A_964 = tpu.memref_slice %arg2[%select_n3A, %dma_wait3A_962, %dma_wait3A_963] : memref<8x1x128xi32, #tpu.memory_space<hbm>> -> memref<1x1x128xi32, #tpu.memory_space<hbm>>
      %dma_wait3A_965 = tpu.memref_squeeze %dma_wait3A_964 : memref<1x1x128xi32, #tpu.memory_space<hbm>> -> memref<1x128xi32, #tpu.memory_space<hbm>>
      tpu.wait_dma2 semaphore(%run_scoped3A_949 : memref<!tpu.dma_semaphore, #tpu.memory_space<semaphore_mem>>) src(%dma_wait3A_965 : memref<1x128xi32, #tpu.memory_space<hbm>>) dst(%arg10 : memref<1x128xi32, #tpu.memory_space<vmem>>)
      tpu.yield
    }) : () -> ()
    "tpu.region"() ({
      %run_scoped3A_949 = tpu.sem_alloc : memref<!tpu.dma_semaphore, #tpu.memory_space<semaphore_mem>>
      %dma_start3A_950 = arith.constant 0 : i32
      %dma_start3A_951 = arith.constant 0 : i32
      %dma_start3A_952 = tpu.memref_slice %arg3[%select_n3A, %dma_start3A_950, %dma_start3A_951] : memref<8x1x128xf32, #tpu.memory_space<hbm>> -> memref<1x1x128xf32, #tpu.memory_space<hbm>>
      %dma_start3A_953 = tpu.memref_squeeze %dma_start3A_952 : memref<1x1x128xf32, #tpu.memory_space<hbm>> -> memref<1x128xf32, #tpu.memory_space<hbm>>
      %dma_start3A_954 = arith.constant 0 : i32
      %dma_start3A_955 = arith.constant 0 : i32
      %dma_start3A_956 = tpu.memref_slice %arg3[%select_n3A, %dma_start3A_954, %dma_start3A_955] : memref<8x1x128xf32, #tpu.memory_space<hbm>> -> memref<1x1x128xf32, #tpu.memory_space<hbm>>
      %dma_start3A_957 = tpu.memref_squeeze %dma_start3A_956 : memref<1x1x128xf32, #tpu.memory_space<hbm>> -> memref<1x128xf32, #tpu.memory_space<hbm>>
      tpu.enqueue_dma source(%dma_start3A_957 : memref<1x128xf32, #tpu.memory_space<hbm>>) target(%arg11 : memref<1x128xf32, #tpu.memory_space<vmem>>) target_semaphore(%run_scoped3A_949 : memref<!tpu.dma_semaphore, #tpu.memory_space<semaphore_mem>>)
      %dma_wait3A_958 = arith.constant 0 : i32
      %dma_wait3A_959 = arith.constant 0 : i32
      %dma_wait3A_960 = tpu.memref_slice %arg3[%select_n3A, %dma_wait3A_958, %dma_wait3A_959] : memref<8x1x128xf32, #tpu.memory_space<hbm>> -> memref<1x1x128xf32, #tpu.memory_space<hbm>>
      %dma_wait3A_961 = tpu.memref_squeeze %dma_wait3A_960 : memref<1x1x128xf32, #tpu.memory_space<hbm>> -> memref<1x128xf32, #tpu.memory_space<hbm>>
      %dma_wait3A_962 = arith.constant 0 : i32
      %dma_wait3A_963 = arith.constant 0 : i32
      %dma_wait3A_964 = tpu.memref_slice %arg3[%select_n3A, %dma_wait3A_962, %dma_wait3A_963] : memref<8x1x128xf32, #tpu.memory_space<hbm>> -> memref<1x1x128xf32, #tpu.memory_space<hbm>>
      %dma_wait3A_965 = tpu.memref_squeeze %dma_wait3A_964 : memref<1x1x128xf32, #tpu.memory_space<hbm>> -> memref<1x128xf32, #tpu.memory_space<hbm>>
      tpu.wait_dma2 semaphore(%run_scoped3A_949 : memref<!tpu.dma_semaphore, #tpu.memory_space<semaphore_mem>>) src(%dma_wait3A_965 : memref<1x128xf32, #tpu.memory_space<hbm>>) dst(%arg11 : memref<1x128xf32, #tpu.memory_space<vmem>>)
      tpu.yield
    }) : () -> ()
    %mul3A_33 = arith.constant 32 : i32
    %mul3A_34 = arith.muli %select_n3A_32, %mul3A_33 : i32
    %add3A_35 = arith.constant 0 : i32
    %add3A_36 = arith.addi %mul3A_34, %add3A_35 : i32
    %get3A = arith.constant 0 : i32
    %get3A_37 = arith.index_cast %get3A : i32 to index
    %get3A_38 = arith.index_cast %add3A_36 : i32 to index
    %get3A_39 = tpu.vector_load %arg10[%get3A_37, %get3A_38] {strides = array<i32>} : memref<1x128xi32, #tpu.memory_space<vmem>>, vector<1x16xi32>,
    %get3A_40 = vector.shape_cast %get3A_39 : vector<1x16xi32> to vector<16xi32>
    %and3A_41 = arith.constant 65535 : i32
    %and3A_42 = vector.broadcast %and3A_41 : i32 to vector<16xi32>
    %and3A_43 = arith.andi %get3A_40, %and3A_42 : vector<16xi32>
    %mul3A_44 = arith.constant 65536 : i32
    %mul3A_45 = arith.muli %select_n3A, %mul3A_44 : i32
    %add3A_46 = vector.broadcast %mul3A_45 : i32 to vector<16xi32>
    %add3A_47 = arith.addi %add3A_46, %and3A_43 : vector<16xi32>
    %swap3A = arith.constant 0 : index
    %swap3A_48 = tpu.vector_load %arg15[%swap3A] {strides = array<i32>} : memref<32xi32, #tpu.memory_space<vmem>>, vector<16xi32>,
    %swap3A_49 = vector.shape_cast %swap3A_48 : vector<16xi32> to vector<16xi32>
    %swap3A_50 = vector.shape_cast %add3A_47 : vector<16xi32> to vector<16xi32>
    tpu.vector_store %arg15[%swap3A], %swap3A_50 {strides = array<i32>} : memref<32xi32, #tpu.memory_space<vmem>>, vector<16xi32>,
    %mul3A_51 = arith.constant 65536 : i32
    %mul3A_52 = arith.muli %select_n3A, %mul3A_51 : i32
    %add3A_53 = vector.broadcast %mul3A_52 : i32 to vector<16xi32>
    %add3A_54 = arith.addi %add3A_53, %and3A_43 : vector<16xi32>
    %swap3A_55 = arith.constant 0 : index
    %swap3A_56 = tpu.vector_load %arg16[%swap3A_55] {strides = array<i32>} : memref<32xi32, #tpu.memory_space<vmem>>, vector<16xi32>,
    %swap3A_57 = vector.shape_cast %swap3A_56 : vector<16xi32> to vector<16xi32>
    %swap3A_58 = vector.shape_cast %add3A_54 : vector<16xi32> to vector<16xi32>
    tpu.vector_store %arg16[%swap3A_55], %swap3A_58 {strides = array<i32>} : memref<32xi32, #tpu.memory_space<vmem>>, vector<16xi32>,
    %mul3A_59 = arith.constant 2 : i32
    %mul3A_60 = arith.muli %select_n3A, %mul3A_59 : i32
    %add3A_61 = arith.constant 0 : i32
    %add3A_62 = arith.addi %mul3A_60, %add3A_61 : i32
    %mul3A_63 = arith.constant 65536 : i32
    %mul3A_64 = arith.muli %add3A_62, %mul3A_63 : i32
    %add3A_65 = vector.broadcast %mul3A_64 : i32 to vector<16xi32>
    %add3A_66 = arith.addi %add3A_65, %and3A_43 : vector<16xi32>
    %swap3A_67 = arith.constant 0 : index
    %swap3A_68 = tpu.vector_load %arg12[%swap3A_67] {strides = array<i32>} : memref<64xi32, #tpu.memory_space<vmem>>, vector<16xi32>,
    %swap3A_69 = vector.shape_cast %swap3A_68 : vector<16xi32> to vector<16xi32>
    %swap3A_70 = vector.shape_cast %add3A_66 : vector<16xi32> to vector<16xi32>
    tpu.vector_store %arg12[%swap3A_67], %swap3A_70 {strides = array<i32>} : memref<64xi32, #tpu.memory_space<vmem>>, vector<16xi32>,
    %mul3A_71 = arith.constant 2 : i32
    %mul3A_72 = arith.muli %select_n3A, %mul3A_71 : i32
    %add3A_73 = arith.constant 0 : i32
    %add3A_74 = arith.addi %mul3A_72, %add3A_73 : i32
    %mul3A_75 = arith.constant 65536 : i32
    %mul3A_76 = arith.muli %add3A_74, %mul3A_75 : i32
    %add3A_77 = vector.broadcast %mul3A_76 : i32 to vector<16xi32>
    %add3A_78 = arith.addi %add3A_77, %and3A_43 : vector<16xi32>
    %swap3A_79 = arith.constant 0 : index
    %swap3A_80 = tpu.vector_load %arg13[%swap3A_79] {strides = array<i32>} : memref<64xi32, #tpu.memory_space<vmem>>, vector<16xi32>,
    %swap3A_81 = vector.shape_cast %swap3A_80 : vector<16xi32> to vector<16xi32>
    %swap3A_82 = vector.shape_cast %add3A_78 : vector<16xi32> to vector<16xi32>
    tpu.vector_store %arg13[%swap3A_79], %swap3A_82 {strides = array<i32>} : memref<64xi32, #tpu.memory_space<vmem>>, vector<16xi32>,
    %mul3A_83 = arith.constant 2 : i32
    %mul3A_84 = arith.muli %select_n3A, %mul3A_83 : i32
    %add3A_85 = arith.constant 1 : i32
    %add3A_86 = arith.addi %mul3A_84, %add3A_85 : i32
    %mul3A_87 = arith.constant 65536 : i32
    %mul3A_88 = arith.muli %add3A_86, %mul3A_87 : i32
    %add3A_89 = vector.broadcast %mul3A_88 : i32 to vector<16xi32>
    %add3A_90 = arith.addi %add3A_89, %and3A_43 : vector<16xi32>
    %swap3A_91 = arith.constant 32 : index
    %swap3A_92 = tpu.vector_load %arg12[%swap3A_91] {strides = array<i32>} : memref<64xi32, #tpu.memory_space<vmem>>, vector<16xi32>,
    %swap3A_93 = vector.shape_cast %swap3A_92 : vector<16xi32> to vector<16xi32>
    %swap3A_94 = vector.shape_cast %add3A_90 : vector<16xi32> to vector<16xi32>
    tpu.vector_store %arg12[%swap3A_91], %swap3A_94 {strides = array<i32>} : memref<64xi32, #tpu.memory_space<vmem>>, vector<16xi32>,
    %mul3A_95 = arith.constant 2 : i32
    %mul3A_96 = arith.muli %select_n3A, %mul3A_95 : i32
    %add3A_97 = arith.constant 1 : i32
    %add3A_98 = arith.addi %mul3A_96, %add3A_97 : i32
    %mul3A_99 = arith.constant 65536 : i32
    %mul3A_100 = arith.muli %add3A_98, %mul3A_99 : i32
    %add3A_101 = vector.broadcast %mul3A_100 : i32 to vector<16xi32>
    %add3A_102 = arith.addi %add3A_101, %and3A_43 : vector<16xi32>
    %swap3A_103 = arith.constant 32 : index
    %swap3A_104 = tpu.vector_load %arg13[%swap3A_103] {strides = array<i32>} : memref<64xi32, #tpu.memory_space<vmem>>, vector<16xi32>,
    %swap3A_105 = vector.shape_cast %swap3A_104 : vector<16xi32> to vector<16xi32>
    %swap3A_106 = vector.shape_cast %add3A_102 : vector<16xi32> to vector<16xi32>
    tpu.vector_store %arg13[%swap3A_103], %swap3A_106 {strides = array<i32>} : memref<64xi32, #tpu.memory_space<vmem>>, vector<16xi32>,
    %mul3A_107 = arith.constant 12 : i32
    %mul3A_108 = arith.muli %select_n3A, %mul3A_107 : i32
    %add3A_109 = arith.constant 0 : i32
    %add3A_110 = arith.addi %mul3A_108, %add3A_109 : i32
    %mul3A_111 = arith.constant 65536 : i32
    %mul3A_112 = arith.muli %add3A_110, %mul3A_111 : i32
    %add3A_113 = vector.broadcast %mul3A_112 : i32 to vector<16xi32>
    %add3A_114 = arith.addi %add3A_113, %and3A_43 : vector<16xi32>
    %swap3A_115 = arith.constant 0 : index
    %swap3A_116 = tpu.vector_load %arg14[%swap3A_115] {strides = array<i32>} : memref<384xi32, #tpu.memory_space<vmem>>, vector<16xi32>,
    %swap3A_117 = vector.shape_cast %swap3A_116 : vector<16xi32> to vector<16xi32>
    %swap3A_118 = vector.shape_cast %add3A_114 : vector<16xi32> to vector<16xi32>
    tpu.vector_store %arg14[%swap3A_115], %swap3A_118 {strides = array<i32>} : memref<384xi32, #tpu.memory_space<vmem>>, vector<16xi32>,
    %mul3A_119 = arith.constant 12 : i32
    %mul3A_120 = arith.muli %select_n3A, %mul3A_119 : i32
    %add3A_121 = arith.constant 1 : i32
    %add3A_122 = arith.addi %mul3A_120, %add3A_121 : i32
    %mul3A_123 = arith.constant 65536 : i32
    %mul3A_124 = arith.muli %add3A_122, %mul3A_123 : i32
    %add3A_125 = vector.broadcast %mul3A_124 : i32 to vector<16xi32>
    %add3A_126 = arith.addi %add3A_125, %and3A_43 : vector<16xi32>
    %swap3A_127 = arith.constant 32 : index
    %swap3A_128 = tpu.vector_load %arg14[%swap3A_127] {strides = array<i32>} : memref<384xi32, #tpu.memory_space<vmem>>, vector<16xi32>,
    %swap3A_129 = vector.shape_cast %swap3A_128 : vector<16xi32> to vector<16xi32>
    %swap3A_130 = vector.shape_cast %add3A_126 : vector<16xi32> to vector<16xi32>
    tpu.vector_store %arg14[%swap3A_127], %swap3A_130 {strides = array<i32>} : memref<384xi32, #tpu.memory_space<vmem>>, vector<16xi32>,
    %mul3A_131 = arith.constant 12 : i32
    %mul3A_132 = arith.muli %select_n3A, %mul3A_131 : i32
    %add3A_133 = arith.constant 2 : i32
    %add3A_134 = arith.addi %mul3A_132, %add3A_133 : i32
    %mul3A_135 = arith.constant 65536 : i32
    %mul3A_136 = arith.muli %add3A_134, %mul3A_135 : i32
    %add3A_137 = vector.broadcast %mul3A_136 : i32 to vector<16xi32>
    %add3A_138 = arith.addi %add3A_137, %and3A_43 : vector<16xi32>
    %swap3A_139 = arith.constant 64 : index
    %swap3A_140 = tpu.vector_load %arg14[%swap3A_139] {strides = array<i32>} : memref<384xi32, #tpu.memory_space<vmem>>, vector<16xi32>,
    %swap3A_141 = vector.shape_cast %swap3A_140 : vector<16xi32> to vector<16xi32>
    %swap3A_142 = vector.shape_cast %add3A_138 : vector<16xi32> to vector<16xi32>
    tpu.vector_store %arg14[%swap3A_139], %swap3A_142 {strides = array<i32>} : memref<384xi32, #tpu.memory_space<vmem>>, vector<16xi32>,
    %mul3A_143 = arith.constant 12 : i32
    %mul3A_144 = arith.muli %select_n3A, %mul3A_143 : i32
    %add3A_145 = arith.constant 3 : i32
    %add3A_146 = arith.addi %mul3A_144, %add3A_145 : i32
    %mul3A_147 = arith.constant 65536 : i32
    %mul3A_148 = arith.muli %add3A_146, %mul3A_147 : i32
    %add3A_149 = vector.broadcast %mul3A_148 : i32 to vector<16xi32>
    %add3A_150 = arith.addi %add3A_149, %and3A_43 : vector<16xi32>
    %swap3A_151 = arith.constant 96 : index
    %swap3A_152 = tpu.vector_load %arg14[%swap3A_151] {strides = array<i32>} : memref<384xi32, #tpu.memory_space<vmem>>, vector<16xi32>,
    %swap3A_153 = vector.shape_cast %swap3A_152 : vector<16xi32> to vector<16xi32>
    %swap3A_154 = vector.shape_cast %add3A_150 : vector<16xi32> to vector<16xi32>
    tpu.vector_store %arg14[%swap3A_151], %swap3A_154 {strides = array<i32>} : memref<384xi32, #tpu.memory_space<vmem>>, vector<16xi32>,
    %mul3A_155 = arith.constant 12 : i32
    %mul3A_156 = arith.muli %select_n3A, %mul3A_155 : i32
    %add3A_157 = arith.constant 4 : i32
    %add3A_158 = arith.addi %mul3A_156, %add3A_157 : i32
    %mul3A_159 = arith.constant 65536 : i32
    %mul3A_160 = arith.muli %add3A_158, %mul3A_159 : i32
    %add3A_161 = vector.broadcast %mul3A_160 : i32 to vector<16xi32>
    %add3A_162 = arith.addi %add3A_161, %and3A_43 : vector<16xi32>
    %swap3A_163 = arith.constant 128 : index
    %swap3A_164 = tpu.vector_load %arg14[%swap3A_163] {strides = array<i32>} : memref<384xi32, #tpu.memory_space<vmem>>, vector<16xi32>,
    %swap3A_165 = vector.shape_cast %swap3A_164 : vector<16xi32> to vector<16xi32>
    %swap3A_166 = vector.shape_cast %add3A_162 : vector<16xi32> to vector<16xi32>
    tpu.vector_store %arg14[%swap3A_163], %swap3A_166 {strides = array<i32>} : memref<384xi32, #tpu.memory_space<vmem>>, vector<16xi32>,
    %mul3A_167 = arith.constant 12 : i32
    %mul3A_168 = arith.muli %select_n3A, %mul3A_167 : i32
    %add3A_169 = arith.constant 5 : i32
    %add3A_170 = arith.addi %mul3A_168, %add3A_169 : i32
    %mul3A_171 = arith.constant 65536 : i32
    %mul3A_172 = arith.muli %add3A_170, %mul3A_171 : i32
    %add3A_173 = vector.broadcast %mul3A_172 : i32 to vector<16xi32>
    %add3A_174 = arith.addi %add3A_173, %and3A_43 : vector<16xi32>
    %swap3A_175 = arith.constant 160 : index
    %swap3A_176 = tpu.vector_load %arg14[%swap3A_175] {strides = array<i32>} : memref<384xi32, #tpu.memory_space<vmem>>, vector<16xi32>,
    %swap3A_177 = vector.shape_cast %swap3A_176 : vector<16xi32> to vector<16xi32>
    %swap3A_178 = vector.shape_cast %add3A_174 : vector<16xi32> to vector<16xi32>
    tpu.vector_store %arg14[%swap3A_175], %swap3A_178 {strides = array<i32>} : memref<384xi32, #tpu.memory_space<vmem>>, vector<16xi32>,
    %mul3A_179 = arith.constant 12 : i32
    %mul3A_180 = arith.muli %select_n3A, %mul3A_179 : i32
    %add3A_181 = arith.constant 6 : i32
    %add3A_182 = arith.addi %mul3A_180, %add3A_181 : i32
    %mul3A_183 = arith.constant 65536 : i32
    %mul3A_184 = arith.muli %add3A_182, %mul3A_183 : i32
    %add3A_185 = vector.broadcast %mul3A_184 : i32 to vector<16xi32>
    %add3A_186 = arith.addi %add3A_185, %and3A_43 : vector<16xi32>
    %swap3A_187 = arith.constant 192 : index
    %swap3A_188 = tpu.vector_load %arg14[%swap3A_187] {strides = array<i32>} : memref<384xi32, #tpu.memory_space<vmem>>, vector<16xi32>,
    %swap3A_189 = vector.shape_cast %swap3A_188 : vector<16xi32> to vector<16xi32>
    %swap3A_190 = vector.shape_cast %add3A_186 : vector<16xi32> to vector<16xi32>
    tpu.vector_store %arg14[%swap3A_187], %swap3A_190 {strides = array<i32>} : memref<384xi32, #tpu.memory_space<vmem>>, vector<16xi32>,
    %mul3A_191 = arith.constant 12 : i32
    %mul3A_192 = arith.muli %select_n3A, %mul3A_191 : i32
    %add3A_193 = arith.constant 7 : i32
    %add3A_194 = arith.addi %mul3A_192, %add3A_193 : i32
    %mul3A_195 = arith.constant 65536 : i32
    %mul3A_196 = arith.muli %add3A_194, %mul3A_195 : i32
    %add3A_197 = vector.broadcast %mul3A_196 : i32 to vector<16xi32>
    %add3A_198 = arith.addi %add3A_197, %and3A_43 : vector<16xi32>
    %swap3A_199 = arith.constant 224 : index
    %swap3A_200 = tpu.vector_load %arg14[%swap3A_199] {strides = array<i32>} : memref<384xi32, #tpu.memory_space<vmem>>, vector<16xi32>,
    %swap3A_201 = vector.shape_cast %swap3A_200 : vector<16xi32> to vector<16xi32>
    %swap3A_202 = vector.shape_cast %add3A_198 : vector<16xi32> to vector<16xi32>
    tpu.vector_store %arg14[%swap3A_199], %swap3A_202 {strides = array<i32>} : memref<384xi32, #tpu.memory_space<vmem>>, vector<16xi32>,
    %mul3A_203 = arith.constant 12 : i32
    %mul3A_204 = arith.muli %select_n3A, %mul3A_203 : i32
    %add3A_205 = arith.constant 8 : i32
    %add3A_206 = arith.addi %mul3A_204, %add3A_205 : i32
    %mul3A_207 = arith.constant 65536 : i32
    %mul3A_208 = arith.muli %add3A_206, %mul3A_207 : i32
    %add3A_209 = vector.broadcast %mul3A_208 : i32 to vector<16xi32>
    %add3A_210 = arith.addi %add3A_209, %and3A_43 : vector<16xi32>
    %swap3A_211 = arith.constant 256 : index
    %swap3A_212 = tpu.vector_load %arg14[%swap3A_211] {strides = array<i32>} : memref<384xi32, #tpu.memory_space<vmem>>, vector<16xi32>,
    %swap3A_213 = vector.shape_cast %swap3A_212 : vector<16xi32> to vector<16xi32>
    %swap3A_214 = vector.shape_cast %add3A_210 : vector<16xi32> to vector<16xi32>
    tpu.vector_store %arg14[%swap3A_211], %swap3A_214 {strides = array<i32>} : memref<384xi32, #tpu.memory_space<vmem>>, vector<16xi32>,
    %mul3A_215 = arith.constant 12 : i32
    %mul3A_216 = arith.muli %select_n3A, %mul3A_215 : i32
    %add3A_217 = arith.constant 9 : i32
    %add3A_218 = arith.addi %mul3A_216, %add3A_217 : i32
    %mul3A_219 = arith.constant 65536 : i32
    %mul3A_220 = arith.muli %add3A_218, %mul3A_219 : i32
    %add3A_221 = vector.broadcast %mul3A_220 : i32 to vector<16xi32>
    %add3A_222 = arith.addi %add3A_221, %and3A_43 : vector<16xi32>
    %swap3A_223 = arith.constant 288 : index
    %swap3A_224 = tpu.vector_load %arg14[%swap3A_223] {strides = array<i32>} : memref<384xi32, #tpu.memory_space<vmem>>, vector<16xi32>,
    %swap3A_225 = vector.shape_cast %swap3A_224 : vector<16xi32> to vector<16xi32>
    %swap3A_226 = vector.shape_cast %add3A_222 : vector<16xi32> to vector<16xi32>
    tpu.vector_store %arg14[%swap3A_223], %swap3A_226 {strides = array<i32>} : memref<384xi32, #tpu.memory_space<vmem>>, vector<16xi32>,
    %mul3A_227 = arith.constant 12 : i32
    %mul3A_228 = arith.muli %select_n3A, %mul3A_227 : i32
    %add3A_229 = arith.constant 10 : i32
    %add3A_230 = arith.addi %mul3A_228, %add3A_229 : i32
    %mul3A_231 = arith.constant 65536 : i32
    %mul3A_232 = arith.muli %add3A_230, %mul3A_231 : i32
    %add3A_233 = vector.broadcast %mul3A_232 : i32 to vector<16xi32>
    %add3A_234 = arith.addi %add3A_233, %and3A_43 : vector<16xi32>
    %swap3A_235 = arith.constant 320 : index
    %swap3A_236 = tpu.vector_load %arg14[%swap3A_235] {strides = array<i32>} : memref<384xi32, #tpu.memory_space<vmem>>, vector<16xi32>,
    %swap3A_237 = vector.shape_cast %swap3A_236 : vector<16xi32> to vector<16xi32>
    %swap3A_238 = vector.shape_cast %add3A_234 : vector<16xi32> to vector<16xi32>
    tpu.vector_store %arg14[%swap3A_235], %swap3A_238 {strides = array<i32>} : memref<384xi32, #tpu.memory_space<vmem>>, vector<16xi32>,
    %mul3A_239 = arith.constant 12 : i32
    %mul3A_240 = arith.muli %select_n3A, %mul3A_239 : i32
    %add3A_241 = arith.constant 11 : i32
    %add3A_242 = arith.addi %mul3A_240, %add3A_241 : i32
    %mul3A_243 = arith.constant 65536 : i32
    %mul3A_244 = arith.muli %add3A_242, %mul3A_243 : i32
    %add3A_245 = vector.broadcast %mul3A_244 : i32 to vector<16xi32>
    %add3A_246 = arith.addi %add3A_245, %and3A_43 : vector<16xi32>
    %swap3A_247 = arith.constant 352 : index
    %swap3A_248 = tpu.vector_load %arg14[%swap3A_247] {strides = array<i32>} : memref<384xi32, #tpu.memory_space<vmem>>, vector<16xi32>,
    %swap3A_249 = vector.shape_cast %swap3A_248 : vector<16xi32> to vector<16xi32>
    %swap3A_250 = vector.shape_cast %add3A_246 : vector<16xi32> to vector<16xi32>
    tpu.vector_store %arg14[%swap3A_247], %swap3A_250 {strides = array<i32>} : memref<384xi32, #tpu.memory_space<vmem>>, vector<16xi32>,
    %mul3A_251 = arith.constant 32 : i32
    %mul3A_252 = arith.muli %select_n3A_32, %mul3A_251 : i32
    %add3A_253 = arith.constant 16 : i32
    %add3A_254 = arith.addi %mul3A_252, %add3A_253 : i32
    %get3A_255 = arith.constant 0 : i32
    %get3A_256 = arith.index_cast %get3A_255 : i32 to index
    %get3A_257 = arith.index_cast %add3A_254 : i32 to index
    %get3A_258 = tpu.vector_load %arg10[%get3A_256, %get3A_257] {strides = array<i32>} : memref<1x128xi32, #tpu.memory_space<vmem>>, vector<1x16xi32>,
    %get3A_259 = vector.shape_cast %get3A_258 : vector<1x16xi32> to vector<16xi32>
    %and3A_260 = arith.constant 65535 : i32
    %and3A_261 = vector.broadcast %and3A_260 : i32 to vector<16xi32>
    %and3A_262 = arith.andi %get3A_259, %and3A_261 : vector<16xi32>
    %mul3A_263 = arith.constant 65536 : i32
    %mul3A_264 = arith.muli %select_n3A, %mul3A_263 : i32
    %add3A_265 = vector.broadcast %mul3A_264 : i32 to vector<16xi32>
    %add3A_266 = arith.addi %add3A_265, %and3A_262 : vector<16xi32>
    %swap3A_267 = arith.constant 16 : index
    %swap3A_268 = tpu.vector_load %arg15[%swap3A_267] {strides = array<i32>} : memref<32xi32, #tpu.memory_space<vmem>>, vector<16xi32>,
    %swap3A_269 = vector.shape_cast %swap3A_268 : vector<16xi32> to vector<16xi32>
    %swap3A_270 = vector.shape_cast %add3A_266 : vector<16xi32> to vector<16xi32>
    tpu.vector_store %arg15[%swap3A_267], %swap3A_270 {strides = array<i32>} : memref<32xi32, #tpu.memory_space<vmem>>, vector<16xi32>,
    %mul3A_271 = arith.constant 65536 : i32
    %mul3A_272 = arith.muli %select_n3A, %mul3A_271 : i32
    %add3A_273 = vector.broadcast %mul3A_272 : i32 to vector<16xi32>
    %add3A_274 = arith.addi %add3A_273, %and3A_262 : vector<16xi32>
    %swap3A_275 = arith.constant 16 : index
    %swap3A_276 = tpu.vector_load %arg16[%swap3A_275] {strides = array<i32>} : memref<32xi32, #tpu.memory_space<vmem>>, vector<16xi32>,
    %swap3A_277 = vector.shape_cast %swap3A_276 : vector<16xi32> to vector<16xi32>
    %swap3A_278 = vector.shape_cast %add3A_274 : vector<16xi32> to vector<16xi32>
    tpu.vector_store %arg16[%swap3A_275], %swap3A_278 {strides = array<i32>} : memref<32xi32, #tpu.memory_space<vmem>>, vector<16xi32>,
    %mul3A_279 = arith.constant 2 : i32
    %mul3A_280 = arith.muli %select_n3A, %mul3A_279 : i32
    %add3A_281 = arith.constant 0 : i32
    %add3A_282 = arith.addi %mul3A_280, %add3A_281 : i32
    %mul3A_283 = arith.constant 65536 : i32
    %mul3A_284 = arith.muli %add3A_282, %mul3A_283 : i32
    %add3A_285 = vector.broadcast %mul3A_284 : i32 to vector<16xi32>
    %add3A_286 = arith.addi %add3A_285, %and3A_262 : vector<16xi32>
    %swap3A_287 = arith.constant 16 : index
    %swap3A_288 = tpu.vector_load %arg12[%swap3A_287] {strides = array<i32>} : memref<64xi32, #tpu.memory_space<vmem>>, vector<16xi32>,
    %swap3A_289 = vector.shape_cast %swap3A_288 : vector<16xi32> to vector<16xi32>
    %swap3A_290 = vector.shape_cast %add3A_286 : vector<16xi32> to vector<16xi32>
    tpu.vector_store %arg12[%swap3A_287], %swap3A_290 {strides = array<i32>} : memref<64xi32, #tpu.memory_space<vmem>>, vector<16xi32>,
    %mul3A_291 = arith.constant 2 : i32
    %mul3A_292 = arith.muli %select_n3A, %mul3A_291 : i32
    %add3A_293 = arith.constant 0 : i32
    %add3A_294 = arith.addi %mul3A_292, %add3A_293 : i32
    %mul3A_295 = arith.constant 65536 : i32
    %mul3A_296 = arith.muli %add3A_294, %mul3A_295 : i32
    %add3A_297 = vector.broadcast %mul3A_296 : i32 to vector<16xi32>
    %add3A_298 = arith.addi %add3A_297, %and3A_262 : vector<16xi32>
    %swap3A_299 = arith.constant 16 : index
    %swap3A_300 = tpu.vector_load %arg13[%swap3A_299] {strides = array<i32>} : memref<64xi32, #tpu.memory_space<vmem>>, vector<16xi32>,
    %swap3A_301 = vector.shape_cast %swap3A_300 : vector<16xi32> to vector<16xi32>
    %swap3A_302 = vector.shape_cast %add3A_298 : vector<16xi32> to vector<16xi32>
    tpu.vector_store %arg13[%swap3A_299], %swap3A_302 {strides = array<i32>} : memref<64xi32, #tpu.memory_space<vmem>>, vector<16xi32>,
    %mul3A_303 = arith.constant 2 : i32
    %mul3A_304 = arith.muli %select_n3A, %mul3A_303 : i32
    %add3A_305 = arith.constant 1 : i32
    %add3A_306 = arith.addi %mul3A_304, %add3A_305 : i32
    %mul3A_307 = arith.constant 65536 : i32
    %mul3A_308 = arith.muli %add3A_306, %mul3A_307 : i32
    %add3A_309 = vector.broadcast %mul3A_308 : i32 to vector<16xi32>
    %add3A_310 = arith.addi %add3A_309, %and3A_262 : vector<16xi32>
    %swap3A_311 = arith.constant 48 : index
    %swap3A_312 = tpu.vector_load %arg12[%swap3A_311] {strides = array<i32>} : memref<64xi32, #tpu.memory_space<vmem>>, vector<16xi32>,
    %swap3A_313 = vector.shape_cast %swap3A_312 : vector<16xi32> to vector<16xi32>
    %swap3A_314 = vector.shape_cast %add3A_310 : vector<16xi32> to vector<16xi32>
    tpu.vector_store %arg12[%swap3A_311], %swap3A_314 {strides = array<i32>} : memref<64xi32, #tpu.memory_space<vmem>>, vector<16xi32>,
    %mul3A_315 = arith.constant 2 : i32
    %mul3A_316 = arith.muli %select_n3A, %mul3A_315 : i32
    %add3A_317 = arith.constant 1 : i32
    %add3A_318 = arith.addi %mul3A_316, %add3A_317 : i32
    %mul3A_319 = arith.constant 65536 : i32
    %mul3A_320 = arith.muli %add3A_318, %mul3A_319 : i32
    %add3A_321 = vector.broadcast %mul3A_320 : i32 to vector<16xi32>
    %add3A_322 = arith.addi %add3A_321, %and3A_262 : vector<16xi32>
    %swap3A_323 = arith.constant 48 : index
    %swap3A_324 = tpu.vector_load %arg13[%swap3A_323] {strides = array<i32>} : memref<64xi32, #tpu.memory_space<vmem>>, vector<16xi32>,
    %swap3A_325 = vector.shape_cast %swap3A_324 : vector<16xi32> to vector<16xi32>
    %swap3A_326 = vector.shape_cast %add3A_322 : vector<16xi32> to vector<16xi32>
    tpu.vector_store %arg13[%swap3A_323], %swap3A_326 {strides = array<i32>} : memref<64xi32, #tpu.memory_space<vmem>>, vector<16xi32>,
    %mul3A_327 = arith.constant 12 : i32
    %mul3A_328 = arith.muli %select_n3A, %mul3A_327 : i32
    %add3A_329 = arith.constant 0 : i32
    %add3A_330 = arith.addi %mul3A_328, %add3A_329 : i32
    %mul3A_331 = arith.constant 65536 : i32
    %mul3A_332 = arith.muli %add3A_330, %mul3A_331 : i32
    %add3A_333 = vector.broadcast %mul3A_332 : i32 to vector<16xi32>
    %add3A_334 = arith.addi %add3A_333, %and3A_262 : vector<16xi32>
    %swap3A_335 = arith.constant 16 : index
    %swap3A_336 = tpu.vector_load %arg14[%swap3A_335] {strides = array<i32>} : memref<384xi32, #tpu.memory_space<vmem>>, vector<16xi32>,
    %swap3A_337 = vector.shape_cast %swap3A_336 : vector<16xi32> to vector<16xi32>
    %swap3A_338 = vector.shape_cast %add3A_334 : vector<16xi32> to vector<16xi32>
    tpu.vector_store %arg14[%swap3A_335], %swap3A_338 {strides = array<i32>} : memref<384xi32, #tpu.memory_space<vmem>>, vector<16xi32>,
    %mul3A_339 = arith.constant 12 : i32
    %mul3A_340 = arith.muli %select_n3A, %mul3A_339 : i32
    %add3A_341 = arith.constant 1 : i32
    %add3A_342 = arith.addi %mul3A_340, %add3A_341 : i32
    %mul3A_343 = arith.constant 65536 : i32
    %mul3A_344 = arith.muli %add3A_342, %mul3A_343 : i32
    %add3A_345 = vector.broadcast %mul3A_344 : i32 to vector<16xi32>
    %add3A_346 = arith.addi %add3A_345, %and3A_262 : vector<16xi32>
    %swap3A_347 = arith.constant 48 : index
    %swap3A_348 = tpu.vector_load %arg14[%swap3A_347] {strides = array<i32>} : memref<384xi32, #tpu.memory_space<vmem>>, vector<16xi32>,
    %swap3A_349 = vector.shape_cast %swap3A_348 : vector<16xi32> to vector<16xi32>
    %swap3A_350 = vector.shape_cast %add3A_346 : vector<16xi32> to vector<16xi32>
    tpu.vector_store %arg14[%swap3A_347], %swap3A_350 {strides = array<i32>} : memref<384xi32, #tpu.memory_space<vmem>>, vector<16xi32>,
    %mul3A_351 = arith.constant 12 : i32
    %mul3A_352 = arith.muli %select_n3A, %mul3A_351 : i32
    %add3A_353 = arith.constant 2 : i32
    %add3A_354 = arith.addi %mul3A_352, %add3A_353 : i32
    %mul3A_355 = arith.constant 65536 : i32
    %mul3A_356 = arith.muli %add3A_354, %mul3A_355 : i32
    %add3A_357 = vector.broadcast %mul3A_356 : i32 to vector<16xi32>
    %add3A_358 = arith.addi %add3A_357, %and3A_262 : vector<16xi32>
    %swap3A_359 = arith.constant 80 : index
    %swap3A_360 = tpu.vector_load %arg14[%swap3A_359] {strides = array<i32>} : memref<384xi32, #tpu.memory_space<vmem>>, vector<16xi32>,
    %swap3A_361 = vector.shape_cast %swap3A_360 : vector<16xi32> to vector<16xi32>
    %swap3A_362 = vector.shape_cast %add3A_358 : vector<16xi32> to vector<16xi32>
    tpu.vector_store %arg14[%swap3A_359], %swap3A_362 {strides = array<i32>} : memref<384xi32, #tpu.memory_space<vmem>>, vector<16xi32>,
    %mul3A_363 = arith.constant 12 : i32
    %mul3A_364 = arith.muli %select_n3A, %mul3A_363 : i32
    %add3A_365 = arith.constant 3 : i32
    %add3A_366 = arith.addi %mul3A_364, %add3A_365 : i32
    %mul3A_367 = arith.constant 65536 : i32
    %mul3A_368 = arith.muli %add3A_366, %mul3A_367 : i32
    %add3A_369 = vector.broadcast %mul3A_368 : i32 to vector<16xi32>
    %add3A_370 = arith.addi %add3A_369, %and3A_262 : vector<16xi32>
    %swap3A_371 = arith.constant 112 : index
    %swap3A_372 = tpu.vector_load %arg14[%swap3A_371] {strides = array<i32>} : memref<384xi32, #tpu.memory_space<vmem>>, vector<16xi32>,
    %swap3A_373 = vector.shape_cast %swap3A_372 : vector<16xi32> to vector<16xi32>
    %swap3A_374 = vector.shape_cast %add3A_370 : vector<16xi32> to vector<16xi32>
    tpu.vector_store %arg14[%swap3A_371], %swap3A_374 {strides = array<i32>} : memref<384xi32, #tpu.memory_space<vmem>>, vector<16xi32>,
    %mul3A_375 = arith.constant 12 : i32
    %mul3A_376 = arith.muli %select_n3A, %mul3A_375 : i32
    %add3A_377 = arith.constant 4 : i32
    %add3A_378 = arith.addi %mul3A_376, %add3A_377 : i32
    %mul3A_379 = arith.constant 65536 : i32
    %mul3A_380 = arith.muli %add3A_378, %mul3A_379 : i32
    %add3A_381 = vector.broadcast %mul3A_380 : i32 to vector<16xi32>
    %add3A_382 = arith.addi %add3A_381, %and3A_262 : vector<16xi32>
    %swap3A_383 = arith.constant 144 : index
    %swap3A_384 = tpu.vector_load %arg14[%swap3A_383] {strides = array<i32>} : memref<384xi32, #tpu.memory_space<vmem>>, vector<16xi32>,
    %swap3A_385 = vector.shape_cast %swap3A_384 : vector<16xi32> to vector<16xi32>
    %swap3A_386 = vector.shape_cast %add3A_382 : vector<16xi32> to vector<16xi32>
    tpu.vector_store %arg14[%swap3A_383], %swap3A_386 {strides = array<i32>} : memref<384xi32, #tpu.memory_space<vmem>>, vector<16xi32>,
    %mul3A_387 = arith.constant 12 : i32
    %mul3A_388 = arith.muli %select_n3A, %mul3A_387 : i32
    %add3A_389 = arith.constant 5 : i32
    %add3A_390 = arith.addi %mul3A_388, %add3A_389 : i32
    %mul3A_391 = arith.constant 65536 : i32
    %mul3A_392 = arith.muli %add3A_390, %mul3A_391 : i32
    %add3A_393 = vector.broadcast %mul3A_392 : i32 to vector<16xi32>
    %add3A_394 = arith.addi %add3A_393, %and3A_262 : vector<16xi32>
    %swap3A_395 = arith.constant 176 : index
    %swap3A_396 = tpu.vector_load %arg14[%swap3A_395] {strides = array<i32>} : memref<384xi32, #tpu.memory_space<vmem>>, vector<16xi32>,
    %swap3A_397 = vector.shape_cast %swap3A_396 : vector<16xi32> to vector<16xi32>
    %swap3A_398 = vector.shape_cast %add3A_394 : vector<16xi32> to vector<16xi32>
    tpu.vector_store %arg14[%swap3A_395], %swap3A_398 {strides = array<i32>} : memref<384xi32, #tpu.memory_space<vmem>>, vector<16xi32>,
    %mul3A_399 = arith.constant 12 : i32
    %mul3A_400 = arith.muli %select_n3A, %mul3A_399 : i32
    %add3A_401 = arith.constant 6 : i32
    %add3A_402 = arith.addi %mul3A_400, %add3A_401 : i32
    %mul3A_403 = arith.constant 65536 : i32
    %mul3A_404 = arith.muli %add3A_402, %mul3A_403 : i32
    %add3A_405 = vector.broadcast %mul3A_404 : i32 to vector<16xi32>
    %add3A_406 = arith.addi %add3A_405, %and3A_262 : vector<16xi32>
    %swap3A_407 = arith.constant 208 : index
    %swap3A_408 = tpu.vector_load %arg14[%swap3A_407] {strides = array<i32>} : memref<384xi32, #tpu.memory_space<vmem>>, vector<16xi32>,
    %swap3A_409 = vector.shape_cast %swap3A_408 : vector<16xi32> to vector<16xi32>
    %swap3A_410 = vector.shape_cast %add3A_406 : vector<16xi32> to vector<16xi32>
    tpu.vector_store %arg14[%swap3A_407], %swap3A_410 {strides = array<i32>} : memref<384xi32, #tpu.memory_space<vmem>>, vector<16xi32>,
    %mul3A_411 = arith.constant 12 : i32
    %mul3A_412 = arith.muli %select_n3A, %mul3A_411 : i32
    %add3A_413 = arith.constant 7 : i32
    %add3A_414 = arith.addi %mul3A_412, %add3A_413 : i32
    %mul3A_415 = arith.constant 65536 : i32
    %mul3A_416 = arith.muli %add3A_414, %mul3A_415 : i32
    %add3A_417 = vector.broadcast %mul3A_416 : i32 to vector<16xi32>
    %add3A_418 = arith.addi %add3A_417, %and3A_262 : vector<16xi32>
    %swap3A_419 = arith.constant 240 : index
    %swap3A_420 = tpu.vector_load %arg14[%swap3A_419] {strides = array<i32>} : memref<384xi32, #tpu.memory_space<vmem>>, vector<16xi32>,
    %swap3A_421 = vector.shape_cast %swap3A_420 : vector<16xi32> to vector<16xi32>
    %swap3A_422 = vector.shape_cast %add3A_418 : vector<16xi32> to vector<16xi32>
    tpu.vector_store %arg14[%swap3A_419], %swap3A_422 {strides = array<i32>} : memref<384xi32, #tpu.memory_space<vmem>>, vector<16xi32>,
    %mul3A_423 = arith.constant 12 : i32
    %mul3A_424 = arith.muli %select_n3A, %mul3A_423 : i32
    %add3A_425 = arith.constant 8 : i32
    %add3A_426 = arith.addi %mul3A_424, %add3A_425 : i32
    %mul3A_427 = arith.constant 65536 : i32
    %mul3A_428 = arith.muli %add3A_426, %mul3A_427 : i32
    %add3A_429 = vector.broadcast %mul3A_428 : i32 to vector<16xi32>
    %add3A_430 = arith.addi %add3A_429, %and3A_262 : vector<16xi32>
    %swap3A_431 = arith.constant 272 : index
    %swap3A_432 = tpu.vector_load %arg14[%swap3A_431] {strides = array<i32>} : memref<384xi32, #tpu.memory_space<vmem>>, vector<16xi32>,
    %swap3A_433 = vector.shape_cast %swap3A_432 : vector<16xi32> to vector<16xi32>
    %swap3A_434 = vector.shape_cast %add3A_430 : vector<16xi32> to vector<16xi32>
    tpu.vector_store %arg14[%swap3A_431], %swap3A_434 {strides = array<i32>} : memref<384xi32, #tpu.memory_space<vmem>>, vector<16xi32>,
    %mul3A_435 = arith.constant 12 : i32
    %mul3A_436 = arith.muli %select_n3A, %mul3A_435 : i32
    %add3A_437 = arith.constant 9 : i32
    %add3A_438 = arith.addi %mul3A_436, %add3A_437 : i32
    %mul3A_439 = arith.constant 65536 : i32
    %mul3A_440 = arith.muli %add3A_438, %mul3A_439 : i32
    %add3A_441 = vector.broadcast %mul3A_440 : i32 to vector<16xi32>
    %add3A_442 = arith.addi %add3A_441, %and3A_262 : vector<16xi32>
    %swap3A_443 = arith.constant 304 : index
    %swap3A_444 = tpu.vector_load %arg14[%swap3A_443] {strides = array<i32>} : memref<384xi32, #tpu.memory_space<vmem>>, vector<16xi32>,
    %swap3A_445 = vector.shape_cast %swap3A_444 : vector<16xi32> to vector<16xi32>
    %swap3A_446 = vector.shape_cast %add3A_442 : vector<16xi32> to vector<16xi32>
    tpu.vector_store %arg14[%swap3A_443], %swap3A_446 {strides = array<i32>} : memref<384xi32, #tpu.memory_space<vmem>>, vector<16xi32>,
    %mul3A_447 = arith.constant 12 : i32
    %mul3A_448 = arith.muli %select_n3A, %mul3A_447 : i32
    %add3A_449 = arith.constant 10 : i32
    %add3A_450 = arith.addi %mul3A_448, %add3A_449 : i32
    %mul3A_451 = arith.constant 65536 : i32
    %mul3A_452 = arith.muli %add3A_450, %mul3A_451 : i32
    %add3A_453 = vector.broadcast %mul3A_452 : i32 to vector<16xi32>
    %add3A_454 = arith.addi %add3A_453, %and3A_262 : vector<16xi32>
    %swap3A_455 = arith.constant 336 : index
    %swap3A_456 = tpu.vector_load %arg14[%swap3A_455] {strides = array<i32>} : memref<384xi32, #tpu.memory_space<vmem>>, vector<16xi32>,
    %swap3A_457 = vector.shape_cast %swap3A_456 : vector<16xi32> to vector<16xi32>
    %swap3A_458 = vector.shape_cast %add3A_454 : vector<16xi32> to vector<16xi32>
    tpu.vector_store %arg14[%swap3A_455], %swap3A_458 {strides = array<i32>} : memref<384xi32, #tpu.memory_space<vmem>>, vector<16xi32>,
    %mul3A_459 = arith.constant 12 : i32
    %mul3A_460 = arith.muli %select_n3A, %mul3A_459 : i32
    %add3A_461 = arith.constant 11 : i32
    %add3A_462 = arith.addi %mul3A_460, %add3A_461 : i32
    %mul3A_463 = arith.constant 65536 : i32
    %mul3A_464 = arith.muli %add3A_462, %mul3A_463 : i32
    %add3A_465 = vector.broadcast %mul3A_464 : i32 to vector<16xi32>
    %add3A_466 = arith.addi %add3A_465, %and3A_262 : vector<16xi32>
    %swap3A_467 = arith.constant 368 : index
    %swap3A_468 = tpu.vector_load %arg14[%swap3A_467] {strides = array<i32>} : memref<384xi32, #tpu.memory_space<vmem>>, vector<16xi32>,
    %swap3A_469 = vector.shape_cast %swap3A_468 : vector<16xi32> to vector<16xi32>
    %swap3A_470 = vector.shape_cast %add3A_466 : vector<16xi32> to vector<16xi32>
    tpu.vector_store %arg14[%swap3A_467], %swap3A_470 {strides = array<i32>} : memref<384xi32, #tpu.memory_space<vmem>>, vector<16xi32>,
    %dma_start3A = arith.constant 0 : i32
    %dma_start3A_471 = tpu.memref_slice %arg4[%dma_start3A] : memref<1048576xf32, #tpu.memory_space<hbm>> -> memref<1048576xf32, #tpu.memory_space<hbm>>
    tpu.enqueue_indirect_dma source(%dma_start3A_471 : memref<1048576xf32, #tpu.memory_space<hbm>>) target(%arg17 : memref<64xf32, #tpu.memory_space<vmem>>) offsets(%arg12 : memref<64xi32, #tpu.memory_space<vmem>>) semaphore(%arg23 : memref<!tpu.dma_semaphore, #tpu.memory_space<semaphore_mem>>)
    %dma_start3A_472 = arith.constant 0 : i32
    %dma_start3A_473 = tpu.memref_slice %arg5[%dma_start3A_472] : memref<1048576xf32, #tpu.memory_space<hbm>> -> memref<1048576xf32, #tpu.memory_space<hbm>>
    tpu.enqueue_indirect_dma source(%dma_start3A_473 : memref<1048576xf32, #tpu.memory_space<hbm>>) target(%arg18 : memref<64xf32, #tpu.memory_space<vmem>>) offsets(%arg13 : memref<64xi32, #tpu.memory_space<vmem>>) semaphore(%arg23 : memref<!tpu.dma_semaphore, #tpu.memory_space<semaphore_mem>>)
    %dma_start3A_474 = arith.constant 0 : i32
    %dma_start3A_475 = tpu.memref_slice %arg6[%dma_start3A_474] : memref<6291456xf32, #tpu.memory_space<hbm>> -> memref<6291456xf32, #tpu.memory_space<hbm>>
    tpu.enqueue_indirect_dma source(%dma_start3A_475 : memref<6291456xf32, #tpu.memory_space<hbm>>) target(%arg19 : memref<384xf32, #tpu.memory_space<vmem>>) offsets(%arg14 : memref<384xi32, #tpu.memory_space<vmem>>) semaphore(%arg23 : memref<!tpu.dma_semaphore, #tpu.memory_space<semaphore_mem>>)
    %dma_start3A_476 = arith.constant 0 : i32
    %dma_start3A_477 = tpu.memref_slice %arg7[%dma_start3A_476] : memref<524288xf32, #tpu.memory_space<hbm>> -> memref<524288xf32, #tpu.memory_space<hbm>>
    tpu.enqueue_indirect_dma source(%dma_start3A_477 : memref<524288xf32, #tpu.memory_space<hbm>>) target(%arg20 : memref<32xf32, #tpu.memory_space<vmem>>) offsets(%arg15 : memref<32xi32, #tpu.memory_space<vmem>>) semaphore(%arg23 : memref<!tpu.dma_semaphore, #tpu.memory_space<semaphore_mem>>)
    %dma_start3A_478 = arith.constant 0 : i32
    %dma_start3A_479 = tpu.memref_slice %arg8[%dma_start3A_478] : memref<524288xf32, #tpu.memory_space<hbm>> -> memref<524288xf32, #tpu.memory_space<hbm>>
    tpu.enqueue_indirect_dma source(%dma_start3A_479 : memref<524288xf32, #tpu.memory_space<hbm>>) target(%arg21 : memref<32xf32, #tpu.memory_space<vmem>>) offsets(%arg16 : memref<32xi32, #tpu.memory_space<vmem>>) semaphore(%arg23 : memref<!tpu.dma_semaphore, #tpu.memory_space<semaphore_mem>>)
    %dma_wait3A = arith.constant 0 : i32
    %dma_wait3A_480 = tpu.memref_slice %arg4[%dma_wait3A] : memref<1048576xf32, #tpu.memory_space<hbm>> -> memref<1048576xf32, #tpu.memory_space<hbm>>
    tpu.wait_indirect_dma semaphore(%arg23 : memref<!tpu.dma_semaphore, #tpu.memory_space<semaphore_mem>>) src(%dma_wait3A_480 : memref<1048576xf32, #tpu.memory_space<hbm>>) dst(%arg17 : memref<64xf32, #tpu.memory_space<vmem>>)
    %dma_wait3A_481 = arith.constant 0 : i32
    %dma_wait3A_482 = tpu.memref_slice %arg5[%dma_wait3A_481] : memref<1048576xf32, #tpu.memory_space<hbm>> -> memref<1048576xf32, #tpu.memory_space<hbm>>
    tpu.wait_indirect_dma semaphore(%arg23 : memref<!tpu.dma_semaphore, #tpu.memory_space<semaphore_mem>>) src(%dma_wait3A_482 : memref<1048576xf32, #tpu.memory_space<hbm>>) dst(%arg18 : memref<64xf32, #tpu.memory_space<vmem>>)
    %dma_wait3A_483 = arith.constant 0 : i32
    %dma_wait3A_484 = tpu.memref_slice %arg6[%dma_wait3A_483] : memref<6291456xf32, #tpu.memory_space<hbm>> -> memref<6291456xf32, #tpu.memory_space<hbm>>
    tpu.wait_indirect_dma semaphore(%arg23 : memref<!tpu.dma_semaphore, #tpu.memory_space<semaphore_mem>>) src(%dma_wait3A_484 : memref<6291456xf32, #tpu.memory_space<hbm>>) dst(%arg19 : memref<384xf32, #tpu.memory_space<vmem>>)
    %dma_wait3A_485 = arith.constant 0 : i32
    %dma_wait3A_486 = tpu.memref_slice %arg7[%dma_wait3A_485] : memref<524288xf32, #tpu.memory_space<hbm>> -> memref<524288xf32, #tpu.memory_space<hbm>>
    tpu.wait_indirect_dma semaphore(%arg23 : memref<!tpu.dma_semaphore, #tpu.memory_space<semaphore_mem>>) src(%dma_wait3A_486 : memref<524288xf32, #tpu.memory_space<hbm>>) dst(%arg20 : memref<32xf32, #tpu.memory_space<vmem>>)
    %dma_wait3A_487 = arith.constant 0 : i32
    %dma_wait3A_488 = tpu.memref_slice %arg8[%dma_wait3A_487] : memref<524288xf32, #tpu.memory_space<hbm>> -> memref<524288xf32, #tpu.memory_space<hbm>>
    tpu.wait_indirect_dma semaphore(%arg23 : memref<!tpu.dma_semaphore, #tpu.memory_space<semaphore_mem>>) src(%dma_wait3A_488 : memref<524288xf32, #tpu.memory_space<hbm>>) dst(%arg21 : memref<32xf32, #tpu.memory_space<vmem>>)
    %mul3A_489 = arith.constant 32 : i32
    %mul3A_490 = arith.muli %select_n3A_32, %mul3A_489 : i32
    %add3A_491 = arith.constant 0 : i32
    %add3A_492 = arith.addi %mul3A_490, %add3A_491 : i32
    %get3A_493 = arith.constant 0 : i32
    %get3A_494 = arith.index_cast %get3A_493 : i32 to index
    %get3A_495 = arith.index_cast %add3A_492 : i32 to index
    %get3A_496 = tpu.vector_load %arg10[%get3A_494, %get3A_495] {strides = array<i32>} : memref<1x128xi32, #tpu.memory_space<vmem>>, vector<1x16xi32>,
    %get3A_497 = vector.shape_cast %get3A_496 : vector<1x16xi32> to vector<16xi32>
    %and3A_498 = arith.constant 65535 : i32
    %and3A_499 = vector.broadcast %and3A_498 : i32 to vector<16xi32>
    %and3A_500 = arith.andi %get3A_497, %and3A_499 : vector<16xi32>
    %and3A_501 = arith.constant 255 : i32
    %and3A_502 = vector.broadcast %and3A_501 : i32 to vector<16xi32>
    %and3A_503 = arith.andi %and3A_500, %and3A_502 : vector<16xi32>
    %convert_element_type3A = arith.sitofp %and3A_503 : vector<16xi32> to vector<16xf32>
    %shift_right_logical3A = arith.constant 8 : i32
    %shift_right_logical3A_504 = vector.broadcast %shift_right_logical3A : i32 to vector<16xi32>
    %shift_right_logical3A_505 = arith.shrui %and3A_500, %shift_right_logical3A_504 : vector<16xi32>
    %convert_element_type3A_506 = arith.sitofp %shift_right_logical3A_505 : vector<16xi32> to vector<16xf32>
    %get3A_507 = arith.constant 0 : index
    %get3A_508 = tpu.vector_load %arg18[%get3A_507] {strides = array<i32>} : memref<64xf32, #tpu.memory_space<vmem>>, vector<16xf32>,
    %get3A_509 = vector.shape_cast %get3A_508 : vector<16xf32> to vector<16xf32>
    %add3A_510 = arith.addf %convert_element_type3A, %get3A_509 : vector<16xf32>
    %mul3A_511 = arith.constant 4.000000e+00 : f32
    %mul3A_512 = vector.broadcast %mul3A_511 : f32 to vector<16xf32>
    %mul3A_513 = arith.mulf %add3A_510, %mul3A_512 : vector<16xf32>
    %swap3A_514 = arith.constant 0 : i32
    %swap3A_515 = arith.index_cast %swap3A_514 : i32 to index
    %swap3A_516 = arith.constant 0 : index
    %swap3A_517 = tpu.vector_load %arg22[%swap3A_515, %swap3A_516] {strides = array<i32>} : memref<9x32xf32, #tpu.memory_space<vmem>>, vector<1x16xf32>,
    %swap3A_518 = vector.shape_cast %swap3A_517 : vector<1x16xf32> to vector<16xf32>
    %swap3A_519 = vector.shape_cast %mul3A_513 : vector<16xf32> to vector<1x16xf32>
    tpu.vector_store %arg22[%swap3A_515, %swap3A_516], %swap3A_519 {strides = array<i32>} : memref<9x32xf32, #tpu.memory_space<vmem>>, vector<1x16xf32>,
    %get3A_520 = arith.constant 32 : index
    %get3A_521 = tpu.vector_load %arg18[%get3A_520] {strides = array<i32>} : memref<64xf32, #tpu.memory_space<vmem>>, vector<16xf32>,
    %get3A_522 = vector.shape_cast %get3A_521 : vector<16xf32> to vector<16xf32>
    %add3A_523 = arith.addf %convert_element_type3A_506, %get3A_522 : vector<16xf32>
    %mul3A_524 = arith.constant 4.000000e+00 : f32
    %mul3A_525 = vector.broadcast %mul3A_524 : f32 to vector<16xf32>
    %mul3A_526 = arith.mulf %add3A_523, %mul3A_525 : vector<16xf32>
    %swap3A_527 = arith.constant 1 : i32
    %swap3A_528 = arith.index_cast %swap3A_527 : i32 to index
    %swap3A_529 = arith.constant 0 : index
    %swap3A_530 = tpu.vector_load %arg22[%swap3A_528, %swap3A_529] {strides = array<i32>} : memref<9x32xf32, #tpu.memory_space<vmem>>, vector<1x16xf32>,
    %swap3A_531 = vector.shape_cast %swap3A_530 : vector<1x16xf32> to vector<16xf32>
    %swap3A_532 = vector.shape_cast %mul3A_526 : vector<16xf32> to vector<1x16xf32>
    tpu.vector_store %arg22[%swap3A_528, %swap3A_529], %swap3A_532 {strides = array<i32>} : memref<9x32xf32, #tpu.memory_space<vmem>>, vector<1x16xf32>,
    %get3A_533 = arith.constant 0 : index
    %get3A_534 = tpu.vector_load %arg17[%get3A_533] {strides = array<i32>} : memref<64xf32, #tpu.memory_space<vmem>>, vector<16xf32>,
    %get3A_535 = vector.shape_cast %get3A_534 : vector<16xf32> to vector<16xf32>
    %mul3A_536 = arith.constant 4.000000e+00 : f32
    %mul3A_537 = vector.broadcast %mul3A_536 : f32 to vector<16xf32>
    %mul3A_538 = arith.mulf %get3A_535, %mul3A_537 : vector<16xf32>
    %swap3A_539 = arith.constant 2 : i32
    %swap3A_540 = arith.index_cast %swap3A_539 : i32 to index
    %swap3A_541 = arith.constant 0 : index
    %swap3A_542 = tpu.vector_load %arg22[%swap3A_540, %swap3A_541] {strides = array<i32>} : memref<9x32xf32, #tpu.memory_space<vmem>>, vector<1x16xf32>,
    %swap3A_543 = vector.shape_cast %swap3A_542 : vector<1x16xf32> to vector<16xf32>
    %swap3A_544 = vector.shape_cast %mul3A_538 : vector<16xf32> to vector<1x16xf32>
    tpu.vector_store %arg22[%swap3A_540, %swap3A_541], %swap3A_544 {strides = array<i32>} : memref<9x32xf32, #tpu.memory_space<vmem>>, vector<1x16xf32>,
    %get3A_545 = arith.constant 32 : index
    %get3A_546 = tpu.vector_load %arg17[%get3A_545] {strides = array<i32>} : memref<64xf32, #tpu.memory_space<vmem>>, vector<16xf32>,
    %get3A_547 = vector.shape_cast %get3A_546 : vector<16xf32> to vector<16xf32>
    %mul3A_548 = arith.constant 4.000000e+00 : f32
    %mul3A_549 = vector.broadcast %mul3A_548 : f32 to vector<16xf32>
    %mul3A_550 = arith.mulf %get3A_547, %mul3A_549 : vector<16xf32>
    %swap3A_551 = arith.constant 3 : i32
    %swap3A_552 = arith.index_cast %swap3A_551 : i32 to index
    %swap3A_553 = arith.constant 0 : index
    %swap3A_554 = tpu.vector_load %arg22[%swap3A_552, %swap3A_553] {strides = array<i32>} : memref<9x32xf32, #tpu.memory_space<vmem>>, vector<1x16xf32>,
    %swap3A_555 = vector.shape_cast %swap3A_554 : vector<1x16xf32> to vector<16xf32>
    %swap3A_556 = vector.shape_cast %mul3A_550 : vector<16xf32> to vector<1x16xf32>
    tpu.vector_store %arg22[%swap3A_552, %swap3A_553], %swap3A_556 {strides = array<i32>} : memref<9x32xf32, #tpu.memory_space<vmem>>, vector<1x16xf32>,
    %get3A_557 = arith.constant 0 : index
    %get3A_558 = tpu.vector_load %arg19[%get3A_557] {strides = array<i32>} : memref<384xf32, #tpu.memory_space<vmem>>, vector<16xf32>,
    %get3A_559 = vector.shape_cast %get3A_558 : vector<16xf32> to vector<16xf32>
    %broadcast_in_dim3A = arith.constant 0 : i32
    %broadcast_in_dim3A_560 = vector.broadcast %broadcast_in_dim3A : i32 to vector<16xi32>
    %get3A_561 = arith.constant 32 : index
    %get3A_562 = tpu.vector_load %arg19[%get3A_561] {strides = array<i32>} : memref<384xf32, #tpu.memory_space<vmem>>, vector<16xf32>,
    %get3A_563 = vector.shape_cast %get3A_562 : vector<16xf32> to vector<16xf32>
    %gt3A = arith.cmpf ogt, %get3A_563, %get3A_559 : vector<16xf32>
    %select_n3A_564 = arith.select %gt3A, %get3A_563, %get3A_559 : vector<16xi1>, vector<16xf32>
    %jit3A_565 = arith.constant 1 : i32
    %broadcast_in_dim3A_566 = vector.broadcast %jit3A_565 : i32 to vector<16xi32>
    %select_n3A_567 = arith.select %gt3A, %broadcast_in_dim3A_566, %broadcast_in_dim3A_560 : vector<16xi1>, vector<16xi32>
    %get3A_568 = arith.constant 64 : index
    %get3A_569 = tpu.vector_load %arg19[%get3A_568] {strides = array<i32>} : memref<384xf32, #tpu.memory_space<vmem>>, vector<16xf32>,
    %get3A_570 = vector.shape_cast %get3A_569 : vector<16xf32> to vector<16xf32>
    %gt3A_571 = arith.cmpf ogt, %get3A_570, %select_n3A_564 : vector<16xf32>
    %select_n3A_572 = arith.select %gt3A_571, %get3A_570, %select_n3A_564 : vector<16xi1>, vector<16xf32>
    %jit3A_573 = arith.constant 2 : i32
    %broadcast_in_dim3A_574 = vector.broadcast %jit3A_573 : i32 to vector<16xi32>
    %select_n3A_575 = arith.select %gt3A_571, %broadcast_in_dim3A_574, %select_n3A_567 : vector<16xi1>, vector<16xi32>
    %get3A_576 = arith.constant 96 : index
    %get3A_577 = tpu.vector_load %arg19[%get3A_576] {strides = array<i32>} : memref<384xf32, #tpu.memory_space<vmem>>, vector<16xf32>,
    %get3A_578 = vector.shape_cast %get3A_577 : vector<16xf32> to vector<16xf32>
    %gt3A_579 = arith.cmpf ogt, %get3A_578, %select_n3A_572 : vector<16xf32>
    %select_n3A_580 = arith.select %gt3A_579, %get3A_578, %select_n3A_572 : vector<16xi1>, vector<16xf32>
    %jit3A_581 = arith.constant 3 : i32
    %broadcast_in_dim3A_582 = vector.broadcast %jit3A_581 : i32 to vector<16xi32>
    %select_n3A_583 = arith.select %gt3A_579, %broadcast_in_dim3A_582, %select_n3A_575 : vector<16xi1>, vector<16xi32>
    %get3A_584 = arith.constant 128 : index
    %get3A_585 = tpu.vector_load %arg19[%get3A_584] {strides = array<i32>} : memref<384xf32, #tpu.memory_space<vmem>>, vector<16xf32>,
    %get3A_586 = vector.shape_cast %get3A_585 : vector<16xf32> to vector<16xf32>
    %gt3A_587 = arith.cmpf ogt, %get3A_586, %select_n3A_580 : vector<16xf32>
    %select_n3A_588 = arith.select %gt3A_587, %get3A_586, %select_n3A_580 : vector<16xi1>, vector<16xf32>
    %jit3A_589 = arith.constant 4 : i32
    %broadcast_in_dim3A_590 = vector.broadcast %jit3A_589 : i32 to vector<16xi32>
    %select_n3A_591 = arith.select %gt3A_587, %broadcast_in_dim3A_590, %select_n3A_583 : vector<16xi1>, vector<16xi32>
    %get3A_592 = arith.constant 160 : index
    %get3A_593 = tpu.vector_load %arg19[%get3A_592] {strides = array<i32>} : memref<384xf32, #tpu.memory_space<vmem>>, vector<16xf32>,
    %get3A_594 = vector.shape_cast %get3A_593 : vector<16xf32> to vector<16xf32>
    %gt3A_595 = arith.cmpf ogt, %get3A_594, %select_n3A_588 : vector<16xf32>
    %select_n3A_596 = arith.select %gt3A_595, %get3A_594, %select_n3A_588 : vector<16xi1>, vector<16xf32>
    %jit3A_597 = arith.constant 5 : i32
    %broadcast_in_dim3A_598 = vector.broadcast %jit3A_597 : i32 to vector<16xi32>
    %select_n3A_599 = arith.select %gt3A_595, %broadcast_in_dim3A_598, %select_n3A_591 : vector<16xi1>, vector<16xi32>
    %get3A_600 = arith.constant 192 : index
    %get3A_601 = tpu.vector_load %arg19[%get3A_600] {strides = array<i32>} : memref<384xf32, #tpu.memory_space<vmem>>, vector<16xf32>,
    %get3A_602 = vector.shape_cast %get3A_601 : vector<16xf32> to vector<16xf32>
    %gt3A_603 = arith.cmpf ogt, %get3A_602, %select_n3A_596 : vector<16xf32>
    %select_n3A_604 = arith.select %gt3A_603, %get3A_602, %select_n3A_596 : vector<16xi1>, vector<16xf32>
    %jit3A_605 = arith.constant 6 : i32
    %broadcast_in_dim3A_606 = vector.broadcast %jit3A_605 : i32 to vector<16xi32>
    %select_n3A_607 = arith.select %gt3A_603, %broadcast_in_dim3A_606, %select_n3A_599 : vector<16xi1>, vector<16xi32>
    %get3A_608 = arith.constant 224 : index
    %get3A_609 = tpu.vector_load %arg19[%get3A_608] {strides = array<i32>} : memref<384xf32, #tpu.memory_space<vmem>>, vector<16xf32>,
    %get3A_610 = vector.shape_cast %get3A_609 : vector<16xf32> to vector<16xf32>
    %gt3A_611 = arith.cmpf ogt, %get3A_610, %select_n3A_604 : vector<16xf32>
    %select_n3A_612 = arith.select %gt3A_611, %get3A_610, %select_n3A_604 : vector<16xi1>, vector<16xf32>
    %jit3A_613 = arith.constant 7 : i32
    %broadcast_in_dim3A_614 = vector.broadcast %jit3A_613 : i32 to vector<16xi32>
    %select_n3A_615 = arith.select %gt3A_611, %broadcast_in_dim3A_614, %select_n3A_607 : vector<16xi1>, vector<16xi32>
    %get3A_616 = arith.constant 256 : index
    %get3A_617 = tpu.vector_load %arg19[%get3A_616] {strides = array<i32>} : memref<384xf32, #tpu.memory_space<vmem>>, vector<16xf32>,
    %get3A_618 = vector.shape_cast %get3A_617 : vector<16xf32> to vector<16xf32>
    %gt3A_619 = arith.cmpf ogt, %get3A_618, %select_n3A_612 : vector<16xf32>
    %select_n3A_620 = arith.select %gt3A_619, %get3A_618, %select_n3A_612 : vector<16xi1>, vector<16xf32>
    %jit3A_621 = arith.constant 8 : i32
    %broadcast_in_dim3A_622 = vector.broadcast %jit3A_621 : i32 to vector<16xi32>
    %select_n3A_623 = arith.select %gt3A_619, %broadcast_in_dim3A_622, %select_n3A_615 : vector<16xi1>, vector<16xi32>
    %get3A_624 = arith.constant 288 : index
    %get3A_625 = tpu.vector_load %arg19[%get3A_624] {strides = array<i32>} : memref<384xf32, #tpu.memory_space<vmem>>, vector<16xf32>,
    %get3A_626 = vector.shape_cast %get3A_625 : vector<16xf32> to vector<16xf32>
    %gt3A_627 = arith.cmpf ogt, %get3A_626, %select_n3A_620 : vector<16xf32>
    %select_n3A_628 = arith.select %gt3A_627, %get3A_626, %select_n3A_620 : vector<16xi1>, vector<16xf32>
    %jit3A_629 = arith.constant 9 : i32
    %broadcast_in_dim3A_630 = vector.broadcast %jit3A_629 : i32 to vector<16xi32>
    %select_n3A_631 = arith.select %gt3A_627, %broadcast_in_dim3A_630, %select_n3A_623 : vector<16xi1>, vector<16xi32>
    %get3A_632 = arith.constant 320 : index
    %get3A_633 = tpu.vector_load %arg19[%get3A_632] {strides = array<i32>} : memref<384xf32, #tpu.memory_space<vmem>>, vector<16xf32>,
    %get3A_634 = vector.shape_cast %get3A_633 : vector<16xf32> to vector<16xf32>
    %gt3A_635 = arith.cmpf ogt, %get3A_634, %select_n3A_628 : vector<16xf32>
    %select_n3A_636 = arith.select %gt3A_635, %get3A_634, %select_n3A_628 : vector<16xi1>, vector<16xf32>
    %jit3A_637 = arith.constant 10 : i32
    %broadcast_in_dim3A_638 = vector.broadcast %jit3A_637 : i32 to vector<16xi32>
    %select_n3A_639 = arith.select %gt3A_635, %broadcast_in_dim3A_638, %select_n3A_631 : vector<16xi1>, vector<16xi32>
    %get3A_640 = arith.constant 352 : index
    %get3A_641 = tpu.vector_load %arg19[%get3A_640] {strides = array<i32>} : memref<384xf32, #tpu.memory_space<vmem>>, vector<16xf32>,
    %get3A_642 = vector.shape_cast %get3A_641 : vector<16xf32> to vector<16xf32>
    %gt3A_643 = arith.cmpf ogt, %get3A_642, %select_n3A_636 : vector<16xf32>
    %select_n3A_644 = arith.select %gt3A_643, %get3A_642, %select_n3A_636 : vector<16xi1>, vector<16xf32>
    %jit3A_645 = arith.constant 11 : i32
    %broadcast_in_dim3A_646 = vector.broadcast %jit3A_645 : i32 to vector<16xi32>
    %select_n3A_647 = arith.select %gt3A_643, %broadcast_in_dim3A_646, %select_n3A_639 : vector<16xi1>, vector<16xi32>
    %convert_element_type3A_648 = arith.sitofp %select_n3A_647 : vector<16xi32> to vector<16xf32>
    %mul3A_649 = arith.constant 0.52359879 : f32
    %mul3A_650 = vector.broadcast %mul3A_649 : f32 to vector<16xf32>
    %mul3A_651 = arith.mulf %convert_element_type3A_648, %mul3A_650 : vector<16xf32>
    %get3A_652 = arith.constant 0 : index
    %get3A_653 = tpu.vector_load %arg20[%get3A_652] {strides = array<i32>} : memref<32xf32, #tpu.memory_space<vmem>>, vector<16xf32>,
    %get3A_654 = vector.shape_cast %get3A_653 : vector<16xf32> to vector<16xf32>
    %add3A_655 = arith.addf %mul3A_651, %get3A_654 : vector<16xf32>
    %swap3A_656 = arith.constant 4 : i32
    %swap3A_657 = arith.index_cast %swap3A_656 : i32 to index
    %swap3A_658 = arith.constant 0 : index
    %swap3A_659 = tpu.vector_load %arg22[%swap3A_657, %swap3A_658] {strides = array<i32>} : memref<9x32xf32, #tpu.memory_space<vmem>>, vector<1x16xf32>,
    %swap3A_660 = vector.shape_cast %swap3A_659 : vector<1x16xf32> to vector<16xf32>
    %swap3A_661 = vector.shape_cast %add3A_655 : vector<16xf32> to vector<1x16xf32>
    tpu.vector_store %arg22[%swap3A_657, %swap3A_658], %swap3A_661 {strides = array<i32>} : memref<9x32xf32, #tpu.memory_space<vmem>>, vector<1x16xf32>,
    %get3A_662 = arith.constant 0 : index
    %get3A_663 = tpu.vector_load %arg21[%get3A_662] {strides = array<i32>} : memref<32xf32, #tpu.memory_space<vmem>>, vector<16xf32>,
    %get3A_664 = vector.shape_cast %get3A_663 : vector<16xf32> to vector<16xf32>
    %swap3A_665 = arith.constant 5 : i32
    %swap3A_666 = arith.index_cast %swap3A_665 : i32 to index
    %swap3A_667 = arith.constant 0 : index
    %swap3A_668 = tpu.vector_load %arg22[%swap3A_666, %swap3A_667] {strides = array<i32>} : memref<9x32xf32, #tpu.memory_space<vmem>>, vector<1x16xf32>,
    %swap3A_669 = vector.shape_cast %swap3A_668 : vector<1x16xf32> to vector<16xf32>
    %swap3A_670 = vector.shape_cast %get3A_664 : vector<16xf32> to vector<1x16xf32>
    tpu.vector_store %arg22[%swap3A_666, %swap3A_667], %swap3A_670 {strides = array<i32>} : memref<9x32xf32, #tpu.memory_space<vmem>>, vector<1x16xf32>,
    %broadcast_in_dim3A_671 = arith.constant 0.000000e+00 : f32
    %broadcast_in_dim3A_672 = vector.broadcast %broadcast_in_dim3A_671 : f32 to vector<16xf32>
    %swap3A_673 = arith.constant 6 : i32
    %swap3A_674 = arith.index_cast %swap3A_673 : i32 to index
    %swap3A_675 = arith.constant 0 : index
    %swap3A_676 = tpu.vector_load %arg22[%swap3A_674, %swap3A_675] {strides = array<i32>} : memref<9x32xf32, #tpu.memory_space<vmem>>, vector<1x16xf32>,
    %swap3A_677 = vector.shape_cast %swap3A_676 : vector<1x16xf32> to vector<16xf32>
    %swap3A_678 = vector.shape_cast %broadcast_in_dim3A_672 : vector<16xf32> to vector<1x16xf32>
    tpu.vector_store %arg22[%swap3A_674, %swap3A_675], %swap3A_678 {strides = array<i32>} : memref<9x32xf32, #tpu.memory_space<vmem>>, vector<1x16xf32>,
    %shift_right_logical3A_679 = arith.constant 16 : i32
    %shift_right_logical3A_680 = vector.broadcast %shift_right_logical3A_679 : i32 to vector<16xi32>
    %shift_right_logical3A_681 = arith.shrui %get3A_497, %shift_right_logical3A_680 : vector<16xi32>
    %convert_element_type3A_682 = arith.sitofp %shift_right_logical3A_681 : vector<16xi32> to vector<16xf32>
    %swap3A_683 = arith.constant 7 : i32
    %swap3A_684 = arith.index_cast %swap3A_683 : i32 to index
    %swap3A_685 = arith.constant 0 : index
    %swap3A_686 = tpu.vector_load %arg22[%swap3A_684, %swap3A_685] {strides = array<i32>} : memref<9x32xf32, #tpu.memory_space<vmem>>, vector<1x16xf32>,
    %swap3A_687 = vector.shape_cast %swap3A_686 : vector<1x16xf32> to vector<16xf32>
    %swap3A_688 = vector.shape_cast %convert_element_type3A_682 : vector<16xf32> to vector<1x16xf32>
    tpu.vector_store %arg22[%swap3A_684, %swap3A_685], %swap3A_688 {strides = array<i32>} : memref<9x32xf32, #tpu.memory_space<vmem>>, vector<1x16xf32>,
    %mul3A_689 = arith.constant 32 : i32
    %mul3A_690 = arith.muli %select_n3A_32, %mul3A_689 : i32
    %add3A_691 = arith.constant 0 : i32
    %add3A_692 = arith.addi %mul3A_690, %add3A_691 : i32
    %get3A_693 = arith.constant 0 : i32
    %get3A_694 = arith.index_cast %get3A_693 : i32 to index
    %get3A_695 = arith.index_cast %add3A_692 : i32 to index
    %get3A_696 = tpu.vector_load %arg11[%get3A_694, %get3A_695] {strides = array<i32>} : memref<1x128xf32, #tpu.memory_space<vmem>>, vector<1x16xf32>,
    %get3A_697 = vector.shape_cast %get3A_696 : vector<1x16xf32> to vector<16xf32>
    %swap3A_698 = arith.constant 8 : i32
    %swap3A_699 = arith.index_cast %swap3A_698 : i32 to index
    %swap3A_700 = arith.constant 0 : index
    %swap3A_701 = tpu.vector_load %arg22[%swap3A_699, %swap3A_700] {strides = array<i32>} : memref<9x32xf32, #tpu.memory_space<vmem>>, vector<1x16xf32>,
    %swap3A_702 = vector.shape_cast %swap3A_701 : vector<1x16xf32> to vector<16xf32>
    %swap3A_703 = vector.shape_cast %get3A_697 : vector<16xf32> to vector<1x16xf32>
    tpu.vector_store %arg22[%swap3A_699, %swap3A_700], %swap3A_703 {strides = array<i32>} : memref<9x32xf32, #tpu.memory_space<vmem>>, vector<1x16xf32>,
    %mul3A_704 = arith.constant 32 : i32
    %mul3A_705 = arith.muli %select_n3A_32, %mul3A_704 : i32
    %add3A_706 = arith.constant 16 : i32
    %add3A_707 = arith.addi %mul3A_705, %add3A_706 : i32
    %get3A_708 = arith.constant 0 : i32
    %get3A_709 = arith.index_cast %get3A_708 : i32 to index
    %get3A_710 = arith.index_cast %add3A_707 : i32 to index
    %get3A_711 = tpu.vector_load %arg10[%get3A_709, %get3A_710] {strides = array<i32>} : memref<1x128xi32, #tpu.memory_space<vmem>>, vector<1x16xi32>,
    %get3A_712 = vector.shape_cast %get3A_711 : vector<1x16xi32> to vector<16xi32>
    %and3A_713 = arith.constant 65535 : i32
    %and3A_714 = vector.broadcast %and3A_713 : i32 to vector<16xi32>
    %and3A_715 = arith.andi %get3A_712, %and3A_714 : vector<16xi32>
    %and3A_716 = arith.constant 255 : i32
    %and3A_717 = vector.broadcast %and3A_716 : i32 to vector<16xi32>
    %and3A_718 = arith.andi %and3A_715, %and3A_717 : vector<16xi32>
    %convert_element_type3A_719 = arith.sitofp %and3A_718 : vector<16xi32> to vector<16xf32>
    %shift_right_logical3A_720 = arith.constant 8 : i32
    %shift_right_logical3A_721 = vector.broadcast %shift_right_logical3A_720 : i32 to vector<16xi32>
    %shift_right_logical3A_722 = arith.shrui %and3A_715, %shift_right_logical3A_721 : vector<16xi32>
    %convert_element_type3A_723 = arith.sitofp %shift_right_logical3A_722 : vector<16xi32> to vector<16xf32>
    %get3A_724 = arith.constant 16 : index
    %get3A_725 = tpu.vector_load %arg18[%get3A_724] {strides = array<i32>} : memref<64xf32, #tpu.memory_space<vmem>>, vector<16xf32>,
    %get3A_726 = vector.shape_cast %get3A_725 : vector<16xf32> to vector<16xf32>
    %add3A_727 = arith.addf %convert_element_type3A_719, %get3A_726 : vector<16xf32>
    %mul3A_728 = arith.constant 4.000000e+00 : f32
    %mul3A_729 = vector.broadcast %mul3A_728 : f32 to vector<16xf32>
    %mul3A_730 = arith.mulf %add3A_727, %mul3A_729 : vector<16xf32>
    %swap3A_731 = arith.constant 0 : i32
    %swap3A_732 = arith.index_cast %swap3A_731 : i32 to index
    %swap3A_733 = arith.constant 16 : index
    %swap3A_734 = tpu.vector_load %arg22[%swap3A_732, %swap3A_733] {strides = array<i32>} : memref<9x32xf32, #tpu.memory_space<vmem>>, vector<1x16xf32>,
    %swap3A_735 = vector.shape_cast %swap3A_734 : vector<1x16xf32> to vector<16xf32>
    %swap3A_736 = vector.shape_cast %mul3A_730 : vector<16xf32> to vector<1x16xf32>
    tpu.vector_store %arg22[%swap3A_732, %swap3A_733], %swap3A_736 {strides = array<i32>} : memref<9x32xf32, #tpu.memory_space<vmem>>, vector<1x16xf32>,
    %get3A_737 = arith.constant 48 : index
    %get3A_738 = tpu.vector_load %arg18[%get3A_737] {strides = array<i32>} : memref<64xf32, #tpu.memory_space<vmem>>, vector<16xf32>,
    %get3A_739 = vector.shape_cast %get3A_738 : vector<16xf32> to vector<16xf32>
    %add3A_740 = arith.addf %convert_element_type3A_723, %get3A_739 : vector<16xf32>
    %mul3A_741 = arith.constant 4.000000e+00 : f32
    %mul3A_742 = vector.broadcast %mul3A_741 : f32 to vector<16xf32>
    %mul3A_743 = arith.mulf %add3A_740, %mul3A_742 : vector<16xf32>
    %swap3A_744 = arith.constant 1 : i32
    %swap3A_745 = arith.index_cast %swap3A_744 : i32 to index
    %swap3A_746 = arith.constant 16 : index
    %swap3A_747 = tpu.vector_load %arg22[%swap3A_745, %swap3A_746] {strides = array<i32>} : memref<9x32xf32, #tpu.memory_space<vmem>>, vector<1x16xf32>,
    %swap3A_748 = vector.shape_cast %swap3A_747 : vector<1x16xf32> to vector<16xf32>
    %swap3A_749 = vector.shape_cast %mul3A_743 : vector<16xf32> to vector<1x16xf32>
    tpu.vector_store %arg22[%swap3A_745, %swap3A_746], %swap3A_749 {strides = array<i32>} : memref<9x32xf32, #tpu.memory_space<vmem>>, vector<1x16xf32>,
    %get3A_750 = arith.constant 16 : index
    %get3A_751 = tpu.vector_load %arg17[%get3A_750] {strides = array<i32>} : memref<64xf32, #tpu.memory_space<vmem>>, vector<16xf32>,
    %get3A_752 = vector.shape_cast %get3A_751 : vector<16xf32> to vector<16xf32>
    %mul3A_753 = arith.constant 4.000000e+00 : f32
    %mul3A_754 = vector.broadcast %mul3A_753 : f32 to vector<16xf32>
    %mul3A_755 = arith.mulf %get3A_752, %mul3A_754 : vector<16xf32>
    %swap3A_756 = arith.constant 2 : i32
    %swap3A_757 = arith.index_cast %swap3A_756 : i32 to index
    %swap3A_758 = arith.constant 16 : index
    %swap3A_759 = tpu.vector_load %arg22[%swap3A_757, %swap3A_758] {strides = array<i32>} : memref<9x32xf32, #tpu.memory_space<vmem>>, vector<1x16xf32>,
    %swap3A_760 = vector.shape_cast %swap3A_759 : vector<1x16xf32> to vector<16xf32>
    %swap3A_761 = vector.shape_cast %mul3A_755 : vector<16xf32> to vector<1x16xf32>
    tpu.vector_store %arg22[%swap3A_757, %swap3A_758], %swap3A_761 {strides = array<i32>} : memref<9x32xf32, #tpu.memory_space<vmem>>, vector<1x16xf32>,
    %get3A_762 = arith.constant 48 : index
    %get3A_763 = tpu.vector_load %arg17[%get3A_762] {strides = array<i32>} : memref<64xf32, #tpu.memory_space<vmem>>, vector<16xf32>,
    %get3A_764 = vector.shape_cast %get3A_763 : vector<16xf32> to vector<16xf32>
    %mul3A_765 = arith.constant 4.000000e+00 : f32
    %mul3A_766 = vector.broadcast %mul3A_765 : f32 to vector<16xf32>
    %mul3A_767 = arith.mulf %get3A_764, %mul3A_766 : vector<16xf32>
    %swap3A_768 = arith.constant 3 : i32
    %swap3A_769 = arith.index_cast %swap3A_768 : i32 to index
    %swap3A_770 = arith.constant 16 : index
    %swap3A_771 = tpu.vector_load %arg22[%swap3A_769, %swap3A_770] {strides = array<i32>} : memref<9x32xf32, #tpu.memory_space<vmem>>, vector<1x16xf32>,
    %swap3A_772 = vector.shape_cast %swap3A_771 : vector<1x16xf32> to vector<16xf32>
    %swap3A_773 = vector.shape_cast %mul3A_767 : vector<16xf32> to vector<1x16xf32>
    tpu.vector_store %arg22[%swap3A_769, %swap3A_770], %swap3A_773 {strides = array<i32>} : memref<9x32xf32, #tpu.memory_space<vmem>>, vector<1x16xf32>,
    %get3A_774 = arith.constant 16 : index
    %get3A_775 = tpu.vector_load %arg19[%get3A_774] {strides = array<i32>} : memref<384xf32, #tpu.memory_space<vmem>>, vector<16xf32>,
    %get3A_776 = vector.shape_cast %get3A_775 : vector<16xf32> to vector<16xf32>
    %broadcast_in_dim3A_777 = arith.constant 0 : i32
    %broadcast_in_dim3A_778 = vector.broadcast %broadcast_in_dim3A_777 : i32 to vector<16xi32>
    %get3A_779 = arith.constant 48 : index
    %get3A_780 = tpu.vector_load %arg19[%get3A_779] {strides = array<i32>} : memref<384xf32, #tpu.memory_space<vmem>>, vector<16xf32>,
    %get3A_781 = vector.shape_cast %get3A_780 : vector<16xf32> to vector<16xf32>
    %gt3A_782 = arith.cmpf ogt, %get3A_781, %get3A_776 : vector<16xf32>
    %select_n3A_783 = arith.select %gt3A_782, %get3A_781, %get3A_776 : vector<16xi1>, vector<16xf32>
    %jit3A_784 = arith.constant 1 : i32
    %broadcast_in_dim3A_785 = vector.broadcast %jit3A_784 : i32 to vector<16xi32>
    %select_n3A_786 = arith.select %gt3A_782, %broadcast_in_dim3A_785, %broadcast_in_dim3A_778 : vector<16xi1>, vector<16xi32>
    %get3A_787 = arith.constant 80 : index
    %get3A_788 = tpu.vector_load %arg19[%get3A_787] {strides = array<i32>} : memref<384xf32, #tpu.memory_space<vmem>>, vector<16xf32>,
    %get3A_789 = vector.shape_cast %get3A_788 : vector<16xf32> to vector<16xf32>
    %gt3A_790 = arith.cmpf ogt, %get3A_789, %select_n3A_783 : vector<16xf32>
    %select_n3A_791 = arith.select %gt3A_790, %get3A_789, %select_n3A_783 : vector<16xi1>, vector<16xf32>
    %jit3A_792 = arith.constant 2 : i32
    %broadcast_in_dim3A_793 = vector.broadcast %jit3A_792 : i32 to vector<16xi32>
    %select_n3A_794 = arith.select %gt3A_790, %broadcast_in_dim3A_793, %select_n3A_786 : vector<16xi1>, vector<16xi32>
    %get3A_795 = arith.constant 112 : index
    %get3A_796 = tpu.vector_load %arg19[%get3A_795] {strides = array<i32>} : memref<384xf32, #tpu.memory_space<vmem>>, vector<16xf32>,
    %get3A_797 = vector.shape_cast %get3A_796 : vector<16xf32> to vector<16xf32>
    %gt3A_798 = arith.cmpf ogt, %get3A_797, %select_n3A_791 : vector<16xf32>
    %select_n3A_799 = arith.select %gt3A_798, %get3A_797, %select_n3A_791 : vector<16xi1>, vector<16xf32>
    %jit3A_800 = arith.constant 3 : i32
    %broadcast_in_dim3A_801 = vector.broadcast %jit3A_800 : i32 to vector<16xi32>
    %select_n3A_802 = arith.select %gt3A_798, %broadcast_in_dim3A_801, %select_n3A_794 : vector<16xi1>, vector<16xi32>
    %get3A_803 = arith.constant 144 : index
    %get3A_804 = tpu.vector_load %arg19[%get3A_803] {strides = array<i32>} : memref<384xf32, #tpu.memory_space<vmem>>, vector<16xf32>,
    %get3A_805 = vector.shape_cast %get3A_804 : vector<16xf32> to vector<16xf32>
    %gt3A_806 = arith.cmpf ogt, %get3A_805, %select_n3A_799 : vector<16xf32>
    %select_n3A_807 = arith.select %gt3A_806, %get3A_805, %select_n3A_799 : vector<16xi1>, vector<16xf32>
    %jit3A_808 = arith.constant 4 : i32
    %broadcast_in_dim3A_809 = vector.broadcast %jit3A_808 : i32 to vector<16xi32>
    %select_n3A_810 = arith.select %gt3A_806, %broadcast_in_dim3A_809, %select_n3A_802 : vector<16xi1>, vector<16xi32>
    %get3A_811 = arith.constant 176 : index
    %get3A_812 = tpu.vector_load %arg19[%get3A_811] {strides = array<i32>} : memref<384xf32, #tpu.memory_space<vmem>>, vector<16xf32>,
    %get3A_813 = vector.shape_cast %get3A_812 : vector<16xf32> to vector<16xf32>
    %gt3A_814 = arith.cmpf ogt, %get3A_813, %select_n3A_807 : vector<16xf32>
    %select_n3A_815 = arith.select %gt3A_814, %get3A_813, %select_n3A_807 : vector<16xi1>, vector<16xf32>
    %jit3A_816 = arith.constant 5 : i32
    %broadcast_in_dim3A_817 = vector.broadcast %jit3A_816 : i32 to vector<16xi32>
    %select_n3A_818 = arith.select %gt3A_814, %broadcast_in_dim3A_817, %select_n3A_810 : vector<16xi1>, vector<16xi32>
    %get3A_819 = arith.constant 208 : index
    %get3A_820 = tpu.vector_load %arg19[%get3A_819] {strides = array<i32>} : memref<384xf32, #tpu.memory_space<vmem>>, vector<16xf32>,
    %get3A_821 = vector.shape_cast %get3A_820 : vector<16xf32> to vector<16xf32>
    %gt3A_822 = arith.cmpf ogt, %get3A_821, %select_n3A_815 : vector<16xf32>
    %select_n3A_823 = arith.select %gt3A_822, %get3A_821, %select_n3A_815 : vector<16xi1>, vector<16xf32>
    %jit3A_824 = arith.constant 6 : i32
    %broadcast_in_dim3A_825 = vector.broadcast %jit3A_824 : i32 to vector<16xi32>
    %select_n3A_826 = arith.select %gt3A_822, %broadcast_in_dim3A_825, %select_n3A_818 : vector<16xi1>, vector<16xi32>
    %get3A_827 = arith.constant 240 : index
    %get3A_828 = tpu.vector_load %arg19[%get3A_827] {strides = array<i32>} : memref<384xf32, #tpu.memory_space<vmem>>, vector<16xf32>,
    %get3A_829 = vector.shape_cast %get3A_828 : vector<16xf32> to vector<16xf32>
    %gt3A_830 = arith.cmpf ogt, %get3A_829, %select_n3A_823 : vector<16xf32>
    %select_n3A_831 = arith.select %gt3A_830, %get3A_829, %select_n3A_823 : vector<16xi1>, vector<16xf32>
    %jit3A_832 = arith.constant 7 : i32
    %broadcast_in_dim3A_833 = vector.broadcast %jit3A_832 : i32 to vector<16xi32>
    %select_n3A_834 = arith.select %gt3A_830, %broadcast_in_dim3A_833, %select_n3A_826 : vector<16xi1>, vector<16xi32>
    %get3A_835 = arith.constant 272 : index
    %get3A_836 = tpu.vector_load %arg19[%get3A_835] {strides = array<i32>} : memref<384xf32, #tpu.memory_space<vmem>>, vector<16xf32>,
    %get3A_837 = vector.shape_cast %get3A_836 : vector<16xf32> to vector<16xf32>
    %gt3A_838 = arith.cmpf ogt, %get3A_837, %select_n3A_831 : vector<16xf32>
    %select_n3A_839 = arith.select %gt3A_838, %get3A_837, %select_n3A_831 : vector<16xi1>, vector<16xf32>
    %jit3A_840 = arith.constant 8 : i32
    %broadcast_in_dim3A_841 = vector.broadcast %jit3A_840 : i32 to vector<16xi32>
    %select_n3A_842 = arith.select %gt3A_838, %broadcast_in_dim3A_841, %select_n3A_834 : vector<16xi1>, vector<16xi32>
    %get3A_843 = arith.constant 304 : index
    %get3A_844 = tpu.vector_load %arg19[%get3A_843] {strides = array<i32>} : memref<384xf32, #tpu.memory_space<vmem>>, vector<16xf32>,
    %get3A_845 = vector.shape_cast %get3A_844 : vector<16xf32> to vector<16xf32>
    %gt3A_846 = arith.cmpf ogt, %get3A_845, %select_n3A_839 : vector<16xf32>
    %select_n3A_847 = arith.select %gt3A_846, %get3A_845, %select_n3A_839 : vector<16xi1>, vector<16xf32>
    %jit3A_848 = arith.constant 9 : i32
    %broadcast_in_dim3A_849 = vector.broadcast %jit3A_848 : i32 to vector<16xi32>
    %select_n3A_850 = arith.select %gt3A_846, %broadcast_in_dim3A_849, %select_n3A_842 : vector<16xi1>, vector<16xi32>
    %get3A_851 = arith.constant 336 : index
    %get3A_852 = tpu.vector_load %arg19[%get3A_851] {strides = array<i32>} : memref<384xf32, #tpu.memory_space<vmem>>, vector<16xf32>,
    %get3A_853 = vector.shape_cast %get3A_852 : vector<16xf32> to vector<16xf32>
    %gt3A_854 = arith.cmpf ogt, %get3A_853, %select_n3A_847 : vector<16xf32>
    %select_n3A_855 = arith.select %gt3A_854, %get3A_853, %select_n3A_847 : vector<16xi1>, vector<16xf32>
    %jit3A_856 = arith.constant 10 : i32
    %broadcast_in_dim3A_857 = vector.broadcast %jit3A_856 : i32 to vector<16xi32>
    %select_n3A_858 = arith.select %gt3A_854, %broadcast_in_dim3A_857, %select_n3A_850 : vector<16xi1>, vector<16xi32>
    %get3A_859 = arith.constant 368 : index
    %get3A_860 = tpu.vector_load %arg19[%get3A_859] {strides = array<i32>} : memref<384xf32, #tpu.memory_space<vmem>>, vector<16xf32>,
    %get3A_861 = vector.shape_cast %get3A_860 : vector<16xf32> to vector<16xf32>
    %gt3A_862 = arith.cmpf ogt, %get3A_861, %select_n3A_855 : vector<16xf32>
    %select_n3A_863 = arith.select %gt3A_862, %get3A_861, %select_n3A_855 : vector<16xi1>, vector<16xf32>
    %jit3A_864 = arith.constant 11 : i32
    %broadcast_in_dim3A_865 = vector.broadcast %jit3A_864 : i32 to vector<16xi32>
    %select_n3A_866 = arith.select %gt3A_862, %broadcast_in_dim3A_865, %select_n3A_858 : vector<16xi1>, vector<16xi32>
    %convert_element_type3A_867 = arith.sitofp %select_n3A_866 : vector<16xi32> to vector<16xf32>
    %mul3A_868 = arith.constant 0.52359879 : f32
    %mul3A_869 = vector.broadcast %mul3A_868 : f32 to vector<16xf32>
    %mul3A_870 = arith.mulf %convert_element_type3A_867, %mul3A_869 : vector<16xf32>
    %get3A_871 = arith.constant 16 : index
    %get3A_872 = tpu.vector_load %arg20[%get3A_871] {strides = array<i32>} : memref<32xf32, #tpu.memory_space<vmem>>, vector<16xf32>,
    %get3A_873 = vector.shape_cast %get3A_872 : vector<16xf32> to vector<16xf32>
    %add3A_874 = arith.addf %mul3A_870, %get3A_873 : vector<16xf32>
    %swap3A_875 = arith.constant 4 : i32
    %swap3A_876 = arith.index_cast %swap3A_875 : i32 to index
    %swap3A_877 = arith.constant 16 : index
    %swap3A_878 = tpu.vector_load %arg22[%swap3A_876, %swap3A_877] {strides = array<i32>} : memref<9x32xf32, #tpu.memory_space<vmem>>, vector<1x16xf32>,
    %swap3A_879 = vector.shape_cast %swap3A_878 : vector<1x16xf32> to vector<16xf32>
    %swap3A_880 = vector.shape_cast %add3A_874 : vector<16xf32> to vector<1x16xf32>
    tpu.vector_store %arg22[%swap3A_876, %swap3A_877], %swap3A_880 {strides = array<i32>} : memref<9x32xf32, #tpu.memory_space<vmem>>, vector<1x16xf32>,
    %get3A_881 = arith.constant 16 : index
    %get3A_882 = tpu.vector_load %arg21[%get3A_881] {strides = array<i32>} : memref<32xf32, #tpu.memory_space<vmem>>, vector<16xf32>,
    %get3A_883 = vector.shape_cast %get3A_882 : vector<16xf32> to vector<16xf32>
    %swap3A_884 = arith.constant 5 : i32
    %swap3A_885 = arith.index_cast %swap3A_884 : i32 to index
    %swap3A_886 = arith.constant 16 : index
    %swap3A_887 = tpu.vector_load %arg22[%swap3A_885, %swap3A_886] {strides = array<i32>} : memref<9x32xf32, #tpu.memory_space<vmem>>, vector<1x16xf32>,
    %swap3A_888 = vector.shape_cast %swap3A_887 : vector<1x16xf32> to vector<16xf32>
    %swap3A_889 = vector.shape_cast %get3A_883 : vector<16xf32> to vector<1x16xf32>
    tpu.vector_store %arg22[%swap3A_885, %swap3A_886], %swap3A_889 {strides = array<i32>} : memref<9x32xf32, #tpu.memory_space<vmem>>, vector<1x16xf32>,
    %broadcast_in_dim3A_890 = arith.constant 0.000000e+00 : f32
    %broadcast_in_dim3A_891 = vector.broadcast %broadcast_in_dim3A_890 : f32 to vector<16xf32>
    %swap3A_892 = arith.constant 6 : i32
    %swap3A_893 = arith.index_cast %swap3A_892 : i32 to index
    %swap3A_894 = arith.constant 16 : index
    %swap3A_895 = tpu.vector_load %arg22[%swap3A_893, %swap3A_894] {strides = array<i32>} : memref<9x32xf32, #tpu.memory_space<vmem>>, vector<1x16xf32>,
    %swap3A_896 = vector.shape_cast %swap3A_895 : vector<1x16xf32> to vector<16xf32>
    %swap3A_897 = vector.shape_cast %broadcast_in_dim3A_891 : vector<16xf32> to vector<1x16xf32>
    tpu.vector_store %arg22[%swap3A_893, %swap3A_894], %swap3A_897 {strides = array<i32>} : memref<9x32xf32, #tpu.memory_space<vmem>>, vector<1x16xf32>,
    %shift_right_logical3A_898 = arith.constant 16 : i32
    %shift_right_logical3A_899 = vector.broadcast %shift_right_logical3A_898 : i32 to vector<16xi32>
    %shift_right_logical3A_900 = arith.shrui %get3A_712, %shift_right_logical3A_899 : vector<16xi32>
    %convert_element_type3A_901 = arith.sitofp %shift_right_logical3A_900 : vector<16xi32> to vector<16xf32>
    %swap3A_902 = arith.constant 7 : i32
    %swap3A_903 = arith.index_cast %swap3A_902 : i32 to index
    %swap3A_904 = arith.constant 16 : index
    %swap3A_905 = tpu.vector_load %arg22[%swap3A_903, %swap3A_904] {strides = array<i32>} : memref<9x32xf32, #tpu.memory_space<vmem>>, vector<1x16xf32>,
    %swap3A_906 = vector.shape_cast %swap3A_905 : vector<1x16xf32> to vector<16xf32>
    %swap3A_907 = vector.shape_cast %convert_element_type3A_901 : vector<16xf32> to vector<1x16xf32>
    tpu.vector_store %arg22[%swap3A_903, %swap3A_904], %swap3A_907 {strides = array<i32>} : memref<9x32xf32, #tpu.memory_space<vmem>>, vector<1x16xf32>,
    %mul3A_908 = arith.constant 32 : i32
    %mul3A_909 = arith.muli %select_n3A_32, %mul3A_908 : i32
    %add3A_910 = arith.constant 16 : i32
    %add3A_911 = arith.addi %mul3A_909, %add3A_910 : i32
    %get3A_912 = arith.constant 0 : i32
    %get3A_913 = arith.index_cast %get3A_912 : i32 to index
    %get3A_914 = arith.index_cast %add3A_911 : i32 to index
    %get3A_915 = tpu.vector_load %arg11[%get3A_913, %get3A_914] {strides = array<i32>} : memref<1x128xf32, #tpu.memory_space<vmem>>, vector<1x16xf32>,
    %get3A_916 = vector.shape_cast %get3A_915 : vector<1x16xf32> to vector<16xf32>
    %swap3A_917 = arith.constant 8 : i32
    %swap3A_918 = arith.index_cast %swap3A_917 : i32 to index
    %swap3A_919 = arith.constant 16 : index
    %swap3A_920 = tpu.vector_load %arg22[%swap3A_918, %swap3A_919] {strides = array<i32>} : memref<9x32xf32, #tpu.memory_space<vmem>>, vector<1x16xf32>,
    %swap3A_921 = vector.shape_cast %swap3A_920 : vector<1x16xf32> to vector<16xf32>
    %swap3A_922 = vector.shape_cast %get3A_916 : vector<16xf32> to vector<1x16xf32>
    tpu.vector_store %arg22[%swap3A_918, %swap3A_919], %swap3A_922 {strides = array<i32>} : memref<9x32xf32, #tpu.memory_space<vmem>>, vector<1x16xf32>,
    %add3A_923 = arith.constant 0 : i32
    %add3A_924 = arith.addi %add3A_923, %mul3A_2 : i32
    %run_scoped3A = arith.constant 0 : i32
    "tpu.region"() ({
      %run_scoped3A_949 = tpu.sem_alloc : memref<!tpu.dma_semaphore, #tpu.memory_space<semaphore_mem>>
      %dma_start3A_950 = arith.constant 0 : i32
      %dma_start3A_951 = tpu.memref_slice %arg22[%run_scoped3A, %dma_start3A_950] : memref<9x32xf32, #tpu.memory_space<vmem>> -> memref<1x32xf32, #tpu.memory_space<vmem>>
      %dma_start3A_952 = tpu.memref_squeeze %dma_start3A_951 : memref<1x32xf32, #tpu.memory_space<vmem>> -> memref<32xf32, #tpu.memory_space<vmem>>
      %dma_start3A_953 = tpu.memref_slice %arg9[%add3A_924] : memref<9216xf32, #tpu.memory_space<hbm>> -> memref<32xf32, #tpu.memory_space<hbm>>
      %dma_start3A_954 = tpu.memref_slice %arg9[%add3A_924] : memref<9216xf32, #tpu.memory_space<hbm>> -> memref<32xf32, #tpu.memory_space<hbm>>
      %dma_start3A_955 = arith.constant 0 : i32
      %dma_start3A_956 = tpu.memref_slice %arg22[%run_scoped3A, %dma_start3A_955] : memref<9x32xf32, #tpu.memory_space<vmem>> -> memref<1x32xf32, #tpu.memory_space<vmem>>
      %dma_start3A_957 = tpu.memref_squeeze %dma_start3A_956 : memref<1x32xf32, #tpu.memory_space<vmem>> -> memref<32xf32, #tpu.memory_space<vmem>>
      tpu.enqueue_dma source(%dma_start3A_957 : memref<32xf32, #tpu.memory_space<vmem>>) target(%dma_start3A_954 : memref<32xf32, #tpu.memory_space<hbm>>) target_semaphore(%run_scoped3A_949 : memref<!tpu.dma_semaphore, #tpu.memory_space<semaphore_mem>>)
      %dma_wait3A_958 = arith.constant 0 : i32
      %dma_wait3A_959 = tpu.memref_slice %arg22[%run_scoped3A, %dma_wait3A_958] : memref<9x32xf32, #tpu.memory_space<vmem>> -> memref<1x32xf32, #tpu.memory_space<vmem>>
      %dma_wait3A_960 = tpu.memref_squeeze %dma_wait3A_959 : memref<1x32xf32, #tpu.memory_space<vmem>> -> memref<32xf32, #tpu.memory_space<vmem>>
      %dma_wait3A_961 = tpu.memref_slice %arg9[%add3A_924] : memref<9216xf32, #tpu.memory_space<hbm>> -> memref<32xf32, #tpu.memory_space<hbm>>
      %dma_wait3A_962 = tpu.memref_slice %arg9[%add3A_924] : memref<9216xf32, #tpu.memory_space<hbm>> -> memref<32xf32, #tpu.memory_space<hbm>>
      %dma_wait3A_963 = arith.constant 0 : i32
      %dma_wait3A_964 = tpu.memref_slice %arg22[%run_scoped3A, %dma_wait3A_963] : memref<9x32xf32, #tpu.memory_space<vmem>> -> memref<1x32xf32, #tpu.memory_space<vmem>>
      %dma_wait3A_965 = tpu.memref_squeeze %dma_wait3A_964 : memref<1x32xf32, #tpu.memory_space<vmem>> -> memref<32xf32, #tpu.memory_space<vmem>>
      tpu.wait_dma2 semaphore(%run_scoped3A_949 : memref<!tpu.dma_semaphore, #tpu.memory_space<semaphore_mem>>) src(%dma_wait3A_965 : memref<32xf32, #tpu.memory_space<vmem>>) dst(%dma_wait3A_962 : memref<32xf32, #tpu.memory_space<hbm>>)
      tpu.yield
    }) : () -> ()
    %add3A_925 = arith.constant 1024 : i32
    %add3A_926 = arith.addi %add3A_925, %mul3A_2 : i32
    %run_scoped3A_927 = arith.constant 1 : i32
    "tpu.region"() ({
      %run_scoped3A_949 = tpu.sem_alloc : memref<!tpu.dma_semaphore, #tpu.memory_space<semaphore_mem>>
      %dma_start3A_950 = arith.constant 0 : i32
      %dma_start3A_951 = tpu.memref_slice %arg22[%run_scoped3A_927, %dma_start3A_950] : memref<9x32xf32, #tpu.memory_space<vmem>> -> memref<1x32xf32, #tpu.memory_space<vmem>>
      %dma_start3A_952 = tpu.memref_squeeze %dma_start3A_951 : memref<1x32xf32, #tpu.memory_space<vmem>> -> memref<32xf32, #tpu.memory_space<vmem>>
      %dma_start3A_953 = tpu.memref_slice %arg9[%add3A_926] : memref<9216xf32, #tpu.memory_space<hbm>> -> memref<32xf32, #tpu.memory_space<hbm>>
      %dma_start3A_954 = tpu.memref_slice %arg9[%add3A_926] : memref<9216xf32, #tpu.memory_space<hbm>> -> memref<32xf32, #tpu.memory_space<hbm>>
      %dma_start3A_955 = arith.constant 0 : i32
      %dma_start3A_956 = tpu.memref_slice %arg22[%run_scoped3A_927, %dma_start3A_955] : memref<9x32xf32, #tpu.memory_space<vmem>> -> memref<1x32xf32, #tpu.memory_space<vmem>>
      %dma_start3A_957 = tpu.memref_squeeze %dma_start3A_956 : memref<1x32xf32, #tpu.memory_space<vmem>> -> memref<32xf32, #tpu.memory_space<vmem>>
      tpu.enqueue_dma source(%dma_start3A_957 : memref<32xf32, #tpu.memory_space<vmem>>) target(%dma_start3A_954 : memref<32xf32, #tpu.memory_space<hbm>>) target_semaphore(%run_scoped3A_949 : memref<!tpu.dma_semaphore, #tpu.memory_space<semaphore_mem>>)
      %dma_wait3A_958 = arith.constant 0 : i32
      %dma_wait3A_959 = tpu.memref_slice %arg22[%run_scoped3A_927, %dma_wait3A_958] : memref<9x32xf32, #tpu.memory_space<vmem>> -> memref<1x32xf32, #tpu.memory_space<vmem>>
      %dma_wait3A_960 = tpu.memref_squeeze %dma_wait3A_959 : memref<1x32xf32, #tpu.memory_space<vmem>> -> memref<32xf32, #tpu.memory_space<vmem>>
      %dma_wait3A_961 = tpu.memref_slice %arg9[%add3A_926] : memref<9216xf32, #tpu.memory_space<hbm>> -> memref<32xf32, #tpu.memory_space<hbm>>
      %dma_wait3A_962 = tpu.memref_slice %arg9[%add3A_926] : memref<9216xf32, #tpu.memory_space<hbm>> -> memref<32xf32, #tpu.memory_space<hbm>>
      %dma_wait3A_963 = arith.constant 0 : i32
      %dma_wait3A_964 = tpu.memref_slice %arg22[%run_scoped3A_927, %dma_wait3A_963] : memref<9x32xf32, #tpu.memory_space<vmem>> -> memref<1x32xf32, #tpu.memory_space<vmem>>
      %dma_wait3A_965 = tpu.memref_squeeze %dma_wait3A_964 : memref<1x32xf32, #tpu.memory_space<vmem>> -> memref<32xf32, #tpu.memory_space<vmem>>
      tpu.wait_dma2 semaphore(%run_scoped3A_949 : memref<!tpu.dma_semaphore, #tpu.memory_space<semaphore_mem>>) src(%dma_wait3A_965 : memref<32xf32, #tpu.memory_space<vmem>>) dst(%dma_wait3A_962 : memref<32xf32, #tpu.memory_space<hbm>>)
      tpu.yield
    }) : () -> ()
    %add3A_928 = arith.constant 2048 : i32
    %add3A_929 = arith.addi %add3A_928, %mul3A_2 : i32
    %run_scoped3A_930 = arith.constant 2 : i32
    "tpu.region"() ({
      %run_scoped3A_949 = tpu.sem_alloc : memref<!tpu.dma_semaphore, #tpu.memory_space<semaphore_mem>>
      %dma_start3A_950 = arith.constant 0 : i32
      %dma_start3A_951 = tpu.memref_slice %arg22[%run_scoped3A_930, %dma_start3A_950] : memref<9x32xf32, #tpu.memory_space<vmem>> -> memref<1x32xf32, #tpu.memory_space<vmem>>
      %dma_start3A_952 = tpu.memref_squeeze %dma_start3A_951 : memref<1x32xf32, #tpu.memory_space<vmem>> -> memref<32xf32, #tpu.memory_space<vmem>>
      %dma_start3A_953 = tpu.memref_slice %arg9[%add3A_929] : memref<9216xf32, #tpu.memory_space<hbm>> -> memref<32xf32, #tpu.memory_space<hbm>>
      %dma_start3A_954 = tpu.memref_slice %arg9[%add3A_929] : memref<9216xf32, #tpu.memory_space<hbm>> -> memref<32xf32, #tpu.memory_space<hbm>>
      %dma_start3A_955 = arith.constant 0 : i32
      %dma_start3A_956 = tpu.memref_slice %arg22[%run_scoped3A_930, %dma_start3A_955] : memref<9x32xf32, #tpu.memory_space<vmem>> -> memref<1x32xf32, #tpu.memory_space<vmem>>
      %dma_start3A_957 = tpu.memref_squeeze %dma_start3A_956 : memref<1x32xf32, #tpu.memory_space<vmem>> -> memref<32xf32, #tpu.memory_space<vmem>>
      tpu.enqueue_dma source(%dma_start3A_957 : memref<32xf32, #tpu.memory_space<vmem>>) target(%dma_start3A_954 : memref<32xf32, #tpu.memory_space<hbm>>) target_semaphore(%run_scoped3A_949 : memref<!tpu.dma_semaphore, #tpu.memory_space<semaphore_mem>>)
      %dma_wait3A_958 = arith.constant 0 : i32
      %dma_wait3A_959 = tpu.memref_slice %arg22[%run_scoped3A_930, %dma_wait3A_958] : memref<9x32xf32, #tpu.memory_space<vmem>> -> memref<1x32xf32, #tpu.memory_space<vmem>>
      %dma_wait3A_960 = tpu.memref_squeeze %dma_wait3A_959 : memref<1x32xf32, #tpu.memory_space<vmem>> -> memref<32xf32, #tpu.memory_space<vmem>>
      %dma_wait3A_961 = tpu.memref_slice %arg9[%add3A_929] : memref<9216xf32, #tpu.memory_space<hbm>> -> memref<32xf32, #tpu.memory_space<hbm>>
      %dma_wait3A_962 = tpu.memref_slice %arg9[%add3A_929] : memref<9216xf32, #tpu.memory_space<hbm>> -> memref<32xf32, #tpu.memory_space<hbm>>
      %dma_wait3A_963 = arith.constant 0 : i32
      %dma_wait3A_964 = tpu.memref_slice %arg22[%run_scoped3A_930, %dma_wait3A_963] : memref<9x32xf32, #tpu.memory_space<vmem>> -> memref<1x32xf32, #tpu.memory_space<vmem>>
      %dma_wait3A_965 = tpu.memref_squeeze %dma_wait3A_964 : memref<1x32xf32, #tpu.memory_space<vmem>> -> memref<32xf32, #tpu.memory_space<vmem>>
      tpu.wait_dma2 semaphore(%run_scoped3A_949 : memref<!tpu.dma_semaphore, #tpu.memory_space<semaphore_mem>>) src(%dma_wait3A_965 : memref<32xf32, #tpu.memory_space<vmem>>) dst(%dma_wait3A_962 : memref<32xf32, #tpu.memory_space<hbm>>)
      tpu.yield
    }) : () -> ()
    %add3A_931 = arith.constant 3072 : i32
    %add3A_932 = arith.addi %add3A_931, %mul3A_2 : i32
    %run_scoped3A_933 = arith.constant 3 : i32
    "tpu.region"() ({
      %run_scoped3A_949 = tpu.sem_alloc : memref<!tpu.dma_semaphore, #tpu.memory_space<semaphore_mem>>
      %dma_start3A_950 = arith.constant 0 : i32
      %dma_start3A_951 = tpu.memref_slice %arg22[%run_scoped3A_933, %dma_start3A_950] : memref<9x32xf32, #tpu.memory_space<vmem>> -> memref<1x32xf32, #tpu.memory_space<vmem>>
      %dma_start3A_952 = tpu.memref_squeeze %dma_start3A_951 : memref<1x32xf32, #tpu.memory_space<vmem>> -> memref<32xf32, #tpu.memory_space<vmem>>
      %dma_start3A_953 = tpu.memref_slice %arg9[%add3A_932] : memref<9216xf32, #tpu.memory_space<hbm>> -> memref<32xf32, #tpu.memory_space<hbm>>
      %dma_start3A_954 = tpu.memref_slice %arg9[%add3A_932] : memref<9216xf32, #tpu.memory_space<hbm>> -> memref<32xf32, #tpu.memory_space<hbm>>
      %dma_start3A_955 = arith.constant 0 : i32
      %dma_start3A_956 = tpu.memref_slice %arg22[%run_scoped3A_933, %dma_start3A_955] : memref<9x32xf32, #tpu.memory_space<vmem>> -> memref<1x32xf32, #tpu.memory_space<vmem>>
      %dma_start3A_957 = tpu.memref_squeeze %dma_start3A_956 : memref<1x32xf32, #tpu.memory_space<vmem>> -> memref<32xf32, #tpu.memory_space<vmem>>
      tpu.enqueue_dma source(%dma_start3A_957 : memref<32xf32, #tpu.memory_space<vmem>>) target(%dma_start3A_954 : memref<32xf32, #tpu.memory_space<hbm>>) target_semaphore(%run_scoped3A_949 : memref<!tpu.dma_semaphore, #tpu.memory_space<semaphore_mem>>)
      %dma_wait3A_958 = arith.constant 0 : i32
      %dma_wait3A_959 = tpu.memref_slice %arg22[%run_scoped3A_933, %dma_wait3A_958] : memref<9x32xf32, #tpu.memory_space<vmem>> -> memref<1x32xf32, #tpu.memory_space<vmem>>
      %dma_wait3A_960 = tpu.memref_squeeze %dma_wait3A_959 : memref<1x32xf32, #tpu.memory_space<vmem>> -> memref<32xf32, #tpu.memory_space<vmem>>
      %dma_wait3A_961 = tpu.memref_slice %arg9[%add3A_932] : memref<9216xf32, #tpu.memory_space<hbm>> -> memref<32xf32, #tpu.memory_space<hbm>>
      %dma_wait3A_962 = tpu.memref_slice %arg9[%add3A_932] : memref<9216xf32, #tpu.memory_space<hbm>> -> memref<32xf32, #tpu.memory_space<hbm>>
      %dma_wait3A_963 = arith.constant 0 : i32
      %dma_wait3A_964 = tpu.memref_slice %arg22[%run_scoped3A_933, %dma_wait3A_963] : memref<9x32xf32, #tpu.memory_space<vmem>> -> memref<1x32xf32, #tpu.memory_space<vmem>>
      %dma_wait3A_965 = tpu.memref_squeeze %dma_wait3A_964 : memref<1x32xf32, #tpu.memory_space<vmem>> -> memref<32xf32, #tpu.memory_space<vmem>>
      tpu.wait_dma2 semaphore(%run_scoped3A_949 : memref<!tpu.dma_semaphore, #tpu.memory_space<semaphore_mem>>) src(%dma_wait3A_965 : memref<32xf32, #tpu.memory_space<vmem>>) dst(%dma_wait3A_962 : memref<32xf32, #tpu.memory_space<hbm>>)
      tpu.yield
    }) : () -> ()
    %add3A_934 = arith.constant 4096 : i32
    %add3A_935 = arith.addi %add3A_934, %mul3A_2 : i32
    %run_scoped3A_936 = arith.constant 4 : i32
    "tpu.region"() ({
      %run_scoped3A_949 = tpu.sem_alloc : memref<!tpu.dma_semaphore, #tpu.memory_space<semaphore_mem>>
      %dma_start3A_950 = arith.constant 0 : i32
      %dma_start3A_951 = tpu.memref_slice %arg22[%run_scoped3A_936, %dma_start3A_950] : memref<9x32xf32, #tpu.memory_space<vmem>> -> memref<1x32xf32, #tpu.memory_space<vmem>>
      %dma_start3A_952 = tpu.memref_squeeze %dma_start3A_951 : memref<1x32xf32, #tpu.memory_space<vmem>> -> memref<32xf32, #tpu.memory_space<vmem>>
      %dma_start3A_953 = tpu.memref_slice %arg9[%add3A_935] : memref<9216xf32, #tpu.memory_space<hbm>> -> memref<32xf32, #tpu.memory_space<hbm>>
      %dma_start3A_954 = tpu.memref_slice %arg9[%add3A_935] : memref<9216xf32, #tpu.memory_space<hbm>> -> memref<32xf32, #tpu.memory_space<hbm>>
      %dma_start3A_955 = arith.constant 0 : i32
      %dma_start3A_956 = tpu.memref_slice %arg22[%run_scoped3A_936, %dma_start3A_955] : memref<9x32xf32, #tpu.memory_space<vmem>> -> memref<1x32xf32, #tpu.memory_space<vmem>>
      %dma_start3A_957 = tpu.memref_squeeze %dma_start3A_956 : memref<1x32xf32, #tpu.memory_space<vmem>> -> memref<32xf32, #tpu.memory_space<vmem>>
      tpu.enqueue_dma source(%dma_start3A_957 : memref<32xf32, #tpu.memory_space<vmem>>) target(%dma_start3A_954 : memref<32xf32, #tpu.memory_space<hbm>>) target_semaphore(%run_scoped3A_949 : memref<!tpu.dma_semaphore, #tpu.memory_space<semaphore_mem>>)
      %dma_wait3A_958 = arith.constant 0 : i32
      %dma_wait3A_959 = tpu.memref_slice %arg22[%run_scoped3A_936, %dma_wait3A_958] : memref<9x32xf32, #tpu.memory_space<vmem>> -> memref<1x32xf32, #tpu.memory_space<vmem>>
      %dma_wait3A_960 = tpu.memref_squeeze %dma_wait3A_959 : memref<1x32xf32, #tpu.memory_space<vmem>> -> memref<32xf32, #tpu.memory_space<vmem>>
      %dma_wait3A_961 = tpu.memref_slice %arg9[%add3A_935] : memref<9216xf32, #tpu.memory_space<hbm>> -> memref<32xf32, #tpu.memory_space<hbm>>
      %dma_wait3A_962 = tpu.memref_slice %arg9[%add3A_935] : memref<9216xf32, #tpu.memory_space<hbm>> -> memref<32xf32, #tpu.memory_space<hbm>>
      %dma_wait3A_963 = arith.constant 0 : i32
      %dma_wait3A_964 = tpu.memref_slice %arg22[%run_scoped3A_936, %dma_wait3A_963] : memref<9x32xf32, #tpu.memory_space<vmem>> -> memref<1x32xf32, #tpu.memory_space<vmem>>
      %dma_wait3A_965 = tpu.memref_squeeze %dma_wait3A_964 : memref<1x32xf32, #tpu.memory_space<vmem>> -> memref<32xf32, #tpu.memory_space<vmem>>
      tpu.wait_dma2 semaphore(%run_scoped3A_949 : memref<!tpu.dma_semaphore, #tpu.memory_space<semaphore_mem>>) src(%dma_wait3A_965 : memref<32xf32, #tpu.memory_space<vmem>>) dst(%dma_wait3A_962 : memref<32xf32, #tpu.memory_space<hbm>>)
      tpu.yield
    }) : () -> ()
    %add3A_937 = arith.constant 5120 : i32
    %add3A_938 = arith.addi %add3A_937, %mul3A_2 : i32
    %run_scoped3A_939 = arith.constant 5 : i32
    "tpu.region"() ({
      %run_scoped3A_949 = tpu.sem_alloc : memref<!tpu.dma_semaphore, #tpu.memory_space<semaphore_mem>>
      %dma_start3A_950 = arith.constant 0 : i32
      %dma_start3A_951 = tpu.memref_slice %arg22[%run_scoped3A_939, %dma_start3A_950] : memref<9x32xf32, #tpu.memory_space<vmem>> -> memref<1x32xf32, #tpu.memory_space<vmem>>
      %dma_start3A_952 = tpu.memref_squeeze %dma_start3A_951 : memref<1x32xf32, #tpu.memory_space<vmem>> -> memref<32xf32, #tpu.memory_space<vmem>>
      %dma_start3A_953 = tpu.memref_slice %arg9[%add3A_938] : memref<9216xf32, #tpu.memory_space<hbm>> -> memref<32xf32, #tpu.memory_space<hbm>>
      %dma_start3A_954 = tpu.memref_slice %arg9[%add3A_938] : memref<9216xf32, #tpu.memory_space<hbm>> -> memref<32xf32, #tpu.memory_space<hbm>>
      %dma_start3A_955 = arith.constant 0 : i32
      %dma_start3A_956 = tpu.memref_slice %arg22[%run_scoped3A_939, %dma_start3A_955] : memref<9x32xf32, #tpu.memory_space<vmem>> -> memref<1x32xf32, #tpu.memory_space<vmem>>
      %dma_start3A_957 = tpu.memref_squeeze %dma_start3A_956 : memref<1x32xf32, #tpu.memory_space<vmem>> -> memref<32xf32, #tpu.memory_space<vmem>>
      tpu.enqueue_dma source(%dma_start3A_957 : memref<32xf32, #tpu.memory_space<vmem>>) target(%dma_start3A_954 : memref<32xf32, #tpu.memory_space<hbm>>) target_semaphore(%run_scoped3A_949 : memref<!tpu.dma_semaphore, #tpu.memory_space<semaphore_mem>>)
      %dma_wait3A_958 = arith.constant 0 : i32
      %dma_wait3A_959 = tpu.memref_slice %arg22[%run_scoped3A_939, %dma_wait3A_958] : memref<9x32xf32, #tpu.memory_space<vmem>> -> memref<1x32xf32, #tpu.memory_space<vmem>>
      %dma_wait3A_960 = tpu.memref_squeeze %dma_wait3A_959 : memref<1x32xf32, #tpu.memory_space<vmem>> -> memref<32xf32, #tpu.memory_space<vmem>>
      %dma_wait3A_961 = tpu.memref_slice %arg9[%add3A_938] : memref<9216xf32, #tpu.memory_space<hbm>> -> memref<32xf32, #tpu.memory_space<hbm>>
      %dma_wait3A_962 = tpu.memref_slice %arg9[%add3A_938] : memref<9216xf32, #tpu.memory_space<hbm>> -> memref<32xf32, #tpu.memory_space<hbm>>
      %dma_wait3A_963 = arith.constant 0 : i32
      %dma_wait3A_964 = tpu.memref_slice %arg22[%run_scoped3A_939, %dma_wait3A_963] : memref<9x32xf32, #tpu.memory_space<vmem>> -> memref<1x32xf32, #tpu.memory_space<vmem>>
      %dma_wait3A_965 = tpu.memref_squeeze %dma_wait3A_964 : memref<1x32xf32, #tpu.memory_space<vmem>> -> memref<32xf32, #tpu.memory_space<vmem>>
      tpu.wait_dma2 semaphore(%run_scoped3A_949 : memref<!tpu.dma_semaphore, #tpu.memory_space<semaphore_mem>>) src(%dma_wait3A_965 : memref<32xf32, #tpu.memory_space<vmem>>) dst(%dma_wait3A_962 : memref<32xf32, #tpu.memory_space<hbm>>)
      tpu.yield
    }) : () -> ()
    %add3A_940 = arith.constant 6144 : i32
    %add3A_941 = arith.addi %add3A_940, %mul3A_2 : i32
    %run_scoped3A_942 = arith.constant 6 : i32
    "tpu.region"() ({
      %run_scoped3A_949 = tpu.sem_alloc : memref<!tpu.dma_semaphore, #tpu.memory_space<semaphore_mem>>
      %dma_start3A_950 = arith.constant 0 : i32
      %dma_start3A_951 = tpu.memref_slice %arg22[%run_scoped3A_942, %dma_start3A_950] : memref<9x32xf32, #tpu.memory_space<vmem>> -> memref<1x32xf32, #tpu.memory_space<vmem>>
      %dma_start3A_952 = tpu.memref_squeeze %dma_start3A_951 : memref<1x32xf32, #tpu.memory_space<vmem>> -> memref<32xf32, #tpu.memory_space<vmem>>
      %dma_start3A_953 = tpu.memref_slice %arg9[%add3A_941] : memref<9216xf32, #tpu.memory_space<hbm>> -> memref<32xf32, #tpu.memory_space<hbm>>
      %dma_start3A_954 = tpu.memref_slice %arg9[%add3A_941] : memref<9216xf32, #tpu.memory_space<hbm>> -> memref<32xf32, #tpu.memory_space<hbm>>
      %dma_start3A_955 = arith.constant 0 : i32
      %dma_start3A_956 = tpu.memref_slice %arg22[%run_scoped3A_942, %dma_start3A_955] : memref<9x32xf32, #tpu.memory_space<vmem>> -> memref<1x32xf32, #tpu.memory_space<vmem>>
      %dma_start3A_957 = tpu.memref_squeeze %dma_start3A_956 : memref<1x32xf32, #tpu.memory_space<vmem>> -> memref<32xf32, #tpu.memory_space<vmem>>
      tpu.enqueue_dma source(%dma_start3A_957 : memref<32xf32, #tpu.memory_space<vmem>>) target(%dma_start3A_954 : memref<32xf32, #tpu.memory_space<hbm>>) target_semaphore(%run_scoped3A_949 : memref<!tpu.dma_semaphore, #tpu.memory_space<semaphore_mem>>)
      %dma_wait3A_958 = arith.constant 0 : i32
      %dma_wait3A_959 = tpu.memref_slice %arg22[%run_scoped3A_942, %dma_wait3A_958] : memref<9x32xf32, #tpu.memory_space<vmem>> -> memref<1x32xf32, #tpu.memory_space<vmem>>
      %dma_wait3A_960 = tpu.memref_squeeze %dma_wait3A_959 : memref<1x32xf32, #tpu.memory_space<vmem>> -> memref<32xf32, #tpu.memory_space<vmem>>
      %dma_wait3A_961 = tpu.memref_slice %arg9[%add3A_941] : memref<9216xf32, #tpu.memory_space<hbm>> -> memref<32xf32, #tpu.memory_space<hbm>>
      %dma_wait3A_962 = tpu.memref_slice %arg9[%add3A_941] : memref<9216xf32, #tpu.memory_space<hbm>> -> memref<32xf32, #tpu.memory_space<hbm>>
      %dma_wait3A_963 = arith.constant 0 : i32
      %dma_wait3A_964 = tpu.memref_slice %arg22[%run_scoped3A_942, %dma_wait3A_963] : memref<9x32xf32, #tpu.memory_space<vmem>> -> memref<1x32xf32, #tpu.memory_space<vmem>>
      %dma_wait3A_965 = tpu.memref_squeeze %dma_wait3A_964 : memref<1x32xf32, #tpu.memory_space<vmem>> -> memref<32xf32, #tpu.memory_space<vmem>>
      tpu.wait_dma2 semaphore(%run_scoped3A_949 : memref<!tpu.dma_semaphore, #tpu.memory_space<semaphore_mem>>) src(%dma_wait3A_965 : memref<32xf32, #tpu.memory_space<vmem>>) dst(%dma_wait3A_962 : memref<32xf32, #tpu.memory_space<hbm>>)
      tpu.yield
    }) : () -> ()
    %add3A_943 = arith.constant 7168 : i32
    %add3A_944 = arith.addi %add3A_943, %mul3A_2 : i32
    %run_scoped3A_945 = arith.constant 7 : i32
    "tpu.region"() ({
      %run_scoped3A_949 = tpu.sem_alloc : memref<!tpu.dma_semaphore, #tpu.memory_space<semaphore_mem>>
      %dma_start3A_950 = arith.constant 0 : i32
      %dma_start3A_951 = tpu.memref_slice %arg22[%run_scoped3A_945, %dma_start3A_950] : memref<9x32xf32, #tpu.memory_space<vmem>> -> memref<1x32xf32, #tpu.memory_space<vmem>>
      %dma_start3A_952 = tpu.memref_squeeze %dma_start3A_951 : memref<1x32xf32, #tpu.memory_space<vmem>> -> memref<32xf32, #tpu.memory_space<vmem>>
      %dma_start3A_953 = tpu.memref_slice %arg9[%add3A_944] : memref<9216xf32, #tpu.memory_space<hbm>> -> memref<32xf32, #tpu.memory_space<hbm>>
      %dma_start3A_954 = tpu.memref_slice %arg9[%add3A_944] : memref<9216xf32, #tpu.memory_space<hbm>> -> memref<32xf32, #tpu.memory_space<hbm>>
      %dma_start3A_955 = arith.constant 0 : i32
      %dma_start3A_956 = tpu.memref_slice %arg22[%run_scoped3A_945, %dma_start3A_955] : memref<9x32xf32, #tpu.memory_space<vmem>> -> memref<1x32xf32, #tpu.memory_space<vmem>>
      %dma_start3A_957 = tpu.memref_squeeze %dma_start3A_956 : memref<1x32xf32, #tpu.memory_space<vmem>> -> memref<32xf32, #tpu.memory_space<vmem>>
      tpu.enqueue_dma source(%dma_start3A_957 : memref<32xf32, #tpu.memory_space<vmem>>) target(%dma_start3A_954 : memref<32xf32, #tpu.memory_space<hbm>>) target_semaphore(%run_scoped3A_949 : memref<!tpu.dma_semaphore, #tpu.memory_space<semaphore_mem>>)
      %dma_wait3A_958 = arith.constant 0 : i32
      %dma_wait3A_959 = tpu.memref_slice %arg22[%run_scoped3A_945, %dma_wait3A_958] : memref<9x32xf32, #tpu.memory_space<vmem>> -> memref<1x32xf32, #tpu.memory_space<vmem>>
      %dma_wait3A_960 = tpu.memref_squeeze %dma_wait3A_959 : memref<1x32xf32, #tpu.memory_space<vmem>> -> memref<32xf32, #tpu.memory_space<vmem>>
      %dma_wait3A_961 = tpu.memref_slice %arg9[%add3A_944] : memref<9216xf32, #tpu.memory_space<hbm>> -> memref<32xf32, #tpu.memory_space<hbm>>
      %dma_wait3A_962 = tpu.memref_slice %arg9[%add3A_944] : memref<9216xf32, #tpu.memory_space<hbm>> -> memref<32xf32, #tpu.memory_space<hbm>>
      %dma_wait3A_963 = arith.constant 0 : i32
      %dma_wait3A_964 = tpu.memref_slice %arg22[%run_scoped3A_945, %dma_wait3A_963] : memref<9x32xf32, #tpu.memory_space<vmem>> -> memref<1x32xf32, #tpu.memory_space<vmem>>
      %dma_wait3A_965 = tpu.memref_squeeze %dma_wait3A_964 : memref<1x32xf32, #tpu.memory_space<vmem>> -> memref<32xf32, #tpu.memory_space<vmem>>
      tpu.wait_dma2 semaphore(%run_scoped3A_949 : memref<!tpu.dma_semaphore, #tpu.memory_space<semaphore_mem>>) src(%dma_wait3A_965 : memref<32xf32, #tpu.memory_space<vmem>>) dst(%dma_wait3A_962 : memref<32xf32, #tpu.memory_space<hbm>>)
      tpu.yield
    }) : () -> ()
    %add3A_946 = arith.constant 8192 : i32
    %add3A_947 = arith.addi %add3A_946, %mul3A_2 : i32
    %run_scoped3A_948 = arith.constant 8 : i32
    "tpu.region"() ({
      %run_scoped3A_949 = tpu.sem_alloc : memref<!tpu.dma_semaphore, #tpu.memory_space<semaphore_mem>>
      %dma_start3A_950 = arith.constant 0 : i32
      %dma_start3A_951 = tpu.memref_slice %arg22[%run_scoped3A_948, %dma_start3A_950] : memref<9x32xf32, #tpu.memory_space<vmem>> -> memref<1x32xf32, #tpu.memory_space<vmem>>
      %dma_start3A_952 = tpu.memref_squeeze %dma_start3A_951 : memref<1x32xf32, #tpu.memory_space<vmem>> -> memref<32xf32, #tpu.memory_space<vmem>>
      %dma_start3A_953 = tpu.memref_slice %arg9[%add3A_947] : memref<9216xf32, #tpu.memory_space<hbm>> -> memref<32xf32, #tpu.memory_space<hbm>>
      %dma_start3A_954 = tpu.memref_slice %arg9[%add3A_947] : memref<9216xf32, #tpu.memory_space<hbm>> -> memref<32xf32, #tpu.memory_space<hbm>>
      %dma_start3A_955 = arith.constant 0 : i32
      %dma_start3A_956 = tpu.memref_slice %arg22[%run_scoped3A_948, %dma_start3A_955] : memref<9x32xf32, #tpu.memory_space<vmem>> -> memref<1x32xf32, #tpu.memory_space<vmem>>
      %dma_start3A_957 = tpu.memref_squeeze %dma_start3A_956 : memref<1x32xf32, #tpu.memory_space<vmem>> -> memref<32xf32, #tpu.memory_space<vmem>>
      tpu.enqueue_dma source(%dma_start3A_957 : memref<32xf32, #tpu.memory_space<vmem>>) target(%dma_start3A_954 : memref<32xf32, #tpu.memory_space<hbm>>) target_semaphore(%run_scoped3A_949 : memref<!tpu.dma_semaphore, #tpu.memory_space<semaphore_mem>>)
      %dma_wait3A_958 = arith.constant 0 : i32
      %dma_wait3A_959 = tpu.memref_slice %arg22[%run_scoped3A_948, %dma_wait3A_958] : memref<9x32xf32, #tpu.memory_space<vmem>> -> memref<1x32xf32, #tpu.memory_space<vmem>>
      %dma_wait3A_960 = tpu.memref_squeeze %dma_wait3A_959 : memref<1x32xf32, #tpu.memory_space<vmem>> -> memref<32xf32, #tpu.memory_space<vmem>>
      %dma_wait3A_961 = tpu.memref_slice %arg9[%add3A_947] : memref<9216xf32, #tpu.memory_space<hbm>> -> memref<32xf32, #tpu.memory_space<hbm>>
      %dma_wait3A_962 = tpu.memref_slice %arg9[%add3A_947] : memref<9216xf32, #tpu.memory_space<hbm>> -> memref<32xf32, #tpu.memory_space<hbm>>
      %dma_wait3A_963 = arith.constant 0 : i32
      %dma_wait3A_964 = tpu.memref_slice %arg22[%run_scoped3A_948, %dma_wait3A_963] : memref<9x32xf32, #tpu.memory_space<vmem>> -> memref<1x32xf32, #tpu.memory_space<vmem>>
      %dma_wait3A_965 = tpu.memref_squeeze %dma_wait3A_964 : memref<1x32xf32, #tpu.memory_space<vmem>> -> memref<32xf32, #tpu.memory_space<vmem>>
      tpu.wait_dma2 semaphore(%run_scoped3A_949 : memref<!tpu.dma_semaphore, #tpu.memory_space<semaphore_mem>>) src(%dma_wait3A_965 : memref<32xf32, #tpu.memory_space<vmem>>) dst(%dma_wait3A_962 : memref<32xf32, #tpu.memory_space<hbm>>)
      tpu.yield
    }) : () -> ()
    return
  }
}

module attributes {stable_mosaic.version = 14 : i64} {
  func.func @_topk_body(%arg0: i32, %arg1: memref<8x8x256x256xf32, #tpu.memory_space<any>>, %arg2: memref<8x1x128xf32, #tpu.memory_space<vmem>>, %arg3: memref<8x1x128xi32, #tpu.memory_space<vmem>>, %arg4: memref<2048x256xf32, #tpu.memory_space<vmem>>, %arg5: memref<128x256xf32, #tpu.memory_space<vmem>>, %arg6: memref<128x256xi32, #tpu.memory_space<vmem>>, %arg7: memref<16x256xf32, #tpu.memory_space<vmem>>, %arg8: memref<16x256xi32, #tpu.memory_space<vmem>>, %arg9: memref<2048x256xf32, #tpu.memory_space<vmem>>, %arg10: memref<128x256xf32, #tpu.memory_space<vmem>>, %arg11: memref<128x256xi32, #tpu.memory_space<vmem>>, %arg12: memref<16x256xf32, #tpu.memory_space<vmem>>, %arg13: memref<16x256xi32, #tpu.memory_space<vmem>>, %arg14: memref<2048x256xf32, #tpu.memory_space<vmem>>, %arg15: memref<128x256xf32, #tpu.memory_space<vmem>>, %arg16: memref<128x256xi32, #tpu.memory_space<vmem>>, %arg17: memref<16x256xf32, #tpu.memory_space<vmem>>, %arg18: memref<16x256xi32, #tpu.memory_space<vmem>>, %arg19: memref<2048x256xf32, #tpu.memory_space<vmem>>, %arg20: memref<128x256xf32, #tpu.memory_space<vmem>>, %arg21: memref<128x256xi32, #tpu.memory_space<vmem>>, %arg22: memref<16x256xf32, #tpu.memory_space<vmem>>, %arg23: memref<16x256xi32, #tpu.memory_space<vmem>>, %arg24: memref<2048x256xf32, #tpu.memory_space<vmem>>, %arg25: memref<128x256xf32, #tpu.memory_space<vmem>>, %arg26: memref<128x256xi32, #tpu.memory_space<vmem>>, %arg27: memref<16x256xf32, #tpu.memory_space<vmem>>, %arg28: memref<16x256xi32, #tpu.memory_space<vmem>>, %arg29: memref<2048x256xf32, #tpu.memory_space<vmem>>, %arg30: memref<128x256xf32, #tpu.memory_space<vmem>>, %arg31: memref<128x256xi32, #tpu.memory_space<vmem>>, %arg32: memref<16x256xf32, #tpu.memory_space<vmem>>, %arg33: memref<16x256xi32, #tpu.memory_space<vmem>>, %arg34: memref<2048x256xf32, #tpu.memory_space<vmem>>, %arg35: memref<128x256xf32, #tpu.memory_space<vmem>>, %arg36: memref<128x256xi32, #tpu.memory_space<vmem>>, %arg37: memref<16x256xf32, #tpu.memory_space<vmem>>, %arg38: memref<16x256xi32, #tpu.memory_space<vmem>>, %arg39: memref<2048x256xf32, #tpu.memory_space<vmem>>, %arg40: memref<128x256xf32, #tpu.memory_space<vmem>>, %arg41: memref<128x256xi32, #tpu.memory_space<vmem>>, %arg42: memref<16x256xf32, #tpu.memory_space<vmem>>, %arg43: memref<16x256xi32, #tpu.memory_space<vmem>>, %arg44: memref<2x8x256x256xf32, #tpu.memory_space<vmem>>, %arg45: memref<2x!tpu.dma_semaphore, #tpu.memory_space<semaphore_mem>>) attributes {dimension_semantics = [#tpu.dimension_semantics<arbitrary>], iteration_bounds = array<i64: 1>, scalar_prefetch = 0 : i64, scratch_operands = 42 : i64, tpu.core_type = #tpu.core_type<tc>, window_params = [{}, {pipeline_mode = #tpu.pipeline_mode<synchronous>, transform_indices = @transform_1, window_bounds = array<i64: 8, 1, 128>}, {pipeline_mode = #tpu.pipeline_mode<synchronous>, transform_indices = @transform_2, window_bounds = array<i64: 8, 1, 128>}]} {
    %iota3A = tpu.iota {dimensions = array<i32: 0>} : vector<2048x256xi32>
    %mul3A = arith.constant 256 : i32
    %mul3A_0 = vector.broadcast %mul3A : i32 to vector<2048x256xi32>
    %mul3A_1 = arith.muli %iota3A, %mul3A_0 : vector<2048x256xi32>
    %iota3A_2 = tpu.iota {dimensions = array<i32: 1>} : vector<2048x256xi32>
    %add3A = arith.addi %mul3A_1, %iota3A_2 : vector<2048x256xi32>
    %reshape3A = vector.shape_cast %add3A : vector<2048x256xi32> to vector<128x16x256xi32>
    %dma_start3A = arith.constant 0 : i32
    %dma_start3A_3 = arith.constant 0 : i32
    %dma_start3A_4 = arith.constant 0 : i32
    %dma_start3A_5 = tpu.memref_slice %arg45[%dma_start3A_4] : memref<2x!tpu.dma_semaphore, #tpu.memory_space<semaphore_mem>> -> memref<1x!tpu.dma_semaphore, #tpu.memory_space<semaphore_mem>>
    %dma_start3A_6 = tpu.memref_squeeze %dma_start3A_5 : memref<1x!tpu.dma_semaphore, #tpu.memory_space<semaphore_mem>> -> memref<!tpu.dma_semaphore, #tpu.memory_space<semaphore_mem>>
    %dma_start3A_7 = arith.constant 0 : i32
    %dma_start3A_8 = arith.constant 0 : i32
    %dma_start3A_9 = arith.constant 0 : i32
    %dma_start3A_10 = tpu.memref_slice %arg44[%dma_start3A_3, %dma_start3A_7, %dma_start3A_8, %dma_start3A_9] : memref<2x8x256x256xf32, #tpu.memory_space<vmem>> -> memref<1x8x256x256xf32, #tpu.memory_space<vmem>>
    %dma_start3A_11 = tpu.memref_squeeze %dma_start3A_10 : memref<1x8x256x256xf32, #tpu.memory_space<vmem>> -> memref<8x256x256xf32, #tpu.memory_space<vmem>>
    %dma_start3A_12 = arith.constant 0 : i32
    %dma_start3A_13 = arith.constant 0 : i32
    %dma_start3A_14 = arith.constant 0 : i32
    %dma_start3A_15 = tpu.memref_slice %arg1[%dma_start3A, %dma_start3A_12, %dma_start3A_13, %dma_start3A_14] : memref<8x8x256x256xf32, #tpu.memory_space<any>> -> memref<1x8x256x256xf32, #tpu.memory_space<any>>
    %dma_start3A_16 = tpu.memref_squeeze %dma_start3A_15 : memref<1x8x256x256xf32, #tpu.memory_space<any>> -> memref<8x256x256xf32, #tpu.memory_space<any>>
    tpu.enqueue_dma source(%dma_start3A_16 : memref<8x256x256xf32, #tpu.memory_space<any>>) target(%dma_start3A_11 : memref<8x256x256xf32, #tpu.memory_space<vmem>>) target_semaphore(%dma_start3A_6 : memref<!tpu.dma_semaphore, #tpu.memory_space<semaphore_mem>>)
    %dma_start3A_17 = arith.constant 1 : i32
    %dma_start3A_18 = arith.constant 1 : i32
    %dma_start3A_19 = arith.constant 1 : i32
    %dma_start3A_20 = tpu.memref_slice %arg45[%dma_start3A_19] : memref<2x!tpu.dma_semaphore, #tpu.memory_space<semaphore_mem>> -> memref<1x!tpu.dma_semaphore, #tpu.memory_space<semaphore_mem>>
    %dma_start3A_21 = tpu.memref_squeeze %dma_start3A_20 : memref<1x!tpu.dma_semaphore, #tpu.memory_space<semaphore_mem>> -> memref<!tpu.dma_semaphore, #tpu.memory_space<semaphore_mem>>
    %dma_start3A_22 = arith.constant 0 : i32
    %dma_start3A_23 = arith.constant 0 : i32
    %dma_start3A_24 = arith.constant 0 : i32
    %dma_start3A_25 = tpu.memref_slice %arg44[%dma_start3A_18, %dma_start3A_22, %dma_start3A_23, %dma_start3A_24] : memref<2x8x256x256xf32, #tpu.memory_space<vmem>> -> memref<1x8x256x256xf32, #tpu.memory_space<vmem>>
    %dma_start3A_26 = tpu.memref_squeeze %dma_start3A_25 : memref<1x8x256x256xf32, #tpu.memory_space<vmem>> -> memref<8x256x256xf32, #tpu.memory_space<vmem>>
    %dma_start3A_27 = arith.constant 0 : i32
    %dma_start3A_28 = arith.constant 0 : i32
    %dma_start3A_29 = arith.constant 0 : i32
    %dma_start3A_30 = tpu.memref_slice %arg1[%dma_start3A_17, %dma_start3A_27, %dma_start3A_28, %dma_start3A_29] : memref<8x8x256x256xf32, #tpu.memory_space<any>> -> memref<1x8x256x256xf32, #tpu.memory_space<any>>
    %dma_start3A_31 = tpu.memref_squeeze %dma_start3A_30 : memref<1x8x256x256xf32, #tpu.memory_space<any>> -> memref<8x256x256xf32, #tpu.memory_space<any>>
    tpu.enqueue_dma source(%dma_start3A_31 : memref<8x256x256xf32, #tpu.memory_space<any>>) target(%dma_start3A_26 : memref<8x256x256xf32, #tpu.memory_space<vmem>>) target_semaphore(%dma_start3A_21 : memref<!tpu.dma_semaphore, #tpu.memory_space<semaphore_mem>>)
    %dma_wait3A = arith.constant 0 : i32
    %dma_wait3A_32 = arith.constant 0 : i32
    %dma_wait3A_33 = arith.constant 0 : i32
    %dma_wait3A_34 = tpu.memref_slice %arg45[%dma_wait3A_33] : memref<2x!tpu.dma_semaphore, #tpu.memory_space<semaphore_mem>> -> memref<1x!tpu.dma_semaphore, #tpu.memory_space<semaphore_mem>>
    %dma_wait3A_35 = tpu.memref_squeeze %dma_wait3A_34 : memref<1x!tpu.dma_semaphore, #tpu.memory_space<semaphore_mem>> -> memref<!tpu.dma_semaphore, #tpu.memory_space<semaphore_mem>>
    %dma_wait3A_36 = arith.constant 0 : i32
    %dma_wait3A_37 = arith.constant 0 : i32
    %dma_wait3A_38 = arith.constant 0 : i32
    %dma_wait3A_39 = tpu.memref_slice %arg44[%dma_wait3A_32, %dma_wait3A_36, %dma_wait3A_37, %dma_wait3A_38] : memref<2x8x256x256xf32, #tpu.memory_space<vmem>> -> memref<1x8x256x256xf32, #tpu.memory_space<vmem>>
    %dma_wait3A_40 = tpu.memref_squeeze %dma_wait3A_39 : memref<1x8x256x256xf32, #tpu.memory_space<vmem>> -> memref<8x256x256xf32, #tpu.memory_space<vmem>>
    %dma_wait3A_41 = arith.constant 0 : i32
    %dma_wait3A_42 = arith.constant 0 : i32
    %dma_wait3A_43 = arith.constant 0 : i32
    %dma_wait3A_44 = tpu.memref_slice %arg1[%dma_wait3A, %dma_wait3A_41, %dma_wait3A_42, %dma_wait3A_43] : memref<8x8x256x256xf32, #tpu.memory_space<any>> -> memref<1x8x256x256xf32, #tpu.memory_space<any>>
    %dma_wait3A_45 = tpu.memref_squeeze %dma_wait3A_44 : memref<1x8x256x256xf32, #tpu.memory_space<any>> -> memref<8x256x256xf32, #tpu.memory_space<any>>
    tpu.wait_dma2 semaphore(%dma_wait3A_35 : memref<!tpu.dma_semaphore, #tpu.memory_space<semaphore_mem>>) src(%dma_wait3A_45 : memref<8x256x256xf32, #tpu.memory_space<any>>) dst(%dma_wait3A_40 : memref<8x256x256xf32, #tpu.memory_space<vmem>>)
    %get3A = arith.constant 0 : index
    %get3A_46 = arith.constant 0 : index
    %get3A_47 = arith.constant 0 : index
    %get3A_48 = arith.constant 0 : index
    %get3A_49 = vector.load %arg44[%get3A, %get3A_46, %get3A_47, %get3A_48] : memref<2x8x256x256xf32, #tpu.memory_space<vmem>>, vector<1x8x256x256xf32>
    %get3A_50 = vector.shape_cast %get3A_49 : vector<1x8x256x256xf32> to vector<8x256x256xf32>
    %broadcast_in_dim3A = arith.constant 0xFF800000 : f32
    %broadcast_in_dim3A_51 = vector.broadcast %broadcast_in_dim3A : f32 to vector<8x256x1xf32>
    %slice3A = vector.extract_strided_slice %get3A_50 {offsets = [0, 0, 0], sizes = [8, 256, 255], strides = [1, 1, 1]} : vector<8x256x256xf32> to vector<8x256x255xf32>
    %concatenate3A = tpu.concatenate %broadcast_in_dim3A_51, %slice3A in 2 : vector<8x256x1xf32>, vector<8x256x255xf32> -> vector<8x256x256xf32>
    %slice3A_52 = vector.extract_strided_slice %get3A_50 {offsets = [0, 0, 1], sizes = [8, 256, 255], strides = [1, 1, 1]} : vector<8x256x256xf32> to vector<8x256x255xf32>
    %concatenate3A_53 = tpu.concatenate %slice3A_52, %broadcast_in_dim3A_51 in 2 : vector<8x256x255xf32>, vector<8x256x1xf32> -> vector<8x256x256xf32>
    %max3A = arith.maximumf %concatenate3A, %concatenate3A_53 : vector<8x256x256xf32>
    %max3A_54 = arith.maximumf %max3A, %get3A_50 : vector<8x256x256xf32>
    %broadcast_in_dim3A_55 = arith.constant 0xFF800000 : f32
    %broadcast_in_dim3A_56 = vector.broadcast %broadcast_in_dim3A_55 : f32 to vector<8x1x256xf32>
    %slice3A_57 = vector.extract_strided_slice %max3A_54 {offsets = [0, 0, 0], sizes = [8, 255, 256], strides = [1, 1, 1]} : vector<8x256x256xf32> to vector<8x255x256xf32>
    %concatenate3A_58 = tpu.concatenate %broadcast_in_dim3A_56, %slice3A_57 in 1 : vector<8x1x256xf32>, vector<8x255x256xf32> -> vector<8x256x256xf32>
    %slice3A_59 = vector.extract_strided_slice %max3A_54 {offsets = [0, 1, 0], sizes = [8, 255, 256], strides = [1, 1, 1]} : vector<8x256x256xf32> to vector<8x255x256xf32>
    %concatenate3A_60 = tpu.concatenate %slice3A_59, %broadcast_in_dim3A_56 in 1 : vector<8x255x256xf32>, vector<8x1x256xf32> -> vector<8x256x256xf32>
    %max3A_61 = arith.maximumf %concatenate3A_58, %concatenate3A_60 : vector<8x256x256xf32>
    %max3A_62 = arith.maximumf %max3A_61, %max3A_54 : vector<8x256x256xf32>
    %eq3A = arith.cmpf oeq, %max3A_62, %get3A_50 : vector<8x256x256xf32>
    %jit3A = arith.constant 0.000000e+00 : f32
    %broadcast_in_dim3A_63 = vector.broadcast %jit3A : f32 to vector<8x256x256xf32>
    %select_n3A = arith.select %eq3A, %get3A_50, %broadcast_in_dim3A_63 : vector<8x256x256xi1>, vector<8x256x256xf32>
    %reshape3A_64 = vector.shape_cast %select_n3A : vector<8x256x256xf32> to vector<2048x256xf32>
    %swap3A = arith.constant 0 : index
    %swap3A_65 = arith.constant 0 : index
    %swap3A_66 = vector.load %arg4[%swap3A, %swap3A_65] : memref<2048x256xf32, #tpu.memory_space<vmem>>, vector<2048x256xf32>
    tpu.vector_store %arg4[%swap3A, %swap3A_65], %reshape3A_64 {strides = array<i32>} : memref<2048x256xf32, #tpu.memory_space<vmem>>, vector<2048x256xf32>,
    %reshape3A_67 = vector.shape_cast %reshape3A_64 : vector<2048x256xf32> to vector<128x16x256xf32>
    %reduce_max3A = arith.constant dense<0xFF800000> : vector<128x256xf32>
    %reduce_max3A_68 = vector.multi_reduction <maximumf>, %reshape3A_67, %reduce_max3A [1] : vector<128x16x256xf32> to vector<128x256xf32>
    %broadcast_in_dim3A_69 = vector.shape_cast %reduce_max3A_68 : vector<128x256xf32> to vector<128x1x256xf32>
    %eq3A_70 = vector.broadcast %broadcast_in_dim3A_69 : vector<128x1x256xf32> to vector<128x16x256xf32>
    %eq3A_71 = arith.cmpf oeq, %reshape3A_67, %eq3A_70 : vector<128x16x256xf32>
    %jit3A_72 = arith.constant 2147483647 : i32
    %broadcast_in_dim3A_73 = vector.broadcast %jit3A_72 : i32 to vector<128x16x256xi32>
    %select_n3A_74 = arith.select %eq3A_71, %reshape3A, %broadcast_in_dim3A_73 : vector<128x16x256xi1>, vector<128x16x256xi32>
    %reduce_min3A = arith.constant dense<2147483647> : vector<128x256xi32>
    %reduce_min3A_75 = vector.multi_reduction <minsi>, %select_n3A_74, %reduce_min3A [1] : vector<128x16x256xi32> to vector<128x256xi32>
    %swap3A_76 = arith.constant 0 : index
    %swap3A_77 = arith.constant 0 : index
    %swap3A_78 = vector.load %arg5[%swap3A_76, %swap3A_77] : memref<128x256xf32, #tpu.memory_space<vmem>>, vector<128x256xf32>
    tpu.vector_store %arg5[%swap3A_76, %swap3A_77], %reduce_max3A_68 {strides = array<i32>} : memref<128x256xf32, #tpu.memory_space<vmem>>, vector<128x256xf32>,
    %swap3A_79 = arith.constant 0 : index
    %swap3A_80 = arith.constant 0 : index
    %swap3A_81 = vector.load %arg6[%swap3A_79, %swap3A_80] : memref<128x256xi32, #tpu.memory_space<vmem>>, vector<128x256xi32>
    tpu.vector_store %arg6[%swap3A_79, %swap3A_80], %reduce_min3A_75 {strides = array<i32>} : memref<128x256xi32, #tpu.memory_space<vmem>>, vector<128x256xi32>,
    %reshape3A_82 = vector.shape_cast %reduce_max3A_68 : vector<128x256xf32> to vector<16x8x256xf32>
    %reshape3A_83 = vector.shape_cast %reduce_min3A_75 : vector<128x256xi32> to vector<16x8x256xi32>
    %reduce_max3A_84 = arith.constant dense<0xFF800000> : vector<16x256xf32>
    %reduce_max3A_85 = vector.multi_reduction <maximumf>, %reshape3A_82, %reduce_max3A_84 [1] : vector<16x8x256xf32> to vector<16x256xf32>
    %broadcast_in_dim3A_86 = vector.shape_cast %reduce_max3A_85 : vector<16x256xf32> to vector<16x1x256xf32>
    %eq3A_87 = vector.broadcast %broadcast_in_dim3A_86 : vector<16x1x256xf32> to vector<16x8x256xf32>
    %eq3A_88 = arith.cmpf oeq, %reshape3A_82, %eq3A_87 : vector<16x8x256xf32>
    %jit3A_89 = arith.constant 2147483647 : i32
    %broadcast_in_dim3A_90 = vector.broadcast %jit3A_89 : i32 to vector<16x8x256xi32>
    %select_n3A_91 = arith.select %eq3A_88, %reshape3A_83, %broadcast_in_dim3A_90 : vector<16x8x256xi1>, vector<16x8x256xi32>
    %reduce_min3A_92 = arith.constant dense<2147483647> : vector<16x256xi32>
    %reduce_min3A_93 = vector.multi_reduction <minsi>, %select_n3A_91, %reduce_min3A_92 [1] : vector<16x8x256xi32> to vector<16x256xi32>
    %swap3A_94 = arith.constant 0 : index
    %swap3A_95 = arith.constant 0 : index
    %swap3A_96 = vector.load %arg7[%swap3A_94, %swap3A_95] : memref<16x256xf32, #tpu.memory_space<vmem>>, vector<16x256xf32>
    tpu.vector_store %arg7[%swap3A_94, %swap3A_95], %reduce_max3A_85 {strides = array<i32>} : memref<16x256xf32, #tpu.memory_space<vmem>>, vector<16x256xf32>,
    %swap3A_97 = arith.constant 0 : index
    %swap3A_98 = arith.constant 0 : index
    %swap3A_99 = vector.load %arg8[%swap3A_97, %swap3A_98] : memref<16x256xi32, #tpu.memory_space<vmem>>, vector<16x256xi32>
    tpu.vector_store %arg8[%swap3A_97, %swap3A_98], %reduce_min3A_93 {strides = array<i32>} : memref<16x256xi32, #tpu.memory_space<vmem>>, vector<16x256xi32>,
    %dma_start3A_100 = arith.constant 2 : i32
    %dma_start3A_101 = arith.constant 0 : i32
    %dma_start3A_102 = arith.constant 0 : i32
    %dma_start3A_103 = tpu.memref_slice %arg45[%dma_start3A_102] : memref<2x!tpu.dma_semaphore, #tpu.memory_space<semaphore_mem>> -> memref<1x!tpu.dma_semaphore, #tpu.memory_space<semaphore_mem>>
    %dma_start3A_104 = tpu.memref_squeeze %dma_start3A_103 : memref<1x!tpu.dma_semaphore, #tpu.memory_space<semaphore_mem>> -> memref<!tpu.dma_semaphore, #tpu.memory_space<semaphore_mem>>
    %dma_start3A_105 = arith.constant 0 : i32
    %dma_start3A_106 = arith.constant 0 : i32
    %dma_start3A_107 = arith.constant 0 : i32
    %dma_start3A_108 = tpu.memref_slice %arg44[%dma_start3A_101, %dma_start3A_105, %dma_start3A_106, %dma_start3A_107] : memref<2x8x256x256xf32, #tpu.memory_space<vmem>> -> memref<1x8x256x256xf32, #tpu.memory_space<vmem>>
    %dma_start3A_109 = tpu.memref_squeeze %dma_start3A_108 : memref<1x8x256x256xf32, #tpu.memory_space<vmem>> -> memref<8x256x256xf32, #tpu.memory_space<vmem>>
    %dma_start3A_110 = arith.constant 0 : i32
    %dma_start3A_111 = arith.constant 0 : i32
    %dma_start3A_112 = arith.constant 0 : i32
    %dma_start3A_113 = tpu.memref_slice %arg1[%dma_start3A_100, %dma_start3A_110, %dma_start3A_111, %dma_start3A_112] : memref<8x8x256x256xf32, #tpu.memory_space<any>> -> memref<1x8x256x256xf32, #tpu.memory_space<any>>
    %dma_start3A_114 = tpu.memref_squeeze %dma_start3A_113 : memref<1x8x256x256xf32, #tpu.memory_space<any>> -> memref<8x256x256xf32, #tpu.memory_space<any>>
    tpu.enqueue_dma source(%dma_start3A_114 : memref<8x256x256xf32, #tpu.memory_space<any>>) target(%dma_start3A_109 : memref<8x256x256xf32, #tpu.memory_space<vmem>>) target_semaphore(%dma_start3A_104 : memref<!tpu.dma_semaphore, #tpu.memory_space<semaphore_mem>>)
    %dma_wait3A_115 = arith.constant 1 : i32
    %dma_wait3A_116 = arith.constant 1 : i32
    %dma_wait3A_117 = arith.constant 1 : i32
    %dma_wait3A_118 = tpu.memref_slice %arg45[%dma_wait3A_117] : memref<2x!tpu.dma_semaphore, #tpu.memory_space<semaphore_mem>> -> memref<1x!tpu.dma_semaphore, #tpu.memory_space<semaphore_mem>>
    %dma_wait3A_119 = tpu.memref_squeeze %dma_wait3A_118 : memref<1x!tpu.dma_semaphore, #tpu.memory_space<semaphore_mem>> -> memref<!tpu.dma_semaphore, #tpu.memory_space<semaphore_mem>>
    %dma_wait3A_120 = arith.constant 0 : i32
    %dma_wait3A_121 = arith.constant 0 : i32
    %dma_wait3A_122 = arith.constant 0 : i32
    %dma_wait3A_123 = tpu.memref_slice %arg44[%dma_wait3A_116, %dma_wait3A_120, %dma_wait3A_121, %dma_wait3A_122] : memref<2x8x256x256xf32, #tpu.memory_space<vmem>> -> memref<1x8x256x256xf32, #tpu.memory_space<vmem>>
    %dma_wait3A_124 = tpu.memref_squeeze %dma_wait3A_123 : memref<1x8x256x256xf32, #tpu.memory_space<vmem>> -> memref<8x256x256xf32, #tpu.memory_space<vmem>>
    %dma_wait3A_125 = arith.constant 0 : i32
    %dma_wait3A_126 = arith.constant 0 : i32
    %dma_wait3A_127 = arith.constant 0 : i32
    %dma_wait3A_128 = tpu.memref_slice %arg1[%dma_wait3A_115, %dma_wait3A_125, %dma_wait3A_126, %dma_wait3A_127] : memref<8x8x256x256xf32, #tpu.memory_space<any>> -> memref<1x8x256x256xf32, #tpu.memory_space<any>>
    %dma_wait3A_129 = tpu.memref_squeeze %dma_wait3A_128 : memref<1x8x256x256xf32, #tpu.memory_space<any>> -> memref<8x256x256xf32, #tpu.memory_space<any>>
    tpu.wait_dma2 semaphore(%dma_wait3A_119 : memref<!tpu.dma_semaphore, #tpu.memory_space<semaphore_mem>>) src(%dma_wait3A_129 : memref<8x256x256xf32, #tpu.memory_space<any>>) dst(%dma_wait3A_124 : memref<8x256x256xf32, #tpu.memory_space<vmem>>)
    %get3A_130 = arith.constant 1 : index
    %get3A_131 = arith.constant 0 : index
    %get3A_132 = arith.constant 0 : index
    %get3A_133 = arith.constant 0 : index
    %get3A_134 = vector.load %arg44[%get3A_130, %get3A_131, %get3A_132, %get3A_133] : memref<2x8x256x256xf32, #tpu.memory_space<vmem>>, vector<1x8x256x256xf32>
    %get3A_135 = vector.shape_cast %get3A_134 : vector<1x8x256x256xf32> to vector<8x256x256xf32>
    %broadcast_in_dim3A_136 = arith.constant 0xFF800000 : f32
    %broadcast_in_dim3A_137 = vector.broadcast %broadcast_in_dim3A_136 : f32 to vector<8x256x1xf32>
    %slice3A_138 = vector.extract_strided_slice %get3A_135 {offsets = [0, 0, 0], sizes = [8, 256, 255], strides = [1, 1, 1]} : vector<8x256x256xf32> to vector<8x256x255xf32>
    %concatenate3A_139 = tpu.concatenate %broadcast_in_dim3A_137, %slice3A_138 in 2 : vector<8x256x1xf32>, vector<8x256x255xf32> -> vector<8x256x256xf32>
    %slice3A_140 = vector.extract_strided_slice %get3A_135 {offsets = [0, 0, 1], sizes = [8, 256, 255], strides = [1, 1, 1]} : vector<8x256x256xf32> to vector<8x256x255xf32>
    %concatenate3A_141 = tpu.concatenate %slice3A_140, %broadcast_in_dim3A_137 in 2 : vector<8x256x255xf32>, vector<8x256x1xf32> -> vector<8x256x256xf32>
    %max3A_142 = arith.maximumf %concatenate3A_139, %concatenate3A_141 : vector<8x256x256xf32>
    %max3A_143 = arith.maximumf %max3A_142, %get3A_135 : vector<8x256x256xf32>
    %broadcast_in_dim3A_144 = arith.constant 0xFF800000 : f32
    %broadcast_in_dim3A_145 = vector.broadcast %broadcast_in_dim3A_144 : f32 to vector<8x1x256xf32>
    %slice3A_146 = vector.extract_strided_slice %max3A_143 {offsets = [0, 0, 0], sizes = [8, 255, 256], strides = [1, 1, 1]} : vector<8x256x256xf32> to vector<8x255x256xf32>
    %concatenate3A_147 = tpu.concatenate %broadcast_in_dim3A_145, %slice3A_146 in 1 : vector<8x1x256xf32>, vector<8x255x256xf32> -> vector<8x256x256xf32>
    %slice3A_148 = vector.extract_strided_slice %max3A_143 {offsets = [0, 1, 0], sizes = [8, 255, 256], strides = [1, 1, 1]} : vector<8x256x256xf32> to vector<8x255x256xf32>
    %concatenate3A_149 = tpu.concatenate %slice3A_148, %broadcast_in_dim3A_145 in 1 : vector<8x255x256xf32>, vector<8x1x256xf32> -> vector<8x256x256xf32>
    %max3A_150 = arith.maximumf %concatenate3A_147, %concatenate3A_149 : vector<8x256x256xf32>
    %max3A_151 = arith.maximumf %max3A_150, %max3A_143 : vector<8x256x256xf32>
    %eq3A_152 = arith.cmpf oeq, %max3A_151, %get3A_135 : vector<8x256x256xf32>
    %jit3A_153 = arith.constant 0.000000e+00 : f32
    %broadcast_in_dim3A_154 = vector.broadcast %jit3A_153 : f32 to vector<8x256x256xf32>
    %select_n3A_155 = arith.select %eq3A_152, %get3A_135, %broadcast_in_dim3A_154 : vector<8x256x256xi1>, vector<8x256x256xf32>
    %reshape3A_156 = vector.shape_cast %select_n3A_155 : vector<8x256x256xf32> to vector<2048x256xf32>
    %swap3A_157 = arith.constant 0 : index
    %swap3A_158 = arith.constant 0 : index
    %swap3A_159 = vector.load %arg9[%swap3A_157, %swap3A_158] : memref<2048x256xf32, #tpu.memory_space<vmem>>, vector<2048x256xf32>
    tpu.vector_store %arg9[%swap3A_157, %swap3A_158], %reshape3A_156 {strides = array<i32>} : memref<2048x256xf32, #tpu.memory_space<vmem>>, vector<2048x256xf32>,
    %reshape3A_160 = vector.shape_cast %reshape3A_156 : vector<2048x256xf32> to vector<128x16x256xf32>
    %reduce_max3A_161 = arith.constant dense<0xFF800000> : vector<128x256xf32>
    %reduce_max3A_162 = vector.multi_reduction <maximumf>, %reshape3A_160, %reduce_max3A_161 [1] : vector<128x16x256xf32> to vector<128x256xf32>
    %broadcast_in_dim3A_163 = vector.shape_cast %reduce_max3A_162 : vector<128x256xf32> to vector<128x1x256xf32>
    %eq3A_164 = vector.broadcast %broadcast_in_dim3A_163 : vector<128x1x256xf32> to vector<128x16x256xf32>
    %eq3A_165 = arith.cmpf oeq, %reshape3A_160, %eq3A_164 : vector<128x16x256xf32>
    %jit3A_166 = arith.constant 2147483647 : i32
    %broadcast_in_dim3A_167 = vector.broadcast %jit3A_166 : i32 to vector<128x16x256xi32>
    %select_n3A_168 = arith.select %eq3A_165, %reshape3A, %broadcast_in_dim3A_167 : vector<128x16x256xi1>, vector<128x16x256xi32>
    %reduce_min3A_169 = arith.constant dense<2147483647> : vector<128x256xi32>
    %reduce_min3A_170 = vector.multi_reduction <minsi>, %select_n3A_168, %reduce_min3A_169 [1] : vector<128x16x256xi32> to vector<128x256xi32>
    %swap3A_171 = arith.constant 0 : index
    %swap3A_172 = arith.constant 0 : index
    %swap3A_173 = vector.load %arg10[%swap3A_171, %swap3A_172] : memref<128x256xf32, #tpu.memory_space<vmem>>, vector<128x256xf32>
    tpu.vector_store %arg10[%swap3A_171, %swap3A_172], %reduce_max3A_162 {strides = array<i32>} : memref<128x256xf32, #tpu.memory_space<vmem>>, vector<128x256xf32>,
    %swap3A_174 = arith.constant 0 : index
    %swap3A_175 = arith.constant 0 : index
    %swap3A_176 = vector.load %arg11[%swap3A_174, %swap3A_175] : memref<128x256xi32, #tpu.memory_space<vmem>>, vector<128x256xi32>
    tpu.vector_store %arg11[%swap3A_174, %swap3A_175], %reduce_min3A_170 {strides = array<i32>} : memref<128x256xi32, #tpu.memory_space<vmem>>, vector<128x256xi32>,
    %reshape3A_177 = vector.shape_cast %reduce_max3A_162 : vector<128x256xf32> to vector<16x8x256xf32>
    %reshape3A_178 = vector.shape_cast %reduce_min3A_170 : vector<128x256xi32> to vector<16x8x256xi32>
    %reduce_max3A_179 = arith.constant dense<0xFF800000> : vector<16x256xf32>
    %reduce_max3A_180 = vector.multi_reduction <maximumf>, %reshape3A_177, %reduce_max3A_179 [1] : vector<16x8x256xf32> to vector<16x256xf32>
    %broadcast_in_dim3A_181 = vector.shape_cast %reduce_max3A_180 : vector<16x256xf32> to vector<16x1x256xf32>
    %eq3A_182 = vector.broadcast %broadcast_in_dim3A_181 : vector<16x1x256xf32> to vector<16x8x256xf32>
    %eq3A_183 = arith.cmpf oeq, %reshape3A_177, %eq3A_182 : vector<16x8x256xf32>
    %jit3A_184 = arith.constant 2147483647 : i32
    %broadcast_in_dim3A_185 = vector.broadcast %jit3A_184 : i32 to vector<16x8x256xi32>
    %select_n3A_186 = arith.select %eq3A_183, %reshape3A_178, %broadcast_in_dim3A_185 : vector<16x8x256xi1>, vector<16x8x256xi32>
    %reduce_min3A_187 = arith.constant dense<2147483647> : vector<16x256xi32>
    %reduce_min3A_188 = vector.multi_reduction <minsi>, %select_n3A_186, %reduce_min3A_187 [1] : vector<16x8x256xi32> to vector<16x256xi32>
    %swap3A_189 = arith.constant 0 : index
    %swap3A_190 = arith.constant 0 : index
    %swap3A_191 = vector.load %arg12[%swap3A_189, %swap3A_190] : memref<16x256xf32, #tpu.memory_space<vmem>>, vector<16x256xf32>
    tpu.vector_store %arg12[%swap3A_189, %swap3A_190], %reduce_max3A_180 {strides = array<i32>} : memref<16x256xf32, #tpu.memory_space<vmem>>, vector<16x256xf32>,
    %swap3A_192 = arith.constant 0 : index
    %swap3A_193 = arith.constant 0 : index
    %swap3A_194 = vector.load %arg13[%swap3A_192, %swap3A_193] : memref<16x256xi32, #tpu.memory_space<vmem>>, vector<16x256xi32>
    tpu.vector_store %arg13[%swap3A_192, %swap3A_193], %reduce_min3A_188 {strides = array<i32>} : memref<16x256xi32, #tpu.memory_space<vmem>>, vector<16x256xi32>,
    %dma_start3A_195 = arith.constant 3 : i32
    %dma_start3A_196 = arith.constant 1 : i32
    %dma_start3A_197 = arith.constant 1 : i32
    %dma_start3A_198 = tpu.memref_slice %arg45[%dma_start3A_197] : memref<2x!tpu.dma_semaphore, #tpu.memory_space<semaphore_mem>> -> memref<1x!tpu.dma_semaphore, #tpu.memory_space<semaphore_mem>>
    %dma_start3A_199 = tpu.memref_squeeze %dma_start3A_198 : memref<1x!tpu.dma_semaphore, #tpu.memory_space<semaphore_mem>> -> memref<!tpu.dma_semaphore, #tpu.memory_space<semaphore_mem>>
    %dma_start3A_200 = arith.constant 0 : i32
    %dma_start3A_201 = arith.constant 0 : i32
    %dma_start3A_202 = arith.constant 0 : i32
    %dma_start3A_203 = tpu.memref_slice %arg44[%dma_start3A_196, %dma_start3A_200, %dma_start3A_201, %dma_start3A_202] : memref<2x8x256x256xf32, #tpu.memory_space<vmem>> -> memref<1x8x256x256xf32, #tpu.memory_space<vmem>>
    %dma_start3A_204 = tpu.memref_squeeze %dma_start3A_203 : memref<1x8x256x256xf32, #tpu.memory_space<vmem>> -> memref<8x256x256xf32, #tpu.memory_space<vmem>>
    %dma_start3A_205 = arith.constant 0 : i32
    %dma_start3A_206 = arith.constant 0 : i32
    %dma_start3A_207 = arith.constant 0 : i32
    %dma_start3A_208 = tpu.memref_slice %arg1[%dma_start3A_195, %dma_start3A_205, %dma_start3A_206, %dma_start3A_207] : memref<8x8x256x256xf32, #tpu.memory_space<any>> -> memref<1x8x256x256xf32, #tpu.memory_space<any>>
    %dma_start3A_209 = tpu.memref_squeeze %dma_start3A_208 : memref<1x8x256x256xf32, #tpu.memory_space<any>> -> memref<8x256x256xf32, #tpu.memory_space<any>>
    tpu.enqueue_dma source(%dma_start3A_209 : memref<8x256x256xf32, #tpu.memory_space<any>>) target(%dma_start3A_204 : memref<8x256x256xf32, #tpu.memory_space<vmem>>) target_semaphore(%dma_start3A_199 : memref<!tpu.dma_semaphore, #tpu.memory_space<semaphore_mem>>)
    %dma_wait3A_210 = arith.constant 2 : i32
    %dma_wait3A_211 = arith.constant 0 : i32
    %dma_wait3A_212 = arith.constant 0 : i32
    %dma_wait3A_213 = tpu.memref_slice %arg45[%dma_wait3A_212] : memref<2x!tpu.dma_semaphore, #tpu.memory_space<semaphore_mem>> -> memref<1x!tpu.dma_semaphore, #tpu.memory_space<semaphore_mem>>
    %dma_wait3A_214 = tpu.memref_squeeze %dma_wait3A_213 : memref<1x!tpu.dma_semaphore, #tpu.memory_space<semaphore_mem>> -> memref<!tpu.dma_semaphore, #tpu.memory_space<semaphore_mem>>
    %dma_wait3A_215 = arith.constant 0 : i32
    %dma_wait3A_216 = arith.constant 0 : i32
    %dma_wait3A_217 = arith.constant 0 : i32
    %dma_wait3A_218 = tpu.memref_slice %arg44[%dma_wait3A_211, %dma_wait3A_215, %dma_wait3A_216, %dma_wait3A_217] : memref<2x8x256x256xf32, #tpu.memory_space<vmem>> -> memref<1x8x256x256xf32, #tpu.memory_space<vmem>>
    %dma_wait3A_219 = tpu.memref_squeeze %dma_wait3A_218 : memref<1x8x256x256xf32, #tpu.memory_space<vmem>> -> memref<8x256x256xf32, #tpu.memory_space<vmem>>
    %dma_wait3A_220 = arith.constant 0 : i32
    %dma_wait3A_221 = arith.constant 0 : i32
    %dma_wait3A_222 = arith.constant 0 : i32
    %dma_wait3A_223 = tpu.memref_slice %arg1[%dma_wait3A_210, %dma_wait3A_220, %dma_wait3A_221, %dma_wait3A_222] : memref<8x8x256x256xf32, #tpu.memory_space<any>> -> memref<1x8x256x256xf32, #tpu.memory_space<any>>
    %dma_wait3A_224 = tpu.memref_squeeze %dma_wait3A_223 : memref<1x8x256x256xf32, #tpu.memory_space<any>> -> memref<8x256x256xf32, #tpu.memory_space<any>>
    tpu.wait_dma2 semaphore(%dma_wait3A_214 : memref<!tpu.dma_semaphore, #tpu.memory_space<semaphore_mem>>) src(%dma_wait3A_224 : memref<8x256x256xf32, #tpu.memory_space<any>>) dst(%dma_wait3A_219 : memref<8x256x256xf32, #tpu.memory_space<vmem>>)
    %get3A_225 = arith.constant 0 : index
    %get3A_226 = arith.constant 0 : index
    %get3A_227 = arith.constant 0 : index
    %get3A_228 = arith.constant 0 : index
    %get3A_229 = vector.load %arg44[%get3A_225, %get3A_226, %get3A_227, %get3A_228] : memref<2x8x256x256xf32, #tpu.memory_space<vmem>>, vector<1x8x256x256xf32>
    %get3A_230 = vector.shape_cast %get3A_229 : vector<1x8x256x256xf32> to vector<8x256x256xf32>
    %broadcast_in_dim3A_231 = arith.constant 0xFF800000 : f32
    %broadcast_in_dim3A_232 = vector.broadcast %broadcast_in_dim3A_231 : f32 to vector<8x256x1xf32>
    %slice3A_233 = vector.extract_strided_slice %get3A_230 {offsets = [0, 0, 0], sizes = [8, 256, 255], strides = [1, 1, 1]} : vector<8x256x256xf32> to vector<8x256x255xf32>
    %concatenate3A_234 = tpu.concatenate %broadcast_in_dim3A_232, %slice3A_233 in 2 : vector<8x256x1xf32>, vector<8x256x255xf32> -> vector<8x256x256xf32>
    %slice3A_235 = vector.extract_strided_slice %get3A_230 {offsets = [0, 0, 1], sizes = [8, 256, 255], strides = [1, 1, 1]} : vector<8x256x256xf32> to vector<8x256x255xf32>
    %concatenate3A_236 = tpu.concatenate %slice3A_235, %broadcast_in_dim3A_232 in 2 : vector<8x256x255xf32>, vector<8x256x1xf32> -> vector<8x256x256xf32>
    %max3A_237 = arith.maximumf %concatenate3A_234, %concatenate3A_236 : vector<8x256x256xf32>
    %max3A_238 = arith.maximumf %max3A_237, %get3A_230 : vector<8x256x256xf32>
    %broadcast_in_dim3A_239 = arith.constant 0xFF800000 : f32
    %broadcast_in_dim3A_240 = vector.broadcast %broadcast_in_dim3A_239 : f32 to vector<8x1x256xf32>
    %slice3A_241 = vector.extract_strided_slice %max3A_238 {offsets = [0, 0, 0], sizes = [8, 255, 256], strides = [1, 1, 1]} : vector<8x256x256xf32> to vector<8x255x256xf32>
    %concatenate3A_242 = tpu.concatenate %broadcast_in_dim3A_240, %slice3A_241 in 1 : vector<8x1x256xf32>, vector<8x255x256xf32> -> vector<8x256x256xf32>
    %slice3A_243 = vector.extract_strided_slice %max3A_238 {offsets = [0, 1, 0], sizes = [8, 255, 256], strides = [1, 1, 1]} : vector<8x256x256xf32> to vector<8x255x256xf32>
    %concatenate3A_244 = tpu.concatenate %slice3A_243, %broadcast_in_dim3A_240 in 1 : vector<8x255x256xf32>, vector<8x1x256xf32> -> vector<8x256x256xf32>
    %max3A_245 = arith.maximumf %concatenate3A_242, %concatenate3A_244 : vector<8x256x256xf32>
    %max3A_246 = arith.maximumf %max3A_245, %max3A_238 : vector<8x256x256xf32>
    %eq3A_247 = arith.cmpf oeq, %max3A_246, %get3A_230 : vector<8x256x256xf32>
    %jit3A_248 = arith.constant 0.000000e+00 : f32
    %broadcast_in_dim3A_249 = vector.broadcast %jit3A_248 : f32 to vector<8x256x256xf32>
    %select_n3A_250 = arith.select %eq3A_247, %get3A_230, %broadcast_in_dim3A_249 : vector<8x256x256xi1>, vector<8x256x256xf32>
    %reshape3A_251 = vector.shape_cast %select_n3A_250 : vector<8x256x256xf32> to vector<2048x256xf32>
    %swap3A_252 = arith.constant 0 : index
    %swap3A_253 = arith.constant 0 : index
    %swap3A_254 = vector.load %arg14[%swap3A_252, %swap3A_253] : memref<2048x256xf32, #tpu.memory_space<vmem>>, vector<2048x256xf32>
    tpu.vector_store %arg14[%swap3A_252, %swap3A_253], %reshape3A_251 {strides = array<i32>} : memref<2048x256xf32, #tpu.memory_space<vmem>>, vector<2048x256xf32>,
    %reshape3A_255 = vector.shape_cast %reshape3A_251 : vector<2048x256xf32> to vector<128x16x256xf32>
    %reduce_max3A_256 = arith.constant dense<0xFF800000> : vector<128x256xf32>
    %reduce_max3A_257 = vector.multi_reduction <maximumf>, %reshape3A_255, %reduce_max3A_256 [1] : vector<128x16x256xf32> to vector<128x256xf32>
    %broadcast_in_dim3A_258 = vector.shape_cast %reduce_max3A_257 : vector<128x256xf32> to vector<128x1x256xf32>
    %eq3A_259 = vector.broadcast %broadcast_in_dim3A_258 : vector<128x1x256xf32> to vector<128x16x256xf32>
    %eq3A_260 = arith.cmpf oeq, %reshape3A_255, %eq3A_259 : vector<128x16x256xf32>
    %jit3A_261 = arith.constant 2147483647 : i32
    %broadcast_in_dim3A_262 = vector.broadcast %jit3A_261 : i32 to vector<128x16x256xi32>
    %select_n3A_263 = arith.select %eq3A_260, %reshape3A, %broadcast_in_dim3A_262 : vector<128x16x256xi1>, vector<128x16x256xi32>
    %reduce_min3A_264 = arith.constant dense<2147483647> : vector<128x256xi32>
    %reduce_min3A_265 = vector.multi_reduction <minsi>, %select_n3A_263, %reduce_min3A_264 [1] : vector<128x16x256xi32> to vector<128x256xi32>
    %swap3A_266 = arith.constant 0 : index
    %swap3A_267 = arith.constant 0 : index
    %swap3A_268 = vector.load %arg15[%swap3A_266, %swap3A_267] : memref<128x256xf32, #tpu.memory_space<vmem>>, vector<128x256xf32>
    tpu.vector_store %arg15[%swap3A_266, %swap3A_267], %reduce_max3A_257 {strides = array<i32>} : memref<128x256xf32, #tpu.memory_space<vmem>>, vector<128x256xf32>,
    %swap3A_269 = arith.constant 0 : index
    %swap3A_270 = arith.constant 0 : index
    %swap3A_271 = vector.load %arg16[%swap3A_269, %swap3A_270] : memref<128x256xi32, #tpu.memory_space<vmem>>, vector<128x256xi32>
    tpu.vector_store %arg16[%swap3A_269, %swap3A_270], %reduce_min3A_265 {strides = array<i32>} : memref<128x256xi32, #tpu.memory_space<vmem>>, vector<128x256xi32>,
    %reshape3A_272 = vector.shape_cast %reduce_max3A_257 : vector<128x256xf32> to vector<16x8x256xf32>
    %reshape3A_273 = vector.shape_cast %reduce_min3A_265 : vector<128x256xi32> to vector<16x8x256xi32>
    %reduce_max3A_274 = arith.constant dense<0xFF800000> : vector<16x256xf32>
    %reduce_max3A_275 = vector.multi_reduction <maximumf>, %reshape3A_272, %reduce_max3A_274 [1] : vector<16x8x256xf32> to vector<16x256xf32>
    %broadcast_in_dim3A_276 = vector.shape_cast %reduce_max3A_275 : vector<16x256xf32> to vector<16x1x256xf32>
    %eq3A_277 = vector.broadcast %broadcast_in_dim3A_276 : vector<16x1x256xf32> to vector<16x8x256xf32>
    %eq3A_278 = arith.cmpf oeq, %reshape3A_272, %eq3A_277 : vector<16x8x256xf32>
    %jit3A_279 = arith.constant 2147483647 : i32
    %broadcast_in_dim3A_280 = vector.broadcast %jit3A_279 : i32 to vector<16x8x256xi32>
    %select_n3A_281 = arith.select %eq3A_278, %reshape3A_273, %broadcast_in_dim3A_280 : vector<16x8x256xi1>, vector<16x8x256xi32>
    %reduce_min3A_282 = arith.constant dense<2147483647> : vector<16x256xi32>
    %reduce_min3A_283 = vector.multi_reduction <minsi>, %select_n3A_281, %reduce_min3A_282 [1] : vector<16x8x256xi32> to vector<16x256xi32>
    %swap3A_284 = arith.constant 0 : index
    %swap3A_285 = arith.constant 0 : index
    %swap3A_286 = vector.load %arg17[%swap3A_284, %swap3A_285] : memref<16x256xf32, #tpu.memory_space<vmem>>, vector<16x256xf32>
    tpu.vector_store %arg17[%swap3A_284, %swap3A_285], %reduce_max3A_275 {strides = array<i32>} : memref<16x256xf32, #tpu.memory_space<vmem>>, vector<16x256xf32>,
    %swap3A_287 = arith.constant 0 : index
    %swap3A_288 = arith.constant 0 : index
    %swap3A_289 = vector.load %arg18[%swap3A_287, %swap3A_288] : memref<16x256xi32, #tpu.memory_space<vmem>>, vector<16x256xi32>
    tpu.vector_store %arg18[%swap3A_287, %swap3A_288], %reduce_min3A_283 {strides = array<i32>} : memref<16x256xi32, #tpu.memory_space<vmem>>, vector<16x256xi32>,
    %dma_start3A_290 = arith.constant 4 : i32
    %dma_start3A_291 = arith.constant 0 : i32
    %dma_start3A_292 = arith.constant 0 : i32
    %dma_start3A_293 = tpu.memref_slice %arg45[%dma_start3A_292] : memref<2x!tpu.dma_semaphore, #tpu.memory_space<semaphore_mem>> -> memref<1x!tpu.dma_semaphore, #tpu.memory_space<semaphore_mem>>
    %dma_start3A_294 = tpu.memref_squeeze %dma_start3A_293 : memref<1x!tpu.dma_semaphore, #tpu.memory_space<semaphore_mem>> -> memref<!tpu.dma_semaphore, #tpu.memory_space<semaphore_mem>>
    %dma_start3A_295 = arith.constant 0 : i32
    %dma_start3A_296 = arith.constant 0 : i32
    %dma_start3A_297 = arith.constant 0 : i32
    %dma_start3A_298 = tpu.memref_slice %arg44[%dma_start3A_291, %dma_start3A_295, %dma_start3A_296, %dma_start3A_297] : memref<2x8x256x256xf32, #tpu.memory_space<vmem>> -> memref<1x8x256x256xf32, #tpu.memory_space<vmem>>
    %dma_start3A_299 = tpu.memref_squeeze %dma_start3A_298 : memref<1x8x256x256xf32, #tpu.memory_space<vmem>> -> memref<8x256x256xf32, #tpu.memory_space<vmem>>
    %dma_start3A_300 = arith.constant 0 : i32
    %dma_start3A_301 = arith.constant 0 : i32
    %dma_start3A_302 = arith.constant 0 : i32
    %dma_start3A_303 = tpu.memref_slice %arg1[%dma_start3A_290, %dma_start3A_300, %dma_start3A_301, %dma_start3A_302] : memref<8x8x256x256xf32, #tpu.memory_space<any>> -> memref<1x8x256x256xf32, #tpu.memory_space<any>>
    %dma_start3A_304 = tpu.memref_squeeze %dma_start3A_303 : memref<1x8x256x256xf32, #tpu.memory_space<any>> -> memref<8x256x256xf32, #tpu.memory_space<any>>
    tpu.enqueue_dma source(%dma_start3A_304 : memref<8x256x256xf32, #tpu.memory_space<any>>) target(%dma_start3A_299 : memref<8x256x256xf32, #tpu.memory_space<vmem>>) target_semaphore(%dma_start3A_294 : memref<!tpu.dma_semaphore, #tpu.memory_space<semaphore_mem>>)
    %dma_wait3A_305 = arith.constant 3 : i32
    %dma_wait3A_306 = arith.constant 1 : i32
    %dma_wait3A_307 = arith.constant 1 : i32
    %dma_wait3A_308 = tpu.memref_slice %arg45[%dma_wait3A_307] : memref<2x!tpu.dma_semaphore, #tpu.memory_space<semaphore_mem>> -> memref<1x!tpu.dma_semaphore, #tpu.memory_space<semaphore_mem>>
    %dma_wait3A_309 = tpu.memref_squeeze %dma_wait3A_308 : memref<1x!tpu.dma_semaphore, #tpu.memory_space<semaphore_mem>> -> memref<!tpu.dma_semaphore, #tpu.memory_space<semaphore_mem>>
    %dma_wait3A_310 = arith.constant 0 : i32
    %dma_wait3A_311 = arith.constant 0 : i32
    %dma_wait3A_312 = arith.constant 0 : i32
    %dma_wait3A_313 = tpu.memref_slice %arg44[%dma_wait3A_306, %dma_wait3A_310, %dma_wait3A_311, %dma_wait3A_312] : memref<2x8x256x256xf32, #tpu.memory_space<vmem>> -> memref<1x8x256x256xf32, #tpu.memory_space<vmem>>
    %dma_wait3A_314 = tpu.memref_squeeze %dma_wait3A_313 : memref<1x8x256x256xf32, #tpu.memory_space<vmem>> -> memref<8x256x256xf32, #tpu.memory_space<vmem>>
    %dma_wait3A_315 = arith.constant 0 : i32
    %dma_wait3A_316 = arith.constant 0 : i32
    %dma_wait3A_317 = arith.constant 0 : i32
    %dma_wait3A_318 = tpu.memref_slice %arg1[%dma_wait3A_305, %dma_wait3A_315, %dma_wait3A_316, %dma_wait3A_317] : memref<8x8x256x256xf32, #tpu.memory_space<any>> -> memref<1x8x256x256xf32, #tpu.memory_space<any>>
    %dma_wait3A_319 = tpu.memref_squeeze %dma_wait3A_318 : memref<1x8x256x256xf32, #tpu.memory_space<any>> -> memref<8x256x256xf32, #tpu.memory_space<any>>
    tpu.wait_dma2 semaphore(%dma_wait3A_309 : memref<!tpu.dma_semaphore, #tpu.memory_space<semaphore_mem>>) src(%dma_wait3A_319 : memref<8x256x256xf32, #tpu.memory_space<any>>) dst(%dma_wait3A_314 : memref<8x256x256xf32, #tpu.memory_space<vmem>>)
    %get3A_320 = arith.constant 1 : index
    %get3A_321 = arith.constant 0 : index
    %get3A_322 = arith.constant 0 : index
    %get3A_323 = arith.constant 0 : index
    %get3A_324 = vector.load %arg44[%get3A_320, %get3A_321, %get3A_322, %get3A_323] : memref<2x8x256x256xf32, #tpu.memory_space<vmem>>, vector<1x8x256x256xf32>
    %get3A_325 = vector.shape_cast %get3A_324 : vector<1x8x256x256xf32> to vector<8x256x256xf32>
    %broadcast_in_dim3A_326 = arith.constant 0xFF800000 : f32
    %broadcast_in_dim3A_327 = vector.broadcast %broadcast_in_dim3A_326 : f32 to vector<8x256x1xf32>
    %slice3A_328 = vector.extract_strided_slice %get3A_325 {offsets = [0, 0, 0], sizes = [8, 256, 255], strides = [1, 1, 1]} : vector<8x256x256xf32> to vector<8x256x255xf32>
    %concatenate3A_329 = tpu.concatenate %broadcast_in_dim3A_327, %slice3A_328 in 2 : vector<8x256x1xf32>, vector<8x256x255xf32> -> vector<8x256x256xf32>
    %slice3A_330 = vector.extract_strided_slice %get3A_325 {offsets = [0, 0, 1], sizes = [8, 256, 255], strides = [1, 1, 1]} : vector<8x256x256xf32> to vector<8x256x255xf32>
    %concatenate3A_331 = tpu.concatenate %slice3A_330, %broadcast_in_dim3A_327 in 2 : vector<8x256x255xf32>, vector<8x256x1xf32> -> vector<8x256x256xf32>
    %max3A_332 = arith.maximumf %concatenate3A_329, %concatenate3A_331 : vector<8x256x256xf32>
    %max3A_333 = arith.maximumf %max3A_332, %get3A_325 : vector<8x256x256xf32>
    %broadcast_in_dim3A_334 = arith.constant 0xFF800000 : f32
    %broadcast_in_dim3A_335 = vector.broadcast %broadcast_in_dim3A_334 : f32 to vector<8x1x256xf32>
    %slice3A_336 = vector.extract_strided_slice %max3A_333 {offsets = [0, 0, 0], sizes = [8, 255, 256], strides = [1, 1, 1]} : vector<8x256x256xf32> to vector<8x255x256xf32>
    %concatenate3A_337 = tpu.concatenate %broadcast_in_dim3A_335, %slice3A_336 in 1 : vector<8x1x256xf32>, vector<8x255x256xf32> -> vector<8x256x256xf32>
    %slice3A_338 = vector.extract_strided_slice %max3A_333 {offsets = [0, 1, 0], sizes = [8, 255, 256], strides = [1, 1, 1]} : vector<8x256x256xf32> to vector<8x255x256xf32>
    %concatenate3A_339 = tpu.concatenate %slice3A_338, %broadcast_in_dim3A_335 in 1 : vector<8x255x256xf32>, vector<8x1x256xf32> -> vector<8x256x256xf32>
    %max3A_340 = arith.maximumf %concatenate3A_337, %concatenate3A_339 : vector<8x256x256xf32>
    %max3A_341 = arith.maximumf %max3A_340, %max3A_333 : vector<8x256x256xf32>
    %eq3A_342 = arith.cmpf oeq, %max3A_341, %get3A_325 : vector<8x256x256xf32>
    %jit3A_343 = arith.constant 0.000000e+00 : f32
    %broadcast_in_dim3A_344 = vector.broadcast %jit3A_343 : f32 to vector<8x256x256xf32>
    %select_n3A_345 = arith.select %eq3A_342, %get3A_325, %broadcast_in_dim3A_344 : vector<8x256x256xi1>, vector<8x256x256xf32>
    %reshape3A_346 = vector.shape_cast %select_n3A_345 : vector<8x256x256xf32> to vector<2048x256xf32>
    %swap3A_347 = arith.constant 0 : index
    %swap3A_348 = arith.constant 0 : index
    %swap3A_349 = vector.load %arg19[%swap3A_347, %swap3A_348] : memref<2048x256xf32, #tpu.memory_space<vmem>>, vector<2048x256xf32>
    tpu.vector_store %arg19[%swap3A_347, %swap3A_348], %reshape3A_346 {strides = array<i32>} : memref<2048x256xf32, #tpu.memory_space<vmem>>, vector<2048x256xf32>,
    %reshape3A_350 = vector.shape_cast %reshape3A_346 : vector<2048x256xf32> to vector<128x16x256xf32>
    %reduce_max3A_351 = arith.constant dense<0xFF800000> : vector<128x256xf32>
    %reduce_max3A_352 = vector.multi_reduction <maximumf>, %reshape3A_350, %reduce_max3A_351 [1] : vector<128x16x256xf32> to vector<128x256xf32>
    %broadcast_in_dim3A_353 = vector.shape_cast %reduce_max3A_352 : vector<128x256xf32> to vector<128x1x256xf32>
    %eq3A_354 = vector.broadcast %broadcast_in_dim3A_353 : vector<128x1x256xf32> to vector<128x16x256xf32>
    %eq3A_355 = arith.cmpf oeq, %reshape3A_350, %eq3A_354 : vector<128x16x256xf32>
    %jit3A_356 = arith.constant 2147483647 : i32
    %broadcast_in_dim3A_357 = vector.broadcast %jit3A_356 : i32 to vector<128x16x256xi32>
    %select_n3A_358 = arith.select %eq3A_355, %reshape3A, %broadcast_in_dim3A_357 : vector<128x16x256xi1>, vector<128x16x256xi32>
    %reduce_min3A_359 = arith.constant dense<2147483647> : vector<128x256xi32>
    %reduce_min3A_360 = vector.multi_reduction <minsi>, %select_n3A_358, %reduce_min3A_359 [1] : vector<128x16x256xi32> to vector<128x256xi32>
    %swap3A_361 = arith.constant 0 : index
    %swap3A_362 = arith.constant 0 : index
    %swap3A_363 = vector.load %arg20[%swap3A_361, %swap3A_362] : memref<128x256xf32, #tpu.memory_space<vmem>>, vector<128x256xf32>
    tpu.vector_store %arg20[%swap3A_361, %swap3A_362], %reduce_max3A_352 {strides = array<i32>} : memref<128x256xf32, #tpu.memory_space<vmem>>, vector<128x256xf32>,
    %swap3A_364 = arith.constant 0 : index
    %swap3A_365 = arith.constant 0 : index
    %swap3A_366 = vector.load %arg21[%swap3A_364, %swap3A_365] : memref<128x256xi32, #tpu.memory_space<vmem>>, vector<128x256xi32>
    tpu.vector_store %arg21[%swap3A_364, %swap3A_365], %reduce_min3A_360 {strides = array<i32>} : memref<128x256xi32, #tpu.memory_space<vmem>>, vector<128x256xi32>,
    %reshape3A_367 = vector.shape_cast %reduce_max3A_352 : vector<128x256xf32> to vector<16x8x256xf32>
    %reshape3A_368 = vector.shape_cast %reduce_min3A_360 : vector<128x256xi32> to vector<16x8x256xi32>
    %reduce_max3A_369 = arith.constant dense<0xFF800000> : vector<16x256xf32>
    %reduce_max3A_370 = vector.multi_reduction <maximumf>, %reshape3A_367, %reduce_max3A_369 [1] : vector<16x8x256xf32> to vector<16x256xf32>
    %broadcast_in_dim3A_371 = vector.shape_cast %reduce_max3A_370 : vector<16x256xf32> to vector<16x1x256xf32>
    %eq3A_372 = vector.broadcast %broadcast_in_dim3A_371 : vector<16x1x256xf32> to vector<16x8x256xf32>
    %eq3A_373 = arith.cmpf oeq, %reshape3A_367, %eq3A_372 : vector<16x8x256xf32>
    %jit3A_374 = arith.constant 2147483647 : i32
    %broadcast_in_dim3A_375 = vector.broadcast %jit3A_374 : i32 to vector<16x8x256xi32>
    %select_n3A_376 = arith.select %eq3A_373, %reshape3A_368, %broadcast_in_dim3A_375 : vector<16x8x256xi1>, vector<16x8x256xi32>
    %reduce_min3A_377 = arith.constant dense<2147483647> : vector<16x256xi32>
    %reduce_min3A_378 = vector.multi_reduction <minsi>, %select_n3A_376, %reduce_min3A_377 [1] : vector<16x8x256xi32> to vector<16x256xi32>
    %swap3A_379 = arith.constant 0 : index
    %swap3A_380 = arith.constant 0 : index
    %swap3A_381 = vector.load %arg22[%swap3A_379, %swap3A_380] : memref<16x256xf32, #tpu.memory_space<vmem>>, vector<16x256xf32>
    tpu.vector_store %arg22[%swap3A_379, %swap3A_380], %reduce_max3A_370 {strides = array<i32>} : memref<16x256xf32, #tpu.memory_space<vmem>>, vector<16x256xf32>,
    %swap3A_382 = arith.constant 0 : index
    %swap3A_383 = arith.constant 0 : index
    %swap3A_384 = vector.load %arg23[%swap3A_382, %swap3A_383] : memref<16x256xi32, #tpu.memory_space<vmem>>, vector<16x256xi32>
    tpu.vector_store %arg23[%swap3A_382, %swap3A_383], %reduce_min3A_378 {strides = array<i32>} : memref<16x256xi32, #tpu.memory_space<vmem>>, vector<16x256xi32>,
    %dma_start3A_385 = arith.constant 5 : i32
    %dma_start3A_386 = arith.constant 1 : i32
    %dma_start3A_387 = arith.constant 1 : i32
    %dma_start3A_388 = tpu.memref_slice %arg45[%dma_start3A_387] : memref<2x!tpu.dma_semaphore, #tpu.memory_space<semaphore_mem>> -> memref<1x!tpu.dma_semaphore, #tpu.memory_space<semaphore_mem>>
    %dma_start3A_389 = tpu.memref_squeeze %dma_start3A_388 : memref<1x!tpu.dma_semaphore, #tpu.memory_space<semaphore_mem>> -> memref<!tpu.dma_semaphore, #tpu.memory_space<semaphore_mem>>
    %dma_start3A_390 = arith.constant 0 : i32
    %dma_start3A_391 = arith.constant 0 : i32
    %dma_start3A_392 = arith.constant 0 : i32
    %dma_start3A_393 = tpu.memref_slice %arg44[%dma_start3A_386, %dma_start3A_390, %dma_start3A_391, %dma_start3A_392] : memref<2x8x256x256xf32, #tpu.memory_space<vmem>> -> memref<1x8x256x256xf32, #tpu.memory_space<vmem>>
    %dma_start3A_394 = tpu.memref_squeeze %dma_start3A_393 : memref<1x8x256x256xf32, #tpu.memory_space<vmem>> -> memref<8x256x256xf32, #tpu.memory_space<vmem>>
    %dma_start3A_395 = arith.constant 0 : i32
    %dma_start3A_396 = arith.constant 0 : i32
    %dma_start3A_397 = arith.constant 0 : i32
    %dma_start3A_398 = tpu.memref_slice %arg1[%dma_start3A_385, %dma_start3A_395, %dma_start3A_396, %dma_start3A_397] : memref<8x8x256x256xf32, #tpu.memory_space<any>> -> memref<1x8x256x256xf32, #tpu.memory_space<any>>
    %dma_start3A_399 = tpu.memref_squeeze %dma_start3A_398 : memref<1x8x256x256xf32, #tpu.memory_space<any>> -> memref<8x256x256xf32, #tpu.memory_space<any>>
    tpu.enqueue_dma source(%dma_start3A_399 : memref<8x256x256xf32, #tpu.memory_space<any>>) target(%dma_start3A_394 : memref<8x256x256xf32, #tpu.memory_space<vmem>>) target_semaphore(%dma_start3A_389 : memref<!tpu.dma_semaphore, #tpu.memory_space<semaphore_mem>>)
    %dma_wait3A_400 = arith.constant 4 : i32
    %dma_wait3A_401 = arith.constant 0 : i32
    %dma_wait3A_402 = arith.constant 0 : i32
    %dma_wait3A_403 = tpu.memref_slice %arg45[%dma_wait3A_402] : memref<2x!tpu.dma_semaphore, #tpu.memory_space<semaphore_mem>> -> memref<1x!tpu.dma_semaphore, #tpu.memory_space<semaphore_mem>>
    %dma_wait3A_404 = tpu.memref_squeeze %dma_wait3A_403 : memref<1x!tpu.dma_semaphore, #tpu.memory_space<semaphore_mem>> -> memref<!tpu.dma_semaphore, #tpu.memory_space<semaphore_mem>>
    %dma_wait3A_405 = arith.constant 0 : i32
    %dma_wait3A_406 = arith.constant 0 : i32
    %dma_wait3A_407 = arith.constant 0 : i32
    %dma_wait3A_408 = tpu.memref_slice %arg44[%dma_wait3A_401, %dma_wait3A_405, %dma_wait3A_406, %dma_wait3A_407] : memref<2x8x256x256xf32, #tpu.memory_space<vmem>> -> memref<1x8x256x256xf32, #tpu.memory_space<vmem>>
    %dma_wait3A_409 = tpu.memref_squeeze %dma_wait3A_408 : memref<1x8x256x256xf32, #tpu.memory_space<vmem>> -> memref<8x256x256xf32, #tpu.memory_space<vmem>>
    %dma_wait3A_410 = arith.constant 0 : i32
    %dma_wait3A_411 = arith.constant 0 : i32
    %dma_wait3A_412 = arith.constant 0 : i32
    %dma_wait3A_413 = tpu.memref_slice %arg1[%dma_wait3A_400, %dma_wait3A_410, %dma_wait3A_411, %dma_wait3A_412] : memref<8x8x256x256xf32, #tpu.memory_space<any>> -> memref<1x8x256x256xf32, #tpu.memory_space<any>>
    %dma_wait3A_414 = tpu.memref_squeeze %dma_wait3A_413 : memref<1x8x256x256xf32, #tpu.memory_space<any>> -> memref<8x256x256xf32, #tpu.memory_space<any>>
    tpu.wait_dma2 semaphore(%dma_wait3A_404 : memref<!tpu.dma_semaphore, #tpu.memory_space<semaphore_mem>>) src(%dma_wait3A_414 : memref<8x256x256xf32, #tpu.memory_space<any>>) dst(%dma_wait3A_409 : memref<8x256x256xf32, #tpu.memory_space<vmem>>)
    %get3A_415 = arith.constant 0 : index
    %get3A_416 = arith.constant 0 : index
    %get3A_417 = arith.constant 0 : index
    %get3A_418 = arith.constant 0 : index
    %get3A_419 = vector.load %arg44[%get3A_415, %get3A_416, %get3A_417, %get3A_418] : memref<2x8x256x256xf32, #tpu.memory_space<vmem>>, vector<1x8x256x256xf32>
    %get3A_420 = vector.shape_cast %get3A_419 : vector<1x8x256x256xf32> to vector<8x256x256xf32>
    %broadcast_in_dim3A_421 = arith.constant 0xFF800000 : f32
    %broadcast_in_dim3A_422 = vector.broadcast %broadcast_in_dim3A_421 : f32 to vector<8x256x1xf32>
    %slice3A_423 = vector.extract_strided_slice %get3A_420 {offsets = [0, 0, 0], sizes = [8, 256, 255], strides = [1, 1, 1]} : vector<8x256x256xf32> to vector<8x256x255xf32>
    %concatenate3A_424 = tpu.concatenate %broadcast_in_dim3A_422, %slice3A_423 in 2 : vector<8x256x1xf32>, vector<8x256x255xf32> -> vector<8x256x256xf32>
    %slice3A_425 = vector.extract_strided_slice %get3A_420 {offsets = [0, 0, 1], sizes = [8, 256, 255], strides = [1, 1, 1]} : vector<8x256x256xf32> to vector<8x256x255xf32>
    %concatenate3A_426 = tpu.concatenate %slice3A_425, %broadcast_in_dim3A_422 in 2 : vector<8x256x255xf32>, vector<8x256x1xf32> -> vector<8x256x256xf32>
    %max3A_427 = arith.maximumf %concatenate3A_424, %concatenate3A_426 : vector<8x256x256xf32>
    %max3A_428 = arith.maximumf %max3A_427, %get3A_420 : vector<8x256x256xf32>
    %broadcast_in_dim3A_429 = arith.constant 0xFF800000 : f32
    %broadcast_in_dim3A_430 = vector.broadcast %broadcast_in_dim3A_429 : f32 to vector<8x1x256xf32>
    %slice3A_431 = vector.extract_strided_slice %max3A_428 {offsets = [0, 0, 0], sizes = [8, 255, 256], strides = [1, 1, 1]} : vector<8x256x256xf32> to vector<8x255x256xf32>
    %concatenate3A_432 = tpu.concatenate %broadcast_in_dim3A_430, %slice3A_431 in 1 : vector<8x1x256xf32>, vector<8x255x256xf32> -> vector<8x256x256xf32>
    %slice3A_433 = vector.extract_strided_slice %max3A_428 {offsets = [0, 1, 0], sizes = [8, 255, 256], strides = [1, 1, 1]} : vector<8x256x256xf32> to vector<8x255x256xf32>
    %concatenate3A_434 = tpu.concatenate %slice3A_433, %broadcast_in_dim3A_430 in 1 : vector<8x255x256xf32>, vector<8x1x256xf32> -> vector<8x256x256xf32>
    %max3A_435 = arith.maximumf %concatenate3A_432, %concatenate3A_434 : vector<8x256x256xf32>
    %max3A_436 = arith.maximumf %max3A_435, %max3A_428 : vector<8x256x256xf32>
    %eq3A_437 = arith.cmpf oeq, %max3A_436, %get3A_420 : vector<8x256x256xf32>
    %jit3A_438 = arith.constant 0.000000e+00 : f32
    %broadcast_in_dim3A_439 = vector.broadcast %jit3A_438 : f32 to vector<8x256x256xf32>
    %select_n3A_440 = arith.select %eq3A_437, %get3A_420, %broadcast_in_dim3A_439 : vector<8x256x256xi1>, vector<8x256x256xf32>
    %reshape3A_441 = vector.shape_cast %select_n3A_440 : vector<8x256x256xf32> to vector<2048x256xf32>
    %swap3A_442 = arith.constant 0 : index
    %swap3A_443 = arith.constant 0 : index
    %swap3A_444 = vector.load %arg24[%swap3A_442, %swap3A_443] : memref<2048x256xf32, #tpu.memory_space<vmem>>, vector<2048x256xf32>
    tpu.vector_store %arg24[%swap3A_442, %swap3A_443], %reshape3A_441 {strides = array<i32>} : memref<2048x256xf32, #tpu.memory_space<vmem>>, vector<2048x256xf32>,
    %reshape3A_445 = vector.shape_cast %reshape3A_441 : vector<2048x256xf32> to vector<128x16x256xf32>
    %reduce_max3A_446 = arith.constant dense<0xFF800000> : vector<128x256xf32>
    %reduce_max3A_447 = vector.multi_reduction <maximumf>, %reshape3A_445, %reduce_max3A_446 [1] : vector<128x16x256xf32> to vector<128x256xf32>
    %broadcast_in_dim3A_448 = vector.shape_cast %reduce_max3A_447 : vector<128x256xf32> to vector<128x1x256xf32>
    %eq3A_449 = vector.broadcast %broadcast_in_dim3A_448 : vector<128x1x256xf32> to vector<128x16x256xf32>
    %eq3A_450 = arith.cmpf oeq, %reshape3A_445, %eq3A_449 : vector<128x16x256xf32>
    %jit3A_451 = arith.constant 2147483647 : i32
    %broadcast_in_dim3A_452 = vector.broadcast %jit3A_451 : i32 to vector<128x16x256xi32>
    %select_n3A_453 = arith.select %eq3A_450, %reshape3A, %broadcast_in_dim3A_452 : vector<128x16x256xi1>, vector<128x16x256xi32>
    %reduce_min3A_454 = arith.constant dense<2147483647> : vector<128x256xi32>
    %reduce_min3A_455 = vector.multi_reduction <minsi>, %select_n3A_453, %reduce_min3A_454 [1] : vector<128x16x256xi32> to vector<128x256xi32>
    %swap3A_456 = arith.constant 0 : index
    %swap3A_457 = arith.constant 0 : index
    %swap3A_458 = vector.load %arg25[%swap3A_456, %swap3A_457] : memref<128x256xf32, #tpu.memory_space<vmem>>, vector<128x256xf32>
    tpu.vector_store %arg25[%swap3A_456, %swap3A_457], %reduce_max3A_447 {strides = array<i32>} : memref<128x256xf32, #tpu.memory_space<vmem>>, vector<128x256xf32>,
    %swap3A_459 = arith.constant 0 : index
    %swap3A_460 = arith.constant 0 : index
    %swap3A_461 = vector.load %arg26[%swap3A_459, %swap3A_460] : memref<128x256xi32, #tpu.memory_space<vmem>>, vector<128x256xi32>
    tpu.vector_store %arg26[%swap3A_459, %swap3A_460], %reduce_min3A_455 {strides = array<i32>} : memref<128x256xi32, #tpu.memory_space<vmem>>, vector<128x256xi32>,
    %reshape3A_462 = vector.shape_cast %reduce_max3A_447 : vector<128x256xf32> to vector<16x8x256xf32>
    %reshape3A_463 = vector.shape_cast %reduce_min3A_455 : vector<128x256xi32> to vector<16x8x256xi32>
    %reduce_max3A_464 = arith.constant dense<0xFF800000> : vector<16x256xf32>
    %reduce_max3A_465 = vector.multi_reduction <maximumf>, %reshape3A_462, %reduce_max3A_464 [1] : vector<16x8x256xf32> to vector<16x256xf32>
    %broadcast_in_dim3A_466 = vector.shape_cast %reduce_max3A_465 : vector<16x256xf32> to vector<16x1x256xf32>
    %eq3A_467 = vector.broadcast %broadcast_in_dim3A_466 : vector<16x1x256xf32> to vector<16x8x256xf32>
    %eq3A_468 = arith.cmpf oeq, %reshape3A_462, %eq3A_467 : vector<16x8x256xf32>
    %jit3A_469 = arith.constant 2147483647 : i32
    %broadcast_in_dim3A_470 = vector.broadcast %jit3A_469 : i32 to vector<16x8x256xi32>
    %select_n3A_471 = arith.select %eq3A_468, %reshape3A_463, %broadcast_in_dim3A_470 : vector<16x8x256xi1>, vector<16x8x256xi32>
    %reduce_min3A_472 = arith.constant dense<2147483647> : vector<16x256xi32>
    %reduce_min3A_473 = vector.multi_reduction <minsi>, %select_n3A_471, %reduce_min3A_472 [1] : vector<16x8x256xi32> to vector<16x256xi32>
    %swap3A_474 = arith.constant 0 : index
    %swap3A_475 = arith.constant 0 : index
    %swap3A_476 = vector.load %arg27[%swap3A_474, %swap3A_475] : memref<16x256xf32, #tpu.memory_space<vmem>>, vector<16x256xf32>
    tpu.vector_store %arg27[%swap3A_474, %swap3A_475], %reduce_max3A_465 {strides = array<i32>} : memref<16x256xf32, #tpu.memory_space<vmem>>, vector<16x256xf32>,
    %swap3A_477 = arith.constant 0 : index
    %swap3A_478 = arith.constant 0 : index
    %swap3A_479 = vector.load %arg28[%swap3A_477, %swap3A_478] : memref<16x256xi32, #tpu.memory_space<vmem>>, vector<16x256xi32>
    tpu.vector_store %arg28[%swap3A_477, %swap3A_478], %reduce_min3A_473 {strides = array<i32>} : memref<16x256xi32, #tpu.memory_space<vmem>>, vector<16x256xi32>,
    %dma_start3A_480 = arith.constant 6 : i32
    %dma_start3A_481 = arith.constant 0 : i32
    %dma_start3A_482 = arith.constant 0 : i32
    %dma_start3A_483 = tpu.memref_slice %arg45[%dma_start3A_482] : memref<2x!tpu.dma_semaphore, #tpu.memory_space<semaphore_mem>> -> memref<1x!tpu.dma_semaphore, #tpu.memory_space<semaphore_mem>>
    %dma_start3A_484 = tpu.memref_squeeze %dma_start3A_483 : memref<1x!tpu.dma_semaphore, #tpu.memory_space<semaphore_mem>> -> memref<!tpu.dma_semaphore, #tpu.memory_space<semaphore_mem>>
    %dma_start3A_485 = arith.constant 0 : i32
    %dma_start3A_486 = arith.constant 0 : i32
    %dma_start3A_487 = arith.constant 0 : i32
    %dma_start3A_488 = tpu.memref_slice %arg44[%dma_start3A_481, %dma_start3A_485, %dma_start3A_486, %dma_start3A_487] : memref<2x8x256x256xf32, #tpu.memory_space<vmem>> -> memref<1x8x256x256xf32, #tpu.memory_space<vmem>>
    %dma_start3A_489 = tpu.memref_squeeze %dma_start3A_488 : memref<1x8x256x256xf32, #tpu.memory_space<vmem>> -> memref<8x256x256xf32, #tpu.memory_space<vmem>>
    %dma_start3A_490 = arith.constant 0 : i32
    %dma_start3A_491 = arith.constant 0 : i32
    %dma_start3A_492 = arith.constant 0 : i32
    %dma_start3A_493 = tpu.memref_slice %arg1[%dma_start3A_480, %dma_start3A_490, %dma_start3A_491, %dma_start3A_492] : memref<8x8x256x256xf32, #tpu.memory_space<any>> -> memref<1x8x256x256xf32, #tpu.memory_space<any>>
    %dma_start3A_494 = tpu.memref_squeeze %dma_start3A_493 : memref<1x8x256x256xf32, #tpu.memory_space<any>> -> memref<8x256x256xf32, #tpu.memory_space<any>>
    tpu.enqueue_dma source(%dma_start3A_494 : memref<8x256x256xf32, #tpu.memory_space<any>>) target(%dma_start3A_489 : memref<8x256x256xf32, #tpu.memory_space<vmem>>) target_semaphore(%dma_start3A_484 : memref<!tpu.dma_semaphore, #tpu.memory_space<semaphore_mem>>)
    %dma_wait3A_495 = arith.constant 5 : i32
    %dma_wait3A_496 = arith.constant 1 : i32
    %dma_wait3A_497 = arith.constant 1 : i32
    %dma_wait3A_498 = tpu.memref_slice %arg45[%dma_wait3A_497] : memref<2x!tpu.dma_semaphore, #tpu.memory_space<semaphore_mem>> -> memref<1x!tpu.dma_semaphore, #tpu.memory_space<semaphore_mem>>
    %dma_wait3A_499 = tpu.memref_squeeze %dma_wait3A_498 : memref<1x!tpu.dma_semaphore, #tpu.memory_space<semaphore_mem>> -> memref<!tpu.dma_semaphore, #tpu.memory_space<semaphore_mem>>
    %dma_wait3A_500 = arith.constant 0 : i32
    %dma_wait3A_501 = arith.constant 0 : i32
    %dma_wait3A_502 = arith.constant 0 : i32
    %dma_wait3A_503 = tpu.memref_slice %arg44[%dma_wait3A_496, %dma_wait3A_500, %dma_wait3A_501, %dma_wait3A_502] : memref<2x8x256x256xf32, #tpu.memory_space<vmem>> -> memref<1x8x256x256xf32, #tpu.memory_space<vmem>>
    %dma_wait3A_504 = tpu.memref_squeeze %dma_wait3A_503 : memref<1x8x256x256xf32, #tpu.memory_space<vmem>> -> memref<8x256x256xf32, #tpu.memory_space<vmem>>
    %dma_wait3A_505 = arith.constant 0 : i32
    %dma_wait3A_506 = arith.constant 0 : i32
    %dma_wait3A_507 = arith.constant 0 : i32
    %dma_wait3A_508 = tpu.memref_slice %arg1[%dma_wait3A_495, %dma_wait3A_505, %dma_wait3A_506, %dma_wait3A_507] : memref<8x8x256x256xf32, #tpu.memory_space<any>> -> memref<1x8x256x256xf32, #tpu.memory_space<any>>
    %dma_wait3A_509 = tpu.memref_squeeze %dma_wait3A_508 : memref<1x8x256x256xf32, #tpu.memory_space<any>> -> memref<8x256x256xf32, #tpu.memory_space<any>>
    tpu.wait_dma2 semaphore(%dma_wait3A_499 : memref<!tpu.dma_semaphore, #tpu.memory_space<semaphore_mem>>) src(%dma_wait3A_509 : memref<8x256x256xf32, #tpu.memory_space<any>>) dst(%dma_wait3A_504 : memref<8x256x256xf32, #tpu.memory_space<vmem>>)
    %get3A_510 = arith.constant 1 : index
    %get3A_511 = arith.constant 0 : index
    %get3A_512 = arith.constant 0 : index
    %get3A_513 = arith.constant 0 : index
    %get3A_514 = vector.load %arg44[%get3A_510, %get3A_511, %get3A_512, %get3A_513] : memref<2x8x256x256xf32, #tpu.memory_space<vmem>>, vector<1x8x256x256xf32>
    %get3A_515 = vector.shape_cast %get3A_514 : vector<1x8x256x256xf32> to vector<8x256x256xf32>
    %broadcast_in_dim3A_516 = arith.constant 0xFF800000 : f32
    %broadcast_in_dim3A_517 = vector.broadcast %broadcast_in_dim3A_516 : f32 to vector<8x256x1xf32>
    %slice3A_518 = vector.extract_strided_slice %get3A_515 {offsets = [0, 0, 0], sizes = [8, 256, 255], strides = [1, 1, 1]} : vector<8x256x256xf32> to vector<8x256x255xf32>
    %concatenate3A_519 = tpu.concatenate %broadcast_in_dim3A_517, %slice3A_518 in 2 : vector<8x256x1xf32>, vector<8x256x255xf32> -> vector<8x256x256xf32>
    %slice3A_520 = vector.extract_strided_slice %get3A_515 {offsets = [0, 0, 1], sizes = [8, 256, 255], strides = [1, 1, 1]} : vector<8x256x256xf32> to vector<8x256x255xf32>
    %concatenate3A_521 = tpu.concatenate %slice3A_520, %broadcast_in_dim3A_517 in 2 : vector<8x256x255xf32>, vector<8x256x1xf32> -> vector<8x256x256xf32>
    %max3A_522 = arith.maximumf %concatenate3A_519, %concatenate3A_521 : vector<8x256x256xf32>
    %max3A_523 = arith.maximumf %max3A_522, %get3A_515 : vector<8x256x256xf32>
    %broadcast_in_dim3A_524 = arith.constant 0xFF800000 : f32
    %broadcast_in_dim3A_525 = vector.broadcast %broadcast_in_dim3A_524 : f32 to vector<8x1x256xf32>
    %slice3A_526 = vector.extract_strided_slice %max3A_523 {offsets = [0, 0, 0], sizes = [8, 255, 256], strides = [1, 1, 1]} : vector<8x256x256xf32> to vector<8x255x256xf32>
    %concatenate3A_527 = tpu.concatenate %broadcast_in_dim3A_525, %slice3A_526 in 1 : vector<8x1x256xf32>, vector<8x255x256xf32> -> vector<8x256x256xf32>
    %slice3A_528 = vector.extract_strided_slice %max3A_523 {offsets = [0, 1, 0], sizes = [8, 255, 256], strides = [1, 1, 1]} : vector<8x256x256xf32> to vector<8x255x256xf32>
    %concatenate3A_529 = tpu.concatenate %slice3A_528, %broadcast_in_dim3A_525 in 1 : vector<8x255x256xf32>, vector<8x1x256xf32> -> vector<8x256x256xf32>
    %max3A_530 = arith.maximumf %concatenate3A_527, %concatenate3A_529 : vector<8x256x256xf32>
    %max3A_531 = arith.maximumf %max3A_530, %max3A_523 : vector<8x256x256xf32>
    %eq3A_532 = arith.cmpf oeq, %max3A_531, %get3A_515 : vector<8x256x256xf32>
    %jit3A_533 = arith.constant 0.000000e+00 : f32
    %broadcast_in_dim3A_534 = vector.broadcast %jit3A_533 : f32 to vector<8x256x256xf32>
    %select_n3A_535 = arith.select %eq3A_532, %get3A_515, %broadcast_in_dim3A_534 : vector<8x256x256xi1>, vector<8x256x256xf32>
    %reshape3A_536 = vector.shape_cast %select_n3A_535 : vector<8x256x256xf32> to vector<2048x256xf32>
    %swap3A_537 = arith.constant 0 : index
    %swap3A_538 = arith.constant 0 : index
    %swap3A_539 = vector.load %arg29[%swap3A_537, %swap3A_538] : memref<2048x256xf32, #tpu.memory_space<vmem>>, vector<2048x256xf32>
    tpu.vector_store %arg29[%swap3A_537, %swap3A_538], %reshape3A_536 {strides = array<i32>} : memref<2048x256xf32, #tpu.memory_space<vmem>>, vector<2048x256xf32>,
    %reshape3A_540 = vector.shape_cast %reshape3A_536 : vector<2048x256xf32> to vector<128x16x256xf32>
    %reduce_max3A_541 = arith.constant dense<0xFF800000> : vector<128x256xf32>
    %reduce_max3A_542 = vector.multi_reduction <maximumf>, %reshape3A_540, %reduce_max3A_541 [1] : vector<128x16x256xf32> to vector<128x256xf32>
    %broadcast_in_dim3A_543 = vector.shape_cast %reduce_max3A_542 : vector<128x256xf32> to vector<128x1x256xf32>
    %eq3A_544 = vector.broadcast %broadcast_in_dim3A_543 : vector<128x1x256xf32> to vector<128x16x256xf32>
    %eq3A_545 = arith.cmpf oeq, %reshape3A_540, %eq3A_544 : vector<128x16x256xf32>
    %jit3A_546 = arith.constant 2147483647 : i32
    %broadcast_in_dim3A_547 = vector.broadcast %jit3A_546 : i32 to vector<128x16x256xi32>
    %select_n3A_548 = arith.select %eq3A_545, %reshape3A, %broadcast_in_dim3A_547 : vector<128x16x256xi1>, vector<128x16x256xi32>
    %reduce_min3A_549 = arith.constant dense<2147483647> : vector<128x256xi32>
    %reduce_min3A_550 = vector.multi_reduction <minsi>, %select_n3A_548, %reduce_min3A_549 [1] : vector<128x16x256xi32> to vector<128x256xi32>
    %swap3A_551 = arith.constant 0 : index
    %swap3A_552 = arith.constant 0 : index
    %swap3A_553 = vector.load %arg30[%swap3A_551, %swap3A_552] : memref<128x256xf32, #tpu.memory_space<vmem>>, vector<128x256xf32>
    tpu.vector_store %arg30[%swap3A_551, %swap3A_552], %reduce_max3A_542 {strides = array<i32>} : memref<128x256xf32, #tpu.memory_space<vmem>>, vector<128x256xf32>,
    %swap3A_554 = arith.constant 0 : index
    %swap3A_555 = arith.constant 0 : index
    %swap3A_556 = vector.load %arg31[%swap3A_554, %swap3A_555] : memref<128x256xi32, #tpu.memory_space<vmem>>, vector<128x256xi32>
    tpu.vector_store %arg31[%swap3A_554, %swap3A_555], %reduce_min3A_550 {strides = array<i32>} : memref<128x256xi32, #tpu.memory_space<vmem>>, vector<128x256xi32>,
    %reshape3A_557 = vector.shape_cast %reduce_max3A_542 : vector<128x256xf32> to vector<16x8x256xf32>
    %reshape3A_558 = vector.shape_cast %reduce_min3A_550 : vector<128x256xi32> to vector<16x8x256xi32>
    %reduce_max3A_559 = arith.constant dense<0xFF800000> : vector<16x256xf32>
    %reduce_max3A_560 = vector.multi_reduction <maximumf>, %reshape3A_557, %reduce_max3A_559 [1] : vector<16x8x256xf32> to vector<16x256xf32>
    %broadcast_in_dim3A_561 = vector.shape_cast %reduce_max3A_560 : vector<16x256xf32> to vector<16x1x256xf32>
    %eq3A_562 = vector.broadcast %broadcast_in_dim3A_561 : vector<16x1x256xf32> to vector<16x8x256xf32>
    %eq3A_563 = arith.cmpf oeq, %reshape3A_557, %eq3A_562 : vector<16x8x256xf32>
    %jit3A_564 = arith.constant 2147483647 : i32
    %broadcast_in_dim3A_565 = vector.broadcast %jit3A_564 : i32 to vector<16x8x256xi32>
    %select_n3A_566 = arith.select %eq3A_563, %reshape3A_558, %broadcast_in_dim3A_565 : vector<16x8x256xi1>, vector<16x8x256xi32>
    %reduce_min3A_567 = arith.constant dense<2147483647> : vector<16x256xi32>
    %reduce_min3A_568 = vector.multi_reduction <minsi>, %select_n3A_566, %reduce_min3A_567 [1] : vector<16x8x256xi32> to vector<16x256xi32>
    %swap3A_569 = arith.constant 0 : index
    %swap3A_570 = arith.constant 0 : index
    %swap3A_571 = vector.load %arg32[%swap3A_569, %swap3A_570] : memref<16x256xf32, #tpu.memory_space<vmem>>, vector<16x256xf32>
    tpu.vector_store %arg32[%swap3A_569, %swap3A_570], %reduce_max3A_560 {strides = array<i32>} : memref<16x256xf32, #tpu.memory_space<vmem>>, vector<16x256xf32>,
    %swap3A_572 = arith.constant 0 : index
    %swap3A_573 = arith.constant 0 : index
    %swap3A_574 = vector.load %arg33[%swap3A_572, %swap3A_573] : memref<16x256xi32, #tpu.memory_space<vmem>>, vector<16x256xi32>
    tpu.vector_store %arg33[%swap3A_572, %swap3A_573], %reduce_min3A_568 {strides = array<i32>} : memref<16x256xi32, #tpu.memory_space<vmem>>, vector<16x256xi32>,
    %dma_start3A_575 = arith.constant 7 : i32
    %dma_start3A_576 = arith.constant 1 : i32
    %dma_start3A_577 = arith.constant 1 : i32
    %dma_start3A_578 = tpu.memref_slice %arg45[%dma_start3A_577] : memref<2x!tpu.dma_semaphore, #tpu.memory_space<semaphore_mem>> -> memref<1x!tpu.dma_semaphore, #tpu.memory_space<semaphore_mem>>
    %dma_start3A_579 = tpu.memref_squeeze %dma_start3A_578 : memref<1x!tpu.dma_semaphore, #tpu.memory_space<semaphore_mem>> -> memref<!tpu.dma_semaphore, #tpu.memory_space<semaphore_mem>>
    %dma_start3A_580 = arith.constant 0 : i32
    %dma_start3A_581 = arith.constant 0 : i32
    %dma_start3A_582 = arith.constant 0 : i32
    %dma_start3A_583 = tpu.memref_slice %arg44[%dma_start3A_576, %dma_start3A_580, %dma_start3A_581, %dma_start3A_582] : memref<2x8x256x256xf32, #tpu.memory_space<vmem>> -> memref<1x8x256x256xf32, #tpu.memory_space<vmem>>
    %dma_start3A_584 = tpu.memref_squeeze %dma_start3A_583 : memref<1x8x256x256xf32, #tpu.memory_space<vmem>> -> memref<8x256x256xf32, #tpu.memory_space<vmem>>
    %dma_start3A_585 = arith.constant 0 : i32
    %dma_start3A_586 = arith.constant 0 : i32
    %dma_start3A_587 = arith.constant 0 : i32
    %dma_start3A_588 = tpu.memref_slice %arg1[%dma_start3A_575, %dma_start3A_585, %dma_start3A_586, %dma_start3A_587] : memref<8x8x256x256xf32, #tpu.memory_space<any>> -> memref<1x8x256x256xf32, #tpu.memory_space<any>>
    %dma_start3A_589 = tpu.memref_squeeze %dma_start3A_588 : memref<1x8x256x256xf32, #tpu.memory_space<any>> -> memref<8x256x256xf32, #tpu.memory_space<any>>
    tpu.enqueue_dma source(%dma_start3A_589 : memref<8x256x256xf32, #tpu.memory_space<any>>) target(%dma_start3A_584 : memref<8x256x256xf32, #tpu.memory_space<vmem>>) target_semaphore(%dma_start3A_579 : memref<!tpu.dma_semaphore, #tpu.memory_space<semaphore_mem>>)
    %dma_wait3A_590 = arith.constant 6 : i32
    %dma_wait3A_591 = arith.constant 0 : i32
    %dma_wait3A_592 = arith.constant 0 : i32
    %dma_wait3A_593 = tpu.memref_slice %arg45[%dma_wait3A_592] : memref<2x!tpu.dma_semaphore, #tpu.memory_space<semaphore_mem>> -> memref<1x!tpu.dma_semaphore, #tpu.memory_space<semaphore_mem>>
    %dma_wait3A_594 = tpu.memref_squeeze %dma_wait3A_593 : memref<1x!tpu.dma_semaphore, #tpu.memory_space<semaphore_mem>> -> memref<!tpu.dma_semaphore, #tpu.memory_space<semaphore_mem>>
    %dma_wait3A_595 = arith.constant 0 : i32
    %dma_wait3A_596 = arith.constant 0 : i32
    %dma_wait3A_597 = arith.constant 0 : i32
    %dma_wait3A_598 = tpu.memref_slice %arg44[%dma_wait3A_591, %dma_wait3A_595, %dma_wait3A_596, %dma_wait3A_597] : memref<2x8x256x256xf32, #tpu.memory_space<vmem>> -> memref<1x8x256x256xf32, #tpu.memory_space<vmem>>
    %dma_wait3A_599 = tpu.memref_squeeze %dma_wait3A_598 : memref<1x8x256x256xf32, #tpu.memory_space<vmem>> -> memref<8x256x256xf32, #tpu.memory_space<vmem>>
    %dma_wait3A_600 = arith.constant 0 : i32
    %dma_wait3A_601 = arith.constant 0 : i32
    %dma_wait3A_602 = arith.constant 0 : i32
    %dma_wait3A_603 = tpu.memref_slice %arg1[%dma_wait3A_590, %dma_wait3A_600, %dma_wait3A_601, %dma_wait3A_602] : memref<8x8x256x256xf32, #tpu.memory_space<any>> -> memref<1x8x256x256xf32, #tpu.memory_space<any>>
    %dma_wait3A_604 = tpu.memref_squeeze %dma_wait3A_603 : memref<1x8x256x256xf32, #tpu.memory_space<any>> -> memref<8x256x256xf32, #tpu.memory_space<any>>
    tpu.wait_dma2 semaphore(%dma_wait3A_594 : memref<!tpu.dma_semaphore, #tpu.memory_space<semaphore_mem>>) src(%dma_wait3A_604 : memref<8x256x256xf32, #tpu.memory_space<any>>) dst(%dma_wait3A_599 : memref<8x256x256xf32, #tpu.memory_space<vmem>>)
    %get3A_605 = arith.constant 0 : index
    %get3A_606 = arith.constant 0 : index
    %get3A_607 = arith.constant 0 : index
    %get3A_608 = arith.constant 0 : index
    %get3A_609 = vector.load %arg44[%get3A_605, %get3A_606, %get3A_607, %get3A_608] : memref<2x8x256x256xf32, #tpu.memory_space<vmem>>, vector<1x8x256x256xf32>
    %get3A_610 = vector.shape_cast %get3A_609 : vector<1x8x256x256xf32> to vector<8x256x256xf32>
    %broadcast_in_dim3A_611 = arith.constant 0xFF800000 : f32
    %broadcast_in_dim3A_612 = vector.broadcast %broadcast_in_dim3A_611 : f32 to vector<8x256x1xf32>
    %slice3A_613 = vector.extract_strided_slice %get3A_610 {offsets = [0, 0, 0], sizes = [8, 256, 255], strides = [1, 1, 1]} : vector<8x256x256xf32> to vector<8x256x255xf32>
    %concatenate3A_614 = tpu.concatenate %broadcast_in_dim3A_612, %slice3A_613 in 2 : vector<8x256x1xf32>, vector<8x256x255xf32> -> vector<8x256x256xf32>
    %slice3A_615 = vector.extract_strided_slice %get3A_610 {offsets = [0, 0, 1], sizes = [8, 256, 255], strides = [1, 1, 1]} : vector<8x256x256xf32> to vector<8x256x255xf32>
    %concatenate3A_616 = tpu.concatenate %slice3A_615, %broadcast_in_dim3A_612 in 2 : vector<8x256x255xf32>, vector<8x256x1xf32> -> vector<8x256x256xf32>
    %max3A_617 = arith.maximumf %concatenate3A_614, %concatenate3A_616 : vector<8x256x256xf32>
    %max3A_618 = arith.maximumf %max3A_617, %get3A_610 : vector<8x256x256xf32>
    %broadcast_in_dim3A_619 = arith.constant 0xFF800000 : f32
    %broadcast_in_dim3A_620 = vector.broadcast %broadcast_in_dim3A_619 : f32 to vector<8x1x256xf32>
    %slice3A_621 = vector.extract_strided_slice %max3A_618 {offsets = [0, 0, 0], sizes = [8, 255, 256], strides = [1, 1, 1]} : vector<8x256x256xf32> to vector<8x255x256xf32>
    %concatenate3A_622 = tpu.concatenate %broadcast_in_dim3A_620, %slice3A_621 in 1 : vector<8x1x256xf32>, vector<8x255x256xf32> -> vector<8x256x256xf32>
    %slice3A_623 = vector.extract_strided_slice %max3A_618 {offsets = [0, 1, 0], sizes = [8, 255, 256], strides = [1, 1, 1]} : vector<8x256x256xf32> to vector<8x255x256xf32>
    %concatenate3A_624 = tpu.concatenate %slice3A_623, %broadcast_in_dim3A_620 in 1 : vector<8x255x256xf32>, vector<8x1x256xf32> -> vector<8x256x256xf32>
    %max3A_625 = arith.maximumf %concatenate3A_622, %concatenate3A_624 : vector<8x256x256xf32>
    %max3A_626 = arith.maximumf %max3A_625, %max3A_618 : vector<8x256x256xf32>
    %eq3A_627 = arith.cmpf oeq, %max3A_626, %get3A_610 : vector<8x256x256xf32>
    %jit3A_628 = arith.constant 0.000000e+00 : f32
    %broadcast_in_dim3A_629 = vector.broadcast %jit3A_628 : f32 to vector<8x256x256xf32>
    %select_n3A_630 = arith.select %eq3A_627, %get3A_610, %broadcast_in_dim3A_629 : vector<8x256x256xi1>, vector<8x256x256xf32>
    %reshape3A_631 = vector.shape_cast %select_n3A_630 : vector<8x256x256xf32> to vector<2048x256xf32>
    %swap3A_632 = arith.constant 0 : index
    %swap3A_633 = arith.constant 0 : index
    %swap3A_634 = vector.load %arg34[%swap3A_632, %swap3A_633] : memref<2048x256xf32, #tpu.memory_space<vmem>>, vector<2048x256xf32>
    tpu.vector_store %arg34[%swap3A_632, %swap3A_633], %reshape3A_631 {strides = array<i32>} : memref<2048x256xf32, #tpu.memory_space<vmem>>, vector<2048x256xf32>,
    %reshape3A_635 = vector.shape_cast %reshape3A_631 : vector<2048x256xf32> to vector<128x16x256xf32>
    %reduce_max3A_636 = arith.constant dense<0xFF800000> : vector<128x256xf32>
    %reduce_max3A_637 = vector.multi_reduction <maximumf>, %reshape3A_635, %reduce_max3A_636 [1] : vector<128x16x256xf32> to vector<128x256xf32>
    %broadcast_in_dim3A_638 = vector.shape_cast %reduce_max3A_637 : vector<128x256xf32> to vector<128x1x256xf32>
    %eq3A_639 = vector.broadcast %broadcast_in_dim3A_638 : vector<128x1x256xf32> to vector<128x16x256xf32>
    %eq3A_640 = arith.cmpf oeq, %reshape3A_635, %eq3A_639 : vector<128x16x256xf32>
    %jit3A_641 = arith.constant 2147483647 : i32
    %broadcast_in_dim3A_642 = vector.broadcast %jit3A_641 : i32 to vector<128x16x256xi32>
    %select_n3A_643 = arith.select %eq3A_640, %reshape3A, %broadcast_in_dim3A_642 : vector<128x16x256xi1>, vector<128x16x256xi32>
    %reduce_min3A_644 = arith.constant dense<2147483647> : vector<128x256xi32>
    %reduce_min3A_645 = vector.multi_reduction <minsi>, %select_n3A_643, %reduce_min3A_644 [1] : vector<128x16x256xi32> to vector<128x256xi32>
    %swap3A_646 = arith.constant 0 : index
    %swap3A_647 = arith.constant 0 : index
    %swap3A_648 = vector.load %arg35[%swap3A_646, %swap3A_647] : memref<128x256xf32, #tpu.memory_space<vmem>>, vector<128x256xf32>
    tpu.vector_store %arg35[%swap3A_646, %swap3A_647], %reduce_max3A_637 {strides = array<i32>} : memref<128x256xf32, #tpu.memory_space<vmem>>, vector<128x256xf32>,
    %swap3A_649 = arith.constant 0 : index
    %swap3A_650 = arith.constant 0 : index
    %swap3A_651 = vector.load %arg36[%swap3A_649, %swap3A_650] : memref<128x256xi32, #tpu.memory_space<vmem>>, vector<128x256xi32>
    tpu.vector_store %arg36[%swap3A_649, %swap3A_650], %reduce_min3A_645 {strides = array<i32>} : memref<128x256xi32, #tpu.memory_space<vmem>>, vector<128x256xi32>,
    %reshape3A_652 = vector.shape_cast %reduce_max3A_637 : vector<128x256xf32> to vector<16x8x256xf32>
    %reshape3A_653 = vector.shape_cast %reduce_min3A_645 : vector<128x256xi32> to vector<16x8x256xi32>
    %reduce_max3A_654 = arith.constant dense<0xFF800000> : vector<16x256xf32>
    %reduce_max3A_655 = vector.multi_reduction <maximumf>, %reshape3A_652, %reduce_max3A_654 [1] : vector<16x8x256xf32> to vector<16x256xf32>
    %broadcast_in_dim3A_656 = vector.shape_cast %reduce_max3A_655 : vector<16x256xf32> to vector<16x1x256xf32>
    %eq3A_657 = vector.broadcast %broadcast_in_dim3A_656 : vector<16x1x256xf32> to vector<16x8x256xf32>
    %eq3A_658 = arith.cmpf oeq, %reshape3A_652, %eq3A_657 : vector<16x8x256xf32>
    %jit3A_659 = arith.constant 2147483647 : i32
    %broadcast_in_dim3A_660 = vector.broadcast %jit3A_659 : i32 to vector<16x8x256xi32>
    %select_n3A_661 = arith.select %eq3A_658, %reshape3A_653, %broadcast_in_dim3A_660 : vector<16x8x256xi1>, vector<16x8x256xi32>
    %reduce_min3A_662 = arith.constant dense<2147483647> : vector<16x256xi32>
    %reduce_min3A_663 = vector.multi_reduction <minsi>, %select_n3A_661, %reduce_min3A_662 [1] : vector<16x8x256xi32> to vector<16x256xi32>
    %swap3A_664 = arith.constant 0 : index
    %swap3A_665 = arith.constant 0 : index
    %swap3A_666 = vector.load %arg37[%swap3A_664, %swap3A_665] : memref<16x256xf32, #tpu.memory_space<vmem>>, vector<16x256xf32>
    tpu.vector_store %arg37[%swap3A_664, %swap3A_665], %reduce_max3A_655 {strides = array<i32>} : memref<16x256xf32, #tpu.memory_space<vmem>>, vector<16x256xf32>,
    %swap3A_667 = arith.constant 0 : index
    %swap3A_668 = arith.constant 0 : index
    %swap3A_669 = vector.load %arg38[%swap3A_667, %swap3A_668] : memref<16x256xi32, #tpu.memory_space<vmem>>, vector<16x256xi32>
    tpu.vector_store %arg38[%swap3A_667, %swap3A_668], %reduce_min3A_663 {strides = array<i32>} : memref<16x256xi32, #tpu.memory_space<vmem>>, vector<16x256xi32>,
    %dma_wait3A_670 = arith.constant 7 : i32
    %dma_wait3A_671 = arith.constant 1 : i32
    %dma_wait3A_672 = arith.constant 1 : i32
    %dma_wait3A_673 = tpu.memref_slice %arg45[%dma_wait3A_672] : memref<2x!tpu.dma_semaphore, #tpu.memory_space<semaphore_mem>> -> memref<1x!tpu.dma_semaphore, #tpu.memory_space<semaphore_mem>>
    %dma_wait3A_674 = tpu.memref_squeeze %dma_wait3A_673 : memref<1x!tpu.dma_semaphore, #tpu.memory_space<semaphore_mem>> -> memref<!tpu.dma_semaphore, #tpu.memory_space<semaphore_mem>>
    %dma_wait3A_675 = arith.constant 0 : i32
    %dma_wait3A_676 = arith.constant 0 : i32
    %dma_wait3A_677 = arith.constant 0 : i32
    %dma_wait3A_678 = tpu.memref_slice %arg44[%dma_wait3A_671, %dma_wait3A_675, %dma_wait3A_676, %dma_wait3A_677] : memref<2x8x256x256xf32, #tpu.memory_space<vmem>> -> memref<1x8x256x256xf32, #tpu.memory_space<vmem>>
    %dma_wait3A_679 = tpu.memref_squeeze %dma_wait3A_678 : memref<1x8x256x256xf32, #tpu.memory_space<vmem>> -> memref<8x256x256xf32, #tpu.memory_space<vmem>>
    %dma_wait3A_680 = arith.constant 0 : i32
    %dma_wait3A_681 = arith.constant 0 : i32
    %dma_wait3A_682 = arith.constant 0 : i32
    %dma_wait3A_683 = tpu.memref_slice %arg1[%dma_wait3A_670, %dma_wait3A_680, %dma_wait3A_681, %dma_wait3A_682] : memref<8x8x256x256xf32, #tpu.memory_space<any>> -> memref<1x8x256x256xf32, #tpu.memory_space<any>>
    %dma_wait3A_684 = tpu.memref_squeeze %dma_wait3A_683 : memref<1x8x256x256xf32, #tpu.memory_space<any>> -> memref<8x256x256xf32, #tpu.memory_space<any>>
    tpu.wait_dma2 semaphore(%dma_wait3A_674 : memref<!tpu.dma_semaphore, #tpu.memory_space<semaphore_mem>>) src(%dma_wait3A_684 : memref<8x256x256xf32, #tpu.memory_space<any>>) dst(%dma_wait3A_679 : memref<8x256x256xf32, #tpu.memory_space<vmem>>)
    %get3A_685 = arith.constant 1 : index
    %get3A_686 = arith.constant 0 : index
    %get3A_687 = arith.constant 0 : index
    %get3A_688 = arith.constant 0 : index
    %get3A_689 = vector.load %arg44[%get3A_685, %get3A_686, %get3A_687, %get3A_688] : memref<2x8x256x256xf32, #tpu.memory_space<vmem>>, vector<1x8x256x256xf32>
    %get3A_690 = vector.shape_cast %get3A_689 : vector<1x8x256x256xf32> to vector<8x256x256xf32>
    %broadcast_in_dim3A_691 = arith.constant 0xFF800000 : f32
    %broadcast_in_dim3A_692 = vector.broadcast %broadcast_in_dim3A_691 : f32 to vector<8x256x1xf32>
    %slice3A_693 = vector.extract_strided_slice %get3A_690 {offsets = [0, 0, 0], sizes = [8, 256, 255], strides = [1, 1, 1]} : vector<8x256x256xf32> to vector<8x256x255xf32>
    %concatenate3A_694 = tpu.concatenate %broadcast_in_dim3A_692, %slice3A_693 in 2 : vector<8x256x1xf32>, vector<8x256x255xf32> -> vector<8x256x256xf32>
    %slice3A_695 = vector.extract_strided_slice %get3A_690 {offsets = [0, 0, 1], sizes = [8, 256, 255], strides = [1, 1, 1]} : vector<8x256x256xf32> to vector<8x256x255xf32>
    %concatenate3A_696 = tpu.concatenate %slice3A_695, %broadcast_in_dim3A_692 in 2 : vector<8x256x255xf32>, vector<8x256x1xf32> -> vector<8x256x256xf32>
    %max3A_697 = arith.maximumf %concatenate3A_694, %concatenate3A_696 : vector<8x256x256xf32>
    %max3A_698 = arith.maximumf %max3A_697, %get3A_690 : vector<8x256x256xf32>
    %broadcast_in_dim3A_699 = arith.constant 0xFF800000 : f32
    %broadcast_in_dim3A_700 = vector.broadcast %broadcast_in_dim3A_699 : f32 to vector<8x1x256xf32>
    %slice3A_701 = vector.extract_strided_slice %max3A_698 {offsets = [0, 0, 0], sizes = [8, 255, 256], strides = [1, 1, 1]} : vector<8x256x256xf32> to vector<8x255x256xf32>
    %concatenate3A_702 = tpu.concatenate %broadcast_in_dim3A_700, %slice3A_701 in 1 : vector<8x1x256xf32>, vector<8x255x256xf32> -> vector<8x256x256xf32>
    %slice3A_703 = vector.extract_strided_slice %max3A_698 {offsets = [0, 1, 0], sizes = [8, 255, 256], strides = [1, 1, 1]} : vector<8x256x256xf32> to vector<8x255x256xf32>
    %concatenate3A_704 = tpu.concatenate %slice3A_703, %broadcast_in_dim3A_700 in 1 : vector<8x255x256xf32>, vector<8x1x256xf32> -> vector<8x256x256xf32>
    %max3A_705 = arith.maximumf %concatenate3A_702, %concatenate3A_704 : vector<8x256x256xf32>
    %max3A_706 = arith.maximumf %max3A_705, %max3A_698 : vector<8x256x256xf32>
    %eq3A_707 = arith.cmpf oeq, %max3A_706, %get3A_690 : vector<8x256x256xf32>
    %jit3A_708 = arith.constant 0.000000e+00 : f32
    %broadcast_in_dim3A_709 = vector.broadcast %jit3A_708 : f32 to vector<8x256x256xf32>
    %select_n3A_710 = arith.select %eq3A_707, %get3A_690, %broadcast_in_dim3A_709 : vector<8x256x256xi1>, vector<8x256x256xf32>
    %reshape3A_711 = vector.shape_cast %select_n3A_710 : vector<8x256x256xf32> to vector<2048x256xf32>
    %swap3A_712 = arith.constant 0 : index
    %swap3A_713 = arith.constant 0 : index
    %swap3A_714 = vector.load %arg39[%swap3A_712, %swap3A_713] : memref<2048x256xf32, #tpu.memory_space<vmem>>, vector<2048x256xf32>
    tpu.vector_store %arg39[%swap3A_712, %swap3A_713], %reshape3A_711 {strides = array<i32>} : memref<2048x256xf32, #tpu.memory_space<vmem>>, vector<2048x256xf32>,
    %reshape3A_715 = vector.shape_cast %reshape3A_711 : vector<2048x256xf32> to vector<128x16x256xf32>
    %reduce_max3A_716 = arith.constant dense<0xFF800000> : vector<128x256xf32>
    %reduce_max3A_717 = vector.multi_reduction <maximumf>, %reshape3A_715, %reduce_max3A_716 [1] : vector<128x16x256xf32> to vector<128x256xf32>
    %broadcast_in_dim3A_718 = vector.shape_cast %reduce_max3A_717 : vector<128x256xf32> to vector<128x1x256xf32>
    %eq3A_719 = vector.broadcast %broadcast_in_dim3A_718 : vector<128x1x256xf32> to vector<128x16x256xf32>
    %eq3A_720 = arith.cmpf oeq, %reshape3A_715, %eq3A_719 : vector<128x16x256xf32>
    %jit3A_721 = arith.constant 2147483647 : i32
    %broadcast_in_dim3A_722 = vector.broadcast %jit3A_721 : i32 to vector<128x16x256xi32>
    %select_n3A_723 = arith.select %eq3A_720, %reshape3A, %broadcast_in_dim3A_722 : vector<128x16x256xi1>, vector<128x16x256xi32>
    %reduce_min3A_724 = arith.constant dense<2147483647> : vector<128x256xi32>
    %reduce_min3A_725 = vector.multi_reduction <minsi>, %select_n3A_723, %reduce_min3A_724 [1] : vector<128x16x256xi32> to vector<128x256xi32>
    %swap3A_726 = arith.constant 0 : index
    %swap3A_727 = arith.constant 0 : index
    %swap3A_728 = vector.load %arg40[%swap3A_726, %swap3A_727] : memref<128x256xf32, #tpu.memory_space<vmem>>, vector<128x256xf32>
    tpu.vector_store %arg40[%swap3A_726, %swap3A_727], %reduce_max3A_717 {strides = array<i32>} : memref<128x256xf32, #tpu.memory_space<vmem>>, vector<128x256xf32>,
    %swap3A_729 = arith.constant 0 : index
    %swap3A_730 = arith.constant 0 : index
    %swap3A_731 = vector.load %arg41[%swap3A_729, %swap3A_730] : memref<128x256xi32, #tpu.memory_space<vmem>>, vector<128x256xi32>
    tpu.vector_store %arg41[%swap3A_729, %swap3A_730], %reduce_min3A_725 {strides = array<i32>} : memref<128x256xi32, #tpu.memory_space<vmem>>, vector<128x256xi32>,
    %reshape3A_732 = vector.shape_cast %reduce_max3A_717 : vector<128x256xf32> to vector<16x8x256xf32>
    %reshape3A_733 = vector.shape_cast %reduce_min3A_725 : vector<128x256xi32> to vector<16x8x256xi32>
    %reduce_max3A_734 = arith.constant dense<0xFF800000> : vector<16x256xf32>
    %reduce_max3A_735 = vector.multi_reduction <maximumf>, %reshape3A_732, %reduce_max3A_734 [1] : vector<16x8x256xf32> to vector<16x256xf32>
    %broadcast_in_dim3A_736 = vector.shape_cast %reduce_max3A_735 : vector<16x256xf32> to vector<16x1x256xf32>
    %eq3A_737 = vector.broadcast %broadcast_in_dim3A_736 : vector<16x1x256xf32> to vector<16x8x256xf32>
    %eq3A_738 = arith.cmpf oeq, %reshape3A_732, %eq3A_737 : vector<16x8x256xf32>
    %jit3A_739 = arith.constant 2147483647 : i32
    %broadcast_in_dim3A_740 = vector.broadcast %jit3A_739 : i32 to vector<16x8x256xi32>
    %select_n3A_741 = arith.select %eq3A_738, %reshape3A_733, %broadcast_in_dim3A_740 : vector<16x8x256xi1>, vector<16x8x256xi32>
    %reduce_min3A_742 = arith.constant dense<2147483647> : vector<16x256xi32>
    %reduce_min3A_743 = vector.multi_reduction <minsi>, %select_n3A_741, %reduce_min3A_742 [1] : vector<16x8x256xi32> to vector<16x256xi32>
    %swap3A_744 = arith.constant 0 : index
    %swap3A_745 = arith.constant 0 : index
    %swap3A_746 = vector.load %arg42[%swap3A_744, %swap3A_745] : memref<16x256xf32, #tpu.memory_space<vmem>>, vector<16x256xf32>
    tpu.vector_store %arg42[%swap3A_744, %swap3A_745], %reduce_max3A_735 {strides = array<i32>} : memref<16x256xf32, #tpu.memory_space<vmem>>, vector<16x256xf32>,
    %swap3A_747 = arith.constant 0 : index
    %swap3A_748 = arith.constant 0 : index
    %swap3A_749 = vector.load %arg43[%swap3A_747, %swap3A_748] : memref<16x256xi32, #tpu.memory_space<vmem>>, vector<16x256xi32>
    tpu.vector_store %arg43[%swap3A_747, %swap3A_748], %reduce_min3A_743 {strides = array<i32>} : memref<16x256xi32, #tpu.memory_space<vmem>>, vector<16x256xi32>,
    %broadcast_in_dim3A_750 = arith.constant 0.000000e+00 : f32
    %broadcast_in_dim3A_751 = vector.broadcast %broadcast_in_dim3A_750 : f32 to vector<8x1x128xf32>
    %swap3A_752 = arith.constant 0 : index
    %swap3A_753 = arith.constant 0 : index
    %swap3A_754 = arith.constant 0 : index
    %swap3A_755 = vector.load %arg2[%swap3A_752, %swap3A_753, %swap3A_754] : memref<8x1x128xf32, #tpu.memory_space<vmem>>, vector<8x1x128xf32>
    tpu.vector_store %arg2[%swap3A_752, %swap3A_753, %swap3A_754], %broadcast_in_dim3A_751 {strides = array<i32>} : memref<8x1x128xf32, #tpu.memory_space<vmem>>, vector<8x1x128xf32>,
    %broadcast_in_dim3A_756 = arith.constant 0 : i32
    %broadcast_in_dim3A_757 = vector.broadcast %broadcast_in_dim3A_756 : i32 to vector<8x1x128xi32>
    %swap3A_758 = arith.constant 0 : index
    %swap3A_759 = arith.constant 0 : index
    %swap3A_760 = arith.constant 0 : index
    %swap3A_761 = vector.load %arg3[%swap3A_758, %swap3A_759, %swap3A_760] : memref<8x1x128xi32, #tpu.memory_space<vmem>>, vector<8x1x128xi32>
    tpu.vector_store %arg3[%swap3A_758, %swap3A_759, %swap3A_760], %broadcast_in_dim3A_757 {strides = array<i32>} : memref<8x1x128xi32, #tpu.memory_space<vmem>>, vector<8x1x128xi32>,
    %iota3A_762 = tpu.iota {dimensions = array<i32: 1>} : vector<1x128xi32>
    %iota3A_763 = tpu.iota {dimensions = array<i32: 1>} : vector<1x256xi32>
    %iota3A_764 = tpu.iota {dimensions = array<i32: 0>} : vector<16x256xi32>
    %mul3A_765 = arith.constant 256 : i32
    %mul3A_766 = vector.broadcast %mul3A_765 : i32 to vector<16x256xi32>
    %mul3A_767 = arith.muli %iota3A_764, %mul3A_766 : vector<16x256xi32>
    %iota3A_768 = tpu.iota {dimensions = array<i32: 1>} : vector<16x256xi32>
    %add3A_769 = arith.addi %mul3A_767, %iota3A_768 : vector<16x256xi32>
    %scan3A = arith.constant 0 : i32
    %scan3A_770 = arith.constant 100 : i32
    %scan3A_771 = arith.addi %scan3A, %scan3A_770 : i32
    %scan3A_772 = arith.constant 1 : i32
    scf.for %scan3A_774 = %scan3A to %scan3A_771 step %scan3A_772  : i32 {
      %get3A_775 = arith.constant 0 : index
      %get3A_776 = arith.constant 0 : index
      %get3A_777 = vector.load %arg7[%get3A_775, %get3A_776] : memref<16x256xf32, #tpu.memory_space<vmem>>, vector<16x256xf32>
      %get3A_778 = arith.constant 0 : index
      %get3A_779 = arith.constant 0 : index
      %get3A_780 = vector.load %arg8[%get3A_778, %get3A_779] : memref<16x256xi32, #tpu.memory_space<vmem>>, vector<16x256xi32>
      %reduce_max3A_781 = arith.constant dense<0xFF800000> : vector<256xf32>
      %reduce_max3A_782 = vector.multi_reduction <maximumf>, %get3A_777, %reduce_max3A_781 [0] : vector<16x256xf32> to vector<256xf32>
      %broadcast_in_dim3A_783 = vector.shape_cast %reduce_max3A_782 : vector<256xf32> to vector<1x256xf32>
      %eq3A_784 = vector.broadcast %broadcast_in_dim3A_783 : vector<1x256xf32> to vector<16x256xf32>
      %eq3A_785 = arith.cmpf oeq, %get3A_777, %eq3A_784 : vector<16x256xf32>
      %jit3A_786 = arith.constant 2147483647 : i32
      %broadcast_in_dim3A_787 = vector.broadcast %jit3A_786 : i32 to vector<16x256xi32>
      %select_n3A_788 = arith.select %eq3A_785, %get3A_780, %broadcast_in_dim3A_787 : vector<16x256xi1>, vector<16x256xi32>
      %reduce_min3A_789 = arith.constant dense<2147483647> : vector<256xi32>
      %reduce_min3A_790 = vector.multi_reduction <minsi>, %select_n3A_788, %reduce_min3A_789 [0] : vector<16x256xi32> to vector<256xi32>
      %broadcast_in_dim3A_791 = vector.shape_cast %reduce_min3A_790 : vector<256xi32> to vector<1x256xi32>
      %get3A_792 = arith.constant 0 : index
      %get3A_793 = arith.constant 0 : index
      %get3A_794 = vector.load %arg12[%get3A_792, %get3A_793] : memref<16x256xf32, #tpu.memory_space<vmem>>, vector<16x256xf32>
      %get3A_795 = arith.constant 0 : index
      %get3A_796 = arith.constant 0 : index
      %get3A_797 = vector.load %arg13[%get3A_795, %get3A_796] : memref<16x256xi32, #tpu.memory_space<vmem>>, vector<16x256xi32>
      %reduce_max3A_798 = arith.constant dense<0xFF800000> : vector<256xf32>
      %reduce_max3A_799 = vector.multi_reduction <maximumf>, %get3A_794, %reduce_max3A_798 [0] : vector<16x256xf32> to vector<256xf32>
      %broadcast_in_dim3A_800 = vector.shape_cast %reduce_max3A_799 : vector<256xf32> to vector<1x256xf32>
      %eq3A_801 = vector.broadcast %broadcast_in_dim3A_800 : vector<1x256xf32> to vector<16x256xf32>
      %eq3A_802 = arith.cmpf oeq, %get3A_794, %eq3A_801 : vector<16x256xf32>
      %jit3A_803 = arith.constant 2147483647 : i32
      %broadcast_in_dim3A_804 = vector.broadcast %jit3A_803 : i32 to vector<16x256xi32>
      %select_n3A_805 = arith.select %eq3A_802, %get3A_797, %broadcast_in_dim3A_804 : vector<16x256xi1>, vector<16x256xi32>
      %reduce_min3A_806 = arith.constant dense<2147483647> : vector<256xi32>
      %reduce_min3A_807 = vector.multi_reduction <minsi>, %select_n3A_805, %reduce_min3A_806 [0] : vector<16x256xi32> to vector<256xi32>
      %broadcast_in_dim3A_808 = vector.shape_cast %reduce_min3A_807 : vector<256xi32> to vector<1x256xi32>
      %get3A_809 = arith.constant 0 : index
      %get3A_810 = arith.constant 0 : index
      %get3A_811 = vector.load %arg17[%get3A_809, %get3A_810] : memref<16x256xf32, #tpu.memory_space<vmem>>, vector<16x256xf32>
      %get3A_812 = arith.constant 0 : index
      %get3A_813 = arith.constant 0 : index
      %get3A_814 = vector.load %arg18[%get3A_812, %get3A_813] : memref<16x256xi32, #tpu.memory_space<vmem>>, vector<16x256xi32>
      %reduce_max3A_815 = arith.constant dense<0xFF800000> : vector<256xf32>
      %reduce_max3A_816 = vector.multi_reduction <maximumf>, %get3A_811, %reduce_max3A_815 [0] : vector<16x256xf32> to vector<256xf32>
      %broadcast_in_dim3A_817 = vector.shape_cast %reduce_max3A_816 : vector<256xf32> to vector<1x256xf32>
      %eq3A_818 = vector.broadcast %broadcast_in_dim3A_817 : vector<1x256xf32> to vector<16x256xf32>
      %eq3A_819 = arith.cmpf oeq, %get3A_811, %eq3A_818 : vector<16x256xf32>
      %jit3A_820 = arith.constant 2147483647 : i32
      %broadcast_in_dim3A_821 = vector.broadcast %jit3A_820 : i32 to vector<16x256xi32>
      %select_n3A_822 = arith.select %eq3A_819, %get3A_814, %broadcast_in_dim3A_821 : vector<16x256xi1>, vector<16x256xi32>
      %reduce_min3A_823 = arith.constant dense<2147483647> : vector<256xi32>
      %reduce_min3A_824 = vector.multi_reduction <minsi>, %select_n3A_822, %reduce_min3A_823 [0] : vector<16x256xi32> to vector<256xi32>
      %broadcast_in_dim3A_825 = vector.shape_cast %reduce_min3A_824 : vector<256xi32> to vector<1x256xi32>
      %get3A_826 = arith.constant 0 : index
      %get3A_827 = arith.constant 0 : index
      %get3A_828 = vector.load %arg22[%get3A_826, %get3A_827] : memref<16x256xf32, #tpu.memory_space<vmem>>, vector<16x256xf32>
      %get3A_829 = arith.constant 0 : index
      %get3A_830 = arith.constant 0 : index
      %get3A_831 = vector.load %arg23[%get3A_829, %get3A_830] : memref<16x256xi32, #tpu.memory_space<vmem>>, vector<16x256xi32>
      %reduce_max3A_832 = arith.constant dense<0xFF800000> : vector<256xf32>
      %reduce_max3A_833 = vector.multi_reduction <maximumf>, %get3A_828, %reduce_max3A_832 [0] : vector<16x256xf32> to vector<256xf32>
      %broadcast_in_dim3A_834 = vector.shape_cast %reduce_max3A_833 : vector<256xf32> to vector<1x256xf32>
      %eq3A_835 = vector.broadcast %broadcast_in_dim3A_834 : vector<1x256xf32> to vector<16x256xf32>
      %eq3A_836 = arith.cmpf oeq, %get3A_828, %eq3A_835 : vector<16x256xf32>
      %jit3A_837 = arith.constant 2147483647 : i32
      %broadcast_in_dim3A_838 = vector.broadcast %jit3A_837 : i32 to vector<16x256xi32>
      %select_n3A_839 = arith.select %eq3A_836, %get3A_831, %broadcast_in_dim3A_838 : vector<16x256xi1>, vector<16x256xi32>
      %reduce_min3A_840 = arith.constant dense<2147483647> : vector<256xi32>
      %reduce_min3A_841 = vector.multi_reduction <minsi>, %select_n3A_839, %reduce_min3A_840 [0] : vector<16x256xi32> to vector<256xi32>
      %broadcast_in_dim3A_842 = vector.shape_cast %reduce_min3A_841 : vector<256xi32> to vector<1x256xi32>
      %get3A_843 = arith.constant 0 : index
      %get3A_844 = arith.constant 0 : index
      %get3A_845 = vector.load %arg27[%get3A_843, %get3A_844] : memref<16x256xf32, #tpu.memory_space<vmem>>, vector<16x256xf32>
      %get3A_846 = arith.constant 0 : index
      %get3A_847 = arith.constant 0 : index
      %get3A_848 = vector.load %arg28[%get3A_846, %get3A_847] : memref<16x256xi32, #tpu.memory_space<vmem>>, vector<16x256xi32>
      %reduce_max3A_849 = arith.constant dense<0xFF800000> : vector<256xf32>
      %reduce_max3A_850 = vector.multi_reduction <maximumf>, %get3A_845, %reduce_max3A_849 [0] : vector<16x256xf32> to vector<256xf32>
      %broadcast_in_dim3A_851 = vector.shape_cast %reduce_max3A_850 : vector<256xf32> to vector<1x256xf32>
      %eq3A_852 = vector.broadcast %broadcast_in_dim3A_851 : vector<1x256xf32> to vector<16x256xf32>
      %eq3A_853 = arith.cmpf oeq, %get3A_845, %eq3A_852 : vector<16x256xf32>
      %jit3A_854 = arith.constant 2147483647 : i32
      %broadcast_in_dim3A_855 = vector.broadcast %jit3A_854 : i32 to vector<16x256xi32>
      %select_n3A_856 = arith.select %eq3A_853, %get3A_848, %broadcast_in_dim3A_855 : vector<16x256xi1>, vector<16x256xi32>
      %reduce_min3A_857 = arith.constant dense<2147483647> : vector<256xi32>
      %reduce_min3A_858 = vector.multi_reduction <minsi>, %select_n3A_856, %reduce_min3A_857 [0] : vector<16x256xi32> to vector<256xi32>
      %broadcast_in_dim3A_859 = vector.shape_cast %reduce_min3A_858 : vector<256xi32> to vector<1x256xi32>
      %get3A_860 = arith.constant 0 : index
      %get3A_861 = arith.constant 0 : index
      %get3A_862 = vector.load %arg32[%get3A_860, %get3A_861] : memref<16x256xf32, #tpu.memory_space<vmem>>, vector<16x256xf32>
      %get3A_863 = arith.constant 0 : index
      %get3A_864 = arith.constant 0 : index
      %get3A_865 = vector.load %arg33[%get3A_863, %get3A_864] : memref<16x256xi32, #tpu.memory_space<vmem>>, vector<16x256xi32>
      %reduce_max3A_866 = arith.constant dense<0xFF800000> : vector<256xf32>
      %reduce_max3A_867 = vector.multi_reduction <maximumf>, %get3A_862, %reduce_max3A_866 [0] : vector<16x256xf32> to vector<256xf32>
      %broadcast_in_dim3A_868 = vector.shape_cast %reduce_max3A_867 : vector<256xf32> to vector<1x256xf32>
      %eq3A_869 = vector.broadcast %broadcast_in_dim3A_868 : vector<1x256xf32> to vector<16x256xf32>
      %eq3A_870 = arith.cmpf oeq, %get3A_862, %eq3A_869 : vector<16x256xf32>
      %jit3A_871 = arith.constant 2147483647 : i32
      %broadcast_in_dim3A_872 = vector.broadcast %jit3A_871 : i32 to vector<16x256xi32>
      %select_n3A_873 = arith.select %eq3A_870, %get3A_865, %broadcast_in_dim3A_872 : vector<16x256xi1>, vector<16x256xi32>
      %reduce_min3A_874 = arith.constant dense<2147483647> : vector<256xi32>
      %reduce_min3A_875 = vector.multi_reduction <minsi>, %select_n3A_873, %reduce_min3A_874 [0] : vector<16x256xi32> to vector<256xi32>
      %broadcast_in_dim3A_876 = vector.shape_cast %reduce_min3A_875 : vector<256xi32> to vector<1x256xi32>
      %get3A_877 = arith.constant 0 : index
      %get3A_878 = arith.constant 0 : index
      %get3A_879 = vector.load %arg37[%get3A_877, %get3A_878] : memref<16x256xf32, #tpu.memory_space<vmem>>, vector<16x256xf32>
      %get3A_880 = arith.constant 0 : index
      %get3A_881 = arith.constant 0 : index
      %get3A_882 = vector.load %arg38[%get3A_880, %get3A_881] : memref<16x256xi32, #tpu.memory_space<vmem>>, vector<16x256xi32>
      %reduce_max3A_883 = arith.constant dense<0xFF800000> : vector<256xf32>
      %reduce_max3A_884 = vector.multi_reduction <maximumf>, %get3A_879, %reduce_max3A_883 [0] : vector<16x256xf32> to vector<256xf32>
      %broadcast_in_dim3A_885 = vector.shape_cast %reduce_max3A_884 : vector<256xf32> to vector<1x256xf32>
      %eq3A_886 = vector.broadcast %broadcast_in_dim3A_885 : vector<1x256xf32> to vector<16x256xf32>
      %eq3A_887 = arith.cmpf oeq, %get3A_879, %eq3A_886 : vector<16x256xf32>
      %jit3A_888 = arith.constant 2147483647 : i32
      %broadcast_in_dim3A_889 = vector.broadcast %jit3A_888 : i32 to vector<16x256xi32>
      %select_n3A_890 = arith.select %eq3A_887, %get3A_882, %broadcast_in_dim3A_889 : vector<16x256xi1>, vector<16x256xi32>
      %reduce_min3A_891 = arith.constant dense<2147483647> : vector<256xi32>
      %reduce_min3A_892 = vector.multi_reduction <minsi>, %select_n3A_890, %reduce_min3A_891 [0] : vector<16x256xi32> to vector<256xi32>
      %broadcast_in_dim3A_893 = vector.shape_cast %reduce_min3A_892 : vector<256xi32> to vector<1x256xi32>
      %get3A_894 = arith.constant 0 : index
      %get3A_895 = arith.constant 0 : index
      %get3A_896 = vector.load %arg42[%get3A_894, %get3A_895] : memref<16x256xf32, #tpu.memory_space<vmem>>, vector<16x256xf32>
      %get3A_897 = arith.constant 0 : index
      %get3A_898 = arith.constant 0 : index
      %get3A_899 = vector.load %arg43[%get3A_897, %get3A_898] : memref<16x256xi32, #tpu.memory_space<vmem>>, vector<16x256xi32>
      %reduce_max3A_900 = arith.constant dense<0xFF800000> : vector<256xf32>
      %reduce_max3A_901 = vector.multi_reduction <maximumf>, %get3A_896, %reduce_max3A_900 [0] : vector<16x256xf32> to vector<256xf32>
      %broadcast_in_dim3A_902 = vector.shape_cast %reduce_max3A_901 : vector<256xf32> to vector<1x256xf32>
      %eq3A_903 = vector.broadcast %broadcast_in_dim3A_902 : vector<1x256xf32> to vector<16x256xf32>
      %eq3A_904 = arith.cmpf oeq, %get3A_896, %eq3A_903 : vector<16x256xf32>
      %jit3A_905 = arith.constant 2147483647 : i32
      %broadcast_in_dim3A_906 = vector.broadcast %jit3A_905 : i32 to vector<16x256xi32>
      %select_n3A_907 = arith.select %eq3A_904, %get3A_899, %broadcast_in_dim3A_906 : vector<16x256xi1>, vector<16x256xi32>
      %reduce_min3A_908 = arith.constant dense<2147483647> : vector<256xi32>
      %reduce_min3A_909 = vector.multi_reduction <minsi>, %select_n3A_907, %reduce_min3A_908 [0] : vector<16x256xi32> to vector<256xi32>
      %broadcast_in_dim3A_910 = vector.shape_cast %reduce_min3A_909 : vector<256xi32> to vector<1x256xi32>
      %concatenate3A_911 = tpu.concatenate %broadcast_in_dim3A_783, %broadcast_in_dim3A_800, %broadcast_in_dim3A_817, %broadcast_in_dim3A_834, %broadcast_in_dim3A_851, %broadcast_in_dim3A_868, %broadcast_in_dim3A_885, %broadcast_in_dim3A_902 in 0 : vector<1x256xf32>, vector<1x256xf32>, vector<1x256xf32>, vector<1x256xf32>, vector<1x256xf32>, vector<1x256xf32>, vector<1x256xf32>, vector<1x256xf32> -> vector<8x256xf32>
      %concatenate3A_912 = tpu.concatenate %broadcast_in_dim3A_791, %broadcast_in_dim3A_808, %broadcast_in_dim3A_825, %broadcast_in_dim3A_842, %broadcast_in_dim3A_859, %broadcast_in_dim3A_876, %broadcast_in_dim3A_893, %broadcast_in_dim3A_910 in 0 : vector<1x256xi32>, vector<1x256xi32>, vector<1x256xi32>, vector<1x256xi32>, vector<1x256xi32>, vector<1x256xi32>, vector<1x256xi32>, vector<1x256xi32> -> vector<8x256xi32>
      %convert_element_type3A = arith.sitofp %concatenate3A_912 : vector<8x256xi32> to vector<8x256xf32>
      %slice3A_913 = vector.extract_strided_slice %concatenate3A_911 {offsets = [0, 0], sizes = [8, 128], strides = [1, 1]} : vector<8x256xf32> to vector<8x128xf32>
      %slice3A_914 = vector.extract_strided_slice %concatenate3A_911 {offsets = [0, 128], sizes = [8, 128], strides = [1, 1]} : vector<8x256xf32> to vector<8x128xf32>
      %slice3A_915 = vector.extract_strided_slice %convert_element_type3A {offsets = [0, 0], sizes = [8, 128], strides = [1, 1]} : vector<8x256xf32> to vector<8x128xf32>
      %slice3A_916 = vector.extract_strided_slice %convert_element_type3A {offsets = [0, 128], sizes = [8, 128], strides = [1, 1]} : vector<8x256xf32> to vector<8x128xf32>
      %max3A_917 = arith.maximumf %slice3A_913, %slice3A_914 : vector<8x128xf32>
      %reduce_max3A_918 = arith.constant dense<0xFF800000> : vector<8xf32>
      %reduce_max3A_919 = vector.multi_reduction <maximumf>, %max3A_917, %reduce_max3A_918 [1] : vector<8x128xf32> to vector<8xf32>
      %broadcast_in_dim3A_920 = vector.shape_cast %reduce_max3A_919 : vector<8xf32> to vector<8x1xf32>
      %eq3A_921 = vector.broadcast %broadcast_in_dim3A_920 : vector<8x1xf32> to vector<8x128xf32>
      %eq3A_922 = arith.cmpf oeq, %slice3A_913, %eq3A_921 : vector<8x128xf32>
      %jit3A_923 = arith.constant 1.07374182E+9 : f32
      %broadcast_in_dim3A_924 = vector.broadcast %jit3A_923 : f32 to vector<8x128xf32>
      %select_n3A_925 = arith.select %eq3A_922, %slice3A_915, %broadcast_in_dim3A_924 : vector<8x128xi1>, vector<8x128xf32>
      %eq3A_926 = vector.broadcast %broadcast_in_dim3A_920 : vector<8x1xf32> to vector<8x128xf32>
      %eq3A_927 = arith.cmpf oeq, %slice3A_914, %eq3A_926 : vector<8x128xf32>
      %jit3A_928 = arith.constant 1.07374182E+9 : f32
      %broadcast_in_dim3A_929 = vector.broadcast %jit3A_928 : f32 to vector<8x128xf32>
      %select_n3A_930 = arith.select %eq3A_927, %slice3A_916, %broadcast_in_dim3A_929 : vector<8x128xi1>, vector<8x128xf32>
      %min3A = arith.minimumf %select_n3A_925, %select_n3A_930 : vector<8x128xf32>
      %reduce_min3A_931 = arith.constant dense<0x7F800000> : vector<8xf32>
      %reduce_min3A_932 = vector.multi_reduction <minimumf>, %min3A, %reduce_min3A_931 [1] : vector<8x128xf32> to vector<8xf32>
      %broadcast_in_dim3A_933 = vector.shape_cast %reduce_min3A_932 : vector<8xf32> to vector<8x1xf32>
      %convert_element_type3A_934 = arith.fptosi %broadcast_in_dim3A_933 : vector<8x1xf32> to vector<8x1xi32>
      %slice3A_935 = vector.extract_strided_slice %convert_element_type3A_934 {offsets = [0, 0], sizes = [1, 1], strides = [1, 1]} : vector<8x1xi32> to vector<1x1xi32>
      %squeeze3A = vector.extract %slice3A_935[0, 0] : i32 from vector<1x1xi32>
      %slice3A_936 = vector.extract_strided_slice %broadcast_in_dim3A_920 {offsets = [0, 0], sizes = [1, 1], strides = [1, 1]} : vector<8x1xf32> to vector<1x1xf32>
      %slice3A_937 = vector.extract_strided_slice %convert_element_type3A_934 {offsets = [0, 0], sizes = [1, 1], strides = [1, 1]} : vector<8x1xi32> to vector<1x1xi32>
      %eq3A_938 = vector.broadcast %scan3A_774 : i32 to vector<1x128xi32>
      %eq3A_939 = arith.cmpi eq, %iota3A_762, %eq3A_938 : vector<1x128xi32>
      %broadcast_in_dim3A_940 = vector.shape_cast %slice3A_936 : vector<1x1xf32> to vector<1x1xf32>
      %broadcast_in_dim3A_941 = vector.broadcast %broadcast_in_dim3A_940 : vector<1x1xf32> to vector<1x128xf32>
      %get3A_942 = arith.constant 0 : index
      %get3A_943 = arith.constant 0 : index
      %get3A_944 = arith.constant 0 : index
      %get3A_945 = vector.load %arg2[%get3A_942, %get3A_943, %get3A_944] : memref<8x1x128xf32, #tpu.memory_space<vmem>>, vector<1x1x128xf32>
      %get3A_946 = vector.shape_cast %get3A_945 : vector<1x1x128xf32> to vector<1x128xf32>
      %select_n3A_947 = arith.select %eq3A_939, %broadcast_in_dim3A_941, %get3A_946 : vector<1x128xi1>, vector<1x128xf32>
      %swap3A_948 = arith.constant 0 : index
      %swap3A_949 = arith.constant 0 : index
      %swap3A_950 = arith.constant 0 : index
      %swap3A_951 = vector.load %arg2[%swap3A_948, %swap3A_949, %swap3A_950] : memref<8x1x128xf32, #tpu.memory_space<vmem>>, vector<1x1x128xf32>
      %swap3A_952 = vector.shape_cast %swap3A_951 : vector<1x1x128xf32> to vector<1x128xf32>
      %swap3A_953 = vector.shape_cast %select_n3A_947 : vector<1x128xf32> to vector<1x1x128xf32>
      tpu.vector_store %arg2[%swap3A_948, %swap3A_949, %swap3A_950], %swap3A_953 {strides = array<i32>} : memref<8x1x128xf32, #tpu.memory_space<vmem>>, vector<1x1x128xf32>,
      %eq3A_954 = vector.broadcast %scan3A_774 : i32 to vector<1x128xi32>
      %eq3A_955 = arith.cmpi eq, %iota3A_762, %eq3A_954 : vector<1x128xi32>
      %broadcast_in_dim3A_956 = vector.shape_cast %slice3A_937 : vector<1x1xi32> to vector<1x1xi32>
      %broadcast_in_dim3A_957 = vector.broadcast %broadcast_in_dim3A_956 : vector<1x1xi32> to vector<1x128xi32>
      %get3A_958 = arith.constant 0 : index
      %get3A_959 = arith.constant 0 : index
      %get3A_960 = arith.constant 0 : index
      %get3A_961 = vector.load %arg3[%get3A_958, %get3A_959, %get3A_960] : memref<8x1x128xi32, #tpu.memory_space<vmem>>, vector<1x1x128xi32>
      %get3A_962 = vector.shape_cast %get3A_961 : vector<1x1x128xi32> to vector<1x128xi32>
      %select_n3A_963 = arith.select %eq3A_955, %broadcast_in_dim3A_957, %get3A_962 : vector<1x128xi1>, vector<1x128xi32>
      %swap3A_964 = arith.constant 0 : index
      %swap3A_965 = arith.constant 0 : index
      %swap3A_966 = arith.constant 0 : index
      %swap3A_967 = vector.load %arg3[%swap3A_964, %swap3A_965, %swap3A_966] : memref<8x1x128xi32, #tpu.memory_space<vmem>>, vector<1x1x128xi32>
      %swap3A_968 = vector.shape_cast %swap3A_967 : vector<1x1x128xi32> to vector<1x128xi32>
      %swap3A_969 = vector.shape_cast %select_n3A_963 : vector<1x128xi32> to vector<1x1x128xi32>
      tpu.vector_store %arg3[%swap3A_964, %swap3A_965, %swap3A_966], %swap3A_969 {strides = array<i32>} : memref<8x1x128xi32, #tpu.memory_space<vmem>>, vector<1x1x128xi32>,
      %shift_right_logical3A = arith.constant 8 : i32
      %shift_right_logical3A_970 = arith.shrui %squeeze3A, %shift_right_logical3A : i32
      %and3A = arith.constant 255 : i32
      %and3A_971 = vector.broadcast %and3A : i32 to vector<1x1xi32>
      %and3A_972 = arith.andi %slice3A_937, %and3A_971 : vector<1x1xi32>
      %broadcast_in_dim3A_973 = vector.shape_cast %and3A_972 : vector<1x1xi32> to vector<1x1xi32>
      %broadcast_in_dim3A_974 = vector.broadcast %broadcast_in_dim3A_973 : vector<1x1xi32> to vector<1x256xi32>
      %eq3A_975 = arith.cmpi eq, %iota3A_763, %broadcast_in_dim3A_974 : vector<1x256xi32>
      %get3A_976 = arith.index_cast %shift_right_logical3A_970 : i32 to index
      %get3A_977 = arith.constant 0 : index
      %get3A_978 = vector.load %arg4[%get3A_976, %get3A_977] : memref<2048x256xf32, #tpu.memory_space<vmem>>, vector<1x256xf32>
      %jit3A_979 = arith.constant -1.000000e+00 : f32
      %broadcast_in_dim3A_980 = vector.broadcast %jit3A_979 : f32 to vector<1x256xf32>
      %select_n3A_981 = arith.select %eq3A_975, %broadcast_in_dim3A_980, %get3A_978 : vector<1x256xi1>, vector<1x256xf32>
      %swap3A_982 = arith.index_cast %shift_right_logical3A_970 : i32 to index
      %swap3A_983 = arith.constant 0 : index
      %swap3A_984 = vector.load %arg4[%swap3A_982, %swap3A_983] : memref<2048x256xf32, #tpu.memory_space<vmem>>, vector<1x256xf32>
      tpu.vector_store %arg4[%swap3A_982, %swap3A_983], %select_n3A_981 {strides = array<i32>} : memref<2048x256xf32, #tpu.memory_space<vmem>>, vector<1x256xf32>,
      %shift_right_logical3A_985 = arith.constant 12 : i32
      %shift_right_logical3A_986 = arith.shrui %squeeze3A, %shift_right_logical3A_985 : i32
      %mul3A_987 = arith.constant 16 : i32
      %mul3A_988 = arith.muli %shift_right_logical3A_986, %mul3A_987 : i32
      %multiple_of3A = tpu.assume_multiple %mul3A_988, 16 : i32
      %get3A_989 = arith.index_cast %multiple_of3A : i32 to index
      %get3A_990 = arith.constant 0 : index
      %get3A_991 = vector.load %arg4[%get3A_989, %get3A_990] : memref<2048x256xf32, #tpu.memory_space<vmem>>, vector<16x256xf32>
      %mul3A_992 = arith.constant 4096 : i32
      %mul3A_993 = arith.muli %shift_right_logical3A_986, %mul3A_992 : i32
      %add3A_994 = vector.broadcast %mul3A_993 : i32 to vector<16x256xi32>
      %add3A_995 = arith.addi %add3A_769, %add3A_994 : vector<16x256xi32>
      %reduce_max3A_996 = arith.constant dense<0xFF800000> : vector<256xf32>
      %reduce_max3A_997 = vector.multi_reduction <maximumf>, %get3A_991, %reduce_max3A_996 [0] : vector<16x256xf32> to vector<256xf32>
      %broadcast_in_dim3A_998 = vector.shape_cast %reduce_max3A_997 : vector<256xf32> to vector<1x256xf32>
      %eq3A_999 = vector.broadcast %broadcast_in_dim3A_998 : vector<1x256xf32> to vector<16x256xf32>
      %eq3A_1000 = arith.cmpf oeq, %get3A_991, %eq3A_999 : vector<16x256xf32>
      %jit3A_1001 = arith.constant 2147483647 : i32
      %broadcast_in_dim3A_1002 = vector.broadcast %jit3A_1001 : i32 to vector<16x256xi32>
      %select_n3A_1003 = arith.select %eq3A_1000, %add3A_995, %broadcast_in_dim3A_1002 : vector<16x256xi1>, vector<16x256xi32>
      %reduce_min3A_1004 = arith.constant dense<2147483647> : vector<256xi32>
      %reduce_min3A_1005 = vector.multi_reduction <minsi>, %select_n3A_1003, %reduce_min3A_1004 [0] : vector<16x256xi32> to vector<256xi32>
      %broadcast_in_dim3A_1006 = vector.shape_cast %reduce_min3A_1005 : vector<256xi32> to vector<1x256xi32>
      %swap3A_1007 = arith.index_cast %shift_right_logical3A_986 : i32 to index
      %swap3A_1008 = arith.constant 0 : index
      %swap3A_1009 = vector.load %arg5[%swap3A_1007, %swap3A_1008] : memref<128x256xf32, #tpu.memory_space<vmem>>, vector<1x256xf32>
      tpu.vector_store %arg5[%swap3A_1007, %swap3A_1008], %broadcast_in_dim3A_998 {strides = array<i32>} : memref<128x256xf32, #tpu.memory_space<vmem>>, vector<1x256xf32>,
      %swap3A_1010 = arith.index_cast %shift_right_logical3A_986 : i32 to index
      %swap3A_1011 = arith.constant 0 : index
      %swap3A_1012 = vector.load %arg6[%swap3A_1010, %swap3A_1011] : memref<128x256xi32, #tpu.memory_space<vmem>>, vector<1x256xi32>
      tpu.vector_store %arg6[%swap3A_1010, %swap3A_1011], %broadcast_in_dim3A_1006 {strides = array<i32>} : memref<128x256xi32, #tpu.memory_space<vmem>>, vector<1x256xi32>,
      %shift_right_logical3A_1013 = arith.constant 15 : i32
      %shift_right_logical3A_1014 = arith.shrui %squeeze3A, %shift_right_logical3A_1013 : i32
      %mul3A_1015 = arith.constant 8 : i32
      %mul3A_1016 = arith.muli %shift_right_logical3A_1014, %mul3A_1015 : i32
      %multiple_of3A_1017 = tpu.assume_multiple %mul3A_1016, 8 : i32
      %get3A_1018 = arith.index_cast %multiple_of3A_1017 : i32 to index
      %get3A_1019 = arith.constant 0 : index
      %get3A_1020 = vector.load %arg5[%get3A_1018, %get3A_1019] : memref<128x256xf32, #tpu.memory_space<vmem>>, vector<8x256xf32>
      %mul3A_1021 = arith.constant 8 : i32
      %mul3A_1022 = arith.muli %shift_right_logical3A_1014, %mul3A_1021 : i32
      %multiple_of3A_1023 = tpu.assume_multiple %mul3A_1022, 8 : i32
      %get3A_1024 = arith.index_cast %multiple_of3A_1023 : i32 to index
      %get3A_1025 = arith.constant 0 : index
      %get3A_1026 = vector.load %arg6[%get3A_1024, %get3A_1025] : memref<128x256xi32, #tpu.memory_space<vmem>>, vector<8x256xi32>
      %reduce_max3A_1027 = arith.constant dense<0xFF800000> : vector<256xf32>
      %reduce_max3A_1028 = vector.multi_reduction <maximumf>, %get3A_1020, %reduce_max3A_1027 [0] : vector<8x256xf32> to vector<256xf32>
      %broadcast_in_dim3A_1029 = vector.shape_cast %reduce_max3A_1028 : vector<256xf32> to vector<1x256xf32>
      %eq3A_1030 = vector.broadcast %broadcast_in_dim3A_1029 : vector<1x256xf32> to vector<8x256xf32>
      %eq3A_1031 = arith.cmpf oeq, %get3A_1020, %eq3A_1030 : vector<8x256xf32>
      %jit3A_1032 = arith.constant 2147483647 : i32
      %broadcast_in_dim3A_1033 = vector.broadcast %jit3A_1032 : i32 to vector<8x256xi32>
      %select_n3A_1034 = arith.select %eq3A_1031, %get3A_1026, %broadcast_in_dim3A_1033 : vector<8x256xi1>, vector<8x256xi32>
      %reduce_min3A_1035 = arith.constant dense<2147483647> : vector<256xi32>
      %reduce_min3A_1036 = vector.multi_reduction <minsi>, %select_n3A_1034, %reduce_min3A_1035 [0] : vector<8x256xi32> to vector<256xi32>
      %broadcast_in_dim3A_1037 = vector.shape_cast %reduce_min3A_1036 : vector<256xi32> to vector<1x256xi32>
      %swap3A_1038 = arith.index_cast %shift_right_logical3A_1014 : i32 to index
      %swap3A_1039 = arith.constant 0 : index
      %swap3A_1040 = vector.load %arg7[%swap3A_1038, %swap3A_1039] : memref<16x256xf32, #tpu.memory_space<vmem>>, vector<1x256xf32>
      tpu.vector_store %arg7[%swap3A_1038, %swap3A_1039], %broadcast_in_dim3A_1029 {strides = array<i32>} : memref<16x256xf32, #tpu.memory_space<vmem>>, vector<1x256xf32>,
      %swap3A_1041 = arith.index_cast %shift_right_logical3A_1014 : i32 to index
      %swap3A_1042 = arith.constant 0 : index
      %swap3A_1043 = vector.load %arg8[%swap3A_1041, %swap3A_1042] : memref<16x256xi32, #tpu.memory_space<vmem>>, vector<1x256xi32>
      tpu.vector_store %arg8[%swap3A_1041, %swap3A_1042], %broadcast_in_dim3A_1037 {strides = array<i32>} : memref<16x256xi32, #tpu.memory_space<vmem>>, vector<1x256xi32>,
      %slice3A_1044 = vector.extract_strided_slice %convert_element_type3A_934 {offsets = [1, 0], sizes = [1, 1], strides = [1, 1]} : vector<8x1xi32> to vector<1x1xi32>
      %squeeze3A_1045 = vector.extract %slice3A_1044[0, 0] : i32 from vector<1x1xi32>
      %slice3A_1046 = vector.extract_strided_slice %broadcast_in_dim3A_920 {offsets = [1, 0], sizes = [1, 1], strides = [1, 1]} : vector<8x1xf32> to vector<1x1xf32>
      %slice3A_1047 = vector.extract_strided_slice %convert_element_type3A_934 {offsets = [1, 0], sizes = [1, 1], strides = [1, 1]} : vector<8x1xi32> to vector<1x1xi32>
      %eq3A_1048 = vector.broadcast %scan3A_774 : i32 to vector<1x128xi32>
      %eq3A_1049 = arith.cmpi eq, %iota3A_762, %eq3A_1048 : vector<1x128xi32>
      %broadcast_in_dim3A_1050 = vector.shape_cast %slice3A_1046 : vector<1x1xf32> to vector<1x1xf32>
      %broadcast_in_dim3A_1051 = vector.broadcast %broadcast_in_dim3A_1050 : vector<1x1xf32> to vector<1x128xf32>
      %get3A_1052 = arith.constant 1 : index
      %get3A_1053 = arith.constant 0 : index
      %get3A_1054 = arith.constant 0 : index
      %get3A_1055 = vector.load %arg2[%get3A_1052, %get3A_1053, %get3A_1054] : memref<8x1x128xf32, #tpu.memory_space<vmem>>, vector<1x1x128xf32>
      %get3A_1056 = vector.shape_cast %get3A_1055 : vector<1x1x128xf32> to vector<1x128xf32>
      %select_n3A_1057 = arith.select %eq3A_1049, %broadcast_in_dim3A_1051, %get3A_1056 : vector<1x128xi1>, vector<1x128xf32>
      %swap3A_1058 = arith.constant 1 : index
      %swap3A_1059 = arith.constant 0 : index
      %swap3A_1060 = arith.constant 0 : index
      %swap3A_1061 = vector.load %arg2[%swap3A_1058, %swap3A_1059, %swap3A_1060] : memref<8x1x128xf32, #tpu.memory_space<vmem>>, vector<1x1x128xf32>
      %swap3A_1062 = vector.shape_cast %swap3A_1061 : vector<1x1x128xf32> to vector<1x128xf32>
      %swap3A_1063 = vector.shape_cast %select_n3A_1057 : vector<1x128xf32> to vector<1x1x128xf32>
      tpu.vector_store %arg2[%swap3A_1058, %swap3A_1059, %swap3A_1060], %swap3A_1063 {strides = array<i32>} : memref<8x1x128xf32, #tpu.memory_space<vmem>>, vector<1x1x128xf32>,
      %eq3A_1064 = vector.broadcast %scan3A_774 : i32 to vector<1x128xi32>
      %eq3A_1065 = arith.cmpi eq, %iota3A_762, %eq3A_1064 : vector<1x128xi32>
      %broadcast_in_dim3A_1066 = vector.shape_cast %slice3A_1047 : vector<1x1xi32> to vector<1x1xi32>
      %broadcast_in_dim3A_1067 = vector.broadcast %broadcast_in_dim3A_1066 : vector<1x1xi32> to vector<1x128xi32>
      %get3A_1068 = arith.constant 1 : index
      %get3A_1069 = arith.constant 0 : index
      %get3A_1070 = arith.constant 0 : index
      %get3A_1071 = vector.load %arg3[%get3A_1068, %get3A_1069, %get3A_1070] : memref<8x1x128xi32, #tpu.memory_space<vmem>>, vector<1x1x128xi32>
      %get3A_1072 = vector.shape_cast %get3A_1071 : vector<1x1x128xi32> to vector<1x128xi32>
      %select_n3A_1073 = arith.select %eq3A_1065, %broadcast_in_dim3A_1067, %get3A_1072 : vector<1x128xi1>, vector<1x128xi32>
      %swap3A_1074 = arith.constant 1 : index
      %swap3A_1075 = arith.constant 0 : index
      %swap3A_1076 = arith.constant 0 : index
      %swap3A_1077 = vector.load %arg3[%swap3A_1074, %swap3A_1075, %swap3A_1076] : memref<8x1x128xi32, #tpu.memory_space<vmem>>, vector<1x1x128xi32>
      %swap3A_1078 = vector.shape_cast %swap3A_1077 : vector<1x1x128xi32> to vector<1x128xi32>
      %swap3A_1079 = vector.shape_cast %select_n3A_1073 : vector<1x128xi32> to vector<1x1x128xi32>
      tpu.vector_store %arg3[%swap3A_1074, %swap3A_1075, %swap3A_1076], %swap3A_1079 {strides = array<i32>} : memref<8x1x128xi32, #tpu.memory_space<vmem>>, vector<1x1x128xi32>,
      %shift_right_logical3A_1080 = arith.constant 8 : i32
      %shift_right_logical3A_1081 = arith.shrui %squeeze3A_1045, %shift_right_logical3A_1080 : i32
      %and3A_1082 = arith.constant 255 : i32
      %and3A_1083 = vector.broadcast %and3A_1082 : i32 to vector<1x1xi32>
      %and3A_1084 = arith.andi %slice3A_1047, %and3A_1083 : vector<1x1xi32>
      %broadcast_in_dim3A_1085 = vector.shape_cast %and3A_1084 : vector<1x1xi32> to vector<1x1xi32>
      %broadcast_in_dim3A_1086 = vector.broadcast %broadcast_in_dim3A_1085 : vector<1x1xi32> to vector<1x256xi32>
      %eq3A_1087 = arith.cmpi eq, %iota3A_763, %broadcast_in_dim3A_1086 : vector<1x256xi32>
      %get3A_1088 = arith.index_cast %shift_right_logical3A_1081 : i32 to index
      %get3A_1089 = arith.constant 0 : index
      %get3A_1090 = vector.load %arg9[%get3A_1088, %get3A_1089] : memref<2048x256xf32, #tpu.memory_space<vmem>>, vector<1x256xf32>
      %jit3A_1091 = arith.constant -1.000000e+00 : f32
      %broadcast_in_dim3A_1092 = vector.broadcast %jit3A_1091 : f32 to vector<1x256xf32>
      %select_n3A_1093 = arith.select %eq3A_1087, %broadcast_in_dim3A_1092, %get3A_1090 : vector<1x256xi1>, vector<1x256xf32>
      %swap3A_1094 = arith.index_cast %shift_right_logical3A_1081 : i32 to index
      %swap3A_1095 = arith.constant 0 : index
      %swap3A_1096 = vector.load %arg9[%swap3A_1094, %swap3A_1095] : memref<2048x256xf32, #tpu.memory_space<vmem>>, vector<1x256xf32>
      tpu.vector_store %arg9[%swap3A_1094, %swap3A_1095], %select_n3A_1093 {strides = array<i32>} : memref<2048x256xf32, #tpu.memory_space<vmem>>, vector<1x256xf32>,
      %shift_right_logical3A_1097 = arith.constant 12 : i32
      %shift_right_logical3A_1098 = arith.shrui %squeeze3A_1045, %shift_right_logical3A_1097 : i32
      %mul3A_1099 = arith.constant 16 : i32
      %mul3A_1100 = arith.muli %shift_right_logical3A_1098, %mul3A_1099 : i32
      %multiple_of3A_1101 = tpu.assume_multiple %mul3A_1100, 16 : i32
      %get3A_1102 = arith.index_cast %multiple_of3A_1101 : i32 to index
      %get3A_1103 = arith.constant 0 : index
      %get3A_1104 = vector.load %arg9[%get3A_1102, %get3A_1103] : memref<2048x256xf32, #tpu.memory_space<vmem>>, vector<16x256xf32>
      %mul3A_1105 = arith.constant 4096 : i32
      %mul3A_1106 = arith.muli %shift_right_logical3A_1098, %mul3A_1105 : i32
      %add3A_1107 = vector.broadcast %mul3A_1106 : i32 to vector<16x256xi32>
      %add3A_1108 = arith.addi %add3A_769, %add3A_1107 : vector<16x256xi32>
      %reduce_max3A_1109 = arith.constant dense<0xFF800000> : vector<256xf32>
      %reduce_max3A_1110 = vector.multi_reduction <maximumf>, %get3A_1104, %reduce_max3A_1109 [0] : vector<16x256xf32> to vector<256xf32>
      %broadcast_in_dim3A_1111 = vector.shape_cast %reduce_max3A_1110 : vector<256xf32> to vector<1x256xf32>
      %eq3A_1112 = vector.broadcast %broadcast_in_dim3A_1111 : vector<1x256xf32> to vector<16x256xf32>
      %eq3A_1113 = arith.cmpf oeq, %get3A_1104, %eq3A_1112 : vector<16x256xf32>
      %jit3A_1114 = arith.constant 2147483647 : i32
      %broadcast_in_dim3A_1115 = vector.broadcast %jit3A_1114 : i32 to vector<16x256xi32>
      %select_n3A_1116 = arith.select %eq3A_1113, %add3A_1108, %broadcast_in_dim3A_1115 : vector<16x256xi1>, vector<16x256xi32>
      %reduce_min3A_1117 = arith.constant dense<2147483647> : vector<256xi32>
      %reduce_min3A_1118 = vector.multi_reduction <minsi>, %select_n3A_1116, %reduce_min3A_1117 [0] : vector<16x256xi32> to vector<256xi32>
      %broadcast_in_dim3A_1119 = vector.shape_cast %reduce_min3A_1118 : vector<256xi32> to vector<1x256xi32>
      %swap3A_1120 = arith.index_cast %shift_right_logical3A_1098 : i32 to index
      %swap3A_1121 = arith.constant 0 : index
      %swap3A_1122 = vector.load %arg10[%swap3A_1120, %swap3A_1121] : memref<128x256xf32, #tpu.memory_space<vmem>>, vector<1x256xf32>
      tpu.vector_store %arg10[%swap3A_1120, %swap3A_1121], %broadcast_in_dim3A_1111 {strides = array<i32>} : memref<128x256xf32, #tpu.memory_space<vmem>>, vector<1x256xf32>,
      %swap3A_1123 = arith.index_cast %shift_right_logical3A_1098 : i32 to index
      %swap3A_1124 = arith.constant 0 : index
      %swap3A_1125 = vector.load %arg11[%swap3A_1123, %swap3A_1124] : memref<128x256xi32, #tpu.memory_space<vmem>>, vector<1x256xi32>
      tpu.vector_store %arg11[%swap3A_1123, %swap3A_1124], %broadcast_in_dim3A_1119 {strides = array<i32>} : memref<128x256xi32, #tpu.memory_space<vmem>>, vector<1x256xi32>,
      %shift_right_logical3A_1126 = arith.constant 15 : i32
      %shift_right_logical3A_1127 = arith.shrui %squeeze3A_1045, %shift_right_logical3A_1126 : i32
      %mul3A_1128 = arith.constant 8 : i32
      %mul3A_1129 = arith.muli %shift_right_logical3A_1127, %mul3A_1128 : i32
      %multiple_of3A_1130 = tpu.assume_multiple %mul3A_1129, 8 : i32
      %get3A_1131 = arith.index_cast %multiple_of3A_1130 : i32 to index
      %get3A_1132 = arith.constant 0 : index
      %get3A_1133 = vector.load %arg10[%get3A_1131, %get3A_1132] : memref<128x256xf32, #tpu.memory_space<vmem>>, vector<8x256xf32>
      %mul3A_1134 = arith.constant 8 : i32
      %mul3A_1135 = arith.muli %shift_right_logical3A_1127, %mul3A_1134 : i32
      %multiple_of3A_1136 = tpu.assume_multiple %mul3A_1135, 8 : i32
      %get3A_1137 = arith.index_cast %multiple_of3A_1136 : i32 to index
      %get3A_1138 = arith.constant 0 : index
      %get3A_1139 = vector.load %arg11[%get3A_1137, %get3A_1138] : memref<128x256xi32, #tpu.memory_space<vmem>>, vector<8x256xi32>
      %reduce_max3A_1140 = arith.constant dense<0xFF800000> : vector<256xf32>
      %reduce_max3A_1141 = vector.multi_reduction <maximumf>, %get3A_1133, %reduce_max3A_1140 [0] : vector<8x256xf32> to vector<256xf32>
      %broadcast_in_dim3A_1142 = vector.shape_cast %reduce_max3A_1141 : vector<256xf32> to vector<1x256xf32>
      %eq3A_1143 = vector.broadcast %broadcast_in_dim3A_1142 : vector<1x256xf32> to vector<8x256xf32>
      %eq3A_1144 = arith.cmpf oeq, %get3A_1133, %eq3A_1143 : vector<8x256xf32>
      %jit3A_1145 = arith.constant 2147483647 : i32
      %broadcast_in_dim3A_1146 = vector.broadcast %jit3A_1145 : i32 to vector<8x256xi32>
      %select_n3A_1147 = arith.select %eq3A_1144, %get3A_1139, %broadcast_in_dim3A_1146 : vector<8x256xi1>, vector<8x256xi32>
      %reduce_min3A_1148 = arith.constant dense<2147483647> : vector<256xi32>
      %reduce_min3A_1149 = vector.multi_reduction <minsi>, %select_n3A_1147, %reduce_min3A_1148 [0] : vector<8x256xi32> to vector<256xi32>
      %broadcast_in_dim3A_1150 = vector.shape_cast %reduce_min3A_1149 : vector<256xi32> to vector<1x256xi32>
      %swap3A_1151 = arith.index_cast %shift_right_logical3A_1127 : i32 to index
      %swap3A_1152 = arith.constant 0 : index
      %swap3A_1153 = vector.load %arg12[%swap3A_1151, %swap3A_1152] : memref<16x256xf32, #tpu.memory_space<vmem>>, vector<1x256xf32>
      tpu.vector_store %arg12[%swap3A_1151, %swap3A_1152], %broadcast_in_dim3A_1142 {strides = array<i32>} : memref<16x256xf32, #tpu.memory_space<vmem>>, vector<1x256xf32>,
      %swap3A_1154 = arith.index_cast %shift_right_logical3A_1127 : i32 to index
      %swap3A_1155 = arith.constant 0 : index
      %swap3A_1156 = vector.load %arg13[%swap3A_1154, %swap3A_1155] : memref<16x256xi32, #tpu.memory_space<vmem>>, vector<1x256xi32>
      tpu.vector_store %arg13[%swap3A_1154, %swap3A_1155], %broadcast_in_dim3A_1150 {strides = array<i32>} : memref<16x256xi32, #tpu.memory_space<vmem>>, vector<1x256xi32>,
      %slice3A_1157 = vector.extract_strided_slice %convert_element_type3A_934 {offsets = [2, 0], sizes = [1, 1], strides = [1, 1]} : vector<8x1xi32> to vector<1x1xi32>
      %squeeze3A_1158 = vector.extract %slice3A_1157[0, 0] : i32 from vector<1x1xi32>
      %slice3A_1159 = vector.extract_strided_slice %broadcast_in_dim3A_920 {offsets = [2, 0], sizes = [1, 1], strides = [1, 1]} : vector<8x1xf32> to vector<1x1xf32>
      %slice3A_1160 = vector.extract_strided_slice %convert_element_type3A_934 {offsets = [2, 0], sizes = [1, 1], strides = [1, 1]} : vector<8x1xi32> to vector<1x1xi32>
      %eq3A_1161 = vector.broadcast %scan3A_774 : i32 to vector<1x128xi32>
      %eq3A_1162 = arith.cmpi eq, %iota3A_762, %eq3A_1161 : vector<1x128xi32>
      %broadcast_in_dim3A_1163 = vector.shape_cast %slice3A_1159 : vector<1x1xf32> to vector<1x1xf32>
      %broadcast_in_dim3A_1164 = vector.broadcast %broadcast_in_dim3A_1163 : vector<1x1xf32> to vector<1x128xf32>
      %get3A_1165 = arith.constant 2 : index
      %get3A_1166 = arith.constant 0 : index
      %get3A_1167 = arith.constant 0 : index
      %get3A_1168 = vector.load %arg2[%get3A_1165, %get3A_1166, %get3A_1167] : memref<8x1x128xf32, #tpu.memory_space<vmem>>, vector<1x1x128xf32>
      %get3A_1169 = vector.shape_cast %get3A_1168 : vector<1x1x128xf32> to vector<1x128xf32>
      %select_n3A_1170 = arith.select %eq3A_1162, %broadcast_in_dim3A_1164, %get3A_1169 : vector<1x128xi1>, vector<1x128xf32>
      %swap3A_1171 = arith.constant 2 : index
      %swap3A_1172 = arith.constant 0 : index
      %swap3A_1173 = arith.constant 0 : index
      %swap3A_1174 = vector.load %arg2[%swap3A_1171, %swap3A_1172, %swap3A_1173] : memref<8x1x128xf32, #tpu.memory_space<vmem>>, vector<1x1x128xf32>
      %swap3A_1175 = vector.shape_cast %swap3A_1174 : vector<1x1x128xf32> to vector<1x128xf32>
      %swap3A_1176 = vector.shape_cast %select_n3A_1170 : vector<1x128xf32> to vector<1x1x128xf32>
      tpu.vector_store %arg2[%swap3A_1171, %swap3A_1172, %swap3A_1173], %swap3A_1176 {strides = array<i32>} : memref<8x1x128xf32, #tpu.memory_space<vmem>>, vector<1x1x128xf32>,
      %eq3A_1177 = vector.broadcast %scan3A_774 : i32 to vector<1x128xi32>
      %eq3A_1178 = arith.cmpi eq, %iota3A_762, %eq3A_1177 : vector<1x128xi32>
      %broadcast_in_dim3A_1179 = vector.shape_cast %slice3A_1160 : vector<1x1xi32> to vector<1x1xi32>
      %broadcast_in_dim3A_1180 = vector.broadcast %broadcast_in_dim3A_1179 : vector<1x1xi32> to vector<1x128xi32>
      %get3A_1181 = arith.constant 2 : index
      %get3A_1182 = arith.constant 0 : index
      %get3A_1183 = arith.constant 0 : index
      %get3A_1184 = vector.load %arg3[%get3A_1181, %get3A_1182, %get3A_1183] : memref<8x1x128xi32, #tpu.memory_space<vmem>>, vector<1x1x128xi32>
      %get3A_1185 = vector.shape_cast %get3A_1184 : vector<1x1x128xi32> to vector<1x128xi32>
      %select_n3A_1186 = arith.select %eq3A_1178, %broadcast_in_dim3A_1180, %get3A_1185 : vector<1x128xi1>, vector<1x128xi32>
      %swap3A_1187 = arith.constant 2 : index
      %swap3A_1188 = arith.constant 0 : index
      %swap3A_1189 = arith.constant 0 : index
      %swap3A_1190 = vector.load %arg3[%swap3A_1187, %swap3A_1188, %swap3A_1189] : memref<8x1x128xi32, #tpu.memory_space<vmem>>, vector<1x1x128xi32>
      %swap3A_1191 = vector.shape_cast %swap3A_1190 : vector<1x1x128xi32> to vector<1x128xi32>
      %swap3A_1192 = vector.shape_cast %select_n3A_1186 : vector<1x128xi32> to vector<1x1x128xi32>
      tpu.vector_store %arg3[%swap3A_1187, %swap3A_1188, %swap3A_1189], %swap3A_1192 {strides = array<i32>} : memref<8x1x128xi32, #tpu.memory_space<vmem>>, vector<1x1x128xi32>,
      %shift_right_logical3A_1193 = arith.constant 8 : i32
      %shift_right_logical3A_1194 = arith.shrui %squeeze3A_1158, %shift_right_logical3A_1193 : i32
      %and3A_1195 = arith.constant 255 : i32
      %and3A_1196 = vector.broadcast %and3A_1195 : i32 to vector<1x1xi32>
      %and3A_1197 = arith.andi %slice3A_1160, %and3A_1196 : vector<1x1xi32>
      %broadcast_in_dim3A_1198 = vector.shape_cast %and3A_1197 : vector<1x1xi32> to vector<1x1xi32>
      %broadcast_in_dim3A_1199 = vector.broadcast %broadcast_in_dim3A_1198 : vector<1x1xi32> to vector<1x256xi32>
      %eq3A_1200 = arith.cmpi eq, %iota3A_763, %broadcast_in_dim3A_1199 : vector<1x256xi32>
      %get3A_1201 = arith.index_cast %shift_right_logical3A_1194 : i32 to index
      %get3A_1202 = arith.constant 0 : index
      %get3A_1203 = vector.load %arg14[%get3A_1201, %get3A_1202] : memref<2048x256xf32, #tpu.memory_space<vmem>>, vector<1x256xf32>
      %jit3A_1204 = arith.constant -1.000000e+00 : f32
      %broadcast_in_dim3A_1205 = vector.broadcast %jit3A_1204 : f32 to vector<1x256xf32>
      %select_n3A_1206 = arith.select %eq3A_1200, %broadcast_in_dim3A_1205, %get3A_1203 : vector<1x256xi1>, vector<1x256xf32>
      %swap3A_1207 = arith.index_cast %shift_right_logical3A_1194 : i32 to index
      %swap3A_1208 = arith.constant 0 : index
      %swap3A_1209 = vector.load %arg14[%swap3A_1207, %swap3A_1208] : memref<2048x256xf32, #tpu.memory_space<vmem>>, vector<1x256xf32>
      tpu.vector_store %arg14[%swap3A_1207, %swap3A_1208], %select_n3A_1206 {strides = array<i32>} : memref<2048x256xf32, #tpu.memory_space<vmem>>, vector<1x256xf32>,
      %shift_right_logical3A_1210 = arith.constant 12 : i32
      %shift_right_logical3A_1211 = arith.shrui %squeeze3A_1158, %shift_right_logical3A_1210 : i32
      %mul3A_1212 = arith.constant 16 : i32
      %mul3A_1213 = arith.muli %shift_right_logical3A_1211, %mul3A_1212 : i32
      %multiple_of3A_1214 = tpu.assume_multiple %mul3A_1213, 16 : i32
      %get3A_1215 = arith.index_cast %multiple_of3A_1214 : i32 to index
      %get3A_1216 = arith.constant 0 : index
      %get3A_1217 = vector.load %arg14[%get3A_1215, %get3A_1216] : memref<2048x256xf32, #tpu.memory_space<vmem>>, vector<16x256xf32>
      %mul3A_1218 = arith.constant 4096 : i32
      %mul3A_1219 = arith.muli %shift_right_logical3A_1211, %mul3A_1218 : i32
      %add3A_1220 = vector.broadcast %mul3A_1219 : i32 to vector<16x256xi32>
      %add3A_1221 = arith.addi %add3A_769, %add3A_1220 : vector<16x256xi32>
      %reduce_max3A_1222 = arith.constant dense<0xFF800000> : vector<256xf32>
      %reduce_max3A_1223 = vector.multi_reduction <maximumf>, %get3A_1217, %reduce_max3A_1222 [0] : vector<16x256xf32> to vector<256xf32>
      %broadcast_in_dim3A_1224 = vector.shape_cast %reduce_max3A_1223 : vector<256xf32> to vector<1x256xf32>
      %eq3A_1225 = vector.broadcast %broadcast_in_dim3A_1224 : vector<1x256xf32> to vector<16x256xf32>
      %eq3A_1226 = arith.cmpf oeq, %get3A_1217, %eq3A_1225 : vector<16x256xf32>
      %jit3A_1227 = arith.constant 2147483647 : i32
      %broadcast_in_dim3A_1228 = vector.broadcast %jit3A_1227 : i32 to vector<16x256xi32>
      %select_n3A_1229 = arith.select %eq3A_1226, %add3A_1221, %broadcast_in_dim3A_1228 : vector<16x256xi1>, vector<16x256xi32>
      %reduce_min3A_1230 = arith.constant dense<2147483647> : vector<256xi32>
      %reduce_min3A_1231 = vector.multi_reduction <minsi>, %select_n3A_1229, %reduce_min3A_1230 [0] : vector<16x256xi32> to vector<256xi32>
      %broadcast_in_dim3A_1232 = vector.shape_cast %reduce_min3A_1231 : vector<256xi32> to vector<1x256xi32>
      %swap3A_1233 = arith.index_cast %shift_right_logical3A_1211 : i32 to index
      %swap3A_1234 = arith.constant 0 : index
      %swap3A_1235 = vector.load %arg15[%swap3A_1233, %swap3A_1234] : memref<128x256xf32, #tpu.memory_space<vmem>>, vector<1x256xf32>
      tpu.vector_store %arg15[%swap3A_1233, %swap3A_1234], %broadcast_in_dim3A_1224 {strides = array<i32>} : memref<128x256xf32, #tpu.memory_space<vmem>>, vector<1x256xf32>,
      %swap3A_1236 = arith.index_cast %shift_right_logical3A_1211 : i32 to index
      %swap3A_1237 = arith.constant 0 : index
      %swap3A_1238 = vector.load %arg16[%swap3A_1236, %swap3A_1237] : memref<128x256xi32, #tpu.memory_space<vmem>>, vector<1x256xi32>
      tpu.vector_store %arg16[%swap3A_1236, %swap3A_1237], %broadcast_in_dim3A_1232 {strides = array<i32>} : memref<128x256xi32, #tpu.memory_space<vmem>>, vector<1x256xi32>,
      %shift_right_logical3A_1239 = arith.constant 15 : i32
      %shift_right_logical3A_1240 = arith.shrui %squeeze3A_1158, %shift_right_logical3A_1239 : i32
      %mul3A_1241 = arith.constant 8 : i32
      %mul3A_1242 = arith.muli %shift_right_logical3A_1240, %mul3A_1241 : i32
      %multiple_of3A_1243 = tpu.assume_multiple %mul3A_1242, 8 : i32
      %get3A_1244 = arith.index_cast %multiple_of3A_1243 : i32 to index
      %get3A_1245 = arith.constant 0 : index
      %get3A_1246 = vector.load %arg15[%get3A_1244, %get3A_1245] : memref<128x256xf32, #tpu.memory_space<vmem>>, vector<8x256xf32>
      %mul3A_1247 = arith.constant 8 : i32
      %mul3A_1248 = arith.muli %shift_right_logical3A_1240, %mul3A_1247 : i32
      %multiple_of3A_1249 = tpu.assume_multiple %mul3A_1248, 8 : i32
      %get3A_1250 = arith.index_cast %multiple_of3A_1249 : i32 to index
      %get3A_1251 = arith.constant 0 : index
      %get3A_1252 = vector.load %arg16[%get3A_1250, %get3A_1251] : memref<128x256xi32, #tpu.memory_space<vmem>>, vector<8x256xi32>
      %reduce_max3A_1253 = arith.constant dense<0xFF800000> : vector<256xf32>
      %reduce_max3A_1254 = vector.multi_reduction <maximumf>, %get3A_1246, %reduce_max3A_1253 [0] : vector<8x256xf32> to vector<256xf32>
      %broadcast_in_dim3A_1255 = vector.shape_cast %reduce_max3A_1254 : vector<256xf32> to vector<1x256xf32>
      %eq3A_1256 = vector.broadcast %broadcast_in_dim3A_1255 : vector<1x256xf32> to vector<8x256xf32>
      %eq3A_1257 = arith.cmpf oeq, %get3A_1246, %eq3A_1256 : vector<8x256xf32>
      %jit3A_1258 = arith.constant 2147483647 : i32
      %broadcast_in_dim3A_1259 = vector.broadcast %jit3A_1258 : i32 to vector<8x256xi32>
      %select_n3A_1260 = arith.select %eq3A_1257, %get3A_1252, %broadcast_in_dim3A_1259 : vector<8x256xi1>, vector<8x256xi32>
      %reduce_min3A_1261 = arith.constant dense<2147483647> : vector<256xi32>
      %reduce_min3A_1262 = vector.multi_reduction <minsi>, %select_n3A_1260, %reduce_min3A_1261 [0] : vector<8x256xi32> to vector<256xi32>
      %broadcast_in_dim3A_1263 = vector.shape_cast %reduce_min3A_1262 : vector<256xi32> to vector<1x256xi32>
      %swap3A_1264 = arith.index_cast %shift_right_logical3A_1240 : i32 to index
      %swap3A_1265 = arith.constant 0 : index
      %swap3A_1266 = vector.load %arg17[%swap3A_1264, %swap3A_1265] : memref<16x256xf32, #tpu.memory_space<vmem>>, vector<1x256xf32>
      tpu.vector_store %arg17[%swap3A_1264, %swap3A_1265], %broadcast_in_dim3A_1255 {strides = array<i32>} : memref<16x256xf32, #tpu.memory_space<vmem>>, vector<1x256xf32>,
      %swap3A_1267 = arith.index_cast %shift_right_logical3A_1240 : i32 to index
      %swap3A_1268 = arith.constant 0 : index
      %swap3A_1269 = vector.load %arg18[%swap3A_1267, %swap3A_1268] : memref<16x256xi32, #tpu.memory_space<vmem>>, vector<1x256xi32>
      tpu.vector_store %arg18[%swap3A_1267, %swap3A_1268], %broadcast_in_dim3A_1263 {strides = array<i32>} : memref<16x256xi32, #tpu.memory_space<vmem>>, vector<1x256xi32>,
      %slice3A_1270 = vector.extract_strided_slice %convert_element_type3A_934 {offsets = [3, 0], sizes = [1, 1], strides = [1, 1]} : vector<8x1xi32> to vector<1x1xi32>
      %squeeze3A_1271 = vector.extract %slice3A_1270[0, 0] : i32 from vector<1x1xi32>
      %slice3A_1272 = vector.extract_strided_slice %broadcast_in_dim3A_920 {offsets = [3, 0], sizes = [1, 1], strides = [1, 1]} : vector<8x1xf32> to vector<1x1xf32>
      %slice3A_1273 = vector.extract_strided_slice %convert_element_type3A_934 {offsets = [3, 0], sizes = [1, 1], strides = [1, 1]} : vector<8x1xi32> to vector<1x1xi32>
      %eq3A_1274 = vector.broadcast %scan3A_774 : i32 to vector<1x128xi32>
      %eq3A_1275 = arith.cmpi eq, %iota3A_762, %eq3A_1274 : vector<1x128xi32>
      %broadcast_in_dim3A_1276 = vector.shape_cast %slice3A_1272 : vector<1x1xf32> to vector<1x1xf32>
      %broadcast_in_dim3A_1277 = vector.broadcast %broadcast_in_dim3A_1276 : vector<1x1xf32> to vector<1x128xf32>
      %get3A_1278 = arith.constant 3 : index
      %get3A_1279 = arith.constant 0 : index
      %get3A_1280 = arith.constant 0 : index
      %get3A_1281 = vector.load %arg2[%get3A_1278, %get3A_1279, %get3A_1280] : memref<8x1x128xf32, #tpu.memory_space<vmem>>, vector<1x1x128xf32>
      %get3A_1282 = vector.shape_cast %get3A_1281 : vector<1x1x128xf32> to vector<1x128xf32>
      %select_n3A_1283 = arith.select %eq3A_1275, %broadcast_in_dim3A_1277, %get3A_1282 : vector<1x128xi1>, vector<1x128xf32>
      %swap3A_1284 = arith.constant 3 : index
      %swap3A_1285 = arith.constant 0 : index
      %swap3A_1286 = arith.constant 0 : index
      %swap3A_1287 = vector.load %arg2[%swap3A_1284, %swap3A_1285, %swap3A_1286] : memref<8x1x128xf32, #tpu.memory_space<vmem>>, vector<1x1x128xf32>
      %swap3A_1288 = vector.shape_cast %swap3A_1287 : vector<1x1x128xf32> to vector<1x128xf32>
      %swap3A_1289 = vector.shape_cast %select_n3A_1283 : vector<1x128xf32> to vector<1x1x128xf32>
      tpu.vector_store %arg2[%swap3A_1284, %swap3A_1285, %swap3A_1286], %swap3A_1289 {strides = array<i32>} : memref<8x1x128xf32, #tpu.memory_space<vmem>>, vector<1x1x128xf32>,
      %eq3A_1290 = vector.broadcast %scan3A_774 : i32 to vector<1x128xi32>
      %eq3A_1291 = arith.cmpi eq, %iota3A_762, %eq3A_1290 : vector<1x128xi32>
      %broadcast_in_dim3A_1292 = vector.shape_cast %slice3A_1273 : vector<1x1xi32> to vector<1x1xi32>
      %broadcast_in_dim3A_1293 = vector.broadcast %broadcast_in_dim3A_1292 : vector<1x1xi32> to vector<1x128xi32>
      %get3A_1294 = arith.constant 3 : index
      %get3A_1295 = arith.constant 0 : index
      %get3A_1296 = arith.constant 0 : index
      %get3A_1297 = vector.load %arg3[%get3A_1294, %get3A_1295, %get3A_1296] : memref<8x1x128xi32, #tpu.memory_space<vmem>>, vector<1x1x128xi32>
      %get3A_1298 = vector.shape_cast %get3A_1297 : vector<1x1x128xi32> to vector<1x128xi32>
      %select_n3A_1299 = arith.select %eq3A_1291, %broadcast_in_dim3A_1293, %get3A_1298 : vector<1x128xi1>, vector<1x128xi32>
      %swap3A_1300 = arith.constant 3 : index
      %swap3A_1301 = arith.constant 0 : index
      %swap3A_1302 = arith.constant 0 : index
      %swap3A_1303 = vector.load %arg3[%swap3A_1300, %swap3A_1301, %swap3A_1302] : memref<8x1x128xi32, #tpu.memory_space<vmem>>, vector<1x1x128xi32>
      %swap3A_1304 = vector.shape_cast %swap3A_1303 : vector<1x1x128xi32> to vector<1x128xi32>
      %swap3A_1305 = vector.shape_cast %select_n3A_1299 : vector<1x128xi32> to vector<1x1x128xi32>
      tpu.vector_store %arg3[%swap3A_1300, %swap3A_1301, %swap3A_1302], %swap3A_1305 {strides = array<i32>} : memref<8x1x128xi32, #tpu.memory_space<vmem>>, vector<1x1x128xi32>,
      %shift_right_logical3A_1306 = arith.constant 8 : i32
      %shift_right_logical3A_1307 = arith.shrui %squeeze3A_1271, %shift_right_logical3A_1306 : i32
      %and3A_1308 = arith.constant 255 : i32
      %and3A_1309 = vector.broadcast %and3A_1308 : i32 to vector<1x1xi32>
      %and3A_1310 = arith.andi %slice3A_1273, %and3A_1309 : vector<1x1xi32>
      %broadcast_in_dim3A_1311 = vector.shape_cast %and3A_1310 : vector<1x1xi32> to vector<1x1xi32>
      %broadcast_in_dim3A_1312 = vector.broadcast %broadcast_in_dim3A_1311 : vector<1x1xi32> to vector<1x256xi32>
      %eq3A_1313 = arith.cmpi eq, %iota3A_763, %broadcast_in_dim3A_1312 : vector<1x256xi32>
      %get3A_1314 = arith.index_cast %shift_right_logical3A_1307 : i32 to index
      %get3A_1315 = arith.constant 0 : index
      %get3A_1316 = vector.load %arg19[%get3A_1314, %get3A_1315] : memref<2048x256xf32, #tpu.memory_space<vmem>>, vector<1x256xf32>
      %jit3A_1317 = arith.constant -1.000000e+00 : f32
      %broadcast_in_dim3A_1318 = vector.broadcast %jit3A_1317 : f32 to vector<1x256xf32>
      %select_n3A_1319 = arith.select %eq3A_1313, %broadcast_in_dim3A_1318, %get3A_1316 : vector<1x256xi1>, vector<1x256xf32>
      %swap3A_1320 = arith.index_cast %shift_right_logical3A_1307 : i32 to index
      %swap3A_1321 = arith.constant 0 : index
      %swap3A_1322 = vector.load %arg19[%swap3A_1320, %swap3A_1321] : memref<2048x256xf32, #tpu.memory_space<vmem>>, vector<1x256xf32>
      tpu.vector_store %arg19[%swap3A_1320, %swap3A_1321], %select_n3A_1319 {strides = array<i32>} : memref<2048x256xf32, #tpu.memory_space<vmem>>, vector<1x256xf32>,
      %shift_right_logical3A_1323 = arith.constant 12 : i32
      %shift_right_logical3A_1324 = arith.shrui %squeeze3A_1271, %shift_right_logical3A_1323 : i32
      %mul3A_1325 = arith.constant 16 : i32
      %mul3A_1326 = arith.muli %shift_right_logical3A_1324, %mul3A_1325 : i32
      %multiple_of3A_1327 = tpu.assume_multiple %mul3A_1326, 16 : i32
      %get3A_1328 = arith.index_cast %multiple_of3A_1327 : i32 to index
      %get3A_1329 = arith.constant 0 : index
      %get3A_1330 = vector.load %arg19[%get3A_1328, %get3A_1329] : memref<2048x256xf32, #tpu.memory_space<vmem>>, vector<16x256xf32>
      %mul3A_1331 = arith.constant 4096 : i32
      %mul3A_1332 = arith.muli %shift_right_logical3A_1324, %mul3A_1331 : i32
      %add3A_1333 = vector.broadcast %mul3A_1332 : i32 to vector<16x256xi32>
      %add3A_1334 = arith.addi %add3A_769, %add3A_1333 : vector<16x256xi32>
      %reduce_max3A_1335 = arith.constant dense<0xFF800000> : vector<256xf32>
      %reduce_max3A_1336 = vector.multi_reduction <maximumf>, %get3A_1330, %reduce_max3A_1335 [0] : vector<16x256xf32> to vector<256xf32>
      %broadcast_in_dim3A_1337 = vector.shape_cast %reduce_max3A_1336 : vector<256xf32> to vector<1x256xf32>
      %eq3A_1338 = vector.broadcast %broadcast_in_dim3A_1337 : vector<1x256xf32> to vector<16x256xf32>
      %eq3A_1339 = arith.cmpf oeq, %get3A_1330, %eq3A_1338 : vector<16x256xf32>
      %jit3A_1340 = arith.constant 2147483647 : i32
      %broadcast_in_dim3A_1341 = vector.broadcast %jit3A_1340 : i32 to vector<16x256xi32>
      %select_n3A_1342 = arith.select %eq3A_1339, %add3A_1334, %broadcast_in_dim3A_1341 : vector<16x256xi1>, vector<16x256xi32>
      %reduce_min3A_1343 = arith.constant dense<2147483647> : vector<256xi32>
      %reduce_min3A_1344 = vector.multi_reduction <minsi>, %select_n3A_1342, %reduce_min3A_1343 [0] : vector<16x256xi32> to vector<256xi32>
      %broadcast_in_dim3A_1345 = vector.shape_cast %reduce_min3A_1344 : vector<256xi32> to vector<1x256xi32>
      %swap3A_1346 = arith.index_cast %shift_right_logical3A_1324 : i32 to index
      %swap3A_1347 = arith.constant 0 : index
      %swap3A_1348 = vector.load %arg20[%swap3A_1346, %swap3A_1347] : memref<128x256xf32, #tpu.memory_space<vmem>>, vector<1x256xf32>
      tpu.vector_store %arg20[%swap3A_1346, %swap3A_1347], %broadcast_in_dim3A_1337 {strides = array<i32>} : memref<128x256xf32, #tpu.memory_space<vmem>>, vector<1x256xf32>,
      %swap3A_1349 = arith.index_cast %shift_right_logical3A_1324 : i32 to index
      %swap3A_1350 = arith.constant 0 : index
      %swap3A_1351 = vector.load %arg21[%swap3A_1349, %swap3A_1350] : memref<128x256xi32, #tpu.memory_space<vmem>>, vector<1x256xi32>
      tpu.vector_store %arg21[%swap3A_1349, %swap3A_1350], %broadcast_in_dim3A_1345 {strides = array<i32>} : memref<128x256xi32, #tpu.memory_space<vmem>>, vector<1x256xi32>,
      %shift_right_logical3A_1352 = arith.constant 15 : i32
      %shift_right_logical3A_1353 = arith.shrui %squeeze3A_1271, %shift_right_logical3A_1352 : i32
      %mul3A_1354 = arith.constant 8 : i32
      %mul3A_1355 = arith.muli %shift_right_logical3A_1353, %mul3A_1354 : i32
      %multiple_of3A_1356 = tpu.assume_multiple %mul3A_1355, 8 : i32
      %get3A_1357 = arith.index_cast %multiple_of3A_1356 : i32 to index
      %get3A_1358 = arith.constant 0 : index
      %get3A_1359 = vector.load %arg20[%get3A_1357, %get3A_1358] : memref<128x256xf32, #tpu.memory_space<vmem>>, vector<8x256xf32>
      %mul3A_1360 = arith.constant 8 : i32
      %mul3A_1361 = arith.muli %shift_right_logical3A_1353, %mul3A_1360 : i32
      %multiple_of3A_1362 = tpu.assume_multiple %mul3A_1361, 8 : i32
      %get3A_1363 = arith.index_cast %multiple_of3A_1362 : i32 to index
      %get3A_1364 = arith.constant 0 : index
      %get3A_1365 = vector.load %arg21[%get3A_1363, %get3A_1364] : memref<128x256xi32, #tpu.memory_space<vmem>>, vector<8x256xi32>
      %reduce_max3A_1366 = arith.constant dense<0xFF800000> : vector<256xf32>
      %reduce_max3A_1367 = vector.multi_reduction <maximumf>, %get3A_1359, %reduce_max3A_1366 [0] : vector<8x256xf32> to vector<256xf32>
      %broadcast_in_dim3A_1368 = vector.shape_cast %reduce_max3A_1367 : vector<256xf32> to vector<1x256xf32>
      %eq3A_1369 = vector.broadcast %broadcast_in_dim3A_1368 : vector<1x256xf32> to vector<8x256xf32>
      %eq3A_1370 = arith.cmpf oeq, %get3A_1359, %eq3A_1369 : vector<8x256xf32>
      %jit3A_1371 = arith.constant 2147483647 : i32
      %broadcast_in_dim3A_1372 = vector.broadcast %jit3A_1371 : i32 to vector<8x256xi32>
      %select_n3A_1373 = arith.select %eq3A_1370, %get3A_1365, %broadcast_in_dim3A_1372 : vector<8x256xi1>, vector<8x256xi32>
      %reduce_min3A_1374 = arith.constant dense<2147483647> : vector<256xi32>
      %reduce_min3A_1375 = vector.multi_reduction <minsi>, %select_n3A_1373, %reduce_min3A_1374 [0] : vector<8x256xi32> to vector<256xi32>
      %broadcast_in_dim3A_1376 = vector.shape_cast %reduce_min3A_1375 : vector<256xi32> to vector<1x256xi32>
      %swap3A_1377 = arith.index_cast %shift_right_logical3A_1353 : i32 to index
      %swap3A_1378 = arith.constant 0 : index
      %swap3A_1379 = vector.load %arg22[%swap3A_1377, %swap3A_1378] : memref<16x256xf32, #tpu.memory_space<vmem>>, vector<1x256xf32>
      tpu.vector_store %arg22[%swap3A_1377, %swap3A_1378], %broadcast_in_dim3A_1368 {strides = array<i32>} : memref<16x256xf32, #tpu.memory_space<vmem>>, vector<1x256xf32>,
      %swap3A_1380 = arith.index_cast %shift_right_logical3A_1353 : i32 to index
      %swap3A_1381 = arith.constant 0 : index
      %swap3A_1382 = vector.load %arg23[%swap3A_1380, %swap3A_1381] : memref<16x256xi32, #tpu.memory_space<vmem>>, vector<1x256xi32>
      tpu.vector_store %arg23[%swap3A_1380, %swap3A_1381], %broadcast_in_dim3A_1376 {strides = array<i32>} : memref<16x256xi32, #tpu.memory_space<vmem>>, vector<1x256xi32>,
      %slice3A_1383 = vector.extract_strided_slice %convert_element_type3A_934 {offsets = [4, 0], sizes = [1, 1], strides = [1, 1]} : vector<8x1xi32> to vector<1x1xi32>
      %squeeze3A_1384 = vector.extract %slice3A_1383[0, 0] : i32 from vector<1x1xi32>
      %slice3A_1385 = vector.extract_strided_slice %broadcast_in_dim3A_920 {offsets = [4, 0], sizes = [1, 1], strides = [1, 1]} : vector<8x1xf32> to vector<1x1xf32>
      %slice3A_1386 = vector.extract_strided_slice %convert_element_type3A_934 {offsets = [4, 0], sizes = [1, 1], strides = [1, 1]} : vector<8x1xi32> to vector<1x1xi32>
      %eq3A_1387 = vector.broadcast %scan3A_774 : i32 to vector<1x128xi32>
      %eq3A_1388 = arith.cmpi eq, %iota3A_762, %eq3A_1387 : vector<1x128xi32>
      %broadcast_in_dim3A_1389 = vector.shape_cast %slice3A_1385 : vector<1x1xf32> to vector<1x1xf32>
      %broadcast_in_dim3A_1390 = vector.broadcast %broadcast_in_dim3A_1389 : vector<1x1xf32> to vector<1x128xf32>
      %get3A_1391 = arith.constant 4 : index
      %get3A_1392 = arith.constant 0 : index
      %get3A_1393 = arith.constant 0 : index
      %get3A_1394 = vector.load %arg2[%get3A_1391, %get3A_1392, %get3A_1393] : memref<8x1x128xf32, #tpu.memory_space<vmem>>, vector<1x1x128xf32>
      %get3A_1395 = vector.shape_cast %get3A_1394 : vector<1x1x128xf32> to vector<1x128xf32>
      %select_n3A_1396 = arith.select %eq3A_1388, %broadcast_in_dim3A_1390, %get3A_1395 : vector<1x128xi1>, vector<1x128xf32>
      %swap3A_1397 = arith.constant 4 : index
      %swap3A_1398 = arith.constant 0 : index
      %swap3A_1399 = arith.constant 0 : index
      %swap3A_1400 = vector.load %arg2[%swap3A_1397, %swap3A_1398, %swap3A_1399] : memref<8x1x128xf32, #tpu.memory_space<vmem>>, vector<1x1x128xf32>
      %swap3A_1401 = vector.shape_cast %swap3A_1400 : vector<1x1x128xf32> to vector<1x128xf32>
      %swap3A_1402 = vector.shape_cast %select_n3A_1396 : vector<1x128xf32> to vector<1x1x128xf32>
      tpu.vector_store %arg2[%swap3A_1397, %swap3A_1398, %swap3A_1399], %swap3A_1402 {strides = array<i32>} : memref<8x1x128xf32, #tpu.memory_space<vmem>>, vector<1x1x128xf32>,
      %eq3A_1403 = vector.broadcast %scan3A_774 : i32 to vector<1x128xi32>
      %eq3A_1404 = arith.cmpi eq, %iota3A_762, %eq3A_1403 : vector<1x128xi32>
      %broadcast_in_dim3A_1405 = vector.shape_cast %slice3A_1386 : vector<1x1xi32> to vector<1x1xi32>
      %broadcast_in_dim3A_1406 = vector.broadcast %broadcast_in_dim3A_1405 : vector<1x1xi32> to vector<1x128xi32>
      %get3A_1407 = arith.constant 4 : index
      %get3A_1408 = arith.constant 0 : index
      %get3A_1409 = arith.constant 0 : index
      %get3A_1410 = vector.load %arg3[%get3A_1407, %get3A_1408, %get3A_1409] : memref<8x1x128xi32, #tpu.memory_space<vmem>>, vector<1x1x128xi32>
      %get3A_1411 = vector.shape_cast %get3A_1410 : vector<1x1x128xi32> to vector<1x128xi32>
      %select_n3A_1412 = arith.select %eq3A_1404, %broadcast_in_dim3A_1406, %get3A_1411 : vector<1x128xi1>, vector<1x128xi32>
      %swap3A_1413 = arith.constant 4 : index
      %swap3A_1414 = arith.constant 0 : index
      %swap3A_1415 = arith.constant 0 : index
      %swap3A_1416 = vector.load %arg3[%swap3A_1413, %swap3A_1414, %swap3A_1415] : memref<8x1x128xi32, #tpu.memory_space<vmem>>, vector<1x1x128xi32>
      %swap3A_1417 = vector.shape_cast %swap3A_1416 : vector<1x1x128xi32> to vector<1x128xi32>
      %swap3A_1418 = vector.shape_cast %select_n3A_1412 : vector<1x128xi32> to vector<1x1x128xi32>
      tpu.vector_store %arg3[%swap3A_1413, %swap3A_1414, %swap3A_1415], %swap3A_1418 {strides = array<i32>} : memref<8x1x128xi32, #tpu.memory_space<vmem>>, vector<1x1x128xi32>,
      %shift_right_logical3A_1419 = arith.constant 8 : i32
      %shift_right_logical3A_1420 = arith.shrui %squeeze3A_1384, %shift_right_logical3A_1419 : i32
      %and3A_1421 = arith.constant 255 : i32
      %and3A_1422 = vector.broadcast %and3A_1421 : i32 to vector<1x1xi32>
      %and3A_1423 = arith.andi %slice3A_1386, %and3A_1422 : vector<1x1xi32>
      %broadcast_in_dim3A_1424 = vector.shape_cast %and3A_1423 : vector<1x1xi32> to vector<1x1xi32>
      %broadcast_in_dim3A_1425 = vector.broadcast %broadcast_in_dim3A_1424 : vector<1x1xi32> to vector<1x256xi32>
      %eq3A_1426 = arith.cmpi eq, %iota3A_763, %broadcast_in_dim3A_1425 : vector<1x256xi32>
      %get3A_1427 = arith.index_cast %shift_right_logical3A_1420 : i32 to index
      %get3A_1428 = arith.constant 0 : index
      %get3A_1429 = vector.load %arg24[%get3A_1427, %get3A_1428] : memref<2048x256xf32, #tpu.memory_space<vmem>>, vector<1x256xf32>
      %jit3A_1430 = arith.constant -1.000000e+00 : f32
      %broadcast_in_dim3A_1431 = vector.broadcast %jit3A_1430 : f32 to vector<1x256xf32>
      %select_n3A_1432 = arith.select %eq3A_1426, %broadcast_in_dim3A_1431, %get3A_1429 : vector<1x256xi1>, vector<1x256xf32>
      %swap3A_1433 = arith.index_cast %shift_right_logical3A_1420 : i32 to index
      %swap3A_1434 = arith.constant 0 : index
      %swap3A_1435 = vector.load %arg24[%swap3A_1433, %swap3A_1434] : memref<2048x256xf32, #tpu.memory_space<vmem>>, vector<1x256xf32>
      tpu.vector_store %arg24[%swap3A_1433, %swap3A_1434], %select_n3A_1432 {strides = array<i32>} : memref<2048x256xf32, #tpu.memory_space<vmem>>, vector<1x256xf32>,
      %shift_right_logical3A_1436 = arith.constant 12 : i32
      %shift_right_logical3A_1437 = arith.shrui %squeeze3A_1384, %shift_right_logical3A_1436 : i32
      %mul3A_1438 = arith.constant 16 : i32
      %mul3A_1439 = arith.muli %shift_right_logical3A_1437, %mul3A_1438 : i32
      %multiple_of3A_1440 = tpu.assume_multiple %mul3A_1439, 16 : i32
      %get3A_1441 = arith.index_cast %multiple_of3A_1440 : i32 to index
      %get3A_1442 = arith.constant 0 : index
      %get3A_1443 = vector.load %arg24[%get3A_1441, %get3A_1442] : memref<2048x256xf32, #tpu.memory_space<vmem>>, vector<16x256xf32>
      %mul3A_1444 = arith.constant 4096 : i32
      %mul3A_1445 = arith.muli %shift_right_logical3A_1437, %mul3A_1444 : i32
      %add3A_1446 = vector.broadcast %mul3A_1445 : i32 to vector<16x256xi32>
      %add3A_1447 = arith.addi %add3A_769, %add3A_1446 : vector<16x256xi32>
      %reduce_max3A_1448 = arith.constant dense<0xFF800000> : vector<256xf32>
      %reduce_max3A_1449 = vector.multi_reduction <maximumf>, %get3A_1443, %reduce_max3A_1448 [0] : vector<16x256xf32> to vector<256xf32>
      %broadcast_in_dim3A_1450 = vector.shape_cast %reduce_max3A_1449 : vector<256xf32> to vector<1x256xf32>
      %eq3A_1451 = vector.broadcast %broadcast_in_dim3A_1450 : vector<1x256xf32> to vector<16x256xf32>
      %eq3A_1452 = arith.cmpf oeq, %get3A_1443, %eq3A_1451 : vector<16x256xf32>
      %jit3A_1453 = arith.constant 2147483647 : i32
      %broadcast_in_dim3A_1454 = vector.broadcast %jit3A_1453 : i32 to vector<16x256xi32>
      %select_n3A_1455 = arith.select %eq3A_1452, %add3A_1447, %broadcast_in_dim3A_1454 : vector<16x256xi1>, vector<16x256xi32>
      %reduce_min3A_1456 = arith.constant dense<2147483647> : vector<256xi32>
      %reduce_min3A_1457 = vector.multi_reduction <minsi>, %select_n3A_1455, %reduce_min3A_1456 [0] : vector<16x256xi32> to vector<256xi32>
      %broadcast_in_dim3A_1458 = vector.shape_cast %reduce_min3A_1457 : vector<256xi32> to vector<1x256xi32>
      %swap3A_1459 = arith.index_cast %shift_right_logical3A_1437 : i32 to index
      %swap3A_1460 = arith.constant 0 : index
      %swap3A_1461 = vector.load %arg25[%swap3A_1459, %swap3A_1460] : memref<128x256xf32, #tpu.memory_space<vmem>>, vector<1x256xf32>
      tpu.vector_store %arg25[%swap3A_1459, %swap3A_1460], %broadcast_in_dim3A_1450 {strides = array<i32>} : memref<128x256xf32, #tpu.memory_space<vmem>>, vector<1x256xf32>,
      %swap3A_1462 = arith.index_cast %shift_right_logical3A_1437 : i32 to index
      %swap3A_1463 = arith.constant 0 : index
      %swap3A_1464 = vector.load %arg26[%swap3A_1462, %swap3A_1463] : memref<128x256xi32, #tpu.memory_space<vmem>>, vector<1x256xi32>
      tpu.vector_store %arg26[%swap3A_1462, %swap3A_1463], %broadcast_in_dim3A_1458 {strides = array<i32>} : memref<128x256xi32, #tpu.memory_space<vmem>>, vector<1x256xi32>,
      %shift_right_logical3A_1465 = arith.constant 15 : i32
      %shift_right_logical3A_1466 = arith.shrui %squeeze3A_1384, %shift_right_logical3A_1465 : i32
      %mul3A_1467 = arith.constant 8 : i32
      %mul3A_1468 = arith.muli %shift_right_logical3A_1466, %mul3A_1467 : i32
      %multiple_of3A_1469 = tpu.assume_multiple %mul3A_1468, 8 : i32
      %get3A_1470 = arith.index_cast %multiple_of3A_1469 : i32 to index
      %get3A_1471 = arith.constant 0 : index
      %get3A_1472 = vector.load %arg25[%get3A_1470, %get3A_1471] : memref<128x256xf32, #tpu.memory_space<vmem>>, vector<8x256xf32>
      %mul3A_1473 = arith.constant 8 : i32
      %mul3A_1474 = arith.muli %shift_right_logical3A_1466, %mul3A_1473 : i32
      %multiple_of3A_1475 = tpu.assume_multiple %mul3A_1474, 8 : i32
      %get3A_1476 = arith.index_cast %multiple_of3A_1475 : i32 to index
      %get3A_1477 = arith.constant 0 : index
      %get3A_1478 = vector.load %arg26[%get3A_1476, %get3A_1477] : memref<128x256xi32, #tpu.memory_space<vmem>>, vector<8x256xi32>
      %reduce_max3A_1479 = arith.constant dense<0xFF800000> : vector<256xf32>
      %reduce_max3A_1480 = vector.multi_reduction <maximumf>, %get3A_1472, %reduce_max3A_1479 [0] : vector<8x256xf32> to vector<256xf32>
      %broadcast_in_dim3A_1481 = vector.shape_cast %reduce_max3A_1480 : vector<256xf32> to vector<1x256xf32>
      %eq3A_1482 = vector.broadcast %broadcast_in_dim3A_1481 : vector<1x256xf32> to vector<8x256xf32>
      %eq3A_1483 = arith.cmpf oeq, %get3A_1472, %eq3A_1482 : vector<8x256xf32>
      %jit3A_1484 = arith.constant 2147483647 : i32
      %broadcast_in_dim3A_1485 = vector.broadcast %jit3A_1484 : i32 to vector<8x256xi32>
      %select_n3A_1486 = arith.select %eq3A_1483, %get3A_1478, %broadcast_in_dim3A_1485 : vector<8x256xi1>, vector<8x256xi32>
      %reduce_min3A_1487 = arith.constant dense<2147483647> : vector<256xi32>
      %reduce_min3A_1488 = vector.multi_reduction <minsi>, %select_n3A_1486, %reduce_min3A_1487 [0] : vector<8x256xi32> to vector<256xi32>
      %broadcast_in_dim3A_1489 = vector.shape_cast %reduce_min3A_1488 : vector<256xi32> to vector<1x256xi32>
      %swap3A_1490 = arith.index_cast %shift_right_logical3A_1466 : i32 to index
      %swap3A_1491 = arith.constant 0 : index
      %swap3A_1492 = vector.load %arg27[%swap3A_1490, %swap3A_1491] : memref<16x256xf32, #tpu.memory_space<vmem>>, vector<1x256xf32>
      tpu.vector_store %arg27[%swap3A_1490, %swap3A_1491], %broadcast_in_dim3A_1481 {strides = array<i32>} : memref<16x256xf32, #tpu.memory_space<vmem>>, vector<1x256xf32>,
      %swap3A_1493 = arith.index_cast %shift_right_logical3A_1466 : i32 to index
      %swap3A_1494 = arith.constant 0 : index
      %swap3A_1495 = vector.load %arg28[%swap3A_1493, %swap3A_1494] : memref<16x256xi32, #tpu.memory_space<vmem>>, vector<1x256xi32>
      tpu.vector_store %arg28[%swap3A_1493, %swap3A_1494], %broadcast_in_dim3A_1489 {strides = array<i32>} : memref<16x256xi32, #tpu.memory_space<vmem>>, vector<1x256xi32>,
      %slice3A_1496 = vector.extract_strided_slice %convert_element_type3A_934 {offsets = [5, 0], sizes = [1, 1], strides = [1, 1]} : vector<8x1xi32> to vector<1x1xi32>
      %squeeze3A_1497 = vector.extract %slice3A_1496[0, 0] : i32 from vector<1x1xi32>
      %slice3A_1498 = vector.extract_strided_slice %broadcast_in_dim3A_920 {offsets = [5, 0], sizes = [1, 1], strides = [1, 1]} : vector<8x1xf32> to vector<1x1xf32>
      %slice3A_1499 = vector.extract_strided_slice %convert_element_type3A_934 {offsets = [5, 0], sizes = [1, 1], strides = [1, 1]} : vector<8x1xi32> to vector<1x1xi32>
      %eq3A_1500 = vector.broadcast %scan3A_774 : i32 to vector<1x128xi32>
      %eq3A_1501 = arith.cmpi eq, %iota3A_762, %eq3A_1500 : vector<1x128xi32>
      %broadcast_in_dim3A_1502 = vector.shape_cast %slice3A_1498 : vector<1x1xf32> to vector<1x1xf32>
      %broadcast_in_dim3A_1503 = vector.broadcast %broadcast_in_dim3A_1502 : vector<1x1xf32> to vector<1x128xf32>
      %get3A_1504 = arith.constant 5 : index
      %get3A_1505 = arith.constant 0 : index
      %get3A_1506 = arith.constant 0 : index
      %get3A_1507 = vector.load %arg2[%get3A_1504, %get3A_1505, %get3A_1506] : memref<8x1x128xf32, #tpu.memory_space<vmem>>, vector<1x1x128xf32>
      %get3A_1508 = vector.shape_cast %get3A_1507 : vector<1x1x128xf32> to vector<1x128xf32>
      %select_n3A_1509 = arith.select %eq3A_1501, %broadcast_in_dim3A_1503, %get3A_1508 : vector<1x128xi1>, vector<1x128xf32>
      %swap3A_1510 = arith.constant 5 : index
      %swap3A_1511 = arith.constant 0 : index
      %swap3A_1512 = arith.constant 0 : index
      %swap3A_1513 = vector.load %arg2[%swap3A_1510, %swap3A_1511, %swap3A_1512] : memref<8x1x128xf32, #tpu.memory_space<vmem>>, vector<1x1x128xf32>
      %swap3A_1514 = vector.shape_cast %swap3A_1513 : vector<1x1x128xf32> to vector<1x128xf32>
      %swap3A_1515 = vector.shape_cast %select_n3A_1509 : vector<1x128xf32> to vector<1x1x128xf32>
      tpu.vector_store %arg2[%swap3A_1510, %swap3A_1511, %swap3A_1512], %swap3A_1515 {strides = array<i32>} : memref<8x1x128xf32, #tpu.memory_space<vmem>>, vector<1x1x128xf32>,
      %eq3A_1516 = vector.broadcast %scan3A_774 : i32 to vector<1x128xi32>
      %eq3A_1517 = arith.cmpi eq, %iota3A_762, %eq3A_1516 : vector<1x128xi32>
      %broadcast_in_dim3A_1518 = vector.shape_cast %slice3A_1499 : vector<1x1xi32> to vector<1x1xi32>
      %broadcast_in_dim3A_1519 = vector.broadcast %broadcast_in_dim3A_1518 : vector<1x1xi32> to vector<1x128xi32>
      %get3A_1520 = arith.constant 5 : index
      %get3A_1521 = arith.constant 0 : index
      %get3A_1522 = arith.constant 0 : index
      %get3A_1523 = vector.load %arg3[%get3A_1520, %get3A_1521, %get3A_1522] : memref<8x1x128xi32, #tpu.memory_space<vmem>>, vector<1x1x128xi32>
      %get3A_1524 = vector.shape_cast %get3A_1523 : vector<1x1x128xi32> to vector<1x128xi32>
      %select_n3A_1525 = arith.select %eq3A_1517, %broadcast_in_dim3A_1519, %get3A_1524 : vector<1x128xi1>, vector<1x128xi32>
      %swap3A_1526 = arith.constant 5 : index
      %swap3A_1527 = arith.constant 0 : index
      %swap3A_1528 = arith.constant 0 : index
      %swap3A_1529 = vector.load %arg3[%swap3A_1526, %swap3A_1527, %swap3A_1528] : memref<8x1x128xi32, #tpu.memory_space<vmem>>, vector<1x1x128xi32>
      %swap3A_1530 = vector.shape_cast %swap3A_1529 : vector<1x1x128xi32> to vector<1x128xi32>
      %swap3A_1531 = vector.shape_cast %select_n3A_1525 : vector<1x128xi32> to vector<1x1x128xi32>
      tpu.vector_store %arg3[%swap3A_1526, %swap3A_1527, %swap3A_1528], %swap3A_1531 {strides = array<i32>} : memref<8x1x128xi32, #tpu.memory_space<vmem>>, vector<1x1x128xi32>,
      %shift_right_logical3A_1532 = arith.constant 8 : i32
      %shift_right_logical3A_1533 = arith.shrui %squeeze3A_1497, %shift_right_logical3A_1532 : i32
      %and3A_1534 = arith.constant 255 : i32
      %and3A_1535 = vector.broadcast %and3A_1534 : i32 to vector<1x1xi32>
      %and3A_1536 = arith.andi %slice3A_1499, %and3A_1535 : vector<1x1xi32>
      %broadcast_in_dim3A_1537 = vector.shape_cast %and3A_1536 : vector<1x1xi32> to vector<1x1xi32>
      %broadcast_in_dim3A_1538 = vector.broadcast %broadcast_in_dim3A_1537 : vector<1x1xi32> to vector<1x256xi32>
      %eq3A_1539 = arith.cmpi eq, %iota3A_763, %broadcast_in_dim3A_1538 : vector<1x256xi32>
      %get3A_1540 = arith.index_cast %shift_right_logical3A_1533 : i32 to index
      %get3A_1541 = arith.constant 0 : index
      %get3A_1542 = vector.load %arg29[%get3A_1540, %get3A_1541] : memref<2048x256xf32, #tpu.memory_space<vmem>>, vector<1x256xf32>
      %jit3A_1543 = arith.constant -1.000000e+00 : f32
      %broadcast_in_dim3A_1544 = vector.broadcast %jit3A_1543 : f32 to vector<1x256xf32>
      %select_n3A_1545 = arith.select %eq3A_1539, %broadcast_in_dim3A_1544, %get3A_1542 : vector<1x256xi1>, vector<1x256xf32>
      %swap3A_1546 = arith.index_cast %shift_right_logical3A_1533 : i32 to index
      %swap3A_1547 = arith.constant 0 : index
      %swap3A_1548 = vector.load %arg29[%swap3A_1546, %swap3A_1547] : memref<2048x256xf32, #tpu.memory_space<vmem>>, vector<1x256xf32>
      tpu.vector_store %arg29[%swap3A_1546, %swap3A_1547], %select_n3A_1545 {strides = array<i32>} : memref<2048x256xf32, #tpu.memory_space<vmem>>, vector<1x256xf32>,
      %shift_right_logical3A_1549 = arith.constant 12 : i32
      %shift_right_logical3A_1550 = arith.shrui %squeeze3A_1497, %shift_right_logical3A_1549 : i32
      %mul3A_1551 = arith.constant 16 : i32
      %mul3A_1552 = arith.muli %shift_right_logical3A_1550, %mul3A_1551 : i32
      %multiple_of3A_1553 = tpu.assume_multiple %mul3A_1552, 16 : i32
      %get3A_1554 = arith.index_cast %multiple_of3A_1553 : i32 to index
      %get3A_1555 = arith.constant 0 : index
      %get3A_1556 = vector.load %arg29[%get3A_1554, %get3A_1555] : memref<2048x256xf32, #tpu.memory_space<vmem>>, vector<16x256xf32>
      %mul3A_1557 = arith.constant 4096 : i32
      %mul3A_1558 = arith.muli %shift_right_logical3A_1550, %mul3A_1557 : i32
      %add3A_1559 = vector.broadcast %mul3A_1558 : i32 to vector<16x256xi32>
      %add3A_1560 = arith.addi %add3A_769, %add3A_1559 : vector<16x256xi32>
      %reduce_max3A_1561 = arith.constant dense<0xFF800000> : vector<256xf32>
      %reduce_max3A_1562 = vector.multi_reduction <maximumf>, %get3A_1556, %reduce_max3A_1561 [0] : vector<16x256xf32> to vector<256xf32>
      %broadcast_in_dim3A_1563 = vector.shape_cast %reduce_max3A_1562 : vector<256xf32> to vector<1x256xf32>
      %eq3A_1564 = vector.broadcast %broadcast_in_dim3A_1563 : vector<1x256xf32> to vector<16x256xf32>
      %eq3A_1565 = arith.cmpf oeq, %get3A_1556, %eq3A_1564 : vector<16x256xf32>
      %jit3A_1566 = arith.constant 2147483647 : i32
      %broadcast_in_dim3A_1567 = vector.broadcast %jit3A_1566 : i32 to vector<16x256xi32>
      %select_n3A_1568 = arith.select %eq3A_1565, %add3A_1560, %broadcast_in_dim3A_1567 : vector<16x256xi1>, vector<16x256xi32>
      %reduce_min3A_1569 = arith.constant dense<2147483647> : vector<256xi32>
      %reduce_min3A_1570 = vector.multi_reduction <minsi>, %select_n3A_1568, %reduce_min3A_1569 [0] : vector<16x256xi32> to vector<256xi32>
      %broadcast_in_dim3A_1571 = vector.shape_cast %reduce_min3A_1570 : vector<256xi32> to vector<1x256xi32>
      %swap3A_1572 = arith.index_cast %shift_right_logical3A_1550 : i32 to index
      %swap3A_1573 = arith.constant 0 : index
      %swap3A_1574 = vector.load %arg30[%swap3A_1572, %swap3A_1573] : memref<128x256xf32, #tpu.memory_space<vmem>>, vector<1x256xf32>
      tpu.vector_store %arg30[%swap3A_1572, %swap3A_1573], %broadcast_in_dim3A_1563 {strides = array<i32>} : memref<128x256xf32, #tpu.memory_space<vmem>>, vector<1x256xf32>,
      %swap3A_1575 = arith.index_cast %shift_right_logical3A_1550 : i32 to index
      %swap3A_1576 = arith.constant 0 : index
      %swap3A_1577 = vector.load %arg31[%swap3A_1575, %swap3A_1576] : memref<128x256xi32, #tpu.memory_space<vmem>>, vector<1x256xi32>
      tpu.vector_store %arg31[%swap3A_1575, %swap3A_1576], %broadcast_in_dim3A_1571 {strides = array<i32>} : memref<128x256xi32, #tpu.memory_space<vmem>>, vector<1x256xi32>,
      %shift_right_logical3A_1578 = arith.constant 15 : i32
      %shift_right_logical3A_1579 = arith.shrui %squeeze3A_1497, %shift_right_logical3A_1578 : i32
      %mul3A_1580 = arith.constant 8 : i32
      %mul3A_1581 = arith.muli %shift_right_logical3A_1579, %mul3A_1580 : i32
      %multiple_of3A_1582 = tpu.assume_multiple %mul3A_1581, 8 : i32
      %get3A_1583 = arith.index_cast %multiple_of3A_1582 : i32 to index
      %get3A_1584 = arith.constant 0 : index
      %get3A_1585 = vector.load %arg30[%get3A_1583, %get3A_1584] : memref<128x256xf32, #tpu.memory_space<vmem>>, vector<8x256xf32>
      %mul3A_1586 = arith.constant 8 : i32
      %mul3A_1587 = arith.muli %shift_right_logical3A_1579, %mul3A_1586 : i32
      %multiple_of3A_1588 = tpu.assume_multiple %mul3A_1587, 8 : i32
      %get3A_1589 = arith.index_cast %multiple_of3A_1588 : i32 to index
      %get3A_1590 = arith.constant 0 : index
      %get3A_1591 = vector.load %arg31[%get3A_1589, %get3A_1590] : memref<128x256xi32, #tpu.memory_space<vmem>>, vector<8x256xi32>
      %reduce_max3A_1592 = arith.constant dense<0xFF800000> : vector<256xf32>
      %reduce_max3A_1593 = vector.multi_reduction <maximumf>, %get3A_1585, %reduce_max3A_1592 [0] : vector<8x256xf32> to vector<256xf32>
      %broadcast_in_dim3A_1594 = vector.shape_cast %reduce_max3A_1593 : vector<256xf32> to vector<1x256xf32>
      %eq3A_1595 = vector.broadcast %broadcast_in_dim3A_1594 : vector<1x256xf32> to vector<8x256xf32>
      %eq3A_1596 = arith.cmpf oeq, %get3A_1585, %eq3A_1595 : vector<8x256xf32>
      %jit3A_1597 = arith.constant 2147483647 : i32
      %broadcast_in_dim3A_1598 = vector.broadcast %jit3A_1597 : i32 to vector<8x256xi32>
      %select_n3A_1599 = arith.select %eq3A_1596, %get3A_1591, %broadcast_in_dim3A_1598 : vector<8x256xi1>, vector<8x256xi32>
      %reduce_min3A_1600 = arith.constant dense<2147483647> : vector<256xi32>
      %reduce_min3A_1601 = vector.multi_reduction <minsi>, %select_n3A_1599, %reduce_min3A_1600 [0] : vector<8x256xi32> to vector<256xi32>
      %broadcast_in_dim3A_1602 = vector.shape_cast %reduce_min3A_1601 : vector<256xi32> to vector<1x256xi32>
      %swap3A_1603 = arith.index_cast %shift_right_logical3A_1579 : i32 to index
      %swap3A_1604 = arith.constant 0 : index
      %swap3A_1605 = vector.load %arg32[%swap3A_1603, %swap3A_1604] : memref<16x256xf32, #tpu.memory_space<vmem>>, vector<1x256xf32>
      tpu.vector_store %arg32[%swap3A_1603, %swap3A_1604], %broadcast_in_dim3A_1594 {strides = array<i32>} : memref<16x256xf32, #tpu.memory_space<vmem>>, vector<1x256xf32>,
      %swap3A_1606 = arith.index_cast %shift_right_logical3A_1579 : i32 to index
      %swap3A_1607 = arith.constant 0 : index
      %swap3A_1608 = vector.load %arg33[%swap3A_1606, %swap3A_1607] : memref<16x256xi32, #tpu.memory_space<vmem>>, vector<1x256xi32>
      tpu.vector_store %arg33[%swap3A_1606, %swap3A_1607], %broadcast_in_dim3A_1602 {strides = array<i32>} : memref<16x256xi32, #tpu.memory_space<vmem>>, vector<1x256xi32>,
      %slice3A_1609 = vector.extract_strided_slice %convert_element_type3A_934 {offsets = [6, 0], sizes = [1, 1], strides = [1, 1]} : vector<8x1xi32> to vector<1x1xi32>
      %squeeze3A_1610 = vector.extract %slice3A_1609[0, 0] : i32 from vector<1x1xi32>
      %slice3A_1611 = vector.extract_strided_slice %broadcast_in_dim3A_920 {offsets = [6, 0], sizes = [1, 1], strides = [1, 1]} : vector<8x1xf32> to vector<1x1xf32>
      %slice3A_1612 = vector.extract_strided_slice %convert_element_type3A_934 {offsets = [6, 0], sizes = [1, 1], strides = [1, 1]} : vector<8x1xi32> to vector<1x1xi32>
      %eq3A_1613 = vector.broadcast %scan3A_774 : i32 to vector<1x128xi32>
      %eq3A_1614 = arith.cmpi eq, %iota3A_762, %eq3A_1613 : vector<1x128xi32>
      %broadcast_in_dim3A_1615 = vector.shape_cast %slice3A_1611 : vector<1x1xf32> to vector<1x1xf32>
      %broadcast_in_dim3A_1616 = vector.broadcast %broadcast_in_dim3A_1615 : vector<1x1xf32> to vector<1x128xf32>
      %get3A_1617 = arith.constant 6 : index
      %get3A_1618 = arith.constant 0 : index
      %get3A_1619 = arith.constant 0 : index
      %get3A_1620 = vector.load %arg2[%get3A_1617, %get3A_1618, %get3A_1619] : memref<8x1x128xf32, #tpu.memory_space<vmem>>, vector<1x1x128xf32>
      %get3A_1621 = vector.shape_cast %get3A_1620 : vector<1x1x128xf32> to vector<1x128xf32>
      %select_n3A_1622 = arith.select %eq3A_1614, %broadcast_in_dim3A_1616, %get3A_1621 : vector<1x128xi1>, vector<1x128xf32>
      %swap3A_1623 = arith.constant 6 : index
      %swap3A_1624 = arith.constant 0 : index
      %swap3A_1625 = arith.constant 0 : index
      %swap3A_1626 = vector.load %arg2[%swap3A_1623, %swap3A_1624, %swap3A_1625] : memref<8x1x128xf32, #tpu.memory_space<vmem>>, vector<1x1x128xf32>
      %swap3A_1627 = vector.shape_cast %swap3A_1626 : vector<1x1x128xf32> to vector<1x128xf32>
      %swap3A_1628 = vector.shape_cast %select_n3A_1622 : vector<1x128xf32> to vector<1x1x128xf32>
      tpu.vector_store %arg2[%swap3A_1623, %swap3A_1624, %swap3A_1625], %swap3A_1628 {strides = array<i32>} : memref<8x1x128xf32, #tpu.memory_space<vmem>>, vector<1x1x128xf32>,
      %eq3A_1629 = vector.broadcast %scan3A_774 : i32 to vector<1x128xi32>
      %eq3A_1630 = arith.cmpi eq, %iota3A_762, %eq3A_1629 : vector<1x128xi32>
      %broadcast_in_dim3A_1631 = vector.shape_cast %slice3A_1612 : vector<1x1xi32> to vector<1x1xi32>
      %broadcast_in_dim3A_1632 = vector.broadcast %broadcast_in_dim3A_1631 : vector<1x1xi32> to vector<1x128xi32>
      %get3A_1633 = arith.constant 6 : index
      %get3A_1634 = arith.constant 0 : index
      %get3A_1635 = arith.constant 0 : index
      %get3A_1636 = vector.load %arg3[%get3A_1633, %get3A_1634, %get3A_1635] : memref<8x1x128xi32, #tpu.memory_space<vmem>>, vector<1x1x128xi32>
      %get3A_1637 = vector.shape_cast %get3A_1636 : vector<1x1x128xi32> to vector<1x128xi32>
      %select_n3A_1638 = arith.select %eq3A_1630, %broadcast_in_dim3A_1632, %get3A_1637 : vector<1x128xi1>, vector<1x128xi32>
      %swap3A_1639 = arith.constant 6 : index
      %swap3A_1640 = arith.constant 0 : index
      %swap3A_1641 = arith.constant 0 : index
      %swap3A_1642 = vector.load %arg3[%swap3A_1639, %swap3A_1640, %swap3A_1641] : memref<8x1x128xi32, #tpu.memory_space<vmem>>, vector<1x1x128xi32>
      %swap3A_1643 = vector.shape_cast %swap3A_1642 : vector<1x1x128xi32> to vector<1x128xi32>
      %swap3A_1644 = vector.shape_cast %select_n3A_1638 : vector<1x128xi32> to vector<1x1x128xi32>
      tpu.vector_store %arg3[%swap3A_1639, %swap3A_1640, %swap3A_1641], %swap3A_1644 {strides = array<i32>} : memref<8x1x128xi32, #tpu.memory_space<vmem>>, vector<1x1x128xi32>,
      %shift_right_logical3A_1645 = arith.constant 8 : i32
      %shift_right_logical3A_1646 = arith.shrui %squeeze3A_1610, %shift_right_logical3A_1645 : i32
      %and3A_1647 = arith.constant 255 : i32
      %and3A_1648 = vector.broadcast %and3A_1647 : i32 to vector<1x1xi32>
      %and3A_1649 = arith.andi %slice3A_1612, %and3A_1648 : vector<1x1xi32>
      %broadcast_in_dim3A_1650 = vector.shape_cast %and3A_1649 : vector<1x1xi32> to vector<1x1xi32>
      %broadcast_in_dim3A_1651 = vector.broadcast %broadcast_in_dim3A_1650 : vector<1x1xi32> to vector<1x256xi32>
      %eq3A_1652 = arith.cmpi eq, %iota3A_763, %broadcast_in_dim3A_1651 : vector<1x256xi32>
      %get3A_1653 = arith.index_cast %shift_right_logical3A_1646 : i32 to index
      %get3A_1654 = arith.constant 0 : index
      %get3A_1655 = vector.load %arg34[%get3A_1653, %get3A_1654] : memref<2048x256xf32, #tpu.memory_space<vmem>>, vector<1x256xf32>
      %jit3A_1656 = arith.constant -1.000000e+00 : f32
      %broadcast_in_dim3A_1657 = vector.broadcast %jit3A_1656 : f32 to vector<1x256xf32>
      %select_n3A_1658 = arith.select %eq3A_1652, %broadcast_in_dim3A_1657, %get3A_1655 : vector<1x256xi1>, vector<1x256xf32>
      %swap3A_1659 = arith.index_cast %shift_right_logical3A_1646 : i32 to index
      %swap3A_1660 = arith.constant 0 : index
      %swap3A_1661 = vector.load %arg34[%swap3A_1659, %swap3A_1660] : memref<2048x256xf32, #tpu.memory_space<vmem>>, vector<1x256xf32>
      tpu.vector_store %arg34[%swap3A_1659, %swap3A_1660], %select_n3A_1658 {strides = array<i32>} : memref<2048x256xf32, #tpu.memory_space<vmem>>, vector<1x256xf32>,
      %shift_right_logical3A_1662 = arith.constant 12 : i32
      %shift_right_logical3A_1663 = arith.shrui %squeeze3A_1610, %shift_right_logical3A_1662 : i32
      %mul3A_1664 = arith.constant 16 : i32
      %mul3A_1665 = arith.muli %shift_right_logical3A_1663, %mul3A_1664 : i32
      %multiple_of3A_1666 = tpu.assume_multiple %mul3A_1665, 16 : i32
      %get3A_1667 = arith.index_cast %multiple_of3A_1666 : i32 to index
      %get3A_1668 = arith.constant 0 : index
      %get3A_1669 = vector.load %arg34[%get3A_1667, %get3A_1668] : memref<2048x256xf32, #tpu.memory_space<vmem>>, vector<16x256xf32>
      %mul3A_1670 = arith.constant 4096 : i32
      %mul3A_1671 = arith.muli %shift_right_logical3A_1663, %mul3A_1670 : i32
      %add3A_1672 = vector.broadcast %mul3A_1671 : i32 to vector<16x256xi32>
      %add3A_1673 = arith.addi %add3A_769, %add3A_1672 : vector<16x256xi32>
      %reduce_max3A_1674 = arith.constant dense<0xFF800000> : vector<256xf32>
      %reduce_max3A_1675 = vector.multi_reduction <maximumf>, %get3A_1669, %reduce_max3A_1674 [0] : vector<16x256xf32> to vector<256xf32>
      %broadcast_in_dim3A_1676 = vector.shape_cast %reduce_max3A_1675 : vector<256xf32> to vector<1x256xf32>
      %eq3A_1677 = vector.broadcast %broadcast_in_dim3A_1676 : vector<1x256xf32> to vector<16x256xf32>
      %eq3A_1678 = arith.cmpf oeq, %get3A_1669, %eq3A_1677 : vector<16x256xf32>
      %jit3A_1679 = arith.constant 2147483647 : i32
      %broadcast_in_dim3A_1680 = vector.broadcast %jit3A_1679 : i32 to vector<16x256xi32>
      %select_n3A_1681 = arith.select %eq3A_1678, %add3A_1673, %broadcast_in_dim3A_1680 : vector<16x256xi1>, vector<16x256xi32>
      %reduce_min3A_1682 = arith.constant dense<2147483647> : vector<256xi32>
      %reduce_min3A_1683 = vector.multi_reduction <minsi>, %select_n3A_1681, %reduce_min3A_1682 [0] : vector<16x256xi32> to vector<256xi32>
      %broadcast_in_dim3A_1684 = vector.shape_cast %reduce_min3A_1683 : vector<256xi32> to vector<1x256xi32>
      %swap3A_1685 = arith.index_cast %shift_right_logical3A_1663 : i32 to index
      %swap3A_1686 = arith.constant 0 : index
      %swap3A_1687 = vector.load %arg35[%swap3A_1685, %swap3A_1686] : memref<128x256xf32, #tpu.memory_space<vmem>>, vector<1x256xf32>
      tpu.vector_store %arg35[%swap3A_1685, %swap3A_1686], %broadcast_in_dim3A_1676 {strides = array<i32>} : memref<128x256xf32, #tpu.memory_space<vmem>>, vector<1x256xf32>,
      %swap3A_1688 = arith.index_cast %shift_right_logical3A_1663 : i32 to index
      %swap3A_1689 = arith.constant 0 : index
      %swap3A_1690 = vector.load %arg36[%swap3A_1688, %swap3A_1689] : memref<128x256xi32, #tpu.memory_space<vmem>>, vector<1x256xi32>
      tpu.vector_store %arg36[%swap3A_1688, %swap3A_1689], %broadcast_in_dim3A_1684 {strides = array<i32>} : memref<128x256xi32, #tpu.memory_space<vmem>>, vector<1x256xi32>,
      %shift_right_logical3A_1691 = arith.constant 15 : i32
      %shift_right_logical3A_1692 = arith.shrui %squeeze3A_1610, %shift_right_logical3A_1691 : i32
      %mul3A_1693 = arith.constant 8 : i32
      %mul3A_1694 = arith.muli %shift_right_logical3A_1692, %mul3A_1693 : i32
      %multiple_of3A_1695 = tpu.assume_multiple %mul3A_1694, 8 : i32
      %get3A_1696 = arith.index_cast %multiple_of3A_1695 : i32 to index
      %get3A_1697 = arith.constant 0 : index
      %get3A_1698 = vector.load %arg35[%get3A_1696, %get3A_1697] : memref<128x256xf32, #tpu.memory_space<vmem>>, vector<8x256xf32>
      %mul3A_1699 = arith.constant 8 : i32
      %mul3A_1700 = arith.muli %shift_right_logical3A_1692, %mul3A_1699 : i32
      %multiple_of3A_1701 = tpu.assume_multiple %mul3A_1700, 8 : i32
      %get3A_1702 = arith.index_cast %multiple_of3A_1701 : i32 to index
      %get3A_1703 = arith.constant 0 : index
      %get3A_1704 = vector.load %arg36[%get3A_1702, %get3A_1703] : memref<128x256xi32, #tpu.memory_space<vmem>>, vector<8x256xi32>
      %reduce_max3A_1705 = arith.constant dense<0xFF800000> : vector<256xf32>
      %reduce_max3A_1706 = vector.multi_reduction <maximumf>, %get3A_1698, %reduce_max3A_1705 [0] : vector<8x256xf32> to vector<256xf32>
      %broadcast_in_dim3A_1707 = vector.shape_cast %reduce_max3A_1706 : vector<256xf32> to vector<1x256xf32>
      %eq3A_1708 = vector.broadcast %broadcast_in_dim3A_1707 : vector<1x256xf32> to vector<8x256xf32>
      %eq3A_1709 = arith.cmpf oeq, %get3A_1698, %eq3A_1708 : vector<8x256xf32>
      %jit3A_1710 = arith.constant 2147483647 : i32
      %broadcast_in_dim3A_1711 = vector.broadcast %jit3A_1710 : i32 to vector<8x256xi32>
      %select_n3A_1712 = arith.select %eq3A_1709, %get3A_1704, %broadcast_in_dim3A_1711 : vector<8x256xi1>, vector<8x256xi32>
      %reduce_min3A_1713 = arith.constant dense<2147483647> : vector<256xi32>
      %reduce_min3A_1714 = vector.multi_reduction <minsi>, %select_n3A_1712, %reduce_min3A_1713 [0] : vector<8x256xi32> to vector<256xi32>
      %broadcast_in_dim3A_1715 = vector.shape_cast %reduce_min3A_1714 : vector<256xi32> to vector<1x256xi32>
      %swap3A_1716 = arith.index_cast %shift_right_logical3A_1692 : i32 to index
      %swap3A_1717 = arith.constant 0 : index
      %swap3A_1718 = vector.load %arg37[%swap3A_1716, %swap3A_1717] : memref<16x256xf32, #tpu.memory_space<vmem>>, vector<1x256xf32>
      tpu.vector_store %arg37[%swap3A_1716, %swap3A_1717], %broadcast_in_dim3A_1707 {strides = array<i32>} : memref<16x256xf32, #tpu.memory_space<vmem>>, vector<1x256xf32>,
      %swap3A_1719 = arith.index_cast %shift_right_logical3A_1692 : i32 to index
      %swap3A_1720 = arith.constant 0 : index
      %swap3A_1721 = vector.load %arg38[%swap3A_1719, %swap3A_1720] : memref<16x256xi32, #tpu.memory_space<vmem>>, vector<1x256xi32>
      tpu.vector_store %arg38[%swap3A_1719, %swap3A_1720], %broadcast_in_dim3A_1715 {strides = array<i32>} : memref<16x256xi32, #tpu.memory_space<vmem>>, vector<1x256xi32>,
      %slice3A_1722 = vector.extract_strided_slice %convert_element_type3A_934 {offsets = [7, 0], sizes = [1, 1], strides = [1, 1]} : vector<8x1xi32> to vector<1x1xi32>
      %squeeze3A_1723 = vector.extract %slice3A_1722[0, 0] : i32 from vector<1x1xi32>
      %slice3A_1724 = vector.extract_strided_slice %broadcast_in_dim3A_920 {offsets = [7, 0], sizes = [1, 1], strides = [1, 1]} : vector<8x1xf32> to vector<1x1xf32>
      %slice3A_1725 = vector.extract_strided_slice %convert_element_type3A_934 {offsets = [7, 0], sizes = [1, 1], strides = [1, 1]} : vector<8x1xi32> to vector<1x1xi32>
      %eq3A_1726 = vector.broadcast %scan3A_774 : i32 to vector<1x128xi32>
      %eq3A_1727 = arith.cmpi eq, %iota3A_762, %eq3A_1726 : vector<1x128xi32>
      %broadcast_in_dim3A_1728 = vector.shape_cast %slice3A_1724 : vector<1x1xf32> to vector<1x1xf32>
      %broadcast_in_dim3A_1729 = vector.broadcast %broadcast_in_dim3A_1728 : vector<1x1xf32> to vector<1x128xf32>
      %get3A_1730 = arith.constant 7 : index
      %get3A_1731 = arith.constant 0 : index
      %get3A_1732 = arith.constant 0 : index
      %get3A_1733 = vector.load %arg2[%get3A_1730, %get3A_1731, %get3A_1732] : memref<8x1x128xf32, #tpu.memory_space<vmem>>, vector<1x1x128xf32>
      %get3A_1734 = vector.shape_cast %get3A_1733 : vector<1x1x128xf32> to vector<1x128xf32>
      %select_n3A_1735 = arith.select %eq3A_1727, %broadcast_in_dim3A_1729, %get3A_1734 : vector<1x128xi1>, vector<1x128xf32>
      %swap3A_1736 = arith.constant 7 : index
      %swap3A_1737 = arith.constant 0 : index
      %swap3A_1738 = arith.constant 0 : index
      %swap3A_1739 = vector.load %arg2[%swap3A_1736, %swap3A_1737, %swap3A_1738] : memref<8x1x128xf32, #tpu.memory_space<vmem>>, vector<1x1x128xf32>
      %swap3A_1740 = vector.shape_cast %swap3A_1739 : vector<1x1x128xf32> to vector<1x128xf32>
      %swap3A_1741 = vector.shape_cast %select_n3A_1735 : vector<1x128xf32> to vector<1x1x128xf32>
      tpu.vector_store %arg2[%swap3A_1736, %swap3A_1737, %swap3A_1738], %swap3A_1741 {strides = array<i32>} : memref<8x1x128xf32, #tpu.memory_space<vmem>>, vector<1x1x128xf32>,
      %eq3A_1742 = vector.broadcast %scan3A_774 : i32 to vector<1x128xi32>
      %eq3A_1743 = arith.cmpi eq, %iota3A_762, %eq3A_1742 : vector<1x128xi32>
      %broadcast_in_dim3A_1744 = vector.shape_cast %slice3A_1725 : vector<1x1xi32> to vector<1x1xi32>
      %broadcast_in_dim3A_1745 = vector.broadcast %broadcast_in_dim3A_1744 : vector<1x1xi32> to vector<1x128xi32>
      %get3A_1746 = arith.constant 7 : index
      %get3A_1747 = arith.constant 0 : index
      %get3A_1748 = arith.constant 0 : index
      %get3A_1749 = vector.load %arg3[%get3A_1746, %get3A_1747, %get3A_1748] : memref<8x1x128xi32, #tpu.memory_space<vmem>>, vector<1x1x128xi32>
      %get3A_1750 = vector.shape_cast %get3A_1749 : vector<1x1x128xi32> to vector<1x128xi32>
      %select_n3A_1751 = arith.select %eq3A_1743, %broadcast_in_dim3A_1745, %get3A_1750 : vector<1x128xi1>, vector<1x128xi32>
      %swap3A_1752 = arith.constant 7 : index
      %swap3A_1753 = arith.constant 0 : index
      %swap3A_1754 = arith.constant 0 : index
      %swap3A_1755 = vector.load %arg3[%swap3A_1752, %swap3A_1753, %swap3A_1754] : memref<8x1x128xi32, #tpu.memory_space<vmem>>, vector<1x1x128xi32>
      %swap3A_1756 = vector.shape_cast %swap3A_1755 : vector<1x1x128xi32> to vector<1x128xi32>
      %swap3A_1757 = vector.shape_cast %select_n3A_1751 : vector<1x128xi32> to vector<1x1x128xi32>
      tpu.vector_store %arg3[%swap3A_1752, %swap3A_1753, %swap3A_1754], %swap3A_1757 {strides = array<i32>} : memref<8x1x128xi32, #tpu.memory_space<vmem>>, vector<1x1x128xi32>,
      %shift_right_logical3A_1758 = arith.constant 8 : i32
      %shift_right_logical3A_1759 = arith.shrui %squeeze3A_1723, %shift_right_logical3A_1758 : i32
      %and3A_1760 = arith.constant 255 : i32
      %and3A_1761 = vector.broadcast %and3A_1760 : i32 to vector<1x1xi32>
      %and3A_1762 = arith.andi %slice3A_1725, %and3A_1761 : vector<1x1xi32>
      %broadcast_in_dim3A_1763 = vector.shape_cast %and3A_1762 : vector<1x1xi32> to vector<1x1xi32>
      %broadcast_in_dim3A_1764 = vector.broadcast %broadcast_in_dim3A_1763 : vector<1x1xi32> to vector<1x256xi32>
      %eq3A_1765 = arith.cmpi eq, %iota3A_763, %broadcast_in_dim3A_1764 : vector<1x256xi32>
      %get3A_1766 = arith.index_cast %shift_right_logical3A_1759 : i32 to index
      %get3A_1767 = arith.constant 0 : index
      %get3A_1768 = vector.load %arg39[%get3A_1766, %get3A_1767] : memref<2048x256xf32, #tpu.memory_space<vmem>>, vector<1x256xf32>
      %jit3A_1769 = arith.constant -1.000000e+00 : f32
      %broadcast_in_dim3A_1770 = vector.broadcast %jit3A_1769 : f32 to vector<1x256xf32>
      %select_n3A_1771 = arith.select %eq3A_1765, %broadcast_in_dim3A_1770, %get3A_1768 : vector<1x256xi1>, vector<1x256xf32>
      %swap3A_1772 = arith.index_cast %shift_right_logical3A_1759 : i32 to index
      %swap3A_1773 = arith.constant 0 : index
      %swap3A_1774 = vector.load %arg39[%swap3A_1772, %swap3A_1773] : memref<2048x256xf32, #tpu.memory_space<vmem>>, vector<1x256xf32>
      tpu.vector_store %arg39[%swap3A_1772, %swap3A_1773], %select_n3A_1771 {strides = array<i32>} : memref<2048x256xf32, #tpu.memory_space<vmem>>, vector<1x256xf32>,
      %shift_right_logical3A_1775 = arith.constant 12 : i32
      %shift_right_logical3A_1776 = arith.shrui %squeeze3A_1723, %shift_right_logical3A_1775 : i32
      %mul3A_1777 = arith.constant 16 : i32
      %mul3A_1778 = arith.muli %shift_right_logical3A_1776, %mul3A_1777 : i32
      %multiple_of3A_1779 = tpu.assume_multiple %mul3A_1778, 16 : i32
      %get3A_1780 = arith.index_cast %multiple_of3A_1779 : i32 to index
      %get3A_1781 = arith.constant 0 : index
      %get3A_1782 = vector.load %arg39[%get3A_1780, %get3A_1781] : memref<2048x256xf32, #tpu.memory_space<vmem>>, vector<16x256xf32>
      %mul3A_1783 = arith.constant 4096 : i32
      %mul3A_1784 = arith.muli %shift_right_logical3A_1776, %mul3A_1783 : i32
      %add3A_1785 = vector.broadcast %mul3A_1784 : i32 to vector<16x256xi32>
      %add3A_1786 = arith.addi %add3A_769, %add3A_1785 : vector<16x256xi32>
      %reduce_max3A_1787 = arith.constant dense<0xFF800000> : vector<256xf32>
      %reduce_max3A_1788 = vector.multi_reduction <maximumf>, %get3A_1782, %reduce_max3A_1787 [0] : vector<16x256xf32> to vector<256xf32>
      %broadcast_in_dim3A_1789 = vector.shape_cast %reduce_max3A_1788 : vector<256xf32> to vector<1x256xf32>
      %eq3A_1790 = vector.broadcast %broadcast_in_dim3A_1789 : vector<1x256xf32> to vector<16x256xf32>
      %eq3A_1791 = arith.cmpf oeq, %get3A_1782, %eq3A_1790 : vector<16x256xf32>
      %jit3A_1792 = arith.constant 2147483647 : i32
      %broadcast_in_dim3A_1793 = vector.broadcast %jit3A_1792 : i32 to vector<16x256xi32>
      %select_n3A_1794 = arith.select %eq3A_1791, %add3A_1786, %broadcast_in_dim3A_1793 : vector<16x256xi1>, vector<16x256xi32>
      %reduce_min3A_1795 = arith.constant dense<2147483647> : vector<256xi32>
      %reduce_min3A_1796 = vector.multi_reduction <minsi>, %select_n3A_1794, %reduce_min3A_1795 [0] : vector<16x256xi32> to vector<256xi32>
      %broadcast_in_dim3A_1797 = vector.shape_cast %reduce_min3A_1796 : vector<256xi32> to vector<1x256xi32>
      %swap3A_1798 = arith.index_cast %shift_right_logical3A_1776 : i32 to index
      %swap3A_1799 = arith.constant 0 : index
      %swap3A_1800 = vector.load %arg40[%swap3A_1798, %swap3A_1799] : memref<128x256xf32, #tpu.memory_space<vmem>>, vector<1x256xf32>
      tpu.vector_store %arg40[%swap3A_1798, %swap3A_1799], %broadcast_in_dim3A_1789 {strides = array<i32>} : memref<128x256xf32, #tpu.memory_space<vmem>>, vector<1x256xf32>,
      %swap3A_1801 = arith.index_cast %shift_right_logical3A_1776 : i32 to index
      %swap3A_1802 = arith.constant 0 : index
      %swap3A_1803 = vector.load %arg41[%swap3A_1801, %swap3A_1802] : memref<128x256xi32, #tpu.memory_space<vmem>>, vector<1x256xi32>
      tpu.vector_store %arg41[%swap3A_1801, %swap3A_1802], %broadcast_in_dim3A_1797 {strides = array<i32>} : memref<128x256xi32, #tpu.memory_space<vmem>>, vector<1x256xi32>,
      %shift_right_logical3A_1804 = arith.constant 15 : i32
      %shift_right_logical3A_1805 = arith.shrui %squeeze3A_1723, %shift_right_logical3A_1804 : i32
      %mul3A_1806 = arith.constant 8 : i32
      %mul3A_1807 = arith.muli %shift_right_logical3A_1805, %mul3A_1806 : i32
      %multiple_of3A_1808 = tpu.assume_multiple %mul3A_1807, 8 : i32
      %get3A_1809 = arith.index_cast %multiple_of3A_1808 : i32 to index
      %get3A_1810 = arith.constant 0 : index
      %get3A_1811 = vector.load %arg40[%get3A_1809, %get3A_1810] : memref<128x256xf32, #tpu.memory_space<vmem>>, vector<8x256xf32>
      %mul3A_1812 = arith.constant 8 : i32
      %mul3A_1813 = arith.muli %shift_right_logical3A_1805, %mul3A_1812 : i32
      %multiple_of3A_1814 = tpu.assume_multiple %mul3A_1813, 8 : i32
      %get3A_1815 = arith.index_cast %multiple_of3A_1814 : i32 to index
      %get3A_1816 = arith.constant 0 : index
      %get3A_1817 = vector.load %arg41[%get3A_1815, %get3A_1816] : memref<128x256xi32, #tpu.memory_space<vmem>>, vector<8x256xi32>
      %reduce_max3A_1818 = arith.constant dense<0xFF800000> : vector<256xf32>
      %reduce_max3A_1819 = vector.multi_reduction <maximumf>, %get3A_1811, %reduce_max3A_1818 [0] : vector<8x256xf32> to vector<256xf32>
      %broadcast_in_dim3A_1820 = vector.shape_cast %reduce_max3A_1819 : vector<256xf32> to vector<1x256xf32>
      %eq3A_1821 = vector.broadcast %broadcast_in_dim3A_1820 : vector<1x256xf32> to vector<8x256xf32>
      %eq3A_1822 = arith.cmpf oeq, %get3A_1811, %eq3A_1821 : vector<8x256xf32>
      %jit3A_1823 = arith.constant 2147483647 : i32
      %broadcast_in_dim3A_1824 = vector.broadcast %jit3A_1823 : i32 to vector<8x256xi32>
      %select_n3A_1825 = arith.select %eq3A_1822, %get3A_1817, %broadcast_in_dim3A_1824 : vector<8x256xi1>, vector<8x256xi32>
      %reduce_min3A_1826 = arith.constant dense<2147483647> : vector<256xi32>
      %reduce_min3A_1827 = vector.multi_reduction <minsi>, %select_n3A_1825, %reduce_min3A_1826 [0] : vector<8x256xi32> to vector<256xi32>
      %broadcast_in_dim3A_1828 = vector.shape_cast %reduce_min3A_1827 : vector<256xi32> to vector<1x256xi32>
      %swap3A_1829 = arith.index_cast %shift_right_logical3A_1805 : i32 to index
      %swap3A_1830 = arith.constant 0 : index
      %swap3A_1831 = vector.load %arg42[%swap3A_1829, %swap3A_1830] : memref<16x256xf32, #tpu.memory_space<vmem>>, vector<1x256xf32>
      tpu.vector_store %arg42[%swap3A_1829, %swap3A_1830], %broadcast_in_dim3A_1820 {strides = array<i32>} : memref<16x256xf32, #tpu.memory_space<vmem>>, vector<1x256xf32>,
      %swap3A_1832 = arith.index_cast %shift_right_logical3A_1805 : i32 to index
      %swap3A_1833 = arith.constant 0 : index
      %swap3A_1834 = vector.load %arg43[%swap3A_1832, %swap3A_1833] : memref<16x256xi32, #tpu.memory_space<vmem>>, vector<1x256xi32>
      tpu.vector_store %arg43[%swap3A_1832, %swap3A_1833], %broadcast_in_dim3A_1828 {strides = array<i32>} : memref<16x256xi32, #tpu.memory_space<vmem>>, vector<1x256xi32>,
    }
    %scan3A_773 = arith.constant 100 : i32
    return
  }
  func.func @transform_1(%arg0: i32) -> (i32, i32, i32) {
    %c0_i32 = arith.constant 0 : i32
    %c0_i32_0 = arith.constant 0 : i32
    %c0_i32_1 = arith.constant 0 : i32
    %c0_i32_2 = arith.constant 0 : i32
    return %c0_i32, %c0_i32_0, %c0_i32_1 : i32, i32, i32
  }
  func.func @transform_2(%arg0: i32) -> (i32, i32, i32) {
    %c0_i32 = arith.constant 0 : i32
    %c0_i32_0 = arith.constant 0 : i32
    %c0_i32_1 = arith.constant 0 : i32
    %c0_i32_2 = arith.constant 0 : i32
    return %c0_i32, %c0_i32_0, %c0_i32_1 : i32, i32, i32
  }
}

</mosaic_0001>

<sc_bundles>
// kernel: kernel.4.cloned.1.call-start
scs
__scs_entry_jumppad:
0x0: {  	(pc) =	sbr.rel $0x88, $3  }
0x1: {  	(tag) =	ssettag $0x0;
	lr =	simm.s32 $0x1  }
0x2: {  	[smem:$0x3F9B] =	sst lr;
	_ =	strace $0xD0000000  }
0x3: {  	_ = 	snop  }
0x4: {  	_ = 	snop  }
0x5: {  	_ = 	snop  }
0x6: {  	_ = 	snop  }
0x7: {  	_ = 	snop  }
__scs_overlays_trampoline_lowered:
0x8: {  	[smem:$0x3FAA] =	sst s0  }
0x9: {  	[smem:$0x3FAB] =	sst s1  }
0xa: {  	[smem:$0x3FAC] =	sst s2  }
0xb: {  	[smem:$0x3FAD] =	sst s3  }
0xc: {  	[smem:$0x3FAE] =	sst s4  }
0xd: {  	[smem:$0x3FAF] =	sst s5  }
0xe: {  	[smem:$0x3FB0] =	sst s6  }
0xf: {  	[smem:$0x3FB1] =	sst s7  }
0x10: {  	[smem:$0x3FB2] =	sst s8  }
0x11: {  	[smem:$0x3FB3] =	sst s9;
	s0 =	simm.s32 @!p0 $0x0  }
0x12: {  	s1 =	sld [smem:$0x3F99];
	s0 =	simm.s32 @p0 $0x1  }
0x13: {  	[smem:$0x3FB4] =	sst s0;
	s0 =	simm.s32 @!p1 $0x0  }
0x14: {  	s2 =	sld [smem:$0x3F98];
	s0 =	simm.s32 @p1 $0x1  }
0x15: {  	[smem:$0x3FB5] =	sst s0;
	s0 =	simm.s32 @!p2 $0x0  }
0x16: {  	s3 =	sld [smem:$0x3FDB];
	s0 =	simm.s32 @p2 $0x1  }
0x17: {  	s4 =	simm.s32 $0x1BF5;
	[smem:$0x3FB7] =	sst s0  }
0x18: {  	s0 =	sld [smem:$0x3F9A];
	_ =	swait.ge [sflag:s4], $0x0  }
0x19: {  	s7 =	sld [smem:$0x3F9B]  }
0x1a: {  	s8 =	sadd.s32 $0xFFFFE003, lr  }
0x1b: {  	s9 =	sadd.s32 $0xFFFFFEF7, lr;
	s5 =	simm.s32 $0xFFFFFFFF;
	p2 =	slt.u32 s8, $0xFFFFF086  }
0x1c: {  	p1 =	slt.u32 s9, $0xF7A;
	s5 =	simm.s32 @!p2 $0x0  }
0x1d: {  	s5 =	simm.s32 @p1 $0x1;
	p0 =	seq.s32 s7, s2  }
0x1e: {  	s7 =	smul.u32 @!p0 $0xF7A, s2;
	p2 =	seq.s32 @!p0 s5, $0x0  }
0x1f: {  	s9 =	smul.u32 $0xF7A, s1;
	s8 =	simm.s32 @!p0 $0x1BF5;
	p2 =	por !p2, p0  }
0x20: {  	[sflag:s8] =	ssyncset.s32 @!p0 $0xFFFFF086;
	s6 =	sadd.s32 @!p0 s3, s7;
	s7 =	simm.s32 @!p0 $0x108  }
0x21: {  	s3 =	sadd.s32 s3, s9;
	s6 =	sadd.s32 @!p0 $0x88, s6;
	s7 =	simm.s32 @p2 $0x1082  }
0x22: {  	[simem:s7], [sflag:s8] =	dma.local @!p0 [hbm:s6], $0xF7A  }
0x23: {  	s9 =	sor.u32 $0xD0000000, s2;
	s6 =	simm.s32 $0x108;
	_ =	swait.ge @!p0 [sflag:s8], $0x0  }
0x24: {  	s3 =	sadd.s32 $0x88, s3;
	s6 =	simm.s32 @!p1 $0x1082;
	[sflag:s4] =	ssyncset.s32 $0xFFFFF086  }
0x25: {  	[simem:s6], [sflag:s4] =	dma.local [hbm:s3], $0xF7A  }
0x26: {  	[smem:$0x3F9B] =	sst s1;
	(tag) =	ssettag s2;
	_ =	strace s9  }
0x27: {  	s1 =	sld [smem:$0x3FAB]  }
0x28: {  	s2 =	sld [smem:$0x3FAC]  }
0x29: {  	s4 =	sld [smem:$0x3FAE]  }
0x2a: {  	p0 =	seq.s32 s5, $0x0;
	s5 =	sld [smem:$0x3FAF]  }
0x2b: {  	s6 =	sld [smem:$0x3FB0]  }
0x2c: {  	s7 =	sld [smem:$0x3FB1]  }
0x2d: {  	s3 =	simm.s32 $0x108;
	s8 =	sld [smem:$0x3FB2]  }
0x2e: {  	s3 =	simm.s32 @!p0 $0x1082;
	s9 =	sld [smem:$0x3FB3]  }
0x2f: {  	lr =	sadd.s32 s0, s3;
	s0 =	sld [smem:$0x3FAA]  }
0x30: {  	s3 =	sld [smem:$0x3FAD]  }
0x31: {  	[smem:$0x3FB6] =	sst s10  }
0x32: {  	s10 =	sld [smem:$0x3FB4];
	_ =	sdelay $0x3  }
0x33: {  	p0 =	seq.s32 s10, $0x1;
	s10 =	sld [smem:$0x3FB6];
	_ =	sdelay $0x3  }
0x34: {  	[smem:$0x3FB6] =	sst s10  }
0x35: {  	s10 =	sld [smem:$0x3FB5];
	_ =	sdelay $0x3  }
0x36: {  	p1 =	seq.s32 s10, $0x1;
	s10 =	sld [smem:$0x3FB6];
	_ =	sdelay $0x3  }
0x37: {  	[smem:$0x3FB6] =	sst s10  }
0x38: {  	s10 =	sld [smem:$0x3FB7]  }
0x39: {  	_ = 	snop;
	(pc) =	sbr.ind lr, $3  }
0x3a: {  	_ = 	snop  }
0x3b: {  	_ = 	snop  }
0x3c: {  	p2 =	seq.s32 s10, $0x1;
	s10 =	sld [smem:$0x3FB6]  }
0x3d: {  	_ =	shalt  }
0x3e: {  	_ =	shalt  }
0x3f: {  	_ =	shalt  }
0x40: {  	_ =	shalt  }
0x41: {  	_ =	shalt  }
0x42: {  	_ =	shalt  }
0x43: {  	_ =	shalt  }
0x44: {  	_ =	shalt  }
0x45: {  	_ =	shalt  }
0x46: {  	_ =	shalt  }
0x47: {  	_ =	shalt  }
0x48: {  	_ =	shalt  }
0x49: {  	_ =	shalt  }
0x4a: {  	_ =	shalt  }
0x4b: {  	_ =	shalt  }
0x4c: {  	_ =	shalt  }
0x4d: {  	_ =	shalt  }
0x4e: {  	_ =	shalt  }
0x4f: {  	_ =	shalt  }
0x50: {  	_ =	shalt  }
0x51: {  	_ =	shalt  }
0x52: {  	_ =	shalt  }
0x53: {  	_ =	shalt  }
0x54: {  	_ =	shalt  }
0x55: {  	_ =	shalt  }
0x56: {  	_ =	shalt  }
0x57: {  	_ =	shalt  }
0x58: {  	_ =	shalt  }
0x59: {  	_ =	shalt  }
0x5a: {  	_ =	shalt  }
0x5b: {  	_ =	shalt  }
0x5c: {  	_ =	shalt  }
0x5d: {  	_ =	shalt  }
0x5e: {  	_ =	shalt  }
0x5f: {  	_ =	shalt  }
0x60: {  	_ =	shalt  }
0x61: {  	_ =	shalt  }
0x62: {  	_ =	shalt  }
0x63: {  	_ =	shalt  }
0x64: {  	_ =	shalt  }
0x65: {  	_ =	shalt  }
0x66: {  	_ =	shalt  }
0x67: {  	_ =	shalt  }
0x68: {  	_ =	shalt  }
0x69: {  	_ =	shalt  }
0x6a: {  	_ =	shalt  }
0x6b: {  	_ =	shalt  }
0x6c: {  	_ =	shalt  }
0x6d: {  	_ =	shalt  }
0x6e: {  	_ =	shalt  }
0x6f: {  	_ =	shalt  }
0x70: {  	_ =	shalt  }
0x71: {  	_ =	shalt  }
0x72: {  	_ =	shalt  }
0x73: {  	_ =	shalt  }
0x74: {  	_ =	shalt  }
0x75: {  	_ =	shalt  }
0x76: {  	_ =	shalt  }
0x77: {  	_ =	shalt  }
0x78: {  	_ =	shalt  }
0x79: {  	_ =	shalt  }
0x7a: {  	_ =	shalt  }
0x7b: {  	_ =	shalt  }
0x7c: {  	_ =	shalt  }
0x7d: {  	_ =	shalt  }
0x7e: {  	_ =	shalt  }
0x7f: {  	_ =	shalt  }
0x80: {  	_ =	shalt  }
0x81: {  	_ =	shalt  }
0x82: {  	_ =	shalt  }
0x83: {  	_ =	shalt  }
0x84: {  	_ =	shalt  }
0x85: {  	_ =	shalt  }
0x86: {  	_ =	shalt  }
0x87: {  	_ =	shalt  }
.Lfunc_end0:
.L_simem_size_0:
called_computation_lowered:
.L_overlay_start_0:
0x88: {  	s2 =	sld [smem:$0x3FD9]  }
0x89: {  	s3 =	sld [smem:$0x3FFE];
	_ =	sdelay $0x1  }
0x8a: {  	s1 =	srdreg.scid  }
0x8b: {  	s0 =	sand.u32 $0x1, s1  }
0x8c: {  	s17 =	sshll.u32 s0, $0xA;
	s2 =	sadd.s32 s3, s2  }
0x8d: {  	s2 =	sadd.s32 s2, s17  }
0x8e: {  	[smem:$0x3FC2] =	sst s2  }
0x8f: {  	_ = 	snop  }
0x90: {  	s2 =	sld [smem:$0x3FD0];
	(tm) =	ssettm $0x1  }
0x91: {  	s18 =	sld [smem:$0x3FFB];
	_ =	sdelay $0x3  }
0x92: {  	_ =	strace s18  }
0x93: {  	s3 =	sld [smem:$0x3FFC];
	_ =	sdelay $0x3  }
0x94: {  	_ =	strace s3  }
0x95: {  	s3 =	sld [smem:$0x3FFD];
	_ =	sdelay $0x3  }
0x96: {  	_ =	strace s3  }
0x97: {  	_ =	strace $0x8FFFFFFF  }
0x98: {  	s19 =	sld [smem:$0x3FDB];
	_ =	sdelay $0x1  }
0x99: {  	s4 =	simm.s32 $_scs_section_size  }
0x9a: {  	s5 =	simm.s32 $_size__tile_overlayer_lowered;
	s6 =	simm.s32 $_tile_overlayer_lowered  }
0x9b: {  	s22 =	simm.s32 $0x1BFF;
	s21 =	sshll.u32 s6, $0x1;
	s3 =	sadd.s32 s4, s19  }
0x9c: {  	s7 =	simm.s32 $0x0;
	s20 =	sshll.u32 s5, $0x1;
	s5 =	sadd.s32 s21, s3  }
0x9d: {  	[timem:s7], [sflag:s22] =	dma.local [hbm:s5], s20  }
0x9e: {  	_ =	swait.ge [sflag:s22], s20  }
0x9f: {  	s4 =	ssub.s32 $0x0, s20;
	[sflag:s22] =	ssyncset.done $0x0  }
0xa0: {  	[sflag:s22] =	ssyncadd.s32 s4;
	_ =	sdelay $0x1  }
0xa1: {  	s23 =	simm.s32 $0x1B8B  }
0xa2: {  	_ =	swait.ge [sflag:s23], $0x1  }
0xa3: {  	[sflag:s23] =	ssyncset.done $0x0  }
0xa4: {  	s25 =	simm.s32 $0x1B8E;
	s24 =	sld [smem:$0x3FFE];
	[sflag:s23] =	ssyncadd.s32 $0xFFFFFFFF  }
0xa5: {  	s26 =	simm.s32 $execute0_lowered;
	[smem:$0x3FD2] =	sst s25  }
0xa6: {  	s5 =	sshll.u32 s26, $0x1;
	_ =	strace $0x80000046;
	[dreg:$0x1] =	wrdreg $0xFFFFFFFF  }
0xa7: {  	s28 =	simm.s32 $_size_execute0_lowered;
	s3 =	sadd.s32 s3, s5;
	[dreg:$0x0] =	wrdreg $0x0  }
0xa8: {  	s5 =	sshll.u32 s28, $0x1;
	[dreg:$0x2] =	wrdreg s3  }
0xa9: {  	[dreg:$0x3] =	wrdreg s5  }
0xaa: {  	[dreg:$0x4] =	wrdreg $0xC0  }
0xab: {  	_ =	task [dreg:s7], $0x5FFFF  }
0xac: {  	[dreg:$0x1] =	wrdreg $0xFFFFFFFF  }
0xad: {  	[dreg:$0x0] =	wrdreg $0x60  }
0xae: {  	[dreg:$0x2] =	wrdreg s24  }
0xaf: {  	[dreg:$0x3] =	wrdreg s2  }
0xb0: {  	[dreg:$0x4] =	wrdreg $0x9  }
0xb1: {  	_ =	task.clear_ibuf [dreg:s7], $0x5FFFF;
	_ =	strace $0x90000046  }
0xb2: {  	s29 =	simm.s32 $0x9;
	_ =	strace $0x80000048  }
0xb3: {  	_ =	swait.ge [sflag:s29], $0x1  }
0xb4: {  	[sflag:s29] =	ssyncadd.s32 $0xFFFFFFFF  }
0xb5: {  	_ =	strace $0x90000048  }
0xb6: {  	_ =	sfence  }
0xb7: {  	s30 =	sld [smem:$0x0];
	_ =	sdelay $0x2  }
0xb8: {  	s31 =	sshll.u32 s1, $0xD;
	s1 =	sshrl.u32 s1, $0x2  }
0xb9: {  	s3 =	sand.u32 $0x4000, s31;
	s1 =	sadd.s32 s1, s30  }
0xba: {  	s0 =	sor.u32 s3, s0;
	s1 =	sshll.u32 s1, $0x11  }
0xbb: {  	s0 =	sor.u32 s1, s0  }
0xbc: {  	s0 =	sadd.s32 $0x8F2B, s0  }
0xbd: {  	[sflag:s0] =	ssyncadd.remote.s32 $0x1  }
0xbe: {  	_ =	sfence.sel $0xFFFF  }
0xbf: {  	[dreg:$0x0] =	wrdreg $0xFFFFFFFF;
	(pc) =	sbr.abs _section_cstart, $3  }
0xc0: {  	[dreg:$0x1] =	wrdreg $0xFFFFFFFF  }
0xc1: {  	_ =	task.clear_ibuf [dreg:s7], $0x2FFFF;
	_ =	strace $0x9FFFFFFF  }
0xc2: {  	(tm) =	ssettm $0x7FFFFFFF  }
0xc3: {  	_ =	shalt  }
tec
execute0_lowered:
.L_overlay_start_1:
0x0: {  	(tag) =	ssettag $0x1  }
0x1: {  	s0 =	rddreg [dreg:$0x0]  }
0x2: {  	s4 =	rddreg [dreg:$0x1]  }
0x3: {  	s2 =	simm.s32 $0x0;
	s1 =	stileid.u32;
	s7 =	srdreg.scid  }
0x4: {  	s31 =	simm.s32 $0xB80;
	[smem:$0x7FF] =	sst s2;
	s6 =	sadd.s32 $0x21600, s0  }
0x5: {  	s21 =	sadd.s32 $0x41600, s0;
	_ =	strace $0x80000047;
	[dreg:$0x3] =	wrdreg s6  }
0x6: {  	s5 =	sshrl.u32 s1, $0x1;
	s22 =	sadd.s32 $0x61600, s0;
	[dreg:$0x4] =	wrdreg s21  }
0x7: {  	s23 =	sadd.s32 $0x1600, s0;
	s7 =	sand.u32 $0x1, s7;
	[dreg:$0x5] =	wrdreg s22  }
0x8: {  	s8 =	sshll.u32 s1, $0x1;
	s3 =	sshll.u32 s5, $0x4;
	[dreg:$0x6] =	wrdreg s23  }
0x9: {  	s24 =	ssub.s32 $0x2, s7;
	s26 =	sor.u32 s7, s8;
	s14 =	sshll.u32 s5, $0x11  }
0xa: {  	s17 =	smul.u32 $0xC0000, s5;
	s15 =	sshll.u32 s5, $0x10;
	s3 =	sadd.s32 s3, s0  }
0xb: {  	s0 =	sadd.s32 $0x11600, s0;
	s25 =	sshrl.u32 s24, $0x1;
	s8 =	sshll.u32 s26, $0x5  }
0xc: {  	s18 =	sor.u32 $0x10000, s14;
	v0 =	vmov s15;
	v1 =	vmov s14;
	s14 =	simm.s32 $0x500;
	s15 =	simm.s32 $0x200  }
0xd: {  	[dreg:$0x7] =	wrdreg s0;
	s0 =	ssub.s32 s24, s25;
	s1 =	sadd.s32 $0x1200, s3  }
0xe: {  	s3 =	sadd.s32 $0x1400, s3;
	s19 =	sor.u32 $0x10000, s17;
	s20 =	sor.u32 $0x20000, s17  }
0xf: {  	s21 =	sor.u32 $0x30000, s17;
	s22 =	sadd.s32 $0x40000, s17;
	s23 =	sadd.s32 $0x50000, s17  }
0x10: {  	s24 =	sadd.s32 $0x60000, s17;
	s25 =	sadd.s32 $0x70000, s17;
	s28 =	sadd.s32 $0x90000, s17  }
0x11: {  	s29 =	sadd.s32 $0xA0000, s17;
	s30 =	sadd.s32 $0xB0000, s17;
	[dreg:$0x8] =	wrdreg s1  }
0x12: {  	v2 =	vmov s18;
	s18 =	simm.s32 $0x380;
	[dreg:$0x9] =	wrdreg s3;
	s3 =	sand.u32 $0x60, s8  }
0x13: {  	s8 =	sshll.u32 s26, $0x2;
	s26 =	sadd.s32 $0x80000, s17;
	s7 =	smax.u32 s0, $0x1  }
0x14: {  	v3 =	vmov s17;
	v4 =	vmov s19;
	s17 =	simm.s32 $0x20;
	s19 =	simm.s32 $0x700;
	v5 =	vmov s20;
	s20 =	simm.s32 $0x400  }
0x15: {  	v6 =	vmov s21;
	v7 =	vmov s22;
	s21 =	simm.s32 $0x780;
	s22 =	simm.s32 $0x1;
	v8 =	vmov s23;
	s23 =	simm.s32 $0x800  }
0x16: {  	v9 =	vmov s24;
	v10 =	vmov s25;
	s24 =	simm.s32 $0x880;
	s25 =	simm.s32 $0x900;
	s4 =	sadd.s32 s4, s8  }
0x17: {  	v12 =	vmov s28;
	v13 =	vmov s29;
	s28 =	simm.s32 $0xA00;
	s29 =	simm.s32 $0xA80;
	s5 =	sadd.s32 $0x80, s4  }
0x18: {  	v14 =	vmov s30;
	s30 =	simm.s32 $0xB00;
	s9 =	sadd.s32 $0x100, s4;
	[dreg:$0xa] =	wrdreg s5  }
0x19: {  	s0 =	simm.s32 $0xC00;
	s10 =	sadd.s32 $0x180, s4;
	[dreg:$0xb] =	wrdreg s9  }
0x1a: {  	s8 =	simm.s32 $0x2;
	s11 =	sadd.s32 $0x200, s4;
	[dreg:$0xc] =	wrdreg s10  }
0x1b: {  	v11 =	vmov s26;
	s26 =	simm.s32 $0x980;
	s12 =	sadd.s32 $0x280, s4;
	[dreg:$0xd] =	wrdreg s11  }
0x1c: {  	s13 =	sadd.s32 $0x300, s4;
	s16 =	sadd.s32 $0x380, s4;
	[dreg:$0xe] =	wrdreg s12  }
0x1d: {  	s6 =	sadd.s32 $0x400, s4;
	s5 =	sor.u32 $0x10, s3;
	[dreg:$0xf] =	wrdreg s13  }
0x1e: {  	[dreg:$0x10] =	wrdreg s16;
	s10 =	simm.s32 $0x40;
	s11 =	simm.s32 $0x100  }
0x1f: {  	v15 =	vimm.s32 $0x0;
	v16 =	vimm.f32 $0.0e+00;
	s12 =	simm.s32 $0x480;
	s13 =	simm.s32 $0x180;
	s16 =	simm.s32 $0x580  }
.LBB2_1:
0x20: {  	s1 =	rddreg [dreg:$0x8]  }
0x21: {  	[tilespmem:s2], [sflag:$0x2] =	stream.linear.gather [hbm4b:s1+s2], $0x80, $0x38;
	[tilespmem:$0x1000] =	vst v63  }
0x22: {  	_ =	swait.ge [sflag:s8], $0x80  }
0x23: {  	[sflag:s8] =	ssyncset.done $0x0  }
0x24: {  	s9 =	simm.s32 $0x80;
	s1 =	rddreg [dreg:$0x9];
	[sflag:s8] =	ssyncadd.s32 $0xFFFFFF80  }
0x25: {  	[tilespmem:s9], [sflag:$0x2] =	stream.linear.gather [hbm4b:s1+s2], $0x80, $0x38;
	[tilespmem:$0x1000] =	vst v63  }
0x26: {  	_ =	swait.ge [sflag:s8], $0x80  }
0x27: {  	[sflag:s8] =	ssyncset.done $0x0  }
0x28: {  	[sflag:s8] =	ssyncadd.s32 $0xFFFFFF80  }
0x29: {  	v17 =	vld [tilespmem:s3+$0x0];
	_ =	sdelay $0x4  }
0x2a: {  	v17 =	vand.u32 $0xFFFF, v17  }
0x2b: {  	v18 =	vor.u32 v0, v17  }
0x2c: {  	[tilespmem:$0x380] =	vst v18  }
0x2d: {  	[tilespmem:$0x400] =	vst v18;
	v18 =	vor.u32 v1, v17  }
0x2e: {  	[tilespmem:$0x100] =	vst v18  }
0x2f: {  	[tilespmem:$0x180] =	vst v18;
	v18 =	vor.u32 v2, v17  }
0x30: {  	[tilespmem:$0x120] =	vst v18  }
0x31: {  	[tilespmem:$0x1A0] =	vst v18;
	v18 =	vor.u32 v3, v17  }
0x32: {  	[tilespmem:$0x200] =	vst v18;
	v18 =	vor.u32 v4, v17  }
0x33: {  	[tilespmem:$0x220] =	vst v18;
	v18 =	vor.u32 v5, v17  }
0x34: {  	[tilespmem:$0x240] =	vst v18;
	v18 =	vor.u32 v6, v17  }
0x35: {  	[tilespmem:$0x260] =	vst v18;
	v18 =	vor.u32 v7, v17  }
0x36: {  	[tilespmem:$0x280] =	vst v18;
	v18 =	vor.u32 v8, v17  }
0x37: {  	[tilespmem:$0x2A0] =	vst v18;
	v18 =	vor.u32 v9, v17  }
0x38: {  	[tilespmem:$0x2C0] =	vst v18;
	v18 =	vor.u32 v10, v17  }
0x39: {  	[tilespmem:$0x2E0] =	vst v18;
	v18 =	vor.u32 v11, v17  }
0x3a: {  	[tilespmem:$0x300] =	vst v18;
	v18 =	vor.u32 v12, v17  }
0x3b: {  	[tilespmem:$0x320] =	vst v18;
	v18 =	vor.u32 v13, v17  }
0x3c: {  	v17 =	vor.u32 v14, v17;
	[tilespmem:$0x340] =	vst v18  }
0x3d: {  	[tilespmem:$0x360] =	vst v17  }
0x3e: {  	v17 =	vld [tilespmem:s5+$0x0];
	_ =	sdelay $0x4  }
0x3f: {  	v17 =	vand.u32 $0xFFFF, v17  }
0x40: {  	v18 =	vor.u32 v0, v17  }
0x41: {  	[tilespmem:$0x390] =	vst v18  }
0x42: {  	[tilespmem:$0x410] =	vst v18;
	v18 =	vor.u32 v1, v17  }
0x43: {  	[tilespmem:$0x110] =	vst v18  }
0x44: {  	[tilespmem:$0x190] =	vst v18;
	v18 =	vor.u32 v2, v17  }
0x45: {  	[tilespmem:$0x130] =	vst v18  }
0x46: {  	[tilespmem:$0x1B0] =	vst v18;
	v18 =	vor.u32 v3, v17  }
0x47: {  	[tilespmem:$0x210] =	vst v18;
	v18 =	vor.u32 v4, v17  }
0x48: {  	[tilespmem:$0x230] =	vst v18;
	v18 =	vor.u32 v5, v17  }
0x49: {  	[tilespmem:$0x250] =	vst v18;
	v18 =	vor.u32 v6, v17  }
0x4a: {  	[tilespmem:$0x270] =	vst v18;
	v18 =	vor.u32 v7, v17  }
0x4b: {  	[tilespmem:$0x290] =	vst v18;
	v18 =	vor.u32 v8, v17  }
0x4c: {  	[tilespmem:$0x2B0] =	vst v18;
	v18 =	vor.u32 v9, v17  }
0x4d: {  	[tilespmem:$0x2D0] =	vst v18;
	v18 =	vor.u32 v10, v17  }
0x4e: {  	[tilespmem:$0x2F0] =	vst v18;
	v18 =	vor.u32 v11, v17  }
0x4f: {  	[tilespmem:$0x310] =	vst v18;
	v18 =	vor.u32 v12, v17  }
0x50: {  	[tilespmem:$0x330] =	vst v18;
	v18 =	vor.u32 v13, v17  }
0x51: {  	v17 =	vor.u32 v14, v17;
	[tilespmem:$0x350] =	vst v18  }
0x52: {  	s1 =	rddreg [dreg:$0x3];
	[tilespmem:$0x370] =	vst v17  }
0x53: {  	[tilespmem:s12], [sflag:$0x1] =	stream.indirect.gather [hbm4b:s1+s10], $0x1, s11, s10, $0xb8;
	[tilespmem:$0x1000] =	vst v63  }
0x54: {  	s9 =	rddreg [dreg:$0x4]  }
0x55: {  	[tilespmem:s14], [sflag:$0x1] =	stream.indirect.gather [hbm4b:s9+s10], $0x1, s13, s10, $0xb8;
	[tilespmem:$0x1000] =	vst v63  }
0x56: {  	s1 =	rddreg [dreg:$0x5]  }
0x57: {  	[tilespmem:s16], [sflag:$0x1] =	stream.indirect.gather [hbm4b:s1+s13], $0x1, s15, s13, $0xb8;
	[tilespmem:$0x1000] =	vst v63  }
0x58: {  	s9 =	rddreg [dreg:$0x6]  }
0x59: {  	[tilespmem:s19], [sflag:$0x1] =	stream.indirect.gather [hbm4b:s9+s17], $0x1, s18, s17, $0xb8;
	[tilespmem:$0x1000] =	vst v63  }
0x5a: {  	s1 =	rddreg [dreg:$0x7]  }
0x5b: {  	[tilespmem:s21], [sflag:$0x1] =	stream.indirect.gather [hbm4b:s1+s17], $0x1, s20, s17, $0xb8;
	[tilespmem:$0x1000] =	vst v63  }
0x5c: {  	_ =	swait.ge [sflag:s22], $0x40  }
0x5d: {  	[sflag:s22] =	ssyncset.done $0x0  }
0x5e: {  	[sflag:s22] =	ssyncadd.s32 $0xFFFFFFC0  }
0x5f: {  	_ =	swait.ge [sflag:s22], $0x40  }
0x60: {  	[sflag:s22] =	ssyncset.done $0x0  }
0x61: {  	[sflag:s22] =	ssyncadd.s32 $0xFFFFFFC0  }
0x62: {  	_ =	swait.ge [sflag:s22], $0x180  }
0x63: {  	[sflag:s22] =	ssyncset.done $0x0  }
0x64: {  	[sflag:s22] =	ssyncadd.s32 $0xFFFFFE80  }
0x65: {  	_ =	swait.ge [sflag:s22], $0x20  }
0x66: {  	[sflag:s22] =	ssyncset.done $0x0  }
0x67: {  	[sflag:s22] =	ssyncadd.s32 $0xFFFFFFE0  }
0x68: {  	_ =	swait.ge [sflag:s22], $0x20  }
0x69: {  	[sflag:s22] =	ssyncset.done $0x0  }
0x6a: {  	[sflag:s22] =	ssyncadd.s32 $0xFFFFFFE0  }
0x6b: {  	v17 =	vld [tilespmem:$0x580]  }
0x6c: {  	v18 =	vld [tilespmem:$0x5A0];
	_ =	sdelay $0x1  }
0x6d: {  	v19 =	vld [tilespmem:$0x5C0];
	_ =	sdelay $0x1  }
0x6e: {  	v20 =	vld [tilespmem:$0x5E0]  }
0x6f: {  	vm0 =	vgt.f32 v18, v17  }
0x70: {  	v17 =	vsel vm0, v18, v17;
	v18 =	vld [tilespmem:$0x600]  }
0x71: {  	vm1 =	vgt.f32 v19, v17  }
0x72: {  	v17 =	vsel vm1, v19, v17;
	v19 =	vld [tilespmem:$0x620]  }
0x73: {  	vm2 =	vgt.f32 v20, v17  }
0x74: {  	v43 =	vld [tilespmem:$0x640];
	v17 =	vsel vm2, v20, v17  }
0x75: {  	vm3 =	vgt.f32 v18, v17  }
0x76: {  	v17 =	vsel vm3, v18, v17;
	v18 =	vld [tilespmem:$0x660]  }
0x77: {  	vm4 =	vgt.f32 v19, v17  }
0x78: {  	v22 =	vsel vm0, $0x3F800000, v15;
	v17 =	vsel vm4, v19, v17;
	v19 =	vld [tilespmem:$0x680]  }
0x79: {  	v22 =	vmul.f32 $5.235987900e-01, v22;
	vm8 =	vgt.f32 v43, v17  }
0x7a: {  	v44 =	vld [tilespmem:$0x6A0];
	v17 =	vsel vm8, v43, v17  }
0x7b: {  	v22 =	vsel vm1, $0x3F860A92, v22;
	vm5 =	vgt.f32 v18, v17  }
0x7c: {  	v22 =	vsel vm2, $0x3FC90FDB, v22;
	v17 =	vsel vm5, v18, v17;
	v18 =	vld [tilespmem:$0x6C0]  }
0x7d: {  	v21 =	vld [tilespmem:s3+$0x0];
	v22 =	vsel vm3, $0x40060A92, v22;
	vm9 =	vgt.f32 v19, v17  }
0x7e: {  	v22 =	vsel vm4, $0x40278D36, v22;
	v17 =	vsel vm9, v19, v17;
	v19 =	vld [tilespmem:$0x6E0]  }
0x7f: {  	v45 =	vld [tilespmem:$0x4A0];
	v22 =	vsel vm8, $0x40490FDB, v22;
	vm10 =	vgt.f32 v44, v17  }
0x80: {  	v47 =	vld [tilespmem:$0x700];
	v46 =	vsel vm5, $0x406A9280, v22;
	v17 =	vsel vm10, v44, v17  }
0x81: {  	v23 =	vld [tilespmem:$0x500];
	v20 =	vsel vm9, $0x40860A92, v46;
	vm11 =	vgt.f32 v18, v17  }
0x82: {  	v25 =	vld [tilespmem:$0x520];
	v17 =	vsel vm11, v18, v17;
	v18 =	vsel vm10, $0x4096CBE4, v20  }
0x83: {  	vm12 =	vgt.f32 v19, v17;
	v17 =	vsel vm11, $0x40A78D36, v18;
	v18 =	vld [tilespmem:$0x780]  }
0x84: {  	v27 =	vld [tilespmem:$0x480];
	v19 =	vmul.f32 $4.000000000e+00, v45;
	v17 =	vsel vm12, $0x40B84E89, v17  }
0x85: {  	v49 =	vld [tilespmem:$0x590];
	v17 =	vadd.f32 v17, v47  }
0x86: {  	v24 =	vand.u32 $0xFF, v21;
	v26 =	vshrl.u32 v21, $0x8;
	[tilespmem:$0x980] =	vst v19;
	v19 =	vld [tilespmem:$0x5B0]  }
0x87: {  	v24 =	vcvt.s32.f32 v24;
	v26 =	vand.u32 $0xFF, v26;
	[tilespmem:$0xA00] =	vst v17;
	v17 =	vshrl.u32 v21, $0x10  }
0x88: {  	v26 =	vcvt.s32.f32 v26;
	[tilespmem:$0xA80] =	vst v18;
	v17 =	vcvt.s32.f32 v17;
	v18 =	vld [tilespmem:$0x5D0]  }
0x89: {  	v23 =	vadd.f32 v24, v23  }
0x8a: {  	v48 =	vmul.f32 $4.000000000e+00, v27;
	v25 =	vadd.f32 v26, v25;
	[tilespmem:$0xB80] =	vst v17;
	v17 =	vld [tilespmem:$0x5F0]  }
0x8b: {  	[tilespmem:$0xB00] =	vst v16;
	v23 =	vmul.f32 $4.000000000e+00, v23;
	vm13 =	vgt.f32 v19, v49  }
0x8c: {  	v51 =	vld [tilespmem:$0x610];
	[tilespmem:$0x900] =	vst v48;
	v25 =	vmul.f32 $4.000000000e+00, v25;
	v19 =	vsel vm13, v19, v49  }
0x8d: {  	[tilespmem:$0x800] =	vst v23;
	vm14 =	vgt.f32 v18, v19  }
0x8e: {  	[tilespmem:$0x880] =	vst v25;
	v18 =	vsel vm14, v18, v19;
	v19 =	vld [tilespmem:$0x630]  }
0x8f: {  	v50 =	vld [tilespmem:s3+$0x80];
	vm15 =	vgt.f32 v17, v18  }
0x90: {  	v17 =	vsel vm15, v17, v18;
	v18 =	vld [tilespmem:$0x650]  }
0x91: {  	vm8 =	vgt.f32 v51, v17  }
0x92: {  	v52 =	vld [tilespmem:$0x670];
	v17 =	vsel vm8, v51, v17  }
0x93: {  	v56 =	vld [tilespmem:$0x530];
	v53 =	vsel vm13, $0x3F800000, v15;
	vm9 =	vgt.f32 v19, v17  }
0x94: {  	v22 =	vmul.f32 $5.235987900e-01, v53;
	[tilespmem:$0xC00] =	vst v50;
	v17 =	vsel vm9, v19, v17;
	v19 =	vld [tilespmem:$0x690]  }
0x95: {  	v21 =	vld [tilespmem:s5+$0x0];
	vm10 =	vgt.f32 v18, v17  }
0x96: {  	v22 =	vsel vm14, $0x3F860A92, v22;
	v17 =	vsel vm10, v18, v17;
	v18 =	vld [tilespmem:$0x6B0]  }
0x97: {  	v58 =	vld [tilespmem:$0x6D0];
	v22 =	vsel vm15, $0x3FC90FDB, v22;
	vm11 =	vgt.f32 v52, v17  }
0x98: {  	v59 =	vld [tilespmem:$0x490];
	v22 =	vsel vm8, $0x40060A92, v22;
	v17 =	vsel vm11, v52, v17  }
0x99: {  	v60 =	vld [tilespmem:$0x6F0];
	v22 =	vsel vm9, $0x40278D36, v22;
	vm12 =	vgt.f32 v19, v17  }
0x9a: {  	v63 =	vld [tilespmem:$0x790];
	v55 =	vand.u32 $0xFF, v21;
	v57 =	vshrl.u32 v21, $0x8;
	v17 =	vsel vm12, v19, v17  }
0x9b: {  	v54 =	vld [tilespmem:$0x510];
	v22 =	vsel vm10, $0x40490FDB, v22;
	v26 =	vand.u32 $0xFF, v57;
	vm13 =	vgt.f32 v18, v17  }
0x9c: {  	v62 =	vld [tilespmem:$0x710];
	v19 =	vcvt.s32.f32 v26;
	v17 =	vsel vm13, v18, v17;
	v18 =	vsel vm11, $0x406A9280, v22  }
0x9d: {  	v24 =	vcvt.s32.f32 v55;
	vm14 =	vgt.f32 v58, v17;
	v18 =	vsel vm12, $0x40860A92, v18  }
0x9e: {  	v61 =	vld [tilespmem:$0x4B0];
	v19 =	vadd.f32 v19, v56;
	v17 =	vsel vm14, v58, v17;
	v18 =	vsel vm13, $0x4096CBE4, v18  }
0x9f: {  	[tilespmem:$0xA90] =	vst v63;
	vm15 =	vgt.f32 v60, v17;
	v17 =	vmul.f32 $4.000000000e+00, v59;
	v18 =	vsel vm14, $0x40A78D36, v18  }
0xa0: {  	[tilespmem:$0xB10] =	vst v16;
	v23 =	vadd.f32 v24, v54;
	v19 =	vmul.f32 $4.000000000e+00, v19;
	v18 =	vsel vm15, $0x40B84E89, v18  }
0xa1: {  	[tilespmem:$0x910] =	vst v17;
	v17 =	vadd.f32 v18, v62  }
0xa2: {  	v23 =	vmul.f32 $4.000000000e+00, v23;
	[tilespmem:$0x890] =	vst v19  }
0xa3: {  	v19 =	vmul.f32 $4.000000000e+00, v61;
	[tilespmem:$0xA10] =	vst v17;
	v17 =	vshrl.u32 v21, $0x10  }
0xa4: {  	[tilespmem:$0x810] =	vst v23;
	v17 =	vcvt.s32.f32 v17  }
0xa5: {  	[tilespmem:$0x990] =	vst v19  }
0xa6: {  	[tilespmem:$0xB90] =	vst v17  }
0xa7: {  	v17 =	vld [tilespmem:s5+$0x80];
	_ =	sdelay $0x4  }
0xa8: {  	[tilespmem:$0xC10] =	vst v17  }
0xa9: {  	[hbm4b:s4+s2] =	stream.linear.scatter [tilespmem:s23], [sflag:$0x2], $0x20, $0x38;
	[tilespmem:$0x1000] =	vst v63  }
0xaa: {  	_ =	swait.ge [sflag:s8], $0x20  }
0xab: {  	[sflag:s8] =	ssyncset.done $0x0  }
0xac: {  	s9 =	rddreg [dreg:$0xa];
	[sflag:s8] =	ssyncadd.s32 $0xFFFFFFE0  }
0xad: {  	[hbm4b:s9+s2] =	stream.linear.scatter [tilespmem:s24], [sflag:$0x2], $0x20, $0x38;
	[tilespmem:$0x1000] =	vst v63  }
0xae: {  	_ =	swait.ge [sflag:s8], $0x20  }
0xaf: {  	[sflag:s8] =	ssyncset.done $0x0  }
0xb0: {  	s9 =	rddreg [dreg:$0xb];
	[sflag:s8] =	ssyncadd.s32 $0xFFFFFFE0  }
0xb1: {  	[hbm4b:s9+s2] =	stream.linear.scatter [tilespmem:s25], [sflag:$0x2], $0x20, $0x38;
	[tilespmem:$0x1000] =	vst v63  }
0xb2: {  	_ =	swait.ge [sflag:s8], $0x20  }
0xb3: {  	[sflag:s8] =	ssyncset.done $0x0  }
0xb4: {  	s9 =	rddreg [dreg:$0xc];
	[sflag:s8] =	ssyncadd.s32 $0xFFFFFFE0  }
0xb5: {  	[hbm4b:s9+s2] =	stream.linear.scatter [tilespmem:s26], [sflag:$0x2], $0x20, $0x38;
	[tilespmem:$0x1000] =	vst v63  }
0xb6: {  	_ =	swait.ge [sflag:s8], $0x20  }
0xb7: {  	[sflag:s8] =	ssyncset.done $0x0  }
0xb8: {  	s9 =	rddreg [dreg:$0xd];
	[sflag:s8] =	ssyncadd.s32 $0xFFFFFFE0  }
0xb9: {  	[hbm4b:s9+s2] =	stream.linear.scatter [tilespmem:s28], [sflag:$0x2], $0x20, $0x38;
	[tilespmem:$0x1000] =	vst v63  }
0xba: {  	_ =	swait.ge [sflag:s8], $0x20  }
0xbb: {  	[sflag:s8] =	ssyncset.done $0x0  }
0xbc: {  	s9 =	rddreg [dreg:$0xe];
	[sflag:s8] =	ssyncadd.s32 $0xFFFFFFE0  }
0xbd: {  	[hbm4b:s9+s2] =	stream.linear.scatter [tilespmem:s29], [sflag:$0x2], $0x20, $0x38;
	[tilespmem:$0x1000] =	vst v63  }
0xbe: {  	_ =	swait.ge [sflag:s8], $0x20  }
0xbf: {  	[sflag:s8] =	ssyncset.done $0x0  }
0xc0: {  	s9 =	rddreg [dreg:$0xf];
	[sflag:s8] =	ssyncadd.s32 $0xFFFFFFE0  }
0xc1: {  	[hbm4b:s9+s2] =	stream.linear.scatter [tilespmem:s30], [sflag:$0x2], $0x20, $0x38;
	[tilespmem:$0x1000] =	vst v63  }
0xc2: {  	_ =	swait.ge [sflag:s8], $0x20  }
0xc3: {  	[sflag:s8] =	ssyncset.done $0x0  }
0xc4: {  	s9 =	rddreg [dreg:$0x10];
	[sflag:s8] =	ssyncadd.s32 $0xFFFFFFE0  }
0xc5: {  	[hbm4b:s9+s2] =	stream.linear.scatter [tilespmem:s31], [sflag:$0x2], $0x20, $0x38;
	[tilespmem:$0x1000] =	vst v63  }
0xc6: {  	_ =	swait.ge [sflag:s8], $0x20  }
0xc7: {  	p0 =	sne.s32 s7, $0x1;
	[sflag:s8] =	ssyncset.done $0x0  }
.Ltmp0:
0xc8: {  	[sflag:s8] =	ssyncadd.s32 $0xFFFFFFE0;
	(pc) =	sbr.rel @p0 .LBB2_1-.Ltmp0, $4  }
0xc9: {  	[hbm4b:s6+s2] =	stream.linear.scatter [tilespmem:s0], [sflag:$0x2], $0x20, $0x38;
	[tilespmem:$0x1000] =	vst v63  }
0xca: {  	_ =	swait.ge [sflag:s8], $0x20  }
0xcb: {  	[sflag:s8] =	ssyncset.done $0x0  }
0xcc: {  	s7 =	sadd.s32 $0xFFFFFFFF, s7;
	[sflag:s8] =	ssyncadd.s32 $0xFFFFFFE0  }
0xcd: {  	_ =	sfence.sel $0x180000  }
0xce: {  	[bflag:$0x0] =	sbarrier.arrive $0xFFFF  }
0xcf: {  	_ =	strace $0x90000047  }
0xd0: {  	s0 =	stileid.u32;
	[bflag:$0x2] =	sbarrier.arrive $0xFFFF  }
0xd1: {  	p0 =	sne.s32 s0, $0x0;
	s0 =	rddreg [dreg:$0x2]  }
0xd2: {  	s0 =	sadd.s32 @!p0 $0x100000, s0  }
0xd3: {  	[sflag:s0] =	ssyncadd.tile.s32 @!p0 $0x1;
	_ =	shalt  }
.Lfunc_end2:
_tile_overlayer_lowered:
.L_overlay_start_2:
0xd4: {  	(tag) =	ssettag $0x2  }
0xd5: {  	s0 =	rddreg [dreg:$0x0];
	s2 =	stileid.u32  }
0xd6: {  	s1 =	rddreg [dreg:$0x1];
	p0 =	sne.s32 s2, $0x0  }
0xd7: {  	s3 =	rddreg [dreg:$0x2];
	[bflag:$0x3] =	sbarrier.arrive $0xFFFF;
	s2 =	simm.s32 @!p0 $0x1C02  }
0xd8: {  	[timem:s3], [sflag:s2] =	dma.local @!p0 [hbm:s0], s1  }
0xd9: {  	s0 =	simm.s32 @!p0 $0x2  }
0xda: {  	_ =	swait.ge @!p0 [sflag:s0], s1  }
0xdb: {  	s1 =	ssub.s32 @!p0 $0x0, s1;
	[sflag:s0] =	ssyncset.done @!p0 $0x0  }
0xdc: {  	[sflag:s0] =	ssyncadd.s32 @!p0 s1  }
0xdd: {  	[bflag:$0x3] =	sbarrier.arrive $0xFFFF  }
0xde: {  	_ =	shalt  }

</sc_bundles>
